<compile_context>
chip_gen: v7x
topology: tpu7x:2x2x1
jax: 0.10.2.dev20260603
libtpu: 0.0.44.dev20260713+nightly
codegen_flags: <defaults>
</compile_context>

<pallas_src>
import functools

import jax
import jax.numpy as jnp
from jax import lax
from jax.experimental import pallas as pl
from jax.experimental.pallas import tpu as pltpu
from jax.experimental.pallas import tpu_sc as plsc

N_NODES = 10000
NPAD = 10240
E_EDGES = 320000
D_IN = 128
H = 64
G = 64
GA = 4
BN_EPS = 1e-5

NUM_CORES = 2
NUM_SUBCORES = 16
NUM_TILES = NUM_CORES * NUM_SUBCORES
CH = 128
PER_TILE_CHUNKS = 80
PER_TILE_E = CH * PER_TILE_CHUNKS
EPAD = PER_TILE_E * NUM_TILES
ROWS_PER_TILE = NPAD // NUM_SUBCORES
RING = 8
GAH = 4
SDL = RING - GAH

BLK = 5120
NBLK = NPAD // BLK


@functools.cache
def _edge_agg_kernel():
    mesh = plsc.VectorSubcoreMesh(core_axis_name="c", subcore_axis_name="s")

    @functools.partial(
        pl.kernel,
        out_type=jax.ShapeDtypeStruct((NUM_CORES * NPAD, H), jnp.int16),
        mesh=mesh,
        scratch_types=[
            pltpu.VMEM((PER_TILE_CHUNKS, CH), jnp.int32),
            pltpu.VMEM((PER_TILE_CHUNKS, CH), jnp.int32),
            pltpu.VMEM((RING, CH, H), jnp.int16),
            pltpu.VMEM_SHARED((NPAD, H), jnp.int16),
            pltpu.VMEM_SHARED((NPAD, H), jnp.int16),
            pltpu.SemaphoreType.DMA((RING,)),
            pltpu.SemaphoreType.DMA((RING,)),
        ],
        compiler_params=pltpu.CompilerParams(use_tc_tiling_on_sc=False),
    )
    def body(y_hbm, src_hbm, dst_hbm, zeros_hbm, out_hbm,
             src_all, dst_all, rows, y_sh, acc_sh, gsem, ssem):
        cid = lax.axis_index("c")
        sid = lax.axis_index("s")
        tid = cid * NUM_SUBCORES + sid
        row0 = sid * ROWS_PER_TILE
        ch0 = tid * PER_TILE_CHUNKS
        pltpu.sync_copy(src_hbm.at[pl.ds(ch0, PER_TILE_CHUNKS)], src_all)
        pltpu.sync_copy(dst_hbm.at[pl.ds(ch0, PER_TILE_CHUNKS)], dst_all)
        pltpu.sync_copy(y_hbm.at[pl.ds(row0, ROWS_PER_TILE)],
                        y_sh.at[pl.ds(row0, ROWS_PER_TILE)])
        pltpu.sync_copy(zeros_hbm, acc_sh.at[pl.ds(row0, ROWS_PER_TILE)])

        def gfire(c, b):
            pltpu.async_copy(y_sh.at[src_all.at[c]], rows.at[b], gsem.at[b])

        def gdrain(c, b):
            pltpu.make_async_copy(y_sh.at[src_all.at[c]],
                                  rows.at[b], gsem.at[b]).wait()

        def sfire(c, b):
            pltpu.async_copy(rows.at[b], acc_sh.at[dst_all.at[c]],
                             ssem.at[b], add=True)

        def sdrain(c, b):
            pltpu.make_async_copy(rows.at[b],
                                  acc_sh.at[dst_all.at[c]], ssem.at[b]).wait()

        plsc.subcore_barrier()
        for j in range(GAH):
            gfire(j, j)

        LAST_T = PER_TILE_CHUNKS // RING - 1

        def step(t, carry):
            c0 = t * RING
            for j in range(RING):
                c = c0 + j
                bg = (j + GAH) % RING
                if j >= SDL:
                    sdrain(c - SDL, bg)
                else:
                    @pl.when(t >= 1)
                    def _():
                        sdrain(c - SDL, bg)
                if LAST_T * RING + j + GAH < PER_TILE_CHUNKS:
                    gfire(c + GAH, bg)
                else:
                    @pl.when(t < LAST_T)
                    def _():
                        gfire(c + GAH, bg)
                gdrain(c, j)
                sfire(c, j)
            return carry

        lax.fori_loop(0, LAST_T + 1, step, 0)
        for j in range(SDL):
            c = PER_TILE_CHUNKS - SDL + j
            sdrain(c, c % RING)
        plsc.subcore_barrier()
        out0 = pl.multiple_of(cid * NPAD + row0, 8)
        pltpu.sync_copy(acc_sh.at[pl.ds(row0, ROWS_PER_TILE)],
                        out_hbm.at[pl.ds(out0, ROWS_PER_TILE)])

    return body


def _edge_agg(y, srcp, dstp, zeros_blk):
    return _edge_agg_kernel()(y, srcp, dstp, zeros_blk)


def _mm_body(x_ref, w_ref, o_ref, m_ref):
    i = pl.program_id(0)
    y = lax.dot(x_ref[...], w_ref[...],
                preferred_element_type=jnp.float32)
    o_ref[...] = y

    @pl.when(i == 0)
    def _():
        m_ref[...] = jnp.zeros_like(m_ref)

    m_ref[...] = jnp.maximum(m_ref[...], jnp.max(jnp.abs(y)))


def _matmul(x, w):
    n, d = x.shape
    h = w.shape[1]
    return pl.pallas_call(
        _mm_body,
        grid=(n // BLK,),
        in_specs=[pl.BlockSpec((BLK, d), lambda i: (i, 0)),
                  pl.BlockSpec((d, h), lambda i: (0, 0))],
        out_specs=[pl.BlockSpec((BLK, h), lambda i: (i, 0)),
                   pl.BlockSpec((1, 1), lambda i: (0, 0))],
        out_shape=[jax.ShapeDtypeStruct((n, h), jnp.float32),
                   jax.ShapeDtypeStruct((1, 1), jnp.float32)],
    )(x, w)


QSCALE = 1023.0


def _quant_body(y_ref, m_ref, q_ref):
    scale = QSCALE / jnp.maximum(m_ref[0, 0], 1e-30)
    q_ref[...] = jnp.round(y_ref[...] * scale).astype(jnp.int16)


def _quant(y, maxv):
    return pl.pallas_call(
        _quant_body,
        grid=(NBLK,),
        in_specs=[pl.BlockSpec((BLK, H), lambda i: (i, 0)),
                  pl.BlockSpec((1, 1), lambda i: (0, 0))],
        out_specs=pl.BlockSpec((BLK, H), lambda i: (i, 0)),
        out_shape=jax.ShapeDtypeStruct((NPAD, H), jnp.int16),
    )(y, maxv)


def _layer_body(y_ref, a0_ref, a1_ref, b_ref, c1_ref, s1_ref, d1_ref,
                w2_ref, d2_ref, w1n_ref, ynext_ref, pooled_ref, cnt_ref,
                m_ref):
    i = pl.program_id(0)
    y = y_ref[...]
    agg = a0_ref[...].astype(jnp.float32) + a1_ref[...].astype(jnp.float32)
    h1 = jnp.maximum(y * c1_ref[...] + agg * s1_ref[...] + d1_ref[...], 0.0)
    hh = jnp.maximum(
        lax.dot(h1, w2_ref[...],
                preferred_element_type=jnp.float32) + d2_ref[...], 0.0)
    ynext = lax.dot(hh, w1n_ref[...],
                    preferred_element_type=jnp.float32)
    ynext_ref[...] = ynext
    oh = jnp.equal(b_ref[...],
                   lax.broadcasted_iota(jnp.int32, (BLK, G), 1)
                   ).astype(jnp.float32)
    ph = lax.dot_general(oh, hh, (((0,), (0,)), ((), ())),
                         preferred_element_type=jnp.float32)
    pc = lax.dot_general(oh, jnp.ones((BLK, 1), jnp.float32),
                         (((0,), (0,)), ((), ())),
                         preferred_element_type=jnp.float32)

    @pl.when(i == 0)
    def _():
        pooled_ref[...] = jnp.zeros_like(pooled_ref)
        cnt_ref[...] = jnp.zeros_like(cnt_ref)
        m_ref[...] = jnp.zeros_like(m_ref)

    pooled_ref[...] += ph
    cnt_ref[...] += pc
    m_ref[...] = jnp.maximum(m_ref[...], jnp.max(jnp.abs(ynext)))


def _layer_call(y, aggs, batch2d, c1, s1, d1, w2p, d2, w1n):
    return pl.pallas_call(
        _layer_body,
        grid=(NBLK,),
        in_specs=[
            pl.BlockSpec((BLK, H), lambda i: (i, 0)),
            pl.BlockSpec((BLK, H), lambda i: (i, 0)),
            pl.BlockSpec((BLK, H), lambda i: (i + NBLK, 0)),
            pl.BlockSpec((BLK, 1), lambda i: (i, 0)),
            pl.BlockSpec((1, H), lambda i: (0, 0)),
            pl.BlockSpec((1, H), lambda i: (0, 0)),
            pl.BlockSpec((1, H), lambda i: (0, 0)),
            pl.BlockSpec((H, H), lambda i: (0, 0)),
            pl.BlockSpec((1, H), lambda i: (0, 0)),
            pl.BlockSpec((H, H), lambda i: (0, 0)),
        ],
        out_specs=[
            pl.BlockSpec((BLK, H), lambda i: (i, 0)),
            pl.BlockSpec((G, H), lambda i: (0, 0)),
            pl.BlockSpec((G, 1), lambda i: (0, 0)),
            pl.BlockSpec((1, 1), lambda i: (0, 0)),
        ],
        out_shape=[
            jax.ShapeDtypeStruct((NPAD, H), jnp.float32),
            jax.ShapeDtypeStruct((G, H), jnp.float32),
            jax.ShapeDtypeStruct((G, 1), jnp.float32),
            jax.ShapeDtypeStruct((1, 1), jnp.float32),
        ],
    )(y, aggs, aggs, batch2d, c1, s1, d1, w2p, d2, w1n)


def _clf_body(p0_ref, p1_ref, p2_ref, cnt_ref, g_ref,
              wa_ref, wb_ref, wc_ref, wg_ref, b1_ref, w2_ref, b2_ref, o_ref):
    inv = 1.0 / jnp.maximum(cnt_ref[...], 1.0)
    dot = functools.partial(lax.dot,
                            preferred_element_type=jnp.float32)
    e = (dot(p0_ref[...] * inv, wa_ref[...])
         + dot(p1_ref[...] * inv, wb_ref[...])
         + dot(p2_ref[...] * inv, wc_ref[...])
         + dot(g_ref[...], wg_ref[...])
         + b1_ref[...])
    hc = jnp.maximum(e, 0.0)
    o_ref[...] = dot(hc, w2_ref[...]) + b2_ref[...]


def _clf_call(p0, p1, p2, cnt, gp, wa, wb, wc, wg, b1, w2, b2):
    return pl.pallas_call(
        _clf_body,
        out_shape=jax.ShapeDtypeStruct((G, 128), jnp.float32),
    )(p0, p1, p2, cnt, gp, wa, wb, wc, wg, b1, w2, b2)


def kernel(x, edge_index, batch, graph_attr, params):
    layers = params['layers']
    clf = params['clf']

    xp = jnp.zeros((NPAD, D_IN), jnp.float32).at[:N_NODES].set(x)
    src = edge_index[0]
    dst = edge_index[1]
    pad_e = EPAD - E_EDGES
    srcp = jnp.concatenate(
        [src, jnp.zeros((pad_e,), jnp.int32)]).reshape(EPAD // CH, CH)
    dstp = jnp.concatenate(
        [dst, jnp.full((pad_e,), N_NODES, jnp.int32)]).reshape(EPAD // CH, CH)
    batchp = jnp.concatenate(
        [batch, jnp.full((NPAD - N_NODES,), G, jnp.int32)]).reshape(NPAD, 1)
    zeros_blk = jnp.zeros((ROWS_PER_TILE, H), jnp.int16)

    inv_bn = 1.0 / jnp.sqrt(1.0 + BN_EPS)
    pooled = []
    cnt = None
    y, ymax = _matmul(xp, layers[0]['W1'])
    for l in range(3):
        lp = layers[l]
        s1 = (lp['g1'] * inv_bn).reshape(1, H)
        c1 = (1.0 + lp['eps']) * s1
        s1q = s1 * (ymax[0, 0] / QSCALE)
        d1 = (lp['b1'] * lp['g1'] * inv_bn + lp['be1']).reshape(1, H)
        s2 = lp['go'] * inv_bn
        w2p = lp['W2'] * s2[None, :]
        d2 = (lp['b2'] * s2 + lp['bo']).reshape(1, H)
        w1n = layers[l + 1]['W1'] if l < 2 else jnp.zeros((H, H), jnp.float32)
        y16 = _quant(y, ymax)
        aggs = _edge_agg(y16, srcp, dstp, zeros_blk)
        y, psum, pc, ymax = _layer_call(y, aggs, batchp, c1, s1q, d1,
                                        w2p, d2, w1n)
        pooled.append(psum)
        if cnt is None:
            cnt = pc

    wc1 = clf['Wc1']
    wa, wb, wc = wc1[0:H], wc1[H:2 * H], wc1[2 * H:3 * H]
    wg = jnp.zeros((128, H), jnp.float32).at[:GA].set(wc1[3 * H:])
    gp = jnp.zeros((G, 128), jnp.float32).at[:, :GA].set(graph_attr)
    w2 = jnp.zeros((H, 128), jnp.float32).at[:, :2].set(clf['Wc2'])
    b2 = jnp.zeros((1, 128), jnp.float32).at[0, :2].set(clf['bc2'])
    out = _clf_call(pooled[0], pooled[1], pooled[2], cnt, gp,
                    wa, wb, wc, wg, clf['bc1'].reshape(1, H), w2, b2)
    return out[:, :2]

# --- scband reference (transcript-rebuilt; emitter-appended) ---
"""Pipeline reference for scband-ginmalware-classifier-24137716203810 (READ-ONLY COPY).

The authoritative reference and input builder live on the scoring server;
editing this copy changes nothing except your own understanding.
"""

import jax, jax.numpy as jnp
import numpy as np

N = 10000
E = 320000
D = 128
H = 64
L = 3
G = 64
GA = 4
BN_EPS = 1e-5


def _init_params(key):
    layers = []
    k = key
    in_ch = D
    for i in range(L):
        k, k1, k2 = jax.random.split(k, 3)
        layers.append({
            'eps': jnp.zeros((), jnp.float32),
            'W1': jax.random.normal(k1, (in_ch, H), dtype=jnp.float32) * (1.0 / np.sqrt(in_ch)),
            'b1': jnp.zeros((H,), jnp.float32),
            'g1': jnp.ones((H,), jnp.float32),
            'be1': jnp.zeros((H,), jnp.float32),
            'W2': jax.random.normal(k2, (H, H), dtype=jnp.float32) * (1.0 / np.sqrt(H)),
            'b2': jnp.zeros((H,), jnp.float32),
            'go': jnp.ones((H,), jnp.float32),
            'bo': jnp.zeros((H,), jnp.float32),
        })
        in_ch = H
    k, kc1, kc2 = jax.random.split(k, 3)
    clf_in = H * L + GA
    clf = {
        'Wc1': jax.random.normal(kc1, (clf_in, H), dtype=jnp.float32) * (1.0 / np.sqrt(clf_in)),
        'bc1': jnp.zeros((H,), jnp.float32),
        'Wc2': jax.random.normal(kc2, (H, 2), dtype=jnp.float32) * (1.0 / np.sqrt(H)),
        'bc2': jnp.zeros((2,), jnp.float32),
    }
    return {'layers': layers, 'clf': clf}


def setup_inputs(seed: int = 0):
    key = jax.random.key(seed)
    k0, k1, k2, k3, kp = jax.random.split(key, 5)
    x = jax.random.normal(k0, (N, D), dtype=jnp.float32)
    edge_index = jax.random.randint(k1, (2, E), 0, N, dtype=jnp.int32)
    batch = jnp.sort(jax.random.randint(k2, (N,), 0, G, dtype=jnp.int32))
    graph_attr = jax.random.normal(k3, (G, GA), dtype=jnp.float32)
    params = _init_params(kp)
    return {'x': x, 'edge_index': edge_index, 'batch': batch, 'graph_attr': graph_attr, 'params': params}


def _bn_eval(h, g, b):
    # BatchNorm1d in eval mode with running_mean=0, running_var=1
    return h * (g / jnp.sqrt(1.0 + BN_EPS)) + b


def _forward(x, graph_attr, params, edge_index, batch):
    src = edge_index[0]
    dst = edge_index[1]
    pooled = []
    h = x
    for lp in params['layers']:
        # GINConv: (1+eps)*x_i + sum_{j->i} x_j
        agg = jax.ops.segment_sum(h[src], dst, num_segments=N)
        z = (1.0 + lp['eps']) * h + agg
        z = z @ lp['W1'] + lp['b1']
        z = _bn_eval(z, lp['g1'], lp['be1'])
        z = jax.nn.relu(z)
        z = z @ lp['W2'] + lp['b2']
        z = _bn_eval(z, lp['go'], lp['bo'])
        h = jax.nn.relu(z)
        # dropout in eval mode: identity
        sums = jax.ops.segment_sum(h, batch, num_segments=G)
        cnts = jax.ops.segment_sum(jnp.ones((h.shape[0], 1), h.dtype), batch, num_segments=G)
        pooled.append(sums / jnp.clip(cnts, 1.0, None))
    emb = jnp.concatenate(pooled + [graph_attr], axis=1)
    c = params['clf']
    hc = jax.nn.relu(emb @ c['Wc1'] + c['bc1'])
    return hc @ c['Wc2'] + c['bc2']


def reference(x, edge_index, batch, graph_attr, params):
    return _forward(x, graph_attr, params, edge_index, batch)

if __name__ == "__main__":
    import jax
    _d = setup_inputs()
    print(jax.jit(kernel)(*tuple(_d.values())))

</pallas_src>

<mosaic_0001>
#map = affine_map<(d0, d1) -> (0, 0)>
module attributes {stable_mosaic.version = 14 : i64} {
  func.func @body(%arg0: i32, %arg1: i32, %arg2: memref<10240x64xi16, #tpu.memory_space<hbm>>, %arg3: memref<2560x128xi32, #tpu.memory_space<hbm>>, %arg4: memref<2560x128xi32, #tpu.memory_space<hbm>>, %arg5: memref<640x64xi16, #tpu.memory_space<hbm>>, %arg6: memref<20480x64xi16, #tpu.memory_space<hbm>>, %arg7: memref<80x128xi32, #tpu.memory_space<vmem>>, %arg8: memref<80x128xi32, #tpu.memory_space<vmem>>, %arg9: memref<8x128x64xi16, #tpu.memory_space<vmem>>, %arg10: memref<10240x64xi16, #tpu.memory_space<vmem_shared>>, %arg11: memref<10240x64xi16, #tpu.memory_space<vmem_shared>>, %arg12: memref<8x!tpu.dma_semaphore, #tpu.memory_space<semaphore_mem>>, %arg13: memref<8x!tpu.dma_semaphore, #tpu.memory_space<semaphore_mem>>) attributes {dimension_semantics = [#tpu.dimension_semantics<core_parallel>, #tpu.dimension_semantics<subcore_parallel>], iteration_bounds = array<i64: 2, 16>, scalar_prefetch = 0 : i64, scratch_operands = 7 : i64, tpu.core_type = #tpu.core_type<sc_vector_subcore>, window_params = [{transform_indices = #map}, {transform_indices = #map}, {transform_indices = #map}, {transform_indices = #map}, {transform_indices = #map}]} {
    %mul3A = arith.constant 16 : i32
    %mul3A_0 = arith.muli %arg0, %mul3A : i32
    %add3A = arith.addi %mul3A_0, %arg1 : i32
    %mul3A_1 = arith.constant 640 : i32
    %mul3A_2 = arith.muli %arg1, %mul3A_1 : i32
    %mul3A_3 = arith.constant 80 : i32
    %mul3A_4 = arith.muli %add3A, %mul3A_3 : i32
    "tpu.region"() ({
      %run_scoped3A = tpu.sem_alloc : memref<!tpu.dma_semaphore, #tpu.memory_space<semaphore_mem>>
      %dma_start3A_132 = arith.constant 0 : i32
      %dma_start3A_133 = tpu.memref_slice %arg3[%mul3A_4, %dma_start3A_132] : memref<2560x128xi32, #tpu.memory_space<hbm>> -> memref<80x128xi32, #tpu.memory_space<hbm>>
      %dma_start3A_134 = arith.constant 0 : i32
      %dma_start3A_135 = tpu.memref_slice %arg3[%mul3A_4, %dma_start3A_134] : memref<2560x128xi32, #tpu.memory_space<hbm>> -> memref<80x128xi32, #tpu.memory_space<hbm>>
      tpu.enqueue_dma source(%dma_start3A_135 : memref<80x128xi32, #tpu.memory_space<hbm>>) target(%arg7 : memref<80x128xi32, #tpu.memory_space<vmem>>) target_semaphore(%run_scoped3A : memref<!tpu.dma_semaphore, #tpu.memory_space<semaphore_mem>>)
      %dma_wait3A_136 = arith.constant 0 : i32
      %dma_wait3A_137 = tpu.memref_slice %arg3[%mul3A_4, %dma_wait3A_136] : memref<2560x128xi32, #tpu.memory_space<hbm>> -> memref<80x128xi32, #tpu.memory_space<hbm>>
      %dma_wait3A_138 = arith.constant 0 : i32
      %dma_wait3A_139 = tpu.memref_slice %arg3[%mul3A_4, %dma_wait3A_138] : memref<2560x128xi32, #tpu.memory_space<hbm>> -> memref<80x128xi32, #tpu.memory_space<hbm>>
      tpu.wait_dma2 semaphore(%run_scoped3A : memref<!tpu.dma_semaphore, #tpu.memory_space<semaphore_mem>>) src(%dma_wait3A_139 : memref<80x128xi32, #tpu.memory_space<hbm>>) dst(%arg7 : memref<80x128xi32, #tpu.memory_space<vmem>>)
      tpu.yield
    }) : () -> ()
    "tpu.region"() ({
      %run_scoped3A = tpu.sem_alloc : memref<!tpu.dma_semaphore, #tpu.memory_space<semaphore_mem>>
      %dma_start3A_132 = arith.constant 0 : i32
      %dma_start3A_133 = tpu.memref_slice %arg4[%mul3A_4, %dma_start3A_132] : memref<2560x128xi32, #tpu.memory_space<hbm>> -> memref<80x128xi32, #tpu.memory_space<hbm>>
      %dma_start3A_134 = arith.constant 0 : i32
      %dma_start3A_135 = tpu.memref_slice %arg4[%mul3A_4, %dma_start3A_134] : memref<2560x128xi32, #tpu.memory_space<hbm>> -> memref<80x128xi32, #tpu.memory_space<hbm>>
      tpu.enqueue_dma source(%dma_start3A_135 : memref<80x128xi32, #tpu.memory_space<hbm>>) target(%arg8 : memref<80x128xi32, #tpu.memory_space<vmem>>) target_semaphore(%run_scoped3A : memref<!tpu.dma_semaphore, #tpu.memory_space<semaphore_mem>>)
      %dma_wait3A_136 = arith.constant 0 : i32
      %dma_wait3A_137 = tpu.memref_slice %arg4[%mul3A_4, %dma_wait3A_136] : memref<2560x128xi32, #tpu.memory_space<hbm>> -> memref<80x128xi32, #tpu.memory_space<hbm>>
      %dma_wait3A_138 = arith.constant 0 : i32
      %dma_wait3A_139 = tpu.memref_slice %arg4[%mul3A_4, %dma_wait3A_138] : memref<2560x128xi32, #tpu.memory_space<hbm>> -> memref<80x128xi32, #tpu.memory_space<hbm>>
      tpu.wait_dma2 semaphore(%run_scoped3A : memref<!tpu.dma_semaphore, #tpu.memory_space<semaphore_mem>>) src(%dma_wait3A_139 : memref<80x128xi32, #tpu.memory_space<hbm>>) dst(%arg8 : memref<80x128xi32, #tpu.memory_space<vmem>>)
      tpu.yield
    }) : () -> ()
    "tpu.region"() ({
      %run_scoped3A = tpu.sem_alloc : memref<!tpu.dma_semaphore, #tpu.memory_space<semaphore_mem>>
      %dma_start3A_132 = arith.constant 0 : i32
      %dma_start3A_133 = tpu.memref_slice %arg10[%mul3A_2, %dma_start3A_132] : memref<10240x64xi16, #tpu.memory_space<vmem_shared>> -> memref<640x64xi16, #tpu.memory_space<vmem_shared>>
      %dma_start3A_134 = arith.constant 0 : i32
      %dma_start3A_135 = tpu.memref_slice %arg2[%mul3A_2, %dma_start3A_134] : memref<10240x64xi16, #tpu.memory_space<hbm>> -> memref<640x64xi16, #tpu.memory_space<hbm>>
      tpu.enqueue_dma source(%dma_start3A_135 : memref<640x64xi16, #tpu.memory_space<hbm>>) target(%dma_start3A_133 : memref<640x64xi16, #tpu.memory_space<vmem_shared>>) target_semaphore(%run_scoped3A : memref<!tpu.dma_semaphore, #tpu.memory_space<semaphore_mem>>)
      %dma_wait3A_136 = arith.constant 0 : i32
      %dma_wait3A_137 = tpu.memref_slice %arg10[%mul3A_2, %dma_wait3A_136] : memref<10240x64xi16, #tpu.memory_space<vmem_shared>> -> memref<640x64xi16, #tpu.memory_space<vmem_shared>>
      %dma_wait3A_138 = arith.constant 0 : i32
      %dma_wait3A_139 = tpu.memref_slice %arg2[%mul3A_2, %dma_wait3A_138] : memref<10240x64xi16, #tpu.memory_space<hbm>> -> memref<640x64xi16, #tpu.memory_space<hbm>>
      tpu.wait_dma2 semaphore(%run_scoped3A : memref<!tpu.dma_semaphore, #tpu.memory_space<semaphore_mem>>) src(%dma_wait3A_139 : memref<640x64xi16, #tpu.memory_space<hbm>>) dst(%dma_wait3A_137 : memref<640x64xi16, #tpu.memory_space<vmem_shared>>)
      tpu.yield
    }) : () -> ()
    "tpu.region"() ({
      %run_scoped3A = tpu.sem_alloc : memref<!tpu.dma_semaphore, #tpu.memory_space<semaphore_mem>>
      %dma_start3A_132 = arith.constant 0 : i32
      %dma_start3A_133 = tpu.memref_slice %arg11[%mul3A_2, %dma_start3A_132] : memref<10240x64xi16, #tpu.memory_space<vmem_shared>> -> memref<640x64xi16, #tpu.memory_space<vmem_shared>>
      tpu.enqueue_dma source(%arg5 : memref<640x64xi16, #tpu.memory_space<hbm>>) target(%dma_start3A_133 : memref<640x64xi16, #tpu.memory_space<vmem_shared>>) target_semaphore(%run_scoped3A : memref<!tpu.dma_semaphore, #tpu.memory_space<semaphore_mem>>)
      %dma_wait3A_134 = arith.constant 0 : i32
      %dma_wait3A_135 = tpu.memref_slice %arg11[%mul3A_2, %dma_wait3A_134] : memref<10240x64xi16, #tpu.memory_space<vmem_shared>> -> memref<640x64xi16, #tpu.memory_space<vmem_shared>>
      tpu.wait_dma2 semaphore(%run_scoped3A : memref<!tpu.dma_semaphore, #tpu.memory_space<semaphore_mem>>) src(%arg5 : memref<640x64xi16, #tpu.memory_space<hbm>>) dst(%dma_wait3A_135 : memref<640x64xi16, #tpu.memory_space<vmem_shared>>)
      tpu.yield
    }) : () -> ()
    %barrier3A = arith.constant 0 : index
    tpu.barrier barrier_id(%barrier3A)
    %dma_start3A = arith.constant 0 : i32
    %dma_start3A_5 = arith.constant 0 : i32
    %dma_start3A_6 = arith.constant 0 : i32
    %dma_start3A_7 = arith.constant 0 : i32
    %dma_start3A_8 = arith.constant 0 : i32
    %dma_start3A_9 = tpu.memref_slice %arg9[%dma_start3A_5, %dma_start3A_7, %dma_start3A_8] : memref<8x128x64xi16, #tpu.memory_space<vmem>> -> memref<1x128x64xi16, #tpu.memory_space<vmem>>
    %dma_start3A_10 = tpu.memref_squeeze %dma_start3A_9 : memref<1x128x64xi16, #tpu.memory_space<vmem>> -> memref<128x64xi16, #tpu.memory_space<vmem>>
    %dma_start3A_11 = arith.constant 0 : i32
    %dma_start3A_12 = tpu.memref_slice %arg7[%dma_start3A, %dma_start3A_11] : memref<80x128xi32, #tpu.memory_space<vmem>> -> memref<1x128xi32, #tpu.memory_space<vmem>>
    %dma_start3A_13 = tpu.memref_squeeze %dma_start3A_12 : memref<1x128xi32, #tpu.memory_space<vmem>> -> memref<128xi32, #tpu.memory_space<vmem>>
    %dma_start3A_14 = arith.constant 0 : i32
    %dma_start3A_15 = arith.constant 0 : i32
    %dma_start3A_16 = tpu.memref_slice %arg10[%dma_start3A_14, %dma_start3A_15] : memref<10240x64xi16, #tpu.memory_space<vmem_shared>> -> memref<10240x64xi16, #tpu.memory_space<vmem_shared>>
    %dma_start3A_17 = tpu.memref_slice %arg12[%dma_start3A_6] : memref<8x!tpu.dma_semaphore, #tpu.memory_space<semaphore_mem>> -> memref<1x!tpu.dma_semaphore, #tpu.memory_space<semaphore_mem>>
    %dma_start3A_18 = tpu.memref_squeeze %dma_start3A_17 : memref<1x!tpu.dma_semaphore, #tpu.memory_space<semaphore_mem>> -> memref<!tpu.dma_semaphore, #tpu.memory_space<semaphore_mem>>
    tpu.enqueue_indirect_dma source(%dma_start3A_16 : memref<10240x64xi16, #tpu.memory_space<vmem_shared>>) target(%dma_start3A_10 : memref<128x64xi16, #tpu.memory_space<vmem>>) offsets(%dma_start3A_13 : memref<128xi32, #tpu.memory_space<vmem>>) semaphore(%dma_start3A_18 : memref<!tpu.dma_semaphore, #tpu.memory_space<semaphore_mem>>)
    %dma_start3A_19 = arith.constant 1 : i32
    %dma_start3A_20 = arith.constant 1 : i32
    %dma_start3A_21 = arith.constant 1 : i32
    %dma_start3A_22 = arith.constant 0 : i32
    %dma_start3A_23 = arith.constant 0 : i32
    %dma_start3A_24 = tpu.memref_slice %arg9[%dma_start3A_20, %dma_start3A_22, %dma_start3A_23] : memref<8x128x64xi16, #tpu.memory_space<vmem>> -> memref<1x128x64xi16, #tpu.memory_space<vmem>>
    %dma_start3A_25 = tpu.memref_squeeze %dma_start3A_24 : memref<1x128x64xi16, #tpu.memory_space<vmem>> -> memref<128x64xi16, #tpu.memory_space<vmem>>
    %dma_start3A_26 = arith.constant 0 : i32
    %dma_start3A_27 = tpu.memref_slice %arg7[%dma_start3A_19, %dma_start3A_26] : memref<80x128xi32, #tpu.memory_space<vmem>> -> memref<1x128xi32, #tpu.memory_space<vmem>>
    %dma_start3A_28 = tpu.memref_squeeze %dma_start3A_27 : memref<1x128xi32, #tpu.memory_space<vmem>> -> memref<128xi32, #tpu.memory_space<vmem>>
    %dma_start3A_29 = arith.constant 0 : i32
    %dma_start3A_30 = arith.constant 0 : i32
    %dma_start3A_31 = tpu.memref_slice %arg10[%dma_start3A_29, %dma_start3A_30] : memref<10240x64xi16, #tpu.memory_space<vmem_shared>> -> memref<10240x64xi16, #tpu.memory_space<vmem_shared>>
    %dma_start3A_32 = tpu.memref_slice %arg12[%dma_start3A_21] : memref<8x!tpu.dma_semaphore, #tpu.memory_space<semaphore_mem>> -> memref<1x!tpu.dma_semaphore, #tpu.memory_space<semaphore_mem>>
    %dma_start3A_33 = tpu.memref_squeeze %dma_start3A_32 : memref<1x!tpu.dma_semaphore, #tpu.memory_space<semaphore_mem>> -> memref<!tpu.dma_semaphore, #tpu.memory_space<semaphore_mem>>
    tpu.enqueue_indirect_dma source(%dma_start3A_31 : memref<10240x64xi16, #tpu.memory_space<vmem_shared>>) target(%dma_start3A_25 : memref<128x64xi16, #tpu.memory_space<vmem>>) offsets(%dma_start3A_28 : memref<128xi32, #tpu.memory_space<vmem>>) semaphore(%dma_start3A_33 : memref<!tpu.dma_semaphore, #tpu.memory_space<semaphore_mem>>)
    %dma_start3A_34 = arith.constant 2 : i32
    %dma_start3A_35 = arith.constant 2 : i32
    %dma_start3A_36 = arith.constant 2 : i32
    %dma_start3A_37 = arith.constant 0 : i32
    %dma_start3A_38 = arith.constant 0 : i32
    %dma_start3A_39 = tpu.memref_slice %arg9[%dma_start3A_35, %dma_start3A_37, %dma_start3A_38] : memref<8x128x64xi16, #tpu.memory_space<vmem>> -> memref<1x128x64xi16, #tpu.memory_space<vmem>>
    %dma_start3A_40 = tpu.memref_squeeze %dma_start3A_39 : memref<1x128x64xi16, #tpu.memory_space<vmem>> -> memref<128x64xi16, #tpu.memory_space<vmem>>
    %dma_start3A_41 = arith.constant 0 : i32
    %dma_start3A_42 = tpu.memref_slice %arg7[%dma_start3A_34, %dma_start3A_41] : memref<80x128xi32, #tpu.memory_space<vmem>> -> memref<1x128xi32, #tpu.memory_space<vmem>>
    %dma_start3A_43 = tpu.memref_squeeze %dma_start3A_42 : memref<1x128xi32, #tpu.memory_space<vmem>> -> memref<128xi32, #tpu.memory_space<vmem>>
    %dma_start3A_44 = arith.constant 0 : i32
    %dma_start3A_45 = arith.constant 0 : i32
    %dma_start3A_46 = tpu.memref_slice %arg10[%dma_start3A_44, %dma_start3A_45] : memref<10240x64xi16, #tpu.memory_space<vmem_shared>> -> memref<10240x64xi16, #tpu.memory_space<vmem_shared>>
    %dma_start3A_47 = tpu.memref_slice %arg12[%dma_start3A_36] : memref<8x!tpu.dma_semaphore, #tpu.memory_space<semaphore_mem>> -> memref<1x!tpu.dma_semaphore, #tpu.memory_space<semaphore_mem>>
    %dma_start3A_48 = tpu.memref_squeeze %dma_start3A_47 : memref<1x!tpu.dma_semaphore, #tpu.memory_space<semaphore_mem>> -> memref<!tpu.dma_semaphore, #tpu.memory_space<semaphore_mem>>
    tpu.enqueue_indirect_dma source(%dma_start3A_46 : memref<10240x64xi16, #tpu.memory_space<vmem_shared>>) target(%dma_start3A_40 : memref<128x64xi16, #tpu.memory_space<vmem>>) offsets(%dma_start3A_43 : memref<128xi32, #tpu.memory_space<vmem>>) semaphore(%dma_start3A_48 : memref<!tpu.dma_semaphore, #tpu.memory_space<semaphore_mem>>)
    %dma_start3A_49 = arith.constant 3 : i32
    %dma_start3A_50 = arith.constant 3 : i32
    %dma_start3A_51 = arith.constant 3 : i32
    %dma_start3A_52 = arith.constant 0 : i32
    %dma_start3A_53 = arith.constant 0 : i32
    %dma_start3A_54 = tpu.memref_slice %arg9[%dma_start3A_50, %dma_start3A_52, %dma_start3A_53] : memref<8x128x64xi16, #tpu.memory_space<vmem>> -> memref<1x128x64xi16, #tpu.memory_space<vmem>>
    %dma_start3A_55 = tpu.memref_squeeze %dma_start3A_54 : memref<1x128x64xi16, #tpu.memory_space<vmem>> -> memref<128x64xi16, #tpu.memory_space<vmem>>
    %dma_start3A_56 = arith.constant 0 : i32
    %dma_start3A_57 = tpu.memref_slice %arg7[%dma_start3A_49, %dma_start3A_56] : memref<80x128xi32, #tpu.memory_space<vmem>> -> memref<1x128xi32, #tpu.memory_space<vmem>>
    %dma_start3A_58 = tpu.memref_squeeze %dma_start3A_57 : memref<1x128xi32, #tpu.memory_space<vmem>> -> memref<128xi32, #tpu.memory_space<vmem>>
    %dma_start3A_59 = arith.constant 0 : i32
    %dma_start3A_60 = arith.constant 0 : i32
    %dma_start3A_61 = tpu.memref_slice %arg10[%dma_start3A_59, %dma_start3A_60] : memref<10240x64xi16, #tpu.memory_space<vmem_shared>> -> memref<10240x64xi16, #tpu.memory_space<vmem_shared>>
    %dma_start3A_62 = tpu.memref_slice %arg12[%dma_start3A_51] : memref<8x!tpu.dma_semaphore, #tpu.memory_space<semaphore_mem>> -> memref<1x!tpu.dma_semaphore, #tpu.memory_space<semaphore_mem>>
    %dma_start3A_63 = tpu.memref_squeeze %dma_start3A_62 : memref<1x!tpu.dma_semaphore, #tpu.memory_space<semaphore_mem>> -> memref<!tpu.dma_semaphore, #tpu.memory_space<semaphore_mem>>
    tpu.enqueue_indirect_dma source(%dma_start3A_61 : memref<10240x64xi16, #tpu.memory_space<vmem_shared>>) target(%dma_start3A_55 : memref<128x64xi16, #tpu.memory_space<vmem>>) offsets(%dma_start3A_58 : memref<128xi32, #tpu.memory_space<vmem>>) semaphore(%dma_start3A_63 : memref<!tpu.dma_semaphore, #tpu.memory_space<semaphore_mem>>)
    %scan3A = arith.constant 0 : i32
    %scan3A_64 = arith.constant 0 : i32
    %scan3A_65 = arith.constant 10 : i32
    %scan3A_66 = arith.addi %scan3A_64, %scan3A_65 : i32
    %scan3A_67 = arith.constant 1 : i32
    scf.for %scan3A_132 = %scan3A_64 to %scan3A_66 step %scan3A_67  : i32 {
      %mul3A_133 = arith.constant 8 : i32
      %mul3A_134 = arith.muli %scan3A_132, %mul3A_133 : i32
      %add3A_135 = arith.constant 0 : i32
      %add3A_136 = arith.addi %mul3A_134, %add3A_135 : i32
      %ge3A = arith.constant 1 : i32
      %ge3A_137 = arith.cmpi sge, %scan3A_132, %ge3A : i32
      %convert_element_type3A = arith.extui %ge3A_137 : i1 to i32
      %cond3A = arith.constant 0 : i32
      %cond3A_138 = arith.cmpi ne, %convert_element_type3A, %cond3A : i32
      scf.if %cond3A_138 {
        %sub3A_538 = arith.constant 4 : i32
        %sub3A_539 = arith.subi %add3A_136, %sub3A_538 : i32
        %dma_wait3A_540 = arith.constant 4 : i32
        %dma_wait3A_541 = arith.constant 4 : i32
        %dma_wait3A_542 = arith.constant 0 : i32
        %dma_wait3A_543 = arith.constant 0 : i32
        %dma_wait3A_544 = tpu.memref_slice %arg9[%dma_wait3A_540, %dma_wait3A_542, %dma_wait3A_543] : memref<8x128x64xi16, #tpu.memory_space<vmem>> -> memref<1x128x64xi16, #tpu.memory_space<vmem>>
        %dma_wait3A_545 = tpu.memref_squeeze %dma_wait3A_544 : memref<1x128x64xi16, #tpu.memory_space<vmem>> -> memref<128x64xi16, #tpu.memory_space<vmem>>
        %dma_wait3A_546 = arith.constant 0 : i32
        %dma_wait3A_547 = tpu.memref_slice %arg8[%sub3A_539, %dma_wait3A_546] : memref<80x128xi32, #tpu.memory_space<vmem>> -> memref<1x128xi32, #tpu.memory_space<vmem>>
        %dma_wait3A_548 = tpu.memref_squeeze %dma_wait3A_547 : memref<1x128xi32, #tpu.memory_space<vmem>> -> memref<128xi32, #tpu.memory_space<vmem>>
        %dma_wait3A_549 = arith.constant 0 : i32
        %dma_wait3A_550 = arith.constant 0 : i32
        %dma_wait3A_551 = tpu.memref_slice %arg11[%dma_wait3A_549, %dma_wait3A_550] : memref<10240x64xi16, #tpu.memory_space<vmem_shared>> -> memref<10240x64xi16, #tpu.memory_space<vmem_shared>>
        %dma_wait3A_552 = tpu.memref_slice %arg13[%dma_wait3A_541] : memref<8x!tpu.dma_semaphore, #tpu.memory_space<semaphore_mem>> -> memref<1x!tpu.dma_semaphore, #tpu.memory_space<semaphore_mem>>
        %dma_wait3A_553 = tpu.memref_squeeze %dma_wait3A_552 : memref<1x!tpu.dma_semaphore, #tpu.memory_space<semaphore_mem>> -> memref<!tpu.dma_semaphore, #tpu.memory_space<semaphore_mem>>
        tpu.wait_indirect_dma semaphore(%dma_wait3A_553 : memref<!tpu.dma_semaphore, #tpu.memory_space<semaphore_mem>>) src(%dma_wait3A_545 : memref<128x64xi16, #tpu.memory_space<vmem>>) dst(%dma_wait3A_551 : memref<10240x64xi16, #tpu.memory_space<vmem_shared>>)
      } else {
      }
      %add3A_139 = arith.constant 4 : i32
      %add3A_140 = arith.addi %add3A_136, %add3A_139 : i32
      %dma_start3A_141 = arith.constant 4 : i32
      %dma_start3A_142 = arith.constant 4 : i32
      %dma_start3A_143 = arith.constant 0 : i32
      %dma_start3A_144 = arith.constant 0 : i32
      %dma_start3A_145 = tpu.memref_slice %arg9[%dma_start3A_141, %dma_start3A_143, %dma_start3A_144] : memref<8x128x64xi16, #tpu.memory_space<vmem>> -> memref<1x128x64xi16, #tpu.memory_space<vmem>>
      %dma_start3A_146 = tpu.memref_squeeze %dma_start3A_145 : memref<1x128x64xi16, #tpu.memory_space<vmem>> -> memref<128x64xi16, #tpu.memory_space<vmem>>
      %dma_start3A_147 = arith.constant 0 : i32
      %dma_start3A_148 = tpu.memref_slice %arg7[%add3A_140, %dma_start3A_147] : memref<80x128xi32, #tpu.memory_space<vmem>> -> memref<1x128xi32, #tpu.memory_space<vmem>>
      %dma_start3A_149 = tpu.memref_squeeze %dma_start3A_148 : memref<1x128xi32, #tpu.memory_space<vmem>> -> memref<128xi32, #tpu.memory_space<vmem>>
      %dma_start3A_150 = arith.constant 0 : i32
      %dma_start3A_151 = arith.constant 0 : i32
      %dma_start3A_152 = tpu.memref_slice %arg10[%dma_start3A_150, %dma_start3A_151] : memref<10240x64xi16, #tpu.memory_space<vmem_shared>> -> memref<10240x64xi16, #tpu.memory_space<vmem_shared>>
      %dma_start3A_153 = tpu.memref_slice %arg12[%dma_start3A_142] : memref<8x!tpu.dma_semaphore, #tpu.memory_space<semaphore_mem>> -> memref<1x!tpu.dma_semaphore, #tpu.memory_space<semaphore_mem>>
      %dma_start3A_154 = tpu.memref_squeeze %dma_start3A_153 : memref<1x!tpu.dma_semaphore, #tpu.memory_space<semaphore_mem>> -> memref<!tpu.dma_semaphore, #tpu.memory_space<semaphore_mem>>
      tpu.enqueue_indirect_dma source(%dma_start3A_152 : memref<10240x64xi16, #tpu.memory_space<vmem_shared>>) target(%dma_start3A_146 : memref<128x64xi16, #tpu.memory_space<vmem>>) offsets(%dma_start3A_149 : memref<128xi32, #tpu.memory_space<vmem>>) semaphore(%dma_start3A_154 : memref<!tpu.dma_semaphore, #tpu.memory_space<semaphore_mem>>)
      %dma_wait3A_155 = arith.constant 0 : i32
      %dma_wait3A_156 = arith.constant 0 : i32
      %dma_wait3A_157 = arith.constant 0 : i32
      %dma_wait3A_158 = arith.constant 0 : i32
      %dma_wait3A_159 = tpu.memref_slice %arg9[%dma_wait3A_155, %dma_wait3A_157, %dma_wait3A_158] : memref<8x128x64xi16, #tpu.memory_space<vmem>> -> memref<1x128x64xi16, #tpu.memory_space<vmem>>
      %dma_wait3A_160 = tpu.memref_squeeze %dma_wait3A_159 : memref<1x128x64xi16, #tpu.memory_space<vmem>> -> memref<128x64xi16, #tpu.memory_space<vmem>>
      %dma_wait3A_161 = arith.constant 0 : i32
      %dma_wait3A_162 = tpu.memref_slice %arg7[%add3A_136, %dma_wait3A_161] : memref<80x128xi32, #tpu.memory_space<vmem>> -> memref<1x128xi32, #tpu.memory_space<vmem>>
      %dma_wait3A_163 = tpu.memref_squeeze %dma_wait3A_162 : memref<1x128xi32, #tpu.memory_space<vmem>> -> memref<128xi32, #tpu.memory_space<vmem>>
      %dma_wait3A_164 = arith.constant 0 : i32
      %dma_wait3A_165 = arith.constant 0 : i32
      %dma_wait3A_166 = tpu.memref_slice %arg10[%dma_wait3A_164, %dma_wait3A_165] : memref<10240x64xi16, #tpu.memory_space<vmem_shared>> -> memref<10240x64xi16, #tpu.memory_space<vmem_shared>>
      %dma_wait3A_167 = tpu.memref_slice %arg12[%dma_wait3A_156] : memref<8x!tpu.dma_semaphore, #tpu.memory_space<semaphore_mem>> -> memref<1x!tpu.dma_semaphore, #tpu.memory_space<semaphore_mem>>
      %dma_wait3A_168 = tpu.memref_squeeze %dma_wait3A_167 : memref<1x!tpu.dma_semaphore, #tpu.memory_space<semaphore_mem>> -> memref<!tpu.dma_semaphore, #tpu.memory_space<semaphore_mem>>
      tpu.wait_indirect_dma semaphore(%dma_wait3A_168 : memref<!tpu.dma_semaphore, #tpu.memory_space<semaphore_mem>>) src(%dma_wait3A_166 : memref<10240x64xi16, #tpu.memory_space<vmem_shared>>) dst(%dma_wait3A_160 : memref<128x64xi16, #tpu.memory_space<vmem>>)
      %dma_start3A_169 = arith.constant 0 : i32
      %dma_start3A_170 = arith.constant 0 : i32
      %dma_start3A_171 = arith.constant 0 : i32
      %dma_start3A_172 = arith.constant 0 : i32
      %dma_start3A_173 = tpu.memref_slice %arg9[%dma_start3A_169, %dma_start3A_171, %dma_start3A_172] : memref<8x128x64xi16, #tpu.memory_space<vmem>> -> memref<1x128x64xi16, #tpu.memory_space<vmem>>
      %dma_start3A_174 = tpu.memref_squeeze %dma_start3A_173 : memref<1x128x64xi16, #tpu.memory_space<vmem>> -> memref<128x64xi16, #tpu.memory_space<vmem>>
      %dma_start3A_175 = arith.constant 0 : i32
      %dma_start3A_176 = tpu.memref_slice %arg8[%add3A_136, %dma_start3A_175] : memref<80x128xi32, #tpu.memory_space<vmem>> -> memref<1x128xi32, #tpu.memory_space<vmem>>
      %dma_start3A_177 = tpu.memref_squeeze %dma_start3A_176 : memref<1x128xi32, #tpu.memory_space<vmem>> -> memref<128xi32, #tpu.memory_space<vmem>>
      %dma_start3A_178 = arith.constant 0 : i32
      %dma_start3A_179 = arith.constant 0 : i32
      %dma_start3A_180 = tpu.memref_slice %arg11[%dma_start3A_178, %dma_start3A_179] : memref<10240x64xi16, #tpu.memory_space<vmem_shared>> -> memref<10240x64xi16, #tpu.memory_space<vmem_shared>>
      %dma_start3A_181 = tpu.memref_slice %arg13[%dma_start3A_170] : memref<8x!tpu.dma_semaphore, #tpu.memory_space<semaphore_mem>> -> memref<1x!tpu.dma_semaphore, #tpu.memory_space<semaphore_mem>>
      %dma_start3A_182 = tpu.memref_squeeze %dma_start3A_181 : memref<1x!tpu.dma_semaphore, #tpu.memory_space<semaphore_mem>> -> memref<!tpu.dma_semaphore, #tpu.memory_space<semaphore_mem>>
      tpu.enqueue_indirect_dma source(%dma_start3A_174 : memref<128x64xi16, #tpu.memory_space<vmem>>) target(%dma_start3A_180 : memref<10240x64xi16, #tpu.memory_space<vmem_shared>>) offsets(%dma_start3A_177 : memref<128xi32, #tpu.memory_space<vmem>>) semaphore(%dma_start3A_182 : memref<!tpu.dma_semaphore, #tpu.memory_space<semaphore_mem>>) {add = true}
      %add3A_183 = arith.constant 1 : i32
      %add3A_184 = arith.addi %mul3A_134, %add3A_183 : i32
      %ge3A_185 = arith.constant 1 : i32
      %ge3A_186 = arith.cmpi sge, %scan3A_132, %ge3A_185 : i32
      %convert_element_type3A_187 = arith.extui %ge3A_186 : i1 to i32
      %cond3A_188 = arith.constant 0 : i32
      %cond3A_189 = arith.cmpi ne, %convert_element_type3A_187, %cond3A_188 : i32
      scf.if %cond3A_189 {
        %sub3A_538 = arith.constant 4 : i32
        %sub3A_539 = arith.subi %add3A_184, %sub3A_538 : i32
        %dma_wait3A_540 = arith.constant 5 : i32
        %dma_wait3A_541 = arith.constant 5 : i32
        %dma_wait3A_542 = arith.constant 0 : i32
        %dma_wait3A_543 = arith.constant 0 : i32
        %dma_wait3A_544 = tpu.memref_slice %arg9[%dma_wait3A_540, %dma_wait3A_542, %dma_wait3A_543] : memref<8x128x64xi16, #tpu.memory_space<vmem>> -> memref<1x128x64xi16, #tpu.memory_space<vmem>>
        %dma_wait3A_545 = tpu.memref_squeeze %dma_wait3A_544 : memref<1x128x64xi16, #tpu.memory_space<vmem>> -> memref<128x64xi16, #tpu.memory_space<vmem>>
        %dma_wait3A_546 = arith.constant 0 : i32
        %dma_wait3A_547 = tpu.memref_slice %arg8[%sub3A_539, %dma_wait3A_546] : memref<80x128xi32, #tpu.memory_space<vmem>> -> memref<1x128xi32, #tpu.memory_space<vmem>>
        %dma_wait3A_548 = tpu.memref_squeeze %dma_wait3A_547 : memref<1x128xi32, #tpu.memory_space<vmem>> -> memref<128xi32, #tpu.memory_space<vmem>>
        %dma_wait3A_549 = arith.constant 0 : i32
        %dma_wait3A_550 = arith.constant 0 : i32
        %dma_wait3A_551 = tpu.memref_slice %arg11[%dma_wait3A_549, %dma_wait3A_550] : memref<10240x64xi16, #tpu.memory_space<vmem_shared>> -> memref<10240x64xi16, #tpu.memory_space<vmem_shared>>
        %dma_wait3A_552 = tpu.memref_slice %arg13[%dma_wait3A_541] : memref<8x!tpu.dma_semaphore, #tpu.memory_space<semaphore_mem>> -> memref<1x!tpu.dma_semaphore, #tpu.memory_space<semaphore_mem>>
        %dma_wait3A_553 = tpu.memref_squeeze %dma_wait3A_552 : memref<1x!tpu.dma_semaphore, #tpu.memory_space<semaphore_mem>> -> memref<!tpu.dma_semaphore, #tpu.memory_space<semaphore_mem>>
        tpu.wait_indirect_dma semaphore(%dma_wait3A_553 : memref<!tpu.dma_semaphore, #tpu.memory_space<semaphore_mem>>) src(%dma_wait3A_545 : memref<128x64xi16, #tpu.memory_space<vmem>>) dst(%dma_wait3A_551 : memref<10240x64xi16, #tpu.memory_space<vmem_shared>>)
      } else {
      }
      %add3A_190 = arith.constant 4 : i32
      %add3A_191 = arith.addi %add3A_184, %add3A_190 : i32
      %dma_start3A_192 = arith.constant 5 : i32
      %dma_start3A_193 = arith.constant 5 : i32
      %dma_start3A_194 = arith.constant 0 : i32
      %dma_start3A_195 = arith.constant 0 : i32
      %dma_start3A_196 = tpu.memref_slice %arg9[%dma_start3A_192, %dma_start3A_194, %dma_start3A_195] : memref<8x128x64xi16, #tpu.memory_space<vmem>> -> memref<1x128x64xi16, #tpu.memory_space<vmem>>
      %dma_start3A_197 = tpu.memref_squeeze %dma_start3A_196 : memref<1x128x64xi16, #tpu.memory_space<vmem>> -> memref<128x64xi16, #tpu.memory_space<vmem>>
      %dma_start3A_198 = arith.constant 0 : i32
      %dma_start3A_199 = tpu.memref_slice %arg7[%add3A_191, %dma_start3A_198] : memref<80x128xi32, #tpu.memory_space<vmem>> -> memref<1x128xi32, #tpu.memory_space<vmem>>
      %dma_start3A_200 = tpu.memref_squeeze %dma_start3A_199 : memref<1x128xi32, #tpu.memory_space<vmem>> -> memref<128xi32, #tpu.memory_space<vmem>>
      %dma_start3A_201 = arith.constant 0 : i32
      %dma_start3A_202 = arith.constant 0 : i32
      %dma_start3A_203 = tpu.memref_slice %arg10[%dma_start3A_201, %dma_start3A_202] : memref<10240x64xi16, #tpu.memory_space<vmem_shared>> -> memref<10240x64xi16, #tpu.memory_space<vmem_shared>>
      %dma_start3A_204 = tpu.memref_slice %arg12[%dma_start3A_193] : memref<8x!tpu.dma_semaphore, #tpu.memory_space<semaphore_mem>> -> memref<1x!tpu.dma_semaphore, #tpu.memory_space<semaphore_mem>>
      %dma_start3A_205 = tpu.memref_squeeze %dma_start3A_204 : memref<1x!tpu.dma_semaphore, #tpu.memory_space<semaphore_mem>> -> memref<!tpu.dma_semaphore, #tpu.memory_space<semaphore_mem>>
      tpu.enqueue_indirect_dma source(%dma_start3A_203 : memref<10240x64xi16, #tpu.memory_space<vmem_shared>>) target(%dma_start3A_197 : memref<128x64xi16, #tpu.memory_space<vmem>>) offsets(%dma_start3A_200 : memref<128xi32, #tpu.memory_space<vmem>>) semaphore(%dma_start3A_205 : memref<!tpu.dma_semaphore, #tpu.memory_space<semaphore_mem>>)
      %dma_wait3A_206 = arith.constant 1 : i32
      %dma_wait3A_207 = arith.constant 1 : i32
      %dma_wait3A_208 = arith.constant 0 : i32
      %dma_wait3A_209 = arith.constant 0 : i32
      %dma_wait3A_210 = tpu.memref_slice %arg9[%dma_wait3A_206, %dma_wait3A_208, %dma_wait3A_209] : memref<8x128x64xi16, #tpu.memory_space<vmem>> -> memref<1x128x64xi16, #tpu.memory_space<vmem>>
      %dma_wait3A_211 = tpu.memref_squeeze %dma_wait3A_210 : memref<1x128x64xi16, #tpu.memory_space<vmem>> -> memref<128x64xi16, #tpu.memory_space<vmem>>
      %dma_wait3A_212 = arith.constant 0 : i32
      %dma_wait3A_213 = tpu.memref_slice %arg7[%add3A_184, %dma_wait3A_212] : memref<80x128xi32, #tpu.memory_space<vmem>> -> memref<1x128xi32, #tpu.memory_space<vmem>>
      %dma_wait3A_214 = tpu.memref_squeeze %dma_wait3A_213 : memref<1x128xi32, #tpu.memory_space<vmem>> -> memref<128xi32, #tpu.memory_space<vmem>>
      %dma_wait3A_215 = arith.constant 0 : i32
      %dma_wait3A_216 = arith.constant 0 : i32
      %dma_wait3A_217 = tpu.memref_slice %arg10[%dma_wait3A_215, %dma_wait3A_216] : memref<10240x64xi16, #tpu.memory_space<vmem_shared>> -> memref<10240x64xi16, #tpu.memory_space<vmem_shared>>
      %dma_wait3A_218 = tpu.memref_slice %arg12[%dma_wait3A_207] : memref<8x!tpu.dma_semaphore, #tpu.memory_space<semaphore_mem>> -> memref<1x!tpu.dma_semaphore, #tpu.memory_space<semaphore_mem>>
      %dma_wait3A_219 = tpu.memref_squeeze %dma_wait3A_218 : memref<1x!tpu.dma_semaphore, #tpu.memory_space<semaphore_mem>> -> memref<!tpu.dma_semaphore, #tpu.memory_space<semaphore_mem>>
      tpu.wait_indirect_dma semaphore(%dma_wait3A_219 : memref<!tpu.dma_semaphore, #tpu.memory_space<semaphore_mem>>) src(%dma_wait3A_217 : memref<10240x64xi16, #tpu.memory_space<vmem_shared>>) dst(%dma_wait3A_211 : memref<128x64xi16, #tpu.memory_space<vmem>>)
      %dma_start3A_220 = arith.constant 1 : i32
      %dma_start3A_221 = arith.constant 1 : i32
      %dma_start3A_222 = arith.constant 0 : i32
      %dma_start3A_223 = arith.constant 0 : i32
      %dma_start3A_224 = tpu.memref_slice %arg9[%dma_start3A_220, %dma_start3A_222, %dma_start3A_223] : memref<8x128x64xi16, #tpu.memory_space<vmem>> -> memref<1x128x64xi16, #tpu.memory_space<vmem>>
      %dma_start3A_225 = tpu.memref_squeeze %dma_start3A_224 : memref<1x128x64xi16, #tpu.memory_space<vmem>> -> memref<128x64xi16, #tpu.memory_space<vmem>>
      %dma_start3A_226 = arith.constant 0 : i32
      %dma_start3A_227 = tpu.memref_slice %arg8[%add3A_184, %dma_start3A_226] : memref<80x128xi32, #tpu.memory_space<vmem>> -> memref<1x128xi32, #tpu.memory_space<vmem>>
      %dma_start3A_228 = tpu.memref_squeeze %dma_start3A_227 : memref<1x128xi32, #tpu.memory_space<vmem>> -> memref<128xi32, #tpu.memory_space<vmem>>
      %dma_start3A_229 = arith.constant 0 : i32
      %dma_start3A_230 = arith.constant 0 : i32
      %dma_start3A_231 = tpu.memref_slice %arg11[%dma_start3A_229, %dma_start3A_230] : memref<10240x64xi16, #tpu.memory_space<vmem_shared>> -> memref<10240x64xi16, #tpu.memory_space<vmem_shared>>
      %dma_start3A_232 = tpu.memref_slice %arg13[%dma_start3A_221] : memref<8x!tpu.dma_semaphore, #tpu.memory_space<semaphore_mem>> -> memref<1x!tpu.dma_semaphore, #tpu.memory_space<semaphore_mem>>
      %dma_start3A_233 = tpu.memref_squeeze %dma_start3A_232 : memref<1x!tpu.dma_semaphore, #tpu.memory_space<semaphore_mem>> -> memref<!tpu.dma_semaphore, #tpu.memory_space<semaphore_mem>>
      tpu.enqueue_indirect_dma source(%dma_start3A_225 : memref<128x64xi16, #tpu.memory_space<vmem>>) target(%dma_start3A_231 : memref<10240x64xi16, #tpu.memory_space<vmem_shared>>) offsets(%dma_start3A_228 : memref<128xi32, #tpu.memory_space<vmem>>) semaphore(%dma_start3A_233 : memref<!tpu.dma_semaphore, #tpu.memory_space<semaphore_mem>>) {add = true}
      %add3A_234 = arith.constant 2 : i32
      %add3A_235 = arith.addi %mul3A_134, %add3A_234 : i32
      %ge3A_236 = arith.constant 1 : i32
      %ge3A_237 = arith.cmpi sge, %scan3A_132, %ge3A_236 : i32
      %convert_element_type3A_238 = arith.extui %ge3A_237 : i1 to i32
      %cond3A_239 = arith.constant 0 : i32
      %cond3A_240 = arith.cmpi ne, %convert_element_type3A_238, %cond3A_239 : i32
      scf.if %cond3A_240 {
        %sub3A_538 = arith.constant 4 : i32
        %sub3A_539 = arith.subi %add3A_235, %sub3A_538 : i32
        %dma_wait3A_540 = arith.constant 6 : i32
        %dma_wait3A_541 = arith.constant 6 : i32
        %dma_wait3A_542 = arith.constant 0 : i32
        %dma_wait3A_543 = arith.constant 0 : i32
        %dma_wait3A_544 = tpu.memref_slice %arg9[%dma_wait3A_540, %dma_wait3A_542, %dma_wait3A_543] : memref<8x128x64xi16, #tpu.memory_space<vmem>> -> memref<1x128x64xi16, #tpu.memory_space<vmem>>
        %dma_wait3A_545 = tpu.memref_squeeze %dma_wait3A_544 : memref<1x128x64xi16, #tpu.memory_space<vmem>> -> memref<128x64xi16, #tpu.memory_space<vmem>>
        %dma_wait3A_546 = arith.constant 0 : i32
        %dma_wait3A_547 = tpu.memref_slice %arg8[%sub3A_539, %dma_wait3A_546] : memref<80x128xi32, #tpu.memory_space<vmem>> -> memref<1x128xi32, #tpu.memory_space<vmem>>
        %dma_wait3A_548 = tpu.memref_squeeze %dma_wait3A_547 : memref<1x128xi32, #tpu.memory_space<vmem>> -> memref<128xi32, #tpu.memory_space<vmem>>
        %dma_wait3A_549 = arith.constant 0 : i32
        %dma_wait3A_550 = arith.constant 0 : i32
        %dma_wait3A_551 = tpu.memref_slice %arg11[%dma_wait3A_549, %dma_wait3A_550] : memref<10240x64xi16, #tpu.memory_space<vmem_shared>> -> memref<10240x64xi16, #tpu.memory_space<vmem_shared>>
        %dma_wait3A_552 = tpu.memref_slice %arg13[%dma_wait3A_541] : memref<8x!tpu.dma_semaphore, #tpu.memory_space<semaphore_mem>> -> memref<1x!tpu.dma_semaphore, #tpu.memory_space<semaphore_mem>>
        %dma_wait3A_553 = tpu.memref_squeeze %dma_wait3A_552 : memref<1x!tpu.dma_semaphore, #tpu.memory_space<semaphore_mem>> -> memref<!tpu.dma_semaphore, #tpu.memory_space<semaphore_mem>>
        tpu.wait_indirect_dma semaphore(%dma_wait3A_553 : memref<!tpu.dma_semaphore, #tpu.memory_space<semaphore_mem>>) src(%dma_wait3A_545 : memref<128x64xi16, #tpu.memory_space<vmem>>) dst(%dma_wait3A_551 : memref<10240x64xi16, #tpu.memory_space<vmem_shared>>)
      } else {
      }
      %add3A_241 = arith.constant 4 : i32
      %add3A_242 = arith.addi %add3A_235, %add3A_241 : i32
      %dma_start3A_243 = arith.constant 6 : i32
      %dma_start3A_244 = arith.constant 6 : i32
      %dma_start3A_245 = arith.constant 0 : i32
      %dma_start3A_246 = arith.constant 0 : i32
      %dma_start3A_247 = tpu.memref_slice %arg9[%dma_start3A_243, %dma_start3A_245, %dma_start3A_246] : memref<8x128x64xi16, #tpu.memory_space<vmem>> -> memref<1x128x64xi16, #tpu.memory_space<vmem>>
      %dma_start3A_248 = tpu.memref_squeeze %dma_start3A_247 : memref<1x128x64xi16, #tpu.memory_space<vmem>> -> memref<128x64xi16, #tpu.memory_space<vmem>>
      %dma_start3A_249 = arith.constant 0 : i32
      %dma_start3A_250 = tpu.memref_slice %arg7[%add3A_242, %dma_start3A_249] : memref<80x128xi32, #tpu.memory_space<vmem>> -> memref<1x128xi32, #tpu.memory_space<vmem>>
      %dma_start3A_251 = tpu.memref_squeeze %dma_start3A_250 : memref<1x128xi32, #tpu.memory_space<vmem>> -> memref<128xi32, #tpu.memory_space<vmem>>
      %dma_start3A_252 = arith.constant 0 : i32
      %dma_start3A_253 = arith.constant 0 : i32
      %dma_start3A_254 = tpu.memref_slice %arg10[%dma_start3A_252, %dma_start3A_253] : memref<10240x64xi16, #tpu.memory_space<vmem_shared>> -> memref<10240x64xi16, #tpu.memory_space<vmem_shared>>
      %dma_start3A_255 = tpu.memref_slice %arg12[%dma_start3A_244] : memref<8x!tpu.dma_semaphore, #tpu.memory_space<semaphore_mem>> -> memref<1x!tpu.dma_semaphore, #tpu.memory_space<semaphore_mem>>
      %dma_start3A_256 = tpu.memref_squeeze %dma_start3A_255 : memref<1x!tpu.dma_semaphore, #tpu.memory_space<semaphore_mem>> -> memref<!tpu.dma_semaphore, #tpu.memory_space<semaphore_mem>>
      tpu.enqueue_indirect_dma source(%dma_start3A_254 : memref<10240x64xi16, #tpu.memory_space<vmem_shared>>) target(%dma_start3A_248 : memref<128x64xi16, #tpu.memory_space<vmem>>) offsets(%dma_start3A_251 : memref<128xi32, #tpu.memory_space<vmem>>) semaphore(%dma_start3A_256 : memref<!tpu.dma_semaphore, #tpu.memory_space<semaphore_mem>>)
      %dma_wait3A_257 = arith.constant 2 : i32
      %dma_wait3A_258 = arith.constant 2 : i32
      %dma_wait3A_259 = arith.constant 0 : i32
      %dma_wait3A_260 = arith.constant 0 : i32
      %dma_wait3A_261 = tpu.memref_slice %arg9[%dma_wait3A_257, %dma_wait3A_259, %dma_wait3A_260] : memref<8x128x64xi16, #tpu.memory_space<vmem>> -> memref<1x128x64xi16, #tpu.memory_space<vmem>>
      %dma_wait3A_262 = tpu.memref_squeeze %dma_wait3A_261 : memref<1x128x64xi16, #tpu.memory_space<vmem>> -> memref<128x64xi16, #tpu.memory_space<vmem>>
      %dma_wait3A_263 = arith.constant 0 : i32
      %dma_wait3A_264 = tpu.memref_slice %arg7[%add3A_235, %dma_wait3A_263] : memref<80x128xi32, #tpu.memory_space<vmem>> -> memref<1x128xi32, #tpu.memory_space<vmem>>
      %dma_wait3A_265 = tpu.memref_squeeze %dma_wait3A_264 : memref<1x128xi32, #tpu.memory_space<vmem>> -> memref<128xi32, #tpu.memory_space<vmem>>
      %dma_wait3A_266 = arith.constant 0 : i32
      %dma_wait3A_267 = arith.constant 0 : i32
      %dma_wait3A_268 = tpu.memref_slice %arg10[%dma_wait3A_266, %dma_wait3A_267] : memref<10240x64xi16, #tpu.memory_space<vmem_shared>> -> memref<10240x64xi16, #tpu.memory_space<vmem_shared>>
      %dma_wait3A_269 = tpu.memref_slice %arg12[%dma_wait3A_258] : memref<8x!tpu.dma_semaphore, #tpu.memory_space<semaphore_mem>> -> memref<1x!tpu.dma_semaphore, #tpu.memory_space<semaphore_mem>>
      %dma_wait3A_270 = tpu.memref_squeeze %dma_wait3A_269 : memref<1x!tpu.dma_semaphore, #tpu.memory_space<semaphore_mem>> -> memref<!tpu.dma_semaphore, #tpu.memory_space<semaphore_mem>>
      tpu.wait_indirect_dma semaphore(%dma_wait3A_270 : memref<!tpu.dma_semaphore, #tpu.memory_space<semaphore_mem>>) src(%dma_wait3A_268 : memref<10240x64xi16, #tpu.memory_space<vmem_shared>>) dst(%dma_wait3A_262 : memref<128x64xi16, #tpu.memory_space<vmem>>)
      %dma_start3A_271 = arith.constant 2 : i32
      %dma_start3A_272 = arith.constant 2 : i32
      %dma_start3A_273 = arith.constant 0 : i32
      %dma_start3A_274 = arith.constant 0 : i32
      %dma_start3A_275 = tpu.memref_slice %arg9[%dma_start3A_271, %dma_start3A_273, %dma_start3A_274] : memref<8x128x64xi16, #tpu.memory_space<vmem>> -> memref<1x128x64xi16, #tpu.memory_space<vmem>>
      %dma_start3A_276 = tpu.memref_squeeze %dma_start3A_275 : memref<1x128x64xi16, #tpu.memory_space<vmem>> -> memref<128x64xi16, #tpu.memory_space<vmem>>
      %dma_start3A_277 = arith.constant 0 : i32
      %dma_start3A_278 = tpu.memref_slice %arg8[%add3A_235, %dma_start3A_277] : memref<80x128xi32, #tpu.memory_space<vmem>> -> memref<1x128xi32, #tpu.memory_space<vmem>>
      %dma_start3A_279 = tpu.memref_squeeze %dma_start3A_278 : memref<1x128xi32, #tpu.memory_space<vmem>> -> memref<128xi32, #tpu.memory_space<vmem>>
      %dma_start3A_280 = arith.constant 0 : i32
      %dma_start3A_281 = arith.constant 0 : i32
      %dma_start3A_282 = tpu.memref_slice %arg11[%dma_start3A_280, %dma_start3A_281] : memref<10240x64xi16, #tpu.memory_space<vmem_shared>> -> memref<10240x64xi16, #tpu.memory_space<vmem_shared>>
      %dma_start3A_283 = tpu.memref_slice %arg13[%dma_start3A_272] : memref<8x!tpu.dma_semaphore, #tpu.memory_space<semaphore_mem>> -> memref<1x!tpu.dma_semaphore, #tpu.memory_space<semaphore_mem>>
      %dma_start3A_284 = tpu.memref_squeeze %dma_start3A_283 : memref<1x!tpu.dma_semaphore, #tpu.memory_space<semaphore_mem>> -> memref<!tpu.dma_semaphore, #tpu.memory_space<semaphore_mem>>
      tpu.enqueue_indirect_dma source(%dma_start3A_276 : memref<128x64xi16, #tpu.memory_space<vmem>>) target(%dma_start3A_282 : memref<10240x64xi16, #tpu.memory_space<vmem_shared>>) offsets(%dma_start3A_279 : memref<128xi32, #tpu.memory_space<vmem>>) semaphore(%dma_start3A_284 : memref<!tpu.dma_semaphore, #tpu.memory_space<semaphore_mem>>) {add = true}
      %add3A_285 = arith.constant 3 : i32
      %add3A_286 = arith.addi %mul3A_134, %add3A_285 : i32
      %ge3A_287 = arith.constant 1 : i32
      %ge3A_288 = arith.cmpi sge, %scan3A_132, %ge3A_287 : i32
      %convert_element_type3A_289 = arith.extui %ge3A_288 : i1 to i32
      %cond3A_290 = arith.constant 0 : i32
      %cond3A_291 = arith.cmpi ne, %convert_element_type3A_289, %cond3A_290 : i32
      scf.if %cond3A_291 {
        %sub3A_538 = arith.constant 4 : i32
        %sub3A_539 = arith.subi %add3A_286, %sub3A_538 : i32
        %dma_wait3A_540 = arith.constant 7 : i32
        %dma_wait3A_541 = arith.constant 7 : i32
        %dma_wait3A_542 = arith.constant 0 : i32
        %dma_wait3A_543 = arith.constant 0 : i32
        %dma_wait3A_544 = tpu.memref_slice %arg9[%dma_wait3A_540, %dma_wait3A_542, %dma_wait3A_543] : memref<8x128x64xi16, #tpu.memory_space<vmem>> -> memref<1x128x64xi16, #tpu.memory_space<vmem>>
        %dma_wait3A_545 = tpu.memref_squeeze %dma_wait3A_544 : memref<1x128x64xi16, #tpu.memory_space<vmem>> -> memref<128x64xi16, #tpu.memory_space<vmem>>
        %dma_wait3A_546 = arith.constant 0 : i32
        %dma_wait3A_547 = tpu.memref_slice %arg8[%sub3A_539, %dma_wait3A_546] : memref<80x128xi32, #tpu.memory_space<vmem>> -> memref<1x128xi32, #tpu.memory_space<vmem>>
        %dma_wait3A_548 = tpu.memref_squeeze %dma_wait3A_547 : memref<1x128xi32, #tpu.memory_space<vmem>> -> memref<128xi32, #tpu.memory_space<vmem>>
        %dma_wait3A_549 = arith.constant 0 : i32
        %dma_wait3A_550 = arith.constant 0 : i32
        %dma_wait3A_551 = tpu.memref_slice %arg11[%dma_wait3A_549, %dma_wait3A_550] : memref<10240x64xi16, #tpu.memory_space<vmem_shared>> -> memref<10240x64xi16, #tpu.memory_space<vmem_shared>>
        %dma_wait3A_552 = tpu.memref_slice %arg13[%dma_wait3A_541] : memref<8x!tpu.dma_semaphore, #tpu.memory_space<semaphore_mem>> -> memref<1x!tpu.dma_semaphore, #tpu.memory_space<semaphore_mem>>
        %dma_wait3A_553 = tpu.memref_squeeze %dma_wait3A_552 : memref<1x!tpu.dma_semaphore, #tpu.memory_space<semaphore_mem>> -> memref<!tpu.dma_semaphore, #tpu.memory_space<semaphore_mem>>
        tpu.wait_indirect_dma semaphore(%dma_wait3A_553 : memref<!tpu.dma_semaphore, #tpu.memory_space<semaphore_mem>>) src(%dma_wait3A_545 : memref<128x64xi16, #tpu.memory_space<vmem>>) dst(%dma_wait3A_551 : memref<10240x64xi16, #tpu.memory_space<vmem_shared>>)
      } else {
      }
      %add3A_292 = arith.constant 4 : i32
      %add3A_293 = arith.addi %add3A_286, %add3A_292 : i32
      %dma_start3A_294 = arith.constant 7 : i32
      %dma_start3A_295 = arith.constant 7 : i32
      %dma_start3A_296 = arith.constant 0 : i32
      %dma_start3A_297 = arith.constant 0 : i32
      %dma_start3A_298 = tpu.memref_slice %arg9[%dma_start3A_294, %dma_start3A_296, %dma_start3A_297] : memref<8x128x64xi16, #tpu.memory_space<vmem>> -> memref<1x128x64xi16, #tpu.memory_space<vmem>>
      %dma_start3A_299 = tpu.memref_squeeze %dma_start3A_298 : memref<1x128x64xi16, #tpu.memory_space<vmem>> -> memref<128x64xi16, #tpu.memory_space<vmem>>
      %dma_start3A_300 = arith.constant 0 : i32
      %dma_start3A_301 = tpu.memref_slice %arg7[%add3A_293, %dma_start3A_300] : memref<80x128xi32, #tpu.memory_space<vmem>> -> memref<1x128xi32, #tpu.memory_space<vmem>>
      %dma_start3A_302 = tpu.memref_squeeze %dma_start3A_301 : memref<1x128xi32, #tpu.memory_space<vmem>> -> memref<128xi32, #tpu.memory_space<vmem>>
      %dma_start3A_303 = arith.constant 0 : i32
      %dma_start3A_304 = arith.constant 0 : i32
      %dma_start3A_305 = tpu.memref_slice %arg10[%dma_start3A_303, %dma_start3A_304] : memref<10240x64xi16, #tpu.memory_space<vmem_shared>> -> memref<10240x64xi16, #tpu.memory_space<vmem_shared>>
      %dma_start3A_306 = tpu.memref_slice %arg12[%dma_start3A_295] : memref<8x!tpu.dma_semaphore, #tpu.memory_space<semaphore_mem>> -> memref<1x!tpu.dma_semaphore, #tpu.memory_space<semaphore_mem>>
      %dma_start3A_307 = tpu.memref_squeeze %dma_start3A_306 : memref<1x!tpu.dma_semaphore, #tpu.memory_space<semaphore_mem>> -> memref<!tpu.dma_semaphore, #tpu.memory_space<semaphore_mem>>
      tpu.enqueue_indirect_dma source(%dma_start3A_305 : memref<10240x64xi16, #tpu.memory_space<vmem_shared>>) target(%dma_start3A_299 : memref<128x64xi16, #tpu.memory_space<vmem>>) offsets(%dma_start3A_302 : memref<128xi32, #tpu.memory_space<vmem>>) semaphore(%dma_start3A_307 : memref<!tpu.dma_semaphore, #tpu.memory_space<semaphore_mem>>)
      %dma_wait3A_308 = arith.constant 3 : i32
      %dma_wait3A_309 = arith.constant 3 : i32
      %dma_wait3A_310 = arith.constant 0 : i32
      %dma_wait3A_311 = arith.constant 0 : i32
      %dma_wait3A_312 = tpu.memref_slice %arg9[%dma_wait3A_308, %dma_wait3A_310, %dma_wait3A_311] : memref<8x128x64xi16, #tpu.memory_space<vmem>> -> memref<1x128x64xi16, #tpu.memory_space<vmem>>
      %dma_wait3A_313 = tpu.memref_squeeze %dma_wait3A_312 : memref<1x128x64xi16, #tpu.memory_space<vmem>> -> memref<128x64xi16, #tpu.memory_space<vmem>>
      %dma_wait3A_314 = arith.constant 0 : i32
      %dma_wait3A_315 = tpu.memref_slice %arg7[%add3A_286, %dma_wait3A_314] : memref<80x128xi32, #tpu.memory_space<vmem>> -> memref<1x128xi32, #tpu.memory_space<vmem>>
      %dma_wait3A_316 = tpu.memref_squeeze %dma_wait3A_315 : memref<1x128xi32, #tpu.memory_space<vmem>> -> memref<128xi32, #tpu.memory_space<vmem>>
      %dma_wait3A_317 = arith.constant 0 : i32
      %dma_wait3A_318 = arith.constant 0 : i32
      %dma_wait3A_319 = tpu.memref_slice %arg10[%dma_wait3A_317, %dma_wait3A_318] : memref<10240x64xi16, #tpu.memory_space<vmem_shared>> -> memref<10240x64xi16, #tpu.memory_space<vmem_shared>>
      %dma_wait3A_320 = tpu.memref_slice %arg12[%dma_wait3A_309] : memref<8x!tpu.dma_semaphore, #tpu.memory_space<semaphore_mem>> -> memref<1x!tpu.dma_semaphore, #tpu.memory_space<semaphore_mem>>
      %dma_wait3A_321 = tpu.memref_squeeze %dma_wait3A_320 : memref<1x!tpu.dma_semaphore, #tpu.memory_space<semaphore_mem>> -> memref<!tpu.dma_semaphore, #tpu.memory_space<semaphore_mem>>
      tpu.wait_indirect_dma semaphore(%dma_wait3A_321 : memref<!tpu.dma_semaphore, #tpu.memory_space<semaphore_mem>>) src(%dma_wait3A_319 : memref<10240x64xi16, #tpu.memory_space<vmem_shared>>) dst(%dma_wait3A_313 : memref<128x64xi16, #tpu.memory_space<vmem>>)
      %dma_start3A_322 = arith.constant 3 : i32
      %dma_start3A_323 = arith.constant 3 : i32
      %dma_start3A_324 = arith.constant 0 : i32
      %dma_start3A_325 = arith.constant 0 : i32
      %dma_start3A_326 = tpu.memref_slice %arg9[%dma_start3A_322, %dma_start3A_324, %dma_start3A_325] : memref<8x128x64xi16, #tpu.memory_space<vmem>> -> memref<1x128x64xi16, #tpu.memory_space<vmem>>
      %dma_start3A_327 = tpu.memref_squeeze %dma_start3A_326 : memref<1x128x64xi16, #tpu.memory_space<vmem>> -> memref<128x64xi16, #tpu.memory_space<vmem>>
      %dma_start3A_328 = arith.constant 0 : i32
      %dma_start3A_329 = tpu.memref_slice %arg8[%add3A_286, %dma_start3A_328] : memref<80x128xi32, #tpu.memory_space<vmem>> -> memref<1x128xi32, #tpu.memory_space<vmem>>
      %dma_start3A_330 = tpu.memref_squeeze %dma_start3A_329 : memref<1x128xi32, #tpu.memory_space<vmem>> -> memref<128xi32, #tpu.memory_space<vmem>>
      %dma_start3A_331 = arith.constant 0 : i32
      %dma_start3A_332 = arith.constant 0 : i32
      %dma_start3A_333 = tpu.memref_slice %arg11[%dma_start3A_331, %dma_start3A_332] : memref<10240x64xi16, #tpu.memory_space<vmem_shared>> -> memref<10240x64xi16, #tpu.memory_space<vmem_shared>>
      %dma_start3A_334 = tpu.memref_slice %arg13[%dma_start3A_323] : memref<8x!tpu.dma_semaphore, #tpu.memory_space<semaphore_mem>> -> memref<1x!tpu.dma_semaphore, #tpu.memory_space<semaphore_mem>>
      %dma_start3A_335 = tpu.memref_squeeze %dma_start3A_334 : memref<1x!tpu.dma_semaphore, #tpu.memory_space<semaphore_mem>> -> memref<!tpu.dma_semaphore, #tpu.memory_space<semaphore_mem>>
      tpu.enqueue_indirect_dma source(%dma_start3A_327 : memref<128x64xi16, #tpu.memory_space<vmem>>) target(%dma_start3A_333 : memref<10240x64xi16, #tpu.memory_space<vmem_shared>>) offsets(%dma_start3A_330 : memref<128xi32, #tpu.memory_space<vmem>>) semaphore(%dma_start3A_335 : memref<!tpu.dma_semaphore, #tpu.memory_space<semaphore_mem>>) {add = true}
      %add3A_336 = arith.constant 4 : i32
      %add3A_337 = arith.addi %mul3A_134, %add3A_336 : i32
      %sub3A = arith.constant 4 : i32
      %sub3A_338 = arith.subi %add3A_337, %sub3A : i32
      %dma_wait3A_339 = arith.constant 0 : i32
      %dma_wait3A_340 = arith.constant 0 : i32
      %dma_wait3A_341 = arith.constant 0 : i32
      %dma_wait3A_342 = arith.constant 0 : i32
      %dma_wait3A_343 = tpu.memref_slice %arg9[%dma_wait3A_339, %dma_wait3A_341, %dma_wait3A_342] : memref<8x128x64xi16, #tpu.memory_space<vmem>> -> memref<1x128x64xi16, #tpu.memory_space<vmem>>
      %dma_wait3A_344 = tpu.memref_squeeze %dma_wait3A_343 : memref<1x128x64xi16, #tpu.memory_space<vmem>> -> memref<128x64xi16, #tpu.memory_space<vmem>>
      %dma_wait3A_345 = arith.constant 0 : i32
      %dma_wait3A_346 = tpu.memref_slice %arg8[%sub3A_338, %dma_wait3A_345] : memref<80x128xi32, #tpu.memory_space<vmem>> -> memref<1x128xi32, #tpu.memory_space<vmem>>
      %dma_wait3A_347 = tpu.memref_squeeze %dma_wait3A_346 : memref<1x128xi32, #tpu.memory_space<vmem>> -> memref<128xi32, #tpu.memory_space<vmem>>
      %dma_wait3A_348 = arith.constant 0 : i32
      %dma_wait3A_349 = arith.constant 0 : i32
      %dma_wait3A_350 = tpu.memref_slice %arg11[%dma_wait3A_348, %dma_wait3A_349] : memref<10240x64xi16, #tpu.memory_space<vmem_shared>> -> memref<10240x64xi16, #tpu.memory_space<vmem_shared>>
      %dma_wait3A_351 = tpu.memref_slice %arg13[%dma_wait3A_340] : memref<8x!tpu.dma_semaphore, #tpu.memory_space<semaphore_mem>> -> memref<1x!tpu.dma_semaphore, #tpu.memory_space<semaphore_mem>>
      %dma_wait3A_352 = tpu.memref_squeeze %dma_wait3A_351 : memref<1x!tpu.dma_semaphore, #tpu.memory_space<semaphore_mem>> -> memref<!tpu.dma_semaphore, #tpu.memory_space<semaphore_mem>>
      tpu.wait_indirect_dma semaphore(%dma_wait3A_352 : memref<!tpu.dma_semaphore, #tpu.memory_space<semaphore_mem>>) src(%dma_wait3A_344 : memref<128x64xi16, #tpu.memory_space<vmem>>) dst(%dma_wait3A_350 : memref<10240x64xi16, #tpu.memory_space<vmem_shared>>)
      %lt3A = arith.constant 9 : i32
      %lt3A_353 = arith.cmpi slt, %scan3A_132, %lt3A : i32
      %convert_element_type3A_354 = arith.extui %lt3A_353 : i1 to i32
      %cond3A_355 = arith.constant 0 : i32
      %cond3A_356 = arith.cmpi ne, %convert_element_type3A_354, %cond3A_355 : i32
      scf.if %cond3A_356 {
        %add3A_538 = arith.constant 4 : i32
        %add3A_539 = arith.addi %add3A_337, %add3A_538 : i32
        %dma_start3A_540 = arith.constant 0 : i32
        %dma_start3A_541 = arith.constant 0 : i32
        %dma_start3A_542 = arith.constant 0 : i32
        %dma_start3A_543 = arith.constant 0 : i32
        %dma_start3A_544 = tpu.memref_slice %arg9[%dma_start3A_540, %dma_start3A_542, %dma_start3A_543] : memref<8x128x64xi16, #tpu.memory_space<vmem>> -> memref<1x128x64xi16, #tpu.memory_space<vmem>>
        %dma_start3A_545 = tpu.memref_squeeze %dma_start3A_544 : memref<1x128x64xi16, #tpu.memory_space<vmem>> -> memref<128x64xi16, #tpu.memory_space<vmem>>
        %dma_start3A_546 = arith.constant 0 : i32
        %dma_start3A_547 = tpu.memref_slice %arg7[%add3A_539, %dma_start3A_546] : memref<80x128xi32, #tpu.memory_space<vmem>> -> memref<1x128xi32, #tpu.memory_space<vmem>>
        %dma_start3A_548 = tpu.memref_squeeze %dma_start3A_547 : memref<1x128xi32, #tpu.memory_space<vmem>> -> memref<128xi32, #tpu.memory_space<vmem>>
        %dma_start3A_549 = arith.constant 0 : i32
        %dma_start3A_550 = arith.constant 0 : i32
        %dma_start3A_551 = tpu.memref_slice %arg10[%dma_start3A_549, %dma_start3A_550] : memref<10240x64xi16, #tpu.memory_space<vmem_shared>> -> memref<10240x64xi16, #tpu.memory_space<vmem_shared>>
        %dma_start3A_552 = tpu.memref_slice %arg12[%dma_start3A_541] : memref<8x!tpu.dma_semaphore, #tpu.memory_space<semaphore_mem>> -> memref<1x!tpu.dma_semaphore, #tpu.memory_space<semaphore_mem>>
        %dma_start3A_553 = tpu.memref_squeeze %dma_start3A_552 : memref<1x!tpu.dma_semaphore, #tpu.memory_space<semaphore_mem>> -> memref<!tpu.dma_semaphore, #tpu.memory_space<semaphore_mem>>
        tpu.enqueue_indirect_dma source(%dma_start3A_551 : memref<10240x64xi16, #tpu.memory_space<vmem_shared>>) target(%dma_start3A_545 : memref<128x64xi16, #tpu.memory_space<vmem>>) offsets(%dma_start3A_548 : memref<128xi32, #tpu.memory_space<vmem>>) semaphore(%dma_start3A_553 : memref<!tpu.dma_semaphore, #tpu.memory_space<semaphore_mem>>)
      } else {
      }
      %dma_wait3A_357 = arith.constant 4 : i32
      %dma_wait3A_358 = arith.constant 4 : i32
      %dma_wait3A_359 = arith.constant 0 : i32
      %dma_wait3A_360 = arith.constant 0 : i32
      %dma_wait3A_361 = tpu.memref_slice %arg9[%dma_wait3A_357, %dma_wait3A_359, %dma_wait3A_360] : memref<8x128x64xi16, #tpu.memory_space<vmem>> -> memref<1x128x64xi16, #tpu.memory_space<vmem>>
      %dma_wait3A_362 = tpu.memref_squeeze %dma_wait3A_361 : memref<1x128x64xi16, #tpu.memory_space<vmem>> -> memref<128x64xi16, #tpu.memory_space<vmem>>
      %dma_wait3A_363 = arith.constant 0 : i32
      %dma_wait3A_364 = tpu.memref_slice %arg7[%add3A_337, %dma_wait3A_363] : memref<80x128xi32, #tpu.memory_space<vmem>> -> memref<1x128xi32, #tpu.memory_space<vmem>>
      %dma_wait3A_365 = tpu.memref_squeeze %dma_wait3A_364 : memref<1x128xi32, #tpu.memory_space<vmem>> -> memref<128xi32, #tpu.memory_space<vmem>>
      %dma_wait3A_366 = arith.constant 0 : i32
      %dma_wait3A_367 = arith.constant 0 : i32
      %dma_wait3A_368 = tpu.memref_slice %arg10[%dma_wait3A_366, %dma_wait3A_367] : memref<10240x64xi16, #tpu.memory_space<vmem_shared>> -> memref<10240x64xi16, #tpu.memory_space<vmem_shared>>
      %dma_wait3A_369 = tpu.memref_slice %arg12[%dma_wait3A_358] : memref<8x!tpu.dma_semaphore, #tpu.memory_space<semaphore_mem>> -> memref<1x!tpu.dma_semaphore, #tpu.memory_space<semaphore_mem>>
      %dma_wait3A_370 = tpu.memref_squeeze %dma_wait3A_369 : memref<1x!tpu.dma_semaphore, #tpu.memory_space<semaphore_mem>> -> memref<!tpu.dma_semaphore, #tpu.memory_space<semaphore_mem>>
      tpu.wait_indirect_dma semaphore(%dma_wait3A_370 : memref<!tpu.dma_semaphore, #tpu.memory_space<semaphore_mem>>) src(%dma_wait3A_368 : memref<10240x64xi16, #tpu.memory_space<vmem_shared>>) dst(%dma_wait3A_362 : memref<128x64xi16, #tpu.memory_space<vmem>>)
      %dma_start3A_371 = arith.constant 4 : i32
      %dma_start3A_372 = arith.constant 4 : i32
      %dma_start3A_373 = arith.constant 0 : i32
      %dma_start3A_374 = arith.constant 0 : i32
      %dma_start3A_375 = tpu.memref_slice %arg9[%dma_start3A_371, %dma_start3A_373, %dma_start3A_374] : memref<8x128x64xi16, #tpu.memory_space<vmem>> -> memref<1x128x64xi16, #tpu.memory_space<vmem>>
      %dma_start3A_376 = tpu.memref_squeeze %dma_start3A_375 : memref<1x128x64xi16, #tpu.memory_space<vmem>> -> memref<128x64xi16, #tpu.memory_space<vmem>>
      %dma_start3A_377 = arith.constant 0 : i32
      %dma_start3A_378 = tpu.memref_slice %arg8[%add3A_337, %dma_start3A_377] : memref<80x128xi32, #tpu.memory_space<vmem>> -> memref<1x128xi32, #tpu.memory_space<vmem>>
      %dma_start3A_379 = tpu.memref_squeeze %dma_start3A_378 : memref<1x128xi32, #tpu.memory_space<vmem>> -> memref<128xi32, #tpu.memory_space<vmem>>
      %dma_start3A_380 = arith.constant 0 : i32
      %dma_start3A_381 = arith.constant 0 : i32
      %dma_start3A_382 = tpu.memref_slice %arg11[%dma_start3A_380, %dma_start3A_381] : memref<10240x64xi16, #tpu.memory_space<vmem_shared>> -> memref<10240x64xi16, #tpu.memory_space<vmem_shared>>
      %dma_start3A_383 = tpu.memref_slice %arg13[%dma_start3A_372] : memref<8x!tpu.dma_semaphore, #tpu.memory_space<semaphore_mem>> -> memref<1x!tpu.dma_semaphore, #tpu.memory_space<semaphore_mem>>
      %dma_start3A_384 = tpu.memref_squeeze %dma_start3A_383 : memref<1x!tpu.dma_semaphore, #tpu.memory_space<semaphore_mem>> -> memref<!tpu.dma_semaphore, #tpu.memory_space<semaphore_mem>>
      tpu.enqueue_indirect_dma source(%dma_start3A_376 : memref<128x64xi16, #tpu.memory_space<vmem>>) target(%dma_start3A_382 : memref<10240x64xi16, #tpu.memory_space<vmem_shared>>) offsets(%dma_start3A_379 : memref<128xi32, #tpu.memory_space<vmem>>) semaphore(%dma_start3A_384 : memref<!tpu.dma_semaphore, #tpu.memory_space<semaphore_mem>>) {add = true}
      %add3A_385 = arith.constant 5 : i32
      %add3A_386 = arith.addi %mul3A_134, %add3A_385 : i32
      %sub3A_387 = arith.constant 4 : i32
      %sub3A_388 = arith.subi %add3A_386, %sub3A_387 : i32
      %dma_wait3A_389 = arith.constant 1 : i32
      %dma_wait3A_390 = arith.constant 1 : i32
      %dma_wait3A_391 = arith.constant 0 : i32
      %dma_wait3A_392 = arith.constant 0 : i32
      %dma_wait3A_393 = tpu.memref_slice %arg9[%dma_wait3A_389, %dma_wait3A_391, %dma_wait3A_392] : memref<8x128x64xi16, #tpu.memory_space<vmem>> -> memref<1x128x64xi16, #tpu.memory_space<vmem>>
      %dma_wait3A_394 = tpu.memref_squeeze %dma_wait3A_393 : memref<1x128x64xi16, #tpu.memory_space<vmem>> -> memref<128x64xi16, #tpu.memory_space<vmem>>
      %dma_wait3A_395 = arith.constant 0 : i32
      %dma_wait3A_396 = tpu.memref_slice %arg8[%sub3A_388, %dma_wait3A_395] : memref<80x128xi32, #tpu.memory_space<vmem>> -> memref<1x128xi32, #tpu.memory_space<vmem>>
      %dma_wait3A_397 = tpu.memref_squeeze %dma_wait3A_396 : memref<1x128xi32, #tpu.memory_space<vmem>> -> memref<128xi32, #tpu.memory_space<vmem>>
      %dma_wait3A_398 = arith.constant 0 : i32
      %dma_wait3A_399 = arith.constant 0 : i32
      %dma_wait3A_400 = tpu.memref_slice %arg11[%dma_wait3A_398, %dma_wait3A_399] : memref<10240x64xi16, #tpu.memory_space<vmem_shared>> -> memref<10240x64xi16, #tpu.memory_space<vmem_shared>>
      %dma_wait3A_401 = tpu.memref_slice %arg13[%dma_wait3A_390] : memref<8x!tpu.dma_semaphore, #tpu.memory_space<semaphore_mem>> -> memref<1x!tpu.dma_semaphore, #tpu.memory_space<semaphore_mem>>
      %dma_wait3A_402 = tpu.memref_squeeze %dma_wait3A_401 : memref<1x!tpu.dma_semaphore, #tpu.memory_space<semaphore_mem>> -> memref<!tpu.dma_semaphore, #tpu.memory_space<semaphore_mem>>
      tpu.wait_indirect_dma semaphore(%dma_wait3A_402 : memref<!tpu.dma_semaphore, #tpu.memory_space<semaphore_mem>>) src(%dma_wait3A_394 : memref<128x64xi16, #tpu.memory_space<vmem>>) dst(%dma_wait3A_400 : memref<10240x64xi16, #tpu.memory_space<vmem_shared>>)
      %lt3A_403 = arith.constant 9 : i32
      %lt3A_404 = arith.cmpi slt, %scan3A_132, %lt3A_403 : i32
      %convert_element_type3A_405 = arith.extui %lt3A_404 : i1 to i32
      %cond3A_406 = arith.constant 0 : i32
      %cond3A_407 = arith.cmpi ne, %convert_element_type3A_405, %cond3A_406 : i32
      scf.if %cond3A_407 {
        %add3A_538 = arith.constant 4 : i32
        %add3A_539 = arith.addi %add3A_386, %add3A_538 : i32
        %dma_start3A_540 = arith.constant 1 : i32
        %dma_start3A_541 = arith.constant 1 : i32
        %dma_start3A_542 = arith.constant 0 : i32
        %dma_start3A_543 = arith.constant 0 : i32
        %dma_start3A_544 = tpu.memref_slice %arg9[%dma_start3A_540, %dma_start3A_542, %dma_start3A_543] : memref<8x128x64xi16, #tpu.memory_space<vmem>> -> memref<1x128x64xi16, #tpu.memory_space<vmem>>
        %dma_start3A_545 = tpu.memref_squeeze %dma_start3A_544 : memref<1x128x64xi16, #tpu.memory_space<vmem>> -> memref<128x64xi16, #tpu.memory_space<vmem>>
        %dma_start3A_546 = arith.constant 0 : i32
        %dma_start3A_547 = tpu.memref_slice %arg7[%add3A_539, %dma_start3A_546] : memref<80x128xi32, #tpu.memory_space<vmem>> -> memref<1x128xi32, #tpu.memory_space<vmem>>
        %dma_start3A_548 = tpu.memref_squeeze %dma_start3A_547 : memref<1x128xi32, #tpu.memory_space<vmem>> -> memref<128xi32, #tpu.memory_space<vmem>>
        %dma_start3A_549 = arith.constant 0 : i32
        %dma_start3A_550 = arith.constant 0 : i32
        %dma_start3A_551 = tpu.memref_slice %arg10[%dma_start3A_549, %dma_start3A_550] : memref<10240x64xi16, #tpu.memory_space<vmem_shared>> -> memref<10240x64xi16, #tpu.memory_space<vmem_shared>>
        %dma_start3A_552 = tpu.memref_slice %arg12[%dma_start3A_541] : memref<8x!tpu.dma_semaphore, #tpu.memory_space<semaphore_mem>> -> memref<1x!tpu.dma_semaphore, #tpu.memory_space<semaphore_mem>>
        %dma_start3A_553 = tpu.memref_squeeze %dma_start3A_552 : memref<1x!tpu.dma_semaphore, #tpu.memory_space<semaphore_mem>> -> memref<!tpu.dma_semaphore, #tpu.memory_space<semaphore_mem>>
        tpu.enqueue_indirect_dma source(%dma_start3A_551 : memref<10240x64xi16, #tpu.memory_space<vmem_shared>>) target(%dma_start3A_545 : memref<128x64xi16, #tpu.memory_space<vmem>>) offsets(%dma_start3A_548 : memref<128xi32, #tpu.memory_space<vmem>>) semaphore(%dma_start3A_553 : memref<!tpu.dma_semaphore, #tpu.memory_space<semaphore_mem>>)
      } else {
      }
      %dma_wait3A_408 = arith.constant 5 : i32
      %dma_wait3A_409 = arith.constant 5 : i32
      %dma_wait3A_410 = arith.constant 0 : i32
      %dma_wait3A_411 = arith.constant 0 : i32
      %dma_wait3A_412 = tpu.memref_slice %arg9[%dma_wait3A_408, %dma_wait3A_410, %dma_wait3A_411] : memref<8x128x64xi16, #tpu.memory_space<vmem>> -> memref<1x128x64xi16, #tpu.memory_space<vmem>>
      %dma_wait3A_413 = tpu.memref_squeeze %dma_wait3A_412 : memref<1x128x64xi16, #tpu.memory_space<vmem>> -> memref<128x64xi16, #tpu.memory_space<vmem>>
      %dma_wait3A_414 = arith.constant 0 : i32
      %dma_wait3A_415 = tpu.memref_slice %arg7[%add3A_386, %dma_wait3A_414] : memref<80x128xi32, #tpu.memory_space<vmem>> -> memref<1x128xi32, #tpu.memory_space<vmem>>
      %dma_wait3A_416 = tpu.memref_squeeze %dma_wait3A_415 : memref<1x128xi32, #tpu.memory_space<vmem>> -> memref<128xi32, #tpu.memory_space<vmem>>
      %dma_wait3A_417 = arith.constant 0 : i32
      %dma_wait3A_418 = arith.constant 0 : i32
      %dma_wait3A_419 = tpu.memref_slice %arg10[%dma_wait3A_417, %dma_wait3A_418] : memref<10240x64xi16, #tpu.memory_space<vmem_shared>> -> memref<10240x64xi16, #tpu.memory_space<vmem_shared>>
      %dma_wait3A_420 = tpu.memref_slice %arg12[%dma_wait3A_409] : memref<8x!tpu.dma_semaphore, #tpu.memory_space<semaphore_mem>> -> memref<1x!tpu.dma_semaphore, #tpu.memory_space<semaphore_mem>>
      %dma_wait3A_421 = tpu.memref_squeeze %dma_wait3A_420 : memref<1x!tpu.dma_semaphore, #tpu.memory_space<semaphore_mem>> -> memref<!tpu.dma_semaphore, #tpu.memory_space<semaphore_mem>>
      tpu.wait_indirect_dma semaphore(%dma_wait3A_421 : memref<!tpu.dma_semaphore, #tpu.memory_space<semaphore_mem>>) src(%dma_wait3A_419 : memref<10240x64xi16, #tpu.memory_space<vmem_shared>>) dst(%dma_wait3A_413 : memref<128x64xi16, #tpu.memory_space<vmem>>)
      %dma_start3A_422 = arith.constant 5 : i32
      %dma_start3A_423 = arith.constant 5 : i32
      %dma_start3A_424 = arith.constant 0 : i32
      %dma_start3A_425 = arith.constant 0 : i32
      %dma_start3A_426 = tpu.memref_slice %arg9[%dma_start3A_422, %dma_start3A_424, %dma_start3A_425] : memref<8x128x64xi16, #tpu.memory_space<vmem>> -> memref<1x128x64xi16, #tpu.memory_space<vmem>>
      %dma_start3A_427 = tpu.memref_squeeze %dma_start3A_426 : memref<1x128x64xi16, #tpu.memory_space<vmem>> -> memref<128x64xi16, #tpu.memory_space<vmem>>
      %dma_start3A_428 = arith.constant 0 : i32
      %dma_start3A_429 = tpu.memref_slice %arg8[%add3A_386, %dma_start3A_428] : memref<80x128xi32, #tpu.memory_space<vmem>> -> memref<1x128xi32, #tpu.memory_space<vmem>>
      %dma_start3A_430 = tpu.memref_squeeze %dma_start3A_429 : memref<1x128xi32, #tpu.memory_space<vmem>> -> memref<128xi32, #tpu.memory_space<vmem>>
      %dma_start3A_431 = arith.constant 0 : i32
      %dma_start3A_432 = arith.constant 0 : i32
      %dma_start3A_433 = tpu.memref_slice %arg11[%dma_start3A_431, %dma_start3A_432] : memref<10240x64xi16, #tpu.memory_space<vmem_shared>> -> memref<10240x64xi16, #tpu.memory_space<vmem_shared>>
      %dma_start3A_434 = tpu.memref_slice %arg13[%dma_start3A_423] : memref<8x!tpu.dma_semaphore, #tpu.memory_space<semaphore_mem>> -> memref<1x!tpu.dma_semaphore, #tpu.memory_space<semaphore_mem>>
      %dma_start3A_435 = tpu.memref_squeeze %dma_start3A_434 : memref<1x!tpu.dma_semaphore, #tpu.memory_space<semaphore_mem>> -> memref<!tpu.dma_semaphore, #tpu.memory_space<semaphore_mem>>
      tpu.enqueue_indirect_dma source(%dma_start3A_427 : memref<128x64xi16, #tpu.memory_space<vmem>>) target(%dma_start3A_433 : memref<10240x64xi16, #tpu.memory_space<vmem_shared>>) offsets(%dma_start3A_430 : memref<128xi32, #tpu.memory_space<vmem>>) semaphore(%dma_start3A_435 : memref<!tpu.dma_semaphore, #tpu.memory_space<semaphore_mem>>) {add = true}
      %add3A_436 = arith.constant 6 : i32
      %add3A_437 = arith.addi %mul3A_134, %add3A_436 : i32
      %sub3A_438 = arith.constant 4 : i32
      %sub3A_439 = arith.subi %add3A_437, %sub3A_438 : i32
      %dma_wait3A_440 = arith.constant 2 : i32
      %dma_wait3A_441 = arith.constant 2 : i32
      %dma_wait3A_442 = arith.constant 0 : i32
      %dma_wait3A_443 = arith.constant 0 : i32
      %dma_wait3A_444 = tpu.memref_slice %arg9[%dma_wait3A_440, %dma_wait3A_442, %dma_wait3A_443] : memref<8x128x64xi16, #tpu.memory_space<vmem>> -> memref<1x128x64xi16, #tpu.memory_space<vmem>>
      %dma_wait3A_445 = tpu.memref_squeeze %dma_wait3A_444 : memref<1x128x64xi16, #tpu.memory_space<vmem>> -> memref<128x64xi16, #tpu.memory_space<vmem>>
      %dma_wait3A_446 = arith.constant 0 : i32
      %dma_wait3A_447 = tpu.memref_slice %arg8[%sub3A_439, %dma_wait3A_446] : memref<80x128xi32, #tpu.memory_space<vmem>> -> memref<1x128xi32, #tpu.memory_space<vmem>>
      %dma_wait3A_448 = tpu.memref_squeeze %dma_wait3A_447 : memref<1x128xi32, #tpu.memory_space<vmem>> -> memref<128xi32, #tpu.memory_space<vmem>>
      %dma_wait3A_449 = arith.constant 0 : i32
      %dma_wait3A_450 = arith.constant 0 : i32
      %dma_wait3A_451 = tpu.memref_slice %arg11[%dma_wait3A_449, %dma_wait3A_450] : memref<10240x64xi16, #tpu.memory_space<vmem_shared>> -> memref<10240x64xi16, #tpu.memory_space<vmem_shared>>
      %dma_wait3A_452 = tpu.memref_slice %arg13[%dma_wait3A_441] : memref<8x!tpu.dma_semaphore, #tpu.memory_space<semaphore_mem>> -> memref<1x!tpu.dma_semaphore, #tpu.memory_space<semaphore_mem>>
      %dma_wait3A_453 = tpu.memref_squeeze %dma_wait3A_452 : memref<1x!tpu.dma_semaphore, #tpu.memory_space<semaphore_mem>> -> memref<!tpu.dma_semaphore, #tpu.memory_space<semaphore_mem>>
      tpu.wait_indirect_dma semaphore(%dma_wait3A_453 : memref<!tpu.dma_semaphore, #tpu.memory_space<semaphore_mem>>) src(%dma_wait3A_445 : memref<128x64xi16, #tpu.memory_space<vmem>>) dst(%dma_wait3A_451 : memref<10240x64xi16, #tpu.memory_space<vmem_shared>>)
      %lt3A_454 = arith.constant 9 : i32
      %lt3A_455 = arith.cmpi slt, %scan3A_132, %lt3A_454 : i32
      %convert_element_type3A_456 = arith.extui %lt3A_455 : i1 to i32
      %cond3A_457 = arith.constant 0 : i32
      %cond3A_458 = arith.cmpi ne, %convert_element_type3A_456, %cond3A_457 : i32
      scf.if %cond3A_458 {
        %add3A_538 = arith.constant 4 : i32
        %add3A_539 = arith.addi %add3A_437, %add3A_538 : i32
        %dma_start3A_540 = arith.constant 2 : i32
        %dma_start3A_541 = arith.constant 2 : i32
        %dma_start3A_542 = arith.constant 0 : i32
        %dma_start3A_543 = arith.constant 0 : i32
        %dma_start3A_544 = tpu.memref_slice %arg9[%dma_start3A_540, %dma_start3A_542, %dma_start3A_543] : memref<8x128x64xi16, #tpu.memory_space<vmem>> -> memref<1x128x64xi16, #tpu.memory_space<vmem>>
        %dma_start3A_545 = tpu.memref_squeeze %dma_start3A_544 : memref<1x128x64xi16, #tpu.memory_space<vmem>> -> memref<128x64xi16, #tpu.memory_space<vmem>>
        %dma_start3A_546 = arith.constant 0 : i32
        %dma_start3A_547 = tpu.memref_slice %arg7[%add3A_539, %dma_start3A_546] : memref<80x128xi32, #tpu.memory_space<vmem>> -> memref<1x128xi32, #tpu.memory_space<vmem>>
        %dma_start3A_548 = tpu.memref_squeeze %dma_start3A_547 : memref<1x128xi32, #tpu.memory_space<vmem>> -> memref<128xi32, #tpu.memory_space<vmem>>
        %dma_start3A_549 = arith.constant 0 : i32
        %dma_start3A_550 = arith.constant 0 : i32
        %dma_start3A_551 = tpu.memref_slice %arg10[%dma_start3A_549, %dma_start3A_550] : memref<10240x64xi16, #tpu.memory_space<vmem_shared>> -> memref<10240x64xi16, #tpu.memory_space<vmem_shared>>
        %dma_start3A_552 = tpu.memref_slice %arg12[%dma_start3A_541] : memref<8x!tpu.dma_semaphore, #tpu.memory_space<semaphore_mem>> -> memref<1x!tpu.dma_semaphore, #tpu.memory_space<semaphore_mem>>
        %dma_start3A_553 = tpu.memref_squeeze %dma_start3A_552 : memref<1x!tpu.dma_semaphore, #tpu.memory_space<semaphore_mem>> -> memref<!tpu.dma_semaphore, #tpu.memory_space<semaphore_mem>>
        tpu.enqueue_indirect_dma source(%dma_start3A_551 : memref<10240x64xi16, #tpu.memory_space<vmem_shared>>) target(%dma_start3A_545 : memref<128x64xi16, #tpu.memory_space<vmem>>) offsets(%dma_start3A_548 : memref<128xi32, #tpu.memory_space<vmem>>) semaphore(%dma_start3A_553 : memref<!tpu.dma_semaphore, #tpu.memory_space<semaphore_mem>>)
      } else {
      }
      %dma_wait3A_459 = arith.constant 6 : i32
      %dma_wait3A_460 = arith.constant 6 : i32
      %dma_wait3A_461 = arith.constant 0 : i32
      %dma_wait3A_462 = arith.constant 0 : i32
      %dma_wait3A_463 = tpu.memref_slice %arg9[%dma_wait3A_459, %dma_wait3A_461, %dma_wait3A_462] : memref<8x128x64xi16, #tpu.memory_space<vmem>> -> memref<1x128x64xi16, #tpu.memory_space<vmem>>
      %dma_wait3A_464 = tpu.memref_squeeze %dma_wait3A_463 : memref<1x128x64xi16, #tpu.memory_space<vmem>> -> memref<128x64xi16, #tpu.memory_space<vmem>>
      %dma_wait3A_465 = arith.constant 0 : i32
      %dma_wait3A_466 = tpu.memref_slice %arg7[%add3A_437, %dma_wait3A_465] : memref<80x128xi32, #tpu.memory_space<vmem>> -> memref<1x128xi32, #tpu.memory_space<vmem>>
      %dma_wait3A_467 = tpu.memref_squeeze %dma_wait3A_466 : memref<1x128xi32, #tpu.memory_space<vmem>> -> memref<128xi32, #tpu.memory_space<vmem>>
      %dma_wait3A_468 = arith.constant 0 : i32
      %dma_wait3A_469 = arith.constant 0 : i32
      %dma_wait3A_470 = tpu.memref_slice %arg10[%dma_wait3A_468, %dma_wait3A_469] : memref<10240x64xi16, #tpu.memory_space<vmem_shared>> -> memref<10240x64xi16, #tpu.memory_space<vmem_shared>>
      %dma_wait3A_471 = tpu.memref_slice %arg12[%dma_wait3A_460] : memref<8x!tpu.dma_semaphore, #tpu.memory_space<semaphore_mem>> -> memref<1x!tpu.dma_semaphore, #tpu.memory_space<semaphore_mem>>
      %dma_wait3A_472 = tpu.memref_squeeze %dma_wait3A_471 : memref<1x!tpu.dma_semaphore, #tpu.memory_space<semaphore_mem>> -> memref<!tpu.dma_semaphore, #tpu.memory_space<semaphore_mem>>
      tpu.wait_indirect_dma semaphore(%dma_wait3A_472 : memref<!tpu.dma_semaphore, #tpu.memory_space<semaphore_mem>>) src(%dma_wait3A_470 : memref<10240x64xi16, #tpu.memory_space<vmem_shared>>) dst(%dma_wait3A_464 : memref<128x64xi16, #tpu.memory_space<vmem>>)
      %dma_start3A_473 = arith.constant 6 : i32
      %dma_start3A_474 = arith.constant 6 : i32
      %dma_start3A_475 = arith.constant 0 : i32
      %dma_start3A_476 = arith.constant 0 : i32
      %dma_start3A_477 = tpu.memref_slice %arg9[%dma_start3A_473, %dma_start3A_475, %dma_start3A_476] : memref<8x128x64xi16, #tpu.memory_space<vmem>> -> memref<1x128x64xi16, #tpu.memory_space<vmem>>
      %dma_start3A_478 = tpu.memref_squeeze %dma_start3A_477 : memref<1x128x64xi16, #tpu.memory_space<vmem>> -> memref<128x64xi16, #tpu.memory_space<vmem>>
      %dma_start3A_479 = arith.constant 0 : i32
      %dma_start3A_480 = tpu.memref_slice %arg8[%add3A_437, %dma_start3A_479] : memref<80x128xi32, #tpu.memory_space<vmem>> -> memref<1x128xi32, #tpu.memory_space<vmem>>
      %dma_start3A_481 = tpu.memref_squeeze %dma_start3A_480 : memref<1x128xi32, #tpu.memory_space<vmem>> -> memref<128xi32, #tpu.memory_space<vmem>>
      %dma_start3A_482 = arith.constant 0 : i32
      %dma_start3A_483 = arith.constant 0 : i32
      %dma_start3A_484 = tpu.memref_slice %arg11[%dma_start3A_482, %dma_start3A_483] : memref<10240x64xi16, #tpu.memory_space<vmem_shared>> -> memref<10240x64xi16, #tpu.memory_space<vmem_shared>>
      %dma_start3A_485 = tpu.memref_slice %arg13[%dma_start3A_474] : memref<8x!tpu.dma_semaphore, #tpu.memory_space<semaphore_mem>> -> memref<1x!tpu.dma_semaphore, #tpu.memory_space<semaphore_mem>>
      %dma_start3A_486 = tpu.memref_squeeze %dma_start3A_485 : memref<1x!tpu.dma_semaphore, #tpu.memory_space<semaphore_mem>> -> memref<!tpu.dma_semaphore, #tpu.memory_space<semaphore_mem>>
      tpu.enqueue_indirect_dma source(%dma_start3A_478 : memref<128x64xi16, #tpu.memory_space<vmem>>) target(%dma_start3A_484 : memref<10240x64xi16, #tpu.memory_space<vmem_shared>>) offsets(%dma_start3A_481 : memref<128xi32, #tpu.memory_space<vmem>>) semaphore(%dma_start3A_486 : memref<!tpu.dma_semaphore, #tpu.memory_space<semaphore_mem>>) {add = true}
      %add3A_487 = arith.constant 7 : i32
      %add3A_488 = arith.addi %mul3A_134, %add3A_487 : i32
      %sub3A_489 = arith.constant 4 : i32
      %sub3A_490 = arith.subi %add3A_488, %sub3A_489 : i32
      %dma_wait3A_491 = arith.constant 3 : i32
      %dma_wait3A_492 = arith.constant 3 : i32
      %dma_wait3A_493 = arith.constant 0 : i32
      %dma_wait3A_494 = arith.constant 0 : i32
      %dma_wait3A_495 = tpu.memref_slice %arg9[%dma_wait3A_491, %dma_wait3A_493, %dma_wait3A_494] : memref<8x128x64xi16, #tpu.memory_space<vmem>> -> memref<1x128x64xi16, #tpu.memory_space<vmem>>
      %dma_wait3A_496 = tpu.memref_squeeze %dma_wait3A_495 : memref<1x128x64xi16, #tpu.memory_space<vmem>> -> memref<128x64xi16, #tpu.memory_space<vmem>>
      %dma_wait3A_497 = arith.constant 0 : i32
      %dma_wait3A_498 = tpu.memref_slice %arg8[%sub3A_490, %dma_wait3A_497] : memref<80x128xi32, #tpu.memory_space<vmem>> -> memref<1x128xi32, #tpu.memory_space<vmem>>
      %dma_wait3A_499 = tpu.memref_squeeze %dma_wait3A_498 : memref<1x128xi32, #tpu.memory_space<vmem>> -> memref<128xi32, #tpu.memory_space<vmem>>
      %dma_wait3A_500 = arith.constant 0 : i32
      %dma_wait3A_501 = arith.constant 0 : i32
      %dma_wait3A_502 = tpu.memref_slice %arg11[%dma_wait3A_500, %dma_wait3A_501] : memref<10240x64xi16, #tpu.memory_space<vmem_shared>> -> memref<10240x64xi16, #tpu.memory_space<vmem_shared>>
      %dma_wait3A_503 = tpu.memref_slice %arg13[%dma_wait3A_492] : memref<8x!tpu.dma_semaphore, #tpu.memory_space<semaphore_mem>> -> memref<1x!tpu.dma_semaphore, #tpu.memory_space<semaphore_mem>>
      %dma_wait3A_504 = tpu.memref_squeeze %dma_wait3A_503 : memref<1x!tpu.dma_semaphore, #tpu.memory_space<semaphore_mem>> -> memref<!tpu.dma_semaphore, #tpu.memory_space<semaphore_mem>>
      tpu.wait_indirect_dma semaphore(%dma_wait3A_504 : memref<!tpu.dma_semaphore, #tpu.memory_space<semaphore_mem>>) src(%dma_wait3A_496 : memref<128x64xi16, #tpu.memory_space<vmem>>) dst(%dma_wait3A_502 : memref<10240x64xi16, #tpu.memory_space<vmem_shared>>)
      %lt3A_505 = arith.constant 9 : i32
      %lt3A_506 = arith.cmpi slt, %scan3A_132, %lt3A_505 : i32
      %convert_element_type3A_507 = arith.extui %lt3A_506 : i1 to i32
      %cond3A_508 = arith.constant 0 : i32
      %cond3A_509 = arith.cmpi ne, %convert_element_type3A_507, %cond3A_508 : i32
      scf.if %cond3A_509 {
        %add3A_538 = arith.constant 4 : i32
        %add3A_539 = arith.addi %add3A_488, %add3A_538 : i32
        %dma_start3A_540 = arith.constant 3 : i32
        %dma_start3A_541 = arith.constant 3 : i32
        %dma_start3A_542 = arith.constant 0 : i32
        %dma_start3A_543 = arith.constant 0 : i32
        %dma_start3A_544 = tpu.memref_slice %arg9[%dma_start3A_540, %dma_start3A_542, %dma_start3A_543] : memref<8x128x64xi16, #tpu.memory_space<vmem>> -> memref<1x128x64xi16, #tpu.memory_space<vmem>>
        %dma_start3A_545 = tpu.memref_squeeze %dma_start3A_544 : memref<1x128x64xi16, #tpu.memory_space<vmem>> -> memref<128x64xi16, #tpu.memory_space<vmem>>
        %dma_start3A_546 = arith.constant 0 : i32
        %dma_start3A_547 = tpu.memref_slice %arg7[%add3A_539, %dma_start3A_546] : memref<80x128xi32, #tpu.memory_space<vmem>> -> memref<1x128xi32, #tpu.memory_space<vmem>>
        %dma_start3A_548 = tpu.memref_squeeze %dma_start3A_547 : memref<1x128xi32, #tpu.memory_space<vmem>> -> memref<128xi32, #tpu.memory_space<vmem>>
        %dma_start3A_549 = arith.constant 0 : i32
        %dma_start3A_550 = arith.constant 0 : i32
        %dma_start3A_551 = tpu.memref_slice %arg10[%dma_start3A_549, %dma_start3A_550] : memref<10240x64xi16, #tpu.memory_space<vmem_shared>> -> memref<10240x64xi16, #tpu.memory_space<vmem_shared>>
        %dma_start3A_552 = tpu.memref_slice %arg12[%dma_start3A_541] : memref<8x!tpu.dma_semaphore, #tpu.memory_space<semaphore_mem>> -> memref<1x!tpu.dma_semaphore, #tpu.memory_space<semaphore_mem>>
        %dma_start3A_553 = tpu.memref_squeeze %dma_start3A_552 : memref<1x!tpu.dma_semaphore, #tpu.memory_space<semaphore_mem>> -> memref<!tpu.dma_semaphore, #tpu.memory_space<semaphore_mem>>
        tpu.enqueue_indirect_dma source(%dma_start3A_551 : memref<10240x64xi16, #tpu.memory_space<vmem_shared>>) target(%dma_start3A_545 : memref<128x64xi16, #tpu.memory_space<vmem>>) offsets(%dma_start3A_548 : memref<128xi32, #tpu.memory_space<vmem>>) semaphore(%dma_start3A_553 : memref<!tpu.dma_semaphore, #tpu.memory_space<semaphore_mem>>)
      } else {
      }
      %dma_wait3A_510 = arith.constant 7 : i32
      %dma_wait3A_511 = arith.constant 7 : i32
      %dma_wait3A_512 = arith.constant 0 : i32
      %dma_wait3A_513 = arith.constant 0 : i32
      %dma_wait3A_514 = tpu.memref_slice %arg9[%dma_wait3A_510, %dma_wait3A_512, %dma_wait3A_513] : memref<8x128x64xi16, #tpu.memory_space<vmem>> -> memref<1x128x64xi16, #tpu.memory_space<vmem>>
      %dma_wait3A_515 = tpu.memref_squeeze %dma_wait3A_514 : memref<1x128x64xi16, #tpu.memory_space<vmem>> -> memref<128x64xi16, #tpu.memory_space<vmem>>
      %dma_wait3A_516 = arith.constant 0 : i32
      %dma_wait3A_517 = tpu.memref_slice %arg7[%add3A_488, %dma_wait3A_516] : memref<80x128xi32, #tpu.memory_space<vmem>> -> memref<1x128xi32, #tpu.memory_space<vmem>>
      %dma_wait3A_518 = tpu.memref_squeeze %dma_wait3A_517 : memref<1x128xi32, #tpu.memory_space<vmem>> -> memref<128xi32, #tpu.memory_space<vmem>>
      %dma_wait3A_519 = arith.constant 0 : i32
      %dma_wait3A_520 = arith.constant 0 : i32
      %dma_wait3A_521 = tpu.memref_slice %arg10[%dma_wait3A_519, %dma_wait3A_520] : memref<10240x64xi16, #tpu.memory_space<vmem_shared>> -> memref<10240x64xi16, #tpu.memory_space<vmem_shared>>
      %dma_wait3A_522 = tpu.memref_slice %arg12[%dma_wait3A_511] : memref<8x!tpu.dma_semaphore, #tpu.memory_space<semaphore_mem>> -> memref<1x!tpu.dma_semaphore, #tpu.memory_space<semaphore_mem>>
      %dma_wait3A_523 = tpu.memref_squeeze %dma_wait3A_522 : memref<1x!tpu.dma_semaphore, #tpu.memory_space<semaphore_mem>> -> memref<!tpu.dma_semaphore, #tpu.memory_space<semaphore_mem>>
      tpu.wait_indirect_dma semaphore(%dma_wait3A_523 : memref<!tpu.dma_semaphore, #tpu.memory_space<semaphore_mem>>) src(%dma_wait3A_521 : memref<10240x64xi16, #tpu.memory_space<vmem_shared>>) dst(%dma_wait3A_515 : memref<128x64xi16, #tpu.memory_space<vmem>>)
      %dma_start3A_524 = arith.constant 7 : i32
      %dma_start3A_525 = arith.constant 7 : i32
      %dma_start3A_526 = arith.constant 0 : i32
      %dma_start3A_527 = arith.constant 0 : i32
      %dma_start3A_528 = tpu.memref_slice %arg9[%dma_start3A_524, %dma_start3A_526, %dma_start3A_527] : memref<8x128x64xi16, #tpu.memory_space<vmem>> -> memref<1x128x64xi16, #tpu.memory_space<vmem>>
      %dma_start3A_529 = tpu.memref_squeeze %dma_start3A_528 : memref<1x128x64xi16, #tpu.memory_space<vmem>> -> memref<128x64xi16, #tpu.memory_space<vmem>>
      %dma_start3A_530 = arith.constant 0 : i32
      %dma_start3A_531 = tpu.memref_slice %arg8[%add3A_488, %dma_start3A_530] : memref<80x128xi32, #tpu.memory_space<vmem>> -> memref<1x128xi32, #tpu.memory_space<vmem>>
      %dma_start3A_532 = tpu.memref_squeeze %dma_start3A_531 : memref<1x128xi32, #tpu.memory_space<vmem>> -> memref<128xi32, #tpu.memory_space<vmem>>
      %dma_start3A_533 = arith.constant 0 : i32
      %dma_start3A_534 = arith.constant 0 : i32
      %dma_start3A_535 = tpu.memref_slice %arg11[%dma_start3A_533, %dma_start3A_534] : memref<10240x64xi16, #tpu.memory_space<vmem_shared>> -> memref<10240x64xi16, #tpu.memory_space<vmem_shared>>
      %dma_start3A_536 = tpu.memref_slice %arg13[%dma_start3A_525] : memref<8x!tpu.dma_semaphore, #tpu.memory_space<semaphore_mem>> -> memref<1x!tpu.dma_semaphore, #tpu.memory_space<semaphore_mem>>
      %dma_start3A_537 = tpu.memref_squeeze %dma_start3A_536 : memref<1x!tpu.dma_semaphore, #tpu.memory_space<semaphore_mem>> -> memref<!tpu.dma_semaphore, #tpu.memory_space<semaphore_mem>>
      tpu.enqueue_indirect_dma source(%dma_start3A_529 : memref<128x64xi16, #tpu.memory_space<vmem>>) target(%dma_start3A_535 : memref<10240x64xi16, #tpu.memory_space<vmem_shared>>) offsets(%dma_start3A_532 : memref<128xi32, #tpu.memory_space<vmem>>) semaphore(%dma_start3A_537 : memref<!tpu.dma_semaphore, #tpu.memory_space<semaphore_mem>>) {add = true}
    }
    %scan3A_68 = arith.constant 10 : i32
    %dma_wait3A = arith.constant 4 : i32
    %dma_wait3A_69 = arith.constant 76 : i32
    %dma_wait3A_70 = arith.constant 4 : i32
    %dma_wait3A_71 = arith.constant 0 : i32
    %dma_wait3A_72 = arith.constant 0 : i32
    %dma_wait3A_73 = tpu.memref_slice %arg9[%dma_wait3A, %dma_wait3A_71, %dma_wait3A_72] : memref<8x128x64xi16, #tpu.memory_space<vmem>> -> memref<1x128x64xi16, #tpu.memory_space<vmem>>
    %dma_wait3A_74 = tpu.memref_squeeze %dma_wait3A_73 : memref<1x128x64xi16, #tpu.memory_space<vmem>> -> memref<128x64xi16, #tpu.memory_space<vmem>>
    %dma_wait3A_75 = arith.constant 0 : i32
    %dma_wait3A_76 = tpu.memref_slice %arg8[%dma_wait3A_69, %dma_wait3A_75] : memref<80x128xi32, #tpu.memory_space<vmem>> -> memref<1x128xi32, #tpu.memory_space<vmem>>
    %dma_wait3A_77 = tpu.memref_squeeze %dma_wait3A_76 : memref<1x128xi32, #tpu.memory_space<vmem>> -> memref<128xi32, #tpu.memory_space<vmem>>
    %dma_wait3A_78 = arith.constant 0 : i32
    %dma_wait3A_79 = arith.constant 0 : i32
    %dma_wait3A_80 = tpu.memref_slice %arg11[%dma_wait3A_78, %dma_wait3A_79] : memref<10240x64xi16, #tpu.memory_space<vmem_shared>> -> memref<10240x64xi16, #tpu.memory_space<vmem_shared>>
    %dma_wait3A_81 = tpu.memref_slice %arg13[%dma_wait3A_70] : memref<8x!tpu.dma_semaphore, #tpu.memory_space<semaphore_mem>> -> memref<1x!tpu.dma_semaphore, #tpu.memory_space<semaphore_mem>>
    %dma_wait3A_82 = tpu.memref_squeeze %dma_wait3A_81 : memref<1x!tpu.dma_semaphore, #tpu.memory_space<semaphore_mem>> -> memref<!tpu.dma_semaphore, #tpu.memory_space<semaphore_mem>>
    tpu.wait_indirect_dma semaphore(%dma_wait3A_82 : memref<!tpu.dma_semaphore, #tpu.memory_space<semaphore_mem>>) src(%dma_wait3A_74 : memref<128x64xi16, #tpu.memory_space<vmem>>) dst(%dma_wait3A_80 : memref<10240x64xi16, #tpu.memory_space<vmem_shared>>)
    %dma_wait3A_83 = arith.constant 5 : i32
    %dma_wait3A_84 = arith.constant 77 : i32
    %dma_wait3A_85 = arith.constant 5 : i32
    %dma_wait3A_86 = arith.constant 0 : i32
    %dma_wait3A_87 = arith.constant 0 : i32
    %dma_wait3A_88 = tpu.memref_slice %arg9[%dma_wait3A_83, %dma_wait3A_86, %dma_wait3A_87] : memref<8x128x64xi16, #tpu.memory_space<vmem>> -> memref<1x128x64xi16, #tpu.memory_space<vmem>>
    %dma_wait3A_89 = tpu.memref_squeeze %dma_wait3A_88 : memref<1x128x64xi16, #tpu.memory_space<vmem>> -> memref<128x64xi16, #tpu.memory_space<vmem>>
    %dma_wait3A_90 = arith.constant 0 : i32
    %dma_wait3A_91 = tpu.memref_slice %arg8[%dma_wait3A_84, %dma_wait3A_90] : memref<80x128xi32, #tpu.memory_space<vmem>> -> memref<1x128xi32, #tpu.memory_space<vmem>>
    %dma_wait3A_92 = tpu.memref_squeeze %dma_wait3A_91 : memref<1x128xi32, #tpu.memory_space<vmem>> -> memref<128xi32, #tpu.memory_space<vmem>>
    %dma_wait3A_93 = arith.constant 0 : i32
    %dma_wait3A_94 = arith.constant 0 : i32
    %dma_wait3A_95 = tpu.memref_slice %arg11[%dma_wait3A_93, %dma_wait3A_94] : memref<10240x64xi16, #tpu.memory_space<vmem_shared>> -> memref<10240x64xi16, #tpu.memory_space<vmem_shared>>
    %dma_wait3A_96 = tpu.memref_slice %arg13[%dma_wait3A_85] : memref<8x!tpu.dma_semaphore, #tpu.memory_space<semaphore_mem>> -> memref<1x!tpu.dma_semaphore, #tpu.memory_space<semaphore_mem>>
    %dma_wait3A_97 = tpu.memref_squeeze %dma_wait3A_96 : memref<1x!tpu.dma_semaphore, #tpu.memory_space<semaphore_mem>> -> memref<!tpu.dma_semaphore, #tpu.memory_space<semaphore_mem>>
    tpu.wait_indirect_dma semaphore(%dma_wait3A_97 : memref<!tpu.dma_semaphore, #tpu.memory_space<semaphore_mem>>) src(%dma_wait3A_89 : memref<128x64xi16, #tpu.memory_space<vmem>>) dst(%dma_wait3A_95 : memref<10240x64xi16, #tpu.memory_space<vmem_shared>>)
    %dma_wait3A_98 = arith.constant 6 : i32
    %dma_wait3A_99 = arith.constant 78 : i32
    %dma_wait3A_100 = arith.constant 6 : i32
    %dma_wait3A_101 = arith.constant 0 : i32
    %dma_wait3A_102 = arith.constant 0 : i32
    %dma_wait3A_103 = tpu.memref_slice %arg9[%dma_wait3A_98, %dma_wait3A_101, %dma_wait3A_102] : memref<8x128x64xi16, #tpu.memory_space<vmem>> -> memref<1x128x64xi16, #tpu.memory_space<vmem>>
    %dma_wait3A_104 = tpu.memref_squeeze %dma_wait3A_103 : memref<1x128x64xi16, #tpu.memory_space<vmem>> -> memref<128x64xi16, #tpu.memory_space<vmem>>
    %dma_wait3A_105 = arith.constant 0 : i32
    %dma_wait3A_106 = tpu.memref_slice %arg8[%dma_wait3A_99, %dma_wait3A_105] : memref<80x128xi32, #tpu.memory_space<vmem>> -> memref<1x128xi32, #tpu.memory_space<vmem>>
    %dma_wait3A_107 = tpu.memref_squeeze %dma_wait3A_106 : memref<1x128xi32, #tpu.memory_space<vmem>> -> memref<128xi32, #tpu.memory_space<vmem>>
    %dma_wait3A_108 = arith.constant 0 : i32
    %dma_wait3A_109 = arith.constant 0 : i32
    %dma_wait3A_110 = tpu.memref_slice %arg11[%dma_wait3A_108, %dma_wait3A_109] : memref<10240x64xi16, #tpu.memory_space<vmem_shared>> -> memref<10240x64xi16, #tpu.memory_space<vmem_shared>>
    %dma_wait3A_111 = tpu.memref_slice %arg13[%dma_wait3A_100] : memref<8x!tpu.dma_semaphore, #tpu.memory_space<semaphore_mem>> -> memref<1x!tpu.dma_semaphore, #tpu.memory_space<semaphore_mem>>
    %dma_wait3A_112 = tpu.memref_squeeze %dma_wait3A_111 : memref<1x!tpu.dma_semaphore, #tpu.memory_space<semaphore_mem>> -> memref<!tpu.dma_semaphore, #tpu.memory_space<semaphore_mem>>
    tpu.wait_indirect_dma semaphore(%dma_wait3A_112 : memref<!tpu.dma_semaphore, #tpu.memory_space<semaphore_mem>>) src(%dma_wait3A_104 : memref<128x64xi16, #tpu.memory_space<vmem>>) dst(%dma_wait3A_110 : memref<10240x64xi16, #tpu.memory_space<vmem_shared>>)
    %dma_wait3A_113 = arith.constant 7 : i32
    %dma_wait3A_114 = arith.constant 79 : i32
    %dma_wait3A_115 = arith.constant 7 : i32
    %dma_wait3A_116 = arith.constant 0 : i32
    %dma_wait3A_117 = arith.constant 0 : i32
    %dma_wait3A_118 = tpu.memref_slice %arg9[%dma_wait3A_113, %dma_wait3A_116, %dma_wait3A_117] : memref<8x128x64xi16, #tpu.memory_space<vmem>> -> memref<1x128x64xi16, #tpu.memory_space<vmem>>
    %dma_wait3A_119 = tpu.memref_squeeze %dma_wait3A_118 : memref<1x128x64xi16, #tpu.memory_space<vmem>> -> memref<128x64xi16, #tpu.memory_space<vmem>>
    %dma_wait3A_120 = arith.constant 0 : i32
    %dma_wait3A_121 = tpu.memref_slice %arg8[%dma_wait3A_114, %dma_wait3A_120] : memref<80x128xi32, #tpu.memory_space<vmem>> -> memref<1x128xi32, #tpu.memory_space<vmem>>
    %dma_wait3A_122 = tpu.memref_squeeze %dma_wait3A_121 : memref<1x128xi32, #tpu.memory_space<vmem>> -> memref<128xi32, #tpu.memory_space<vmem>>
    %dma_wait3A_123 = arith.constant 0 : i32
    %dma_wait3A_124 = arith.constant 0 : i32
    %dma_wait3A_125 = tpu.memref_slice %arg11[%dma_wait3A_123, %dma_wait3A_124] : memref<10240x64xi16, #tpu.memory_space<vmem_shared>> -> memref<10240x64xi16, #tpu.memory_space<vmem_shared>>
    %dma_wait3A_126 = tpu.memref_slice %arg13[%dma_wait3A_115] : memref<8x!tpu.dma_semaphore, #tpu.memory_space<semaphore_mem>> -> memref<1x!tpu.dma_semaphore, #tpu.memory_space<semaphore_mem>>
    %dma_wait3A_127 = tpu.memref_squeeze %dma_wait3A_126 : memref<1x!tpu.dma_semaphore, #tpu.memory_space<semaphore_mem>> -> memref<!tpu.dma_semaphore, #tpu.memory_space<semaphore_mem>>
    tpu.wait_indirect_dma semaphore(%dma_wait3A_127 : memref<!tpu.dma_semaphore, #tpu.memory_space<semaphore_mem>>) src(%dma_wait3A_119 : memref<128x64xi16, #tpu.memory_space<vmem>>) dst(%dma_wait3A_125 : memref<10240x64xi16, #tpu.memory_space<vmem_shared>>)
    %barrier3A_128 = arith.constant 0 : index
    tpu.barrier barrier_id(%barrier3A_128)
    %mul3A_129 = arith.constant 10240 : i32
    %mul3A_130 = arith.muli %arg0, %mul3A_129 : i32
    %add3A_131 = arith.addi %mul3A_130, %mul3A_2 : i32
    %multiple_of3A = tpu.assume_multiple %add3A_131, 8 : i32
    "tpu.region"() ({
      %run_scoped3A = tpu.sem_alloc : memref<!tpu.dma_semaphore, #tpu.memory_space<semaphore_mem>>
      %dma_start3A_132 = arith.constant 0 : i32
      %dma_start3A_133 = tpu.memref_slice %arg6[%multiple_of3A, %dma_start3A_132] : memref<20480x64xi16, #tpu.memory_space<hbm>> -> memref<640x64xi16, #tpu.memory_space<hbm>>
      %dma_start3A_134 = arith.constant 0 : i32
      %dma_start3A_135 = tpu.memref_slice %arg11[%mul3A_2, %dma_start3A_134] : memref<10240x64xi16, #tpu.memory_space<vmem_shared>> -> memref<640x64xi16, #tpu.memory_space<vmem_shared>>
      tpu.enqueue_dma source(%dma_start3A_135 : memref<640x64xi16, #tpu.memory_space<vmem_shared>>) target(%dma_start3A_133 : memref<640x64xi16, #tpu.memory_space<hbm>>) target_semaphore(%run_scoped3A : memref<!tpu.dma_semaphore, #tpu.memory_space<semaphore_mem>>)
      %dma_wait3A_136 = arith.constant 0 : i32
      %dma_wait3A_137 = tpu.memref_slice %arg6[%multiple_of3A, %dma_wait3A_136] : memref<20480x64xi16, #tpu.memory_space<hbm>> -> memref<640x64xi16, #tpu.memory_space<hbm>>
      %dma_wait3A_138 = arith.constant 0 : i32
      %dma_wait3A_139 = tpu.memref_slice %arg11[%mul3A_2, %dma_wait3A_138] : memref<10240x64xi16, #tpu.memory_space<vmem_shared>> -> memref<640x64xi16, #tpu.memory_space<vmem_shared>>
      tpu.wait_dma2 semaphore(%run_scoped3A : memref<!tpu.dma_semaphore, #tpu.memory_space<semaphore_mem>>) src(%dma_wait3A_139 : memref<640x64xi16, #tpu.memory_space<vmem_shared>>) dst(%dma_wait3A_137 : memref<640x64xi16, #tpu.memory_space<hbm>>)
      tpu.yield
    }) : () -> ()
    return
  }
}

#map = affine_map<(d0, d1) -> (0, 0)>
module attributes {stable_mosaic.version = 14 : i64} {
  func.func @body(%arg0: i32, %arg1: i32, %arg2: memref<10240x64xi16, #tpu.memory_space<hbm>>, %arg3: memref<2560x128xi32, #tpu.memory_space<hbm>>, %arg4: memref<2560x128xi32, #tpu.memory_space<hbm>>, %arg5: memref<640x64xi16, #tpu.memory_space<hbm>>, %arg6: memref<20480x64xi16, #tpu.memory_space<hbm>>, %arg7: memref<80x128xi32, #tpu.memory_space<vmem>>, %arg8: memref<80x128xi32, #tpu.memory_space<vmem>>, %arg9: memref<8x128x64xi16, #tpu.memory_space<vmem>>, %arg10: memref<10240x64xi16, #tpu.memory_space<vmem_shared>>, %arg11: memref<10240x64xi16, #tpu.memory_space<vmem_shared>>, %arg12: memref<8x!tpu.dma_semaphore, #tpu.memory_space<semaphore_mem>>, %arg13: memref<8x!tpu.dma_semaphore, #tpu.memory_space<semaphore_mem>>) attributes {dimension_semantics = [#tpu.dimension_semantics<core_parallel>, #tpu.dimension_semantics<subcore_parallel>], iteration_bounds = array<i64: 2, 16>, scalar_prefetch = 0 : i64, scratch_operands = 7 : i64, tpu.core_type = #tpu.core_type<sc_vector_subcore>, window_params = [{transform_indices = #map}, {transform_indices = #map}, {transform_indices = #map}, {transform_indices = #map}, {transform_indices = #map}]} {
    %mul3A = arith.constant 16 : i32
    %mul3A_0 = arith.muli %arg0, %mul3A : i32
    %add3A = arith.addi %mul3A_0, %arg1 : i32
    %mul3A_1 = arith.constant 640 : i32
    %mul3A_2 = arith.muli %arg1, %mul3A_1 : i32
    %mul3A_3 = arith.constant 80 : i32
    %mul3A_4 = arith.muli %add3A, %mul3A_3 : i32
    "tpu.region"() ({
      %run_scoped3A = tpu.sem_alloc : memref<!tpu.dma_semaphore, #tpu.memory_space<semaphore_mem>>
      %dma_start3A_132 = arith.constant 0 : i32
      %dma_start3A_133 = tpu.memref_slice %arg3[%mul3A_4, %dma_start3A_132] : memref<2560x128xi32, #tpu.memory_space<hbm>> -> memref<80x128xi32, #tpu.memory_space<hbm>>
      %dma_start3A_134 = arith.constant 0 : i32
      %dma_start3A_135 = tpu.memref_slice %arg3[%mul3A_4, %dma_start3A_134] : memref<2560x128xi32, #tpu.memory_space<hbm>> -> memref<80x128xi32, #tpu.memory_space<hbm>>
      tpu.enqueue_dma source(%dma_start3A_135 : memref<80x128xi32, #tpu.memory_space<hbm>>) target(%arg7 : memref<80x128xi32, #tpu.memory_space<vmem>>) target_semaphore(%run_scoped3A : memref<!tpu.dma_semaphore, #tpu.memory_space<semaphore_mem>>)
      %dma_wait3A_136 = arith.constant 0 : i32
      %dma_wait3A_137 = tpu.memref_slice %arg3[%mul3A_4, %dma_wait3A_136] : memref<2560x128xi32, #tpu.memory_space<hbm>> -> memref<80x128xi32, #tpu.memory_space<hbm>>
      %dma_wait3A_138 = arith.constant 0 : i32
      %dma_wait3A_139 = tpu.memref_slice %arg3[%mul3A_4, %dma_wait3A_138] : memref<2560x128xi32, #tpu.memory_space<hbm>> -> memref<80x128xi32, #tpu.memory_space<hbm>>
      tpu.wait_dma2 semaphore(%run_scoped3A : memref<!tpu.dma_semaphore, #tpu.memory_space<semaphore_mem>>) src(%dma_wait3A_139 : memref<80x128xi32, #tpu.memory_space<hbm>>) dst(%arg7 : memref<80x128xi32, #tpu.memory_space<vmem>>)
      tpu.yield
    }) : () -> ()
    "tpu.region"() ({
      %run_scoped3A = tpu.sem_alloc : memref<!tpu.dma_semaphore, #tpu.memory_space<semaphore_mem>>
      %dma_start3A_132 = arith.constant 0 : i32
      %dma_start3A_133 = tpu.memref_slice %arg4[%mul3A_4, %dma_start3A_132] : memref<2560x128xi32, #tpu.memory_space<hbm>> -> memref<80x128xi32, #tpu.memory_space<hbm>>
      %dma_start3A_134 = arith.constant 0 : i32
      %dma_start3A_135 = tpu.memref_slice %arg4[%mul3A_4, %dma_start3A_134] : memref<2560x128xi32, #tpu.memory_space<hbm>> -> memref<80x128xi32, #tpu.memory_space<hbm>>
      tpu.enqueue_dma source(%dma_start3A_135 : memref<80x128xi32, #tpu.memory_space<hbm>>) target(%arg8 : memref<80x128xi32, #tpu.memory_space<vmem>>) target_semaphore(%run_scoped3A : memref<!tpu.dma_semaphore, #tpu.memory_space<semaphore_mem>>)
      %dma_wait3A_136 = arith.constant 0 : i32
      %dma_wait3A_137 = tpu.memref_slice %arg4[%mul3A_4, %dma_wait3A_136] : memref<2560x128xi32, #tpu.memory_space<hbm>> -> memref<80x128xi32, #tpu.memory_space<hbm>>
      %dma_wait3A_138 = arith.constant 0 : i32
      %dma_wait3A_139 = tpu.memref_slice %arg4[%mul3A_4, %dma_wait3A_138] : memref<2560x128xi32, #tpu.memory_space<hbm>> -> memref<80x128xi32, #tpu.memory_space<hbm>>
      tpu.wait_dma2 semaphore(%run_scoped3A : memref<!tpu.dma_semaphore, #tpu.memory_space<semaphore_mem>>) src(%dma_wait3A_139 : memref<80x128xi32, #tpu.memory_space<hbm>>) dst(%arg8 : memref<80x128xi32, #tpu.memory_space<vmem>>)
      tpu.yield
    }) : () -> ()
    "tpu.region"() ({
      %run_scoped3A = tpu.sem_alloc : memref<!tpu.dma_semaphore, #tpu.memory_space<semaphore_mem>>
      %dma_start3A_132 = arith.constant 0 : i32
      %dma_start3A_133 = tpu.memref_slice %arg10[%mul3A_2, %dma_start3A_132] : memref<10240x64xi16, #tpu.memory_space<vmem_shared>> -> memref<640x64xi16, #tpu.memory_space<vmem_shared>>
      %dma_start3A_134 = arith.constant 0 : i32
      %dma_start3A_135 = tpu.memref_slice %arg2[%mul3A_2, %dma_start3A_134] : memref<10240x64xi16, #tpu.memory_space<hbm>> -> memref<640x64xi16, #tpu.memory_space<hbm>>
      tpu.enqueue_dma source(%dma_start3A_135 : memref<640x64xi16, #tpu.memory_space<hbm>>) target(%dma_start3A_133 : memref<640x64xi16, #tpu.memory_space<vmem_shared>>) target_semaphore(%run_scoped3A : memref<!tpu.dma_semaphore, #tpu.memory_space<semaphore_mem>>)
      %dma_wait3A_136 = arith.constant 0 : i32
      %dma_wait3A_137 = tpu.memref_slice %arg10[%mul3A_2, %dma_wait3A_136] : memref<10240x64xi16, #tpu.memory_space<vmem_shared>> -> memref<640x64xi16, #tpu.memory_space<vmem_shared>>
      %dma_wait3A_138 = arith.constant 0 : i32
      %dma_wait3A_139 = tpu.memref_slice %arg2[%mul3A_2, %dma_wait3A_138] : memref<10240x64xi16, #tpu.memory_space<hbm>> -> memref<640x64xi16, #tpu.memory_space<hbm>>
      tpu.wait_dma2 semaphore(%run_scoped3A : memref<!tpu.dma_semaphore, #tpu.memory_space<semaphore_mem>>) src(%dma_wait3A_139 : memref<640x64xi16, #tpu.memory_space<hbm>>) dst(%dma_wait3A_137 : memref<640x64xi16, #tpu.memory_space<vmem_shared>>)
      tpu.yield
    }) : () -> ()
    "tpu.region"() ({
      %run_scoped3A = tpu.sem_alloc : memref<!tpu.dma_semaphore, #tpu.memory_space<semaphore_mem>>
      %dma_start3A_132 = arith.constant 0 : i32
      %dma_start3A_133 = tpu.memref_slice %arg11[%mul3A_2, %dma_start3A_132] : memref<10240x64xi16, #tpu.memory_space<vmem_shared>> -> memref<640x64xi16, #tpu.memory_space<vmem_shared>>
      tpu.enqueue_dma source(%arg5 : memref<640x64xi16, #tpu.memory_space<hbm>>) target(%dma_start3A_133 : memref<640x64xi16, #tpu.memory_space<vmem_shared>>) target_semaphore(%run_scoped3A : memref<!tpu.dma_semaphore, #tpu.memory_space<semaphore_mem>>)
      %dma_wait3A_134 = arith.constant 0 : i32
      %dma_wait3A_135 = tpu.memref_slice %arg11[%mul3A_2, %dma_wait3A_134] : memref<10240x64xi16, #tpu.memory_space<vmem_shared>> -> memref<640x64xi16, #tpu.memory_space<vmem_shared>>
      tpu.wait_dma2 semaphore(%run_scoped3A : memref<!tpu.dma_semaphore, #tpu.memory_space<semaphore_mem>>) src(%arg5 : memref<640x64xi16, #tpu.memory_space<hbm>>) dst(%dma_wait3A_135 : memref<640x64xi16, #tpu.memory_space<vmem_shared>>)
      tpu.yield
    }) : () -> ()
    %barrier3A = arith.constant 0 : index
    tpu.barrier barrier_id(%barrier3A)
    %dma_start3A = arith.constant 0 : i32
    %dma_start3A_5 = arith.constant 0 : i32
    %dma_start3A_6 = arith.constant 0 : i32
    %dma_start3A_7 = arith.constant 0 : i32
    %dma_start3A_8 = arith.constant 0 : i32
    %dma_start3A_9 = tpu.memref_slice %arg9[%dma_start3A_5, %dma_start3A_7, %dma_start3A_8] : memref<8x128x64xi16, #tpu.memory_space<vmem>> -> memref<1x128x64xi16, #tpu.memory_space<vmem>>
    %dma_start3A_10 = tpu.memref_squeeze %dma_start3A_9 : memref<1x128x64xi16, #tpu.memory_space<vmem>> -> memref<128x64xi16, #tpu.memory_space<vmem>>
    %dma_start3A_11 = arith.constant 0 : i32
    %dma_start3A_12 = tpu.memref_slice %arg7[%dma_start3A, %dma_start3A_11] : memref<80x128xi32, #tpu.memory_space<vmem>> -> memref<1x128xi32, #tpu.memory_space<vmem>>
    %dma_start3A_13 = tpu.memref_squeeze %dma_start3A_12 : memref<1x128xi32, #tpu.memory_space<vmem>> -> memref<128xi32, #tpu.memory_space<vmem>>
    %dma_start3A_14 = arith.constant 0 : i32
    %dma_start3A_15 = arith.constant 0 : i32
    %dma_start3A_16 = tpu.memref_slice %arg10[%dma_start3A_14, %dma_start3A_15] : memref<10240x64xi16, #tpu.memory_space<vmem_shared>> -> memref<10240x64xi16, #tpu.memory_space<vmem_shared>>
    %dma_start3A_17 = tpu.memref_slice %arg12[%dma_start3A_6] : memref<8x!tpu.dma_semaphore, #tpu.memory_space<semaphore_mem>> -> memref<1x!tpu.dma_semaphore, #tpu.memory_space<semaphore_mem>>
    %dma_start3A_18 = tpu.memref_squeeze %dma_start3A_17 : memref<1x!tpu.dma_semaphore, #tpu.memory_space<semaphore_mem>> -> memref<!tpu.dma_semaphore, #tpu.memory_space<semaphore_mem>>
    tpu.enqueue_indirect_dma source(%dma_start3A_16 : memref<10240x64xi16, #tpu.memory_space<vmem_shared>>) target(%dma_start3A_10 : memref<128x64xi16, #tpu.memory_space<vmem>>) offsets(%dma_start3A_13 : memref<128xi32, #tpu.memory_space<vmem>>) semaphore(%dma_start3A_18 : memref<!tpu.dma_semaphore, #tpu.memory_space<semaphore_mem>>)
    %dma_start3A_19 = arith.constant 1 : i32
    %dma_start3A_20 = arith.constant 1 : i32
    %dma_start3A_21 = arith.constant 1 : i32
    %dma_start3A_22 = arith.constant 0 : i32
    %dma_start3A_23 = arith.constant 0 : i32
    %dma_start3A_24 = tpu.memref_slice %arg9[%dma_start3A_20, %dma_start3A_22, %dma_start3A_23] : memref<8x128x64xi16, #tpu.memory_space<vmem>> -> memref<1x128x64xi16, #tpu.memory_space<vmem>>
    %dma_start3A_25 = tpu.memref_squeeze %dma_start3A_24 : memref<1x128x64xi16, #tpu.memory_space<vmem>> -> memref<128x64xi16, #tpu.memory_space<vmem>>
    %dma_start3A_26 = arith.constant 0 : i32
    %dma_start3A_27 = tpu.memref_slice %arg7[%dma_start3A_19, %dma_start3A_26] : memref<80x128xi32, #tpu.memory_space<vmem>> -> memref<1x128xi32, #tpu.memory_space<vmem>>
    %dma_start3A_28 = tpu.memref_squeeze %dma_start3A_27 : memref<1x128xi32, #tpu.memory_space<vmem>> -> memref<128xi32, #tpu.memory_space<vmem>>
    %dma_start3A_29 = arith.constant 0 : i32
    %dma_start3A_30 = arith.constant 0 : i32
    %dma_start3A_31 = tpu.memref_slice %arg10[%dma_start3A_29, %dma_start3A_30] : memref<10240x64xi16, #tpu.memory_space<vmem_shared>> -> memref<10240x64xi16, #tpu.memory_space<vmem_shared>>
    %dma_start3A_32 = tpu.memref_slice %arg12[%dma_start3A_21] : memref<8x!tpu.dma_semaphore, #tpu.memory_space<semaphore_mem>> -> memref<1x!tpu.dma_semaphore, #tpu.memory_space<semaphore_mem>>
    %dma_start3A_33 = tpu.memref_squeeze %dma_start3A_32 : memref<1x!tpu.dma_semaphore, #tpu.memory_space<semaphore_mem>> -> memref<!tpu.dma_semaphore, #tpu.memory_space<semaphore_mem>>
    tpu.enqueue_indirect_dma source(%dma_start3A_31 : memref<10240x64xi16, #tpu.memory_space<vmem_shared>>) target(%dma_start3A_25 : memref<128x64xi16, #tpu.memory_space<vmem>>) offsets(%dma_start3A_28 : memref<128xi32, #tpu.memory_space<vmem>>) semaphore(%dma_start3A_33 : memref<!tpu.dma_semaphore, #tpu.memory_space<semaphore_mem>>)
    %dma_start3A_34 = arith.constant 2 : i32
    %dma_start3A_35 = arith.constant 2 : i32
    %dma_start3A_36 = arith.constant 2 : i32
    %dma_start3A_37 = arith.constant 0 : i32
    %dma_start3A_38 = arith.constant 0 : i32
    %dma_start3A_39 = tpu.memref_slice %arg9[%dma_start3A_35, %dma_start3A_37, %dma_start3A_38] : memref<8x128x64xi16, #tpu.memory_space<vmem>> -> memref<1x128x64xi16, #tpu.memory_space<vmem>>
    %dma_start3A_40 = tpu.memref_squeeze %dma_start3A_39 : memref<1x128x64xi16, #tpu.memory_space<vmem>> -> memref<128x64xi16, #tpu.memory_space<vmem>>
    %dma_start3A_41 = arith.constant 0 : i32
    %dma_start3A_42 = tpu.memref_slice %arg7[%dma_start3A_34, %dma_start3A_41] : memref<80x128xi32, #tpu.memory_space<vmem>> -> memref<1x128xi32, #tpu.memory_space<vmem>>
    %dma_start3A_43 = tpu.memref_squeeze %dma_start3A_42 : memref<1x128xi32, #tpu.memory_space<vmem>> -> memref<128xi32, #tpu.memory_space<vmem>>
    %dma_start3A_44 = arith.constant 0 : i32
    %dma_start3A_45 = arith.constant 0 : i32
    %dma_start3A_46 = tpu.memref_slice %arg10[%dma_start3A_44, %dma_start3A_45] : memref<10240x64xi16, #tpu.memory_space<vmem_shared>> -> memref<10240x64xi16, #tpu.memory_space<vmem_shared>>
    %dma_start3A_47 = tpu.memref_slice %arg12[%dma_start3A_36] : memref<8x!tpu.dma_semaphore, #tpu.memory_space<semaphore_mem>> -> memref<1x!tpu.dma_semaphore, #tpu.memory_space<semaphore_mem>>
    %dma_start3A_48 = tpu.memref_squeeze %dma_start3A_47 : memref<1x!tpu.dma_semaphore, #tpu.memory_space<semaphore_mem>> -> memref<!tpu.dma_semaphore, #tpu.memory_space<semaphore_mem>>
    tpu.enqueue_indirect_dma source(%dma_start3A_46 : memref<10240x64xi16, #tpu.memory_space<vmem_shared>>) target(%dma_start3A_40 : memref<128x64xi16, #tpu.memory_space<vmem>>) offsets(%dma_start3A_43 : memref<128xi32, #tpu.memory_space<vmem>>) semaphore(%dma_start3A_48 : memref<!tpu.dma_semaphore, #tpu.memory_space<semaphore_mem>>)
    %dma_start3A_49 = arith.constant 3 : i32
    %dma_start3A_50 = arith.constant 3 : i32
    %dma_start3A_51 = arith.constant 3 : i32
    %dma_start3A_52 = arith.constant 0 : i32
    %dma_start3A_53 = arith.constant 0 : i32
    %dma_start3A_54 = tpu.memref_slice %arg9[%dma_start3A_50, %dma_start3A_52, %dma_start3A_53] : memref<8x128x64xi16, #tpu.memory_space<vmem>> -> memref<1x128x64xi16, #tpu.memory_space<vmem>>
    %dma_start3A_55 = tpu.memref_squeeze %dma_start3A_54 : memref<1x128x64xi16, #tpu.memory_space<vmem>> -> memref<128x64xi16, #tpu.memory_space<vmem>>
    %dma_start3A_56 = arith.constant 0 : i32
    %dma_start3A_57 = tpu.memref_slice %arg7[%dma_start3A_49, %dma_start3A_56] : memref<80x128xi32, #tpu.memory_space<vmem>> -> memref<1x128xi32, #tpu.memory_space<vmem>>
    %dma_start3A_58 = tpu.memref_squeeze %dma_start3A_57 : memref<1x128xi32, #tpu.memory_space<vmem>> -> memref<128xi32, #tpu.memory_space<vmem>>
    %dma_start3A_59 = arith.constant 0 : i32
    %dma_start3A_60 = arith.constant 0 : i32
    %dma_start3A_61 = tpu.memref_slice %arg10[%dma_start3A_59, %dma_start3A_60] : memref<10240x64xi16, #tpu.memory_space<vmem_shared>> -> memref<10240x64xi16, #tpu.memory_space<vmem_shared>>
    %dma_start3A_62 = tpu.memref_slice %arg12[%dma_start3A_51] : memref<8x!tpu.dma_semaphore, #tpu.memory_space<semaphore_mem>> -> memref<1x!tpu.dma_semaphore, #tpu.memory_space<semaphore_mem>>
    %dma_start3A_63 = tpu.memref_squeeze %dma_start3A_62 : memref<1x!tpu.dma_semaphore, #tpu.memory_space<semaphore_mem>> -> memref<!tpu.dma_semaphore, #tpu.memory_space<semaphore_mem>>
    tpu.enqueue_indirect_dma source(%dma_start3A_61 : memref<10240x64xi16, #tpu.memory_space<vmem_shared>>) target(%dma_start3A_55 : memref<128x64xi16, #tpu.memory_space<vmem>>) offsets(%dma_start3A_58 : memref<128xi32, #tpu.memory_space<vmem>>) semaphore(%dma_start3A_63 : memref<!tpu.dma_semaphore, #tpu.memory_space<semaphore_mem>>)
    %scan3A = arith.constant 0 : i32
    %scan3A_64 = arith.constant 0 : i32
    %scan3A_65 = arith.constant 10 : i32
    %scan3A_66 = arith.addi %scan3A_64, %scan3A_65 : i32
    %scan3A_67 = arith.constant 1 : i32
    scf.for %scan3A_132 = %scan3A_64 to %scan3A_66 step %scan3A_67  : i32 {
      %mul3A_133 = arith.constant 8 : i32
      %mul3A_134 = arith.muli %scan3A_132, %mul3A_133 : i32
      %add3A_135 = arith.constant 0 : i32
      %add3A_136 = arith.addi %mul3A_134, %add3A_135 : i32
      %ge3A = arith.constant 1 : i32
      %ge3A_137 = arith.cmpi sge, %scan3A_132, %ge3A : i32
      %convert_element_type3A = arith.extui %ge3A_137 : i1 to i32
      %cond3A = arith.constant 0 : i32
      %cond3A_138 = arith.cmpi ne, %convert_element_type3A, %cond3A : i32
      scf.if %cond3A_138 {
        %sub3A_538 = arith.constant 4 : i32
        %sub3A_539 = arith.subi %add3A_136, %sub3A_538 : i32
        %dma_wait3A_540 = arith.constant 4 : i32
        %dma_wait3A_541 = arith.constant 4 : i32
        %dma_wait3A_542 = arith.constant 0 : i32
        %dma_wait3A_543 = arith.constant 0 : i32
        %dma_wait3A_544 = tpu.memref_slice %arg9[%dma_wait3A_540, %dma_wait3A_542, %dma_wait3A_543] : memref<8x128x64xi16, #tpu.memory_space<vmem>> -> memref<1x128x64xi16, #tpu.memory_space<vmem>>
        %dma_wait3A_545 = tpu.memref_squeeze %dma_wait3A_544 : memref<1x128x64xi16, #tpu.memory_space<vmem>> -> memref<128x64xi16, #tpu.memory_space<vmem>>
        %dma_wait3A_546 = arith.constant 0 : i32
        %dma_wait3A_547 = tpu.memref_slice %arg8[%sub3A_539, %dma_wait3A_546] : memref<80x128xi32, #tpu.memory_space<vmem>> -> memref<1x128xi32, #tpu.memory_space<vmem>>
        %dma_wait3A_548 = tpu.memref_squeeze %dma_wait3A_547 : memref<1x128xi32, #tpu.memory_space<vmem>> -> memref<128xi32, #tpu.memory_space<vmem>>
        %dma_wait3A_549 = arith.constant 0 : i32
        %dma_wait3A_550 = arith.constant 0 : i32
        %dma_wait3A_551 = tpu.memref_slice %arg11[%dma_wait3A_549, %dma_wait3A_550] : memref<10240x64xi16, #tpu.memory_space<vmem_shared>> -> memref<10240x64xi16, #tpu.memory_space<vmem_shared>>
        %dma_wait3A_552 = tpu.memref_slice %arg13[%dma_wait3A_541] : memref<8x!tpu.dma_semaphore, #tpu.memory_space<semaphore_mem>> -> memref<1x!tpu.dma_semaphore, #tpu.memory_space<semaphore_mem>>
        %dma_wait3A_553 = tpu.memref_squeeze %dma_wait3A_552 : memref<1x!tpu.dma_semaphore, #tpu.memory_space<semaphore_mem>> -> memref<!tpu.dma_semaphore, #tpu.memory_space<semaphore_mem>>
        tpu.wait_indirect_dma semaphore(%dma_wait3A_553 : memref<!tpu.dma_semaphore, #tpu.memory_space<semaphore_mem>>) src(%dma_wait3A_545 : memref<128x64xi16, #tpu.memory_space<vmem>>) dst(%dma_wait3A_551 : memref<10240x64xi16, #tpu.memory_space<vmem_shared>>)
      } else {
      }
      %add3A_139 = arith.constant 4 : i32
      %add3A_140 = arith.addi %add3A_136, %add3A_139 : i32
      %dma_start3A_141 = arith.constant 4 : i32
      %dma_start3A_142 = arith.constant 4 : i32
      %dma_start3A_143 = arith.constant 0 : i32
      %dma_start3A_144 = arith.constant 0 : i32
      %dma_start3A_145 = tpu.memref_slice %arg9[%dma_start3A_141, %dma_start3A_143, %dma_start3A_144] : memref<8x128x64xi16, #tpu.memory_space<vmem>> -> memref<1x128x64xi16, #tpu.memory_space<vmem>>
      %dma_start3A_146 = tpu.memref_squeeze %dma_start3A_145 : memref<1x128x64xi16, #tpu.memory_space<vmem>> -> memref<128x64xi16, #tpu.memory_space<vmem>>
      %dma_start3A_147 = arith.constant 0 : i32
      %dma_start3A_148 = tpu.memref_slice %arg7[%add3A_140, %dma_start3A_147] : memref<80x128xi32, #tpu.memory_space<vmem>> -> memref<1x128xi32, #tpu.memory_space<vmem>>
      %dma_start3A_149 = tpu.memref_squeeze %dma_start3A_148 : memref<1x128xi32, #tpu.memory_space<vmem>> -> memref<128xi32, #tpu.memory_space<vmem>>
      %dma_start3A_150 = arith.constant 0 : i32
      %dma_start3A_151 = arith.constant 0 : i32
      %dma_start3A_152 = tpu.memref_slice %arg10[%dma_start3A_150, %dma_start3A_151] : memref<10240x64xi16, #tpu.memory_space<vmem_shared>> -> memref<10240x64xi16, #tpu.memory_space<vmem_shared>>
      %dma_start3A_153 = tpu.memref_slice %arg12[%dma_start3A_142] : memref<8x!tpu.dma_semaphore, #tpu.memory_space<semaphore_mem>> -> memref<1x!tpu.dma_semaphore, #tpu.memory_space<semaphore_mem>>
      %dma_start3A_154 = tpu.memref_squeeze %dma_start3A_153 : memref<1x!tpu.dma_semaphore, #tpu.memory_space<semaphore_mem>> -> memref<!tpu.dma_semaphore, #tpu.memory_space<semaphore_mem>>
      tpu.enqueue_indirect_dma source(%dma_start3A_152 : memref<10240x64xi16, #tpu.memory_space<vmem_shared>>) target(%dma_start3A_146 : memref<128x64xi16, #tpu.memory_space<vmem>>) offsets(%dma_start3A_149 : memref<128xi32, #tpu.memory_space<vmem>>) semaphore(%dma_start3A_154 : memref<!tpu.dma_semaphore, #tpu.memory_space<semaphore_mem>>)
      %dma_wait3A_155 = arith.constant 0 : i32
      %dma_wait3A_156 = arith.constant 0 : i32
      %dma_wait3A_157 = arith.constant 0 : i32
      %dma_wait3A_158 = arith.constant 0 : i32
      %dma_wait3A_159 = tpu.memref_slice %arg9[%dma_wait3A_155, %dma_wait3A_157, %dma_wait3A_158] : memref<8x128x64xi16, #tpu.memory_space<vmem>> -> memref<1x128x64xi16, #tpu.memory_space<vmem>>
      %dma_wait3A_160 = tpu.memref_squeeze %dma_wait3A_159 : memref<1x128x64xi16, #tpu.memory_space<vmem>> -> memref<128x64xi16, #tpu.memory_space<vmem>>
      %dma_wait3A_161 = arith.constant 0 : i32
      %dma_wait3A_162 = tpu.memref_slice %arg7[%add3A_136, %dma_wait3A_161] : memref<80x128xi32, #tpu.memory_space<vmem>> -> memref<1x128xi32, #tpu.memory_space<vmem>>
      %dma_wait3A_163 = tpu.memref_squeeze %dma_wait3A_162 : memref<1x128xi32, #tpu.memory_space<vmem>> -> memref<128xi32, #tpu.memory_space<vmem>>
      %dma_wait3A_164 = arith.constant 0 : i32
      %dma_wait3A_165 = arith.constant 0 : i32
      %dma_wait3A_166 = tpu.memref_slice %arg10[%dma_wait3A_164, %dma_wait3A_165] : memref<10240x64xi16, #tpu.memory_space<vmem_shared>> -> memref<10240x64xi16, #tpu.memory_space<vmem_shared>>
      %dma_wait3A_167 = tpu.memref_slice %arg12[%dma_wait3A_156] : memref<8x!tpu.dma_semaphore, #tpu.memory_space<semaphore_mem>> -> memref<1x!tpu.dma_semaphore, #tpu.memory_space<semaphore_mem>>
      %dma_wait3A_168 = tpu.memref_squeeze %dma_wait3A_167 : memref<1x!tpu.dma_semaphore, #tpu.memory_space<semaphore_mem>> -> memref<!tpu.dma_semaphore, #tpu.memory_space<semaphore_mem>>
      tpu.wait_indirect_dma semaphore(%dma_wait3A_168 : memref<!tpu.dma_semaphore, #tpu.memory_space<semaphore_mem>>) src(%dma_wait3A_166 : memref<10240x64xi16, #tpu.memory_space<vmem_shared>>) dst(%dma_wait3A_160 : memref<128x64xi16, #tpu.memory_space<vmem>>)
      %dma_start3A_169 = arith.constant 0 : i32
      %dma_start3A_170 = arith.constant 0 : i32
      %dma_start3A_171 = arith.constant 0 : i32
      %dma_start3A_172 = arith.constant 0 : i32
      %dma_start3A_173 = tpu.memref_slice %arg9[%dma_start3A_169, %dma_start3A_171, %dma_start3A_172] : memref<8x128x64xi16, #tpu.memory_space<vmem>> -> memref<1x128x64xi16, #tpu.memory_space<vmem>>
      %dma_start3A_174 = tpu.memref_squeeze %dma_start3A_173 : memref<1x128x64xi16, #tpu.memory_space<vmem>> -> memref<128x64xi16, #tpu.memory_space<vmem>>
      %dma_start3A_175 = arith.constant 0 : i32
      %dma_start3A_176 = tpu.memref_slice %arg8[%add3A_136, %dma_start3A_175] : memref<80x128xi32, #tpu.memory_space<vmem>> -> memref<1x128xi32, #tpu.memory_space<vmem>>
      %dma_start3A_177 = tpu.memref_squeeze %dma_start3A_176 : memref<1x128xi32, #tpu.memory_space<vmem>> -> memref<128xi32, #tpu.memory_space<vmem>>
      %dma_start3A_178 = arith.constant 0 : i32
      %dma_start3A_179 = arith.constant 0 : i32
      %dma_start3A_180 = tpu.memref_slice %arg11[%dma_start3A_178, %dma_start3A_179] : memref<10240x64xi16, #tpu.memory_space<vmem_shared>> -> memref<10240x64xi16, #tpu.memory_space<vmem_shared>>
      %dma_start3A_181 = tpu.memref_slice %arg13[%dma_start3A_170] : memref<8x!tpu.dma_semaphore, #tpu.memory_space<semaphore_mem>> -> memref<1x!tpu.dma_semaphore, #tpu.memory_space<semaphore_mem>>
      %dma_start3A_182 = tpu.memref_squeeze %dma_start3A_181 : memref<1x!tpu.dma_semaphore, #tpu.memory_space<semaphore_mem>> -> memref<!tpu.dma_semaphore, #tpu.memory_space<semaphore_mem>>
      tpu.enqueue_indirect_dma source(%dma_start3A_174 : memref<128x64xi16, #tpu.memory_space<vmem>>) target(%dma_start3A_180 : memref<10240x64xi16, #tpu.memory_space<vmem_shared>>) offsets(%dma_start3A_177 : memref<128xi32, #tpu.memory_space<vmem>>) semaphore(%dma_start3A_182 : memref<!tpu.dma_semaphore, #tpu.memory_space<semaphore_mem>>) {add = true}
      %add3A_183 = arith.constant 1 : i32
      %add3A_184 = arith.addi %mul3A_134, %add3A_183 : i32
      %ge3A_185 = arith.constant 1 : i32
      %ge3A_186 = arith.cmpi sge, %scan3A_132, %ge3A_185 : i32
      %convert_element_type3A_187 = arith.extui %ge3A_186 : i1 to i32
      %cond3A_188 = arith.constant 0 : i32
      %cond3A_189 = arith.cmpi ne, %convert_element_type3A_187, %cond3A_188 : i32
      scf.if %cond3A_189 {
        %sub3A_538 = arith.constant 4 : i32
        %sub3A_539 = arith.subi %add3A_184, %sub3A_538 : i32
        %dma_wait3A_540 = arith.constant 5 : i32
        %dma_wait3A_541 = arith.constant 5 : i32
        %dma_wait3A_542 = arith.constant 0 : i32
        %dma_wait3A_543 = arith.constant 0 : i32
        %dma_wait3A_544 = tpu.memref_slice %arg9[%dma_wait3A_540, %dma_wait3A_542, %dma_wait3A_543] : memref<8x128x64xi16, #tpu.memory_space<vmem>> -> memref<1x128x64xi16, #tpu.memory_space<vmem>>
        %dma_wait3A_545 = tpu.memref_squeeze %dma_wait3A_544 : memref<1x128x64xi16, #tpu.memory_space<vmem>> -> memref<128x64xi16, #tpu.memory_space<vmem>>
        %dma_wait3A_546 = arith.constant 0 : i32
        %dma_wait3A_547 = tpu.memref_slice %arg8[%sub3A_539, %dma_wait3A_546] : memref<80x128xi32, #tpu.memory_space<vmem>> -> memref<1x128xi32, #tpu.memory_space<vmem>>
        %dma_wait3A_548 = tpu.memref_squeeze %dma_wait3A_547 : memref<1x128xi32, #tpu.memory_space<vmem>> -> memref<128xi32, #tpu.memory_space<vmem>>
        %dma_wait3A_549 = arith.constant 0 : i32
        %dma_wait3A_550 = arith.constant 0 : i32
        %dma_wait3A_551 = tpu.memref_slice %arg11[%dma_wait3A_549, %dma_wait3A_550] : memref<10240x64xi16, #tpu.memory_space<vmem_shared>> -> memref<10240x64xi16, #tpu.memory_space<vmem_shared>>
        %dma_wait3A_552 = tpu.memref_slice %arg13[%dma_wait3A_541] : memref<8x!tpu.dma_semaphore, #tpu.memory_space<semaphore_mem>> -> memref<1x!tpu.dma_semaphore, #tpu.memory_space<semaphore_mem>>
        %dma_wait3A_553 = tpu.memref_squeeze %dma_wait3A_552 : memref<1x!tpu.dma_semaphore, #tpu.memory_space<semaphore_mem>> -> memref<!tpu.dma_semaphore, #tpu.memory_space<semaphore_mem>>
        tpu.wait_indirect_dma semaphore(%dma_wait3A_553 : memref<!tpu.dma_semaphore, #tpu.memory_space<semaphore_mem>>) src(%dma_wait3A_545 : memref<128x64xi16, #tpu.memory_space<vmem>>) dst(%dma_wait3A_551 : memref<10240x64xi16, #tpu.memory_space<vmem_shared>>)
      } else {
      }
      %add3A_190 = arith.constant 4 : i32
      %add3A_191 = arith.addi %add3A_184, %add3A_190 : i32
      %dma_start3A_192 = arith.constant 5 : i32
      %dma_start3A_193 = arith.constant 5 : i32
      %dma_start3A_194 = arith.constant 0 : i32
      %dma_start3A_195 = arith.constant 0 : i32
      %dma_start3A_196 = tpu.memref_slice %arg9[%dma_start3A_192, %dma_start3A_194, %dma_start3A_195] : memref<8x128x64xi16, #tpu.memory_space<vmem>> -> memref<1x128x64xi16, #tpu.memory_space<vmem>>
      %dma_start3A_197 = tpu.memref_squeeze %dma_start3A_196 : memref<1x128x64xi16, #tpu.memory_space<vmem>> -> memref<128x64xi16, #tpu.memory_space<vmem>>
      %dma_start3A_198 = arith.constant 0 : i32
      %dma_start3A_199 = tpu.memref_slice %arg7[%add3A_191, %dma_start3A_198] : memref<80x128xi32, #tpu.memory_space<vmem>> -> memref<1x128xi32, #tpu.memory_space<vmem>>
      %dma_start3A_200 = tpu.memref_squeeze %dma_start3A_199 : memref<1x128xi32, #tpu.memory_space<vmem>> -> memref<128xi32, #tpu.memory_space<vmem>>
      %dma_start3A_201 = arith.constant 0 : i32
      %dma_start3A_202 = arith.constant 0 : i32
      %dma_start3A_203 = tpu.memref_slice %arg10[%dma_start3A_201, %dma_start3A_202] : memref<10240x64xi16, #tpu.memory_space<vmem_shared>> -> memref<10240x64xi16, #tpu.memory_space<vmem_shared>>
      %dma_start3A_204 = tpu.memref_slice %arg12[%dma_start3A_193] : memref<8x!tpu.dma_semaphore, #tpu.memory_space<semaphore_mem>> -> memref<1x!tpu.dma_semaphore, #tpu.memory_space<semaphore_mem>>
      %dma_start3A_205 = tpu.memref_squeeze %dma_start3A_204 : memref<1x!tpu.dma_semaphore, #tpu.memory_space<semaphore_mem>> -> memref<!tpu.dma_semaphore, #tpu.memory_space<semaphore_mem>>
      tpu.enqueue_indirect_dma source(%dma_start3A_203 : memref<10240x64xi16, #tpu.memory_space<vmem_shared>>) target(%dma_start3A_197 : memref<128x64xi16, #tpu.memory_space<vmem>>) offsets(%dma_start3A_200 : memref<128xi32, #tpu.memory_space<vmem>>) semaphore(%dma_start3A_205 : memref<!tpu.dma_semaphore, #tpu.memory_space<semaphore_mem>>)
      %dma_wait3A_206 = arith.constant 1 : i32
      %dma_wait3A_207 = arith.constant 1 : i32
      %dma_wait3A_208 = arith.constant 0 : i32
      %dma_wait3A_209 = arith.constant 0 : i32
      %dma_wait3A_210 = tpu.memref_slice %arg9[%dma_wait3A_206, %dma_wait3A_208, %dma_wait3A_209] : memref<8x128x64xi16, #tpu.memory_space<vmem>> -> memref<1x128x64xi16, #tpu.memory_space<vmem>>
      %dma_wait3A_211 = tpu.memref_squeeze %dma_wait3A_210 : memref<1x128x64xi16, #tpu.memory_space<vmem>> -> memref<128x64xi16, #tpu.memory_space<vmem>>
      %dma_wait3A_212 = arith.constant 0 : i32
      %dma_wait3A_213 = tpu.memref_slice %arg7[%add3A_184, %dma_wait3A_212] : memref<80x128xi32, #tpu.memory_space<vmem>> -> memref<1x128xi32, #tpu.memory_space<vmem>>
      %dma_wait3A_214 = tpu.memref_squeeze %dma_wait3A_213 : memref<1x128xi32, #tpu.memory_space<vmem>> -> memref<128xi32, #tpu.memory_space<vmem>>
      %dma_wait3A_215 = arith.constant 0 : i32
      %dma_wait3A_216 = arith.constant 0 : i32
      %dma_wait3A_217 = tpu.memref_slice %arg10[%dma_wait3A_215, %dma_wait3A_216] : memref<10240x64xi16, #tpu.memory_space<vmem_shared>> -> memref<10240x64xi16, #tpu.memory_space<vmem_shared>>
      %dma_wait3A_218 = tpu.memref_slice %arg12[%dma_wait3A_207] : memref<8x!tpu.dma_semaphore, #tpu.memory_space<semaphore_mem>> -> memref<1x!tpu.dma_semaphore, #tpu.memory_space<semaphore_mem>>
      %dma_wait3A_219 = tpu.memref_squeeze %dma_wait3A_218 : memref<1x!tpu.dma_semaphore, #tpu.memory_space<semaphore_mem>> -> memref<!tpu.dma_semaphore, #tpu.memory_space<semaphore_mem>>
      tpu.wait_indirect_dma semaphore(%dma_wait3A_219 : memref<!tpu.dma_semaphore, #tpu.memory_space<semaphore_mem>>) src(%dma_wait3A_217 : memref<10240x64xi16, #tpu.memory_space<vmem_shared>>) dst(%dma_wait3A_211 : memref<128x64xi16, #tpu.memory_space<vmem>>)
      %dma_start3A_220 = arith.constant 1 : i32
      %dma_start3A_221 = arith.constant 1 : i32
      %dma_start3A_222 = arith.constant 0 : i32
      %dma_start3A_223 = arith.constant 0 : i32
      %dma_start3A_224 = tpu.memref_slice %arg9[%dma_start3A_220, %dma_start3A_222, %dma_start3A_223] : memref<8x128x64xi16, #tpu.memory_space<vmem>> -> memref<1x128x64xi16, #tpu.memory_space<vmem>>
      %dma_start3A_225 = tpu.memref_squeeze %dma_start3A_224 : memref<1x128x64xi16, #tpu.memory_space<vmem>> -> memref<128x64xi16, #tpu.memory_space<vmem>>
      %dma_start3A_226 = arith.constant 0 : i32
      %dma_start3A_227 = tpu.memref_slice %arg8[%add3A_184, %dma_start3A_226] : memref<80x128xi32, #tpu.memory_space<vmem>> -> memref<1x128xi32, #tpu.memory_space<vmem>>
      %dma_start3A_228 = tpu.memref_squeeze %dma_start3A_227 : memref<1x128xi32, #tpu.memory_space<vmem>> -> memref<128xi32, #tpu.memory_space<vmem>>
      %dma_start3A_229 = arith.constant 0 : i32
      %dma_start3A_230 = arith.constant 0 : i32
      %dma_start3A_231 = tpu.memref_slice %arg11[%dma_start3A_229, %dma_start3A_230] : memref<10240x64xi16, #tpu.memory_space<vmem_shared>> -> memref<10240x64xi16, #tpu.memory_space<vmem_shared>>
      %dma_start3A_232 = tpu.memref_slice %arg13[%dma_start3A_221] : memref<8x!tpu.dma_semaphore, #tpu.memory_space<semaphore_mem>> -> memref<1x!tpu.dma_semaphore, #tpu.memory_space<semaphore_mem>>
      %dma_start3A_233 = tpu.memref_squeeze %dma_start3A_232 : memref<1x!tpu.dma_semaphore, #tpu.memory_space<semaphore_mem>> -> memref<!tpu.dma_semaphore, #tpu.memory_space<semaphore_mem>>
      tpu.enqueue_indirect_dma source(%dma_start3A_225 : memref<128x64xi16, #tpu.memory_space<vmem>>) target(%dma_start3A_231 : memref<10240x64xi16, #tpu.memory_space<vmem_shared>>) offsets(%dma_start3A_228 : memref<128xi32, #tpu.memory_space<vmem>>) semaphore(%dma_start3A_233 : memref<!tpu.dma_semaphore, #tpu.memory_space<semaphore_mem>>) {add = true}
      %add3A_234 = arith.constant 2 : i32
      %add3A_235 = arith.addi %mul3A_134, %add3A_234 : i32
      %ge3A_236 = arith.constant 1 : i32
      %ge3A_237 = arith.cmpi sge, %scan3A_132, %ge3A_236 : i32
      %convert_element_type3A_238 = arith.extui %ge3A_237 : i1 to i32
      %cond3A_239 = arith.constant 0 : i32
      %cond3A_240 = arith.cmpi ne, %convert_element_type3A_238, %cond3A_239 : i32
      scf.if %cond3A_240 {
        %sub3A_538 = arith.constant 4 : i32
        %sub3A_539 = arith.subi %add3A_235, %sub3A_538 : i32
        %dma_wait3A_540 = arith.constant 6 : i32
        %dma_wait3A_541 = arith.constant 6 : i32
        %dma_wait3A_542 = arith.constant 0 : i32
        %dma_wait3A_543 = arith.constant 0 : i32
        %dma_wait3A_544 = tpu.memref_slice %arg9[%dma_wait3A_540, %dma_wait3A_542, %dma_wait3A_543] : memref<8x128x64xi16, #tpu.memory_space<vmem>> -> memref<1x128x64xi16, #tpu.memory_space<vmem>>
        %dma_wait3A_545 = tpu.memref_squeeze %dma_wait3A_544 : memref<1x128x64xi16, #tpu.memory_space<vmem>> -> memref<128x64xi16, #tpu.memory_space<vmem>>
        %dma_wait3A_546 = arith.constant 0 : i32
        %dma_wait3A_547 = tpu.memref_slice %arg8[%sub3A_539, %dma_wait3A_546] : memref<80x128xi32, #tpu.memory_space<vmem>> -> memref<1x128xi32, #tpu.memory_space<vmem>>
        %dma_wait3A_548 = tpu.memref_squeeze %dma_wait3A_547 : memref<1x128xi32, #tpu.memory_space<vmem>> -> memref<128xi32, #tpu.memory_space<vmem>>
        %dma_wait3A_549 = arith.constant 0 : i32
        %dma_wait3A_550 = arith.constant 0 : i32
        %dma_wait3A_551 = tpu.memref_slice %arg11[%dma_wait3A_549, %dma_wait3A_550] : memref<10240x64xi16, #tpu.memory_space<vmem_shared>> -> memref<10240x64xi16, #tpu.memory_space<vmem_shared>>
        %dma_wait3A_552 = tpu.memref_slice %arg13[%dma_wait3A_541] : memref<8x!tpu.dma_semaphore, #tpu.memory_space<semaphore_mem>> -> memref<1x!tpu.dma_semaphore, #tpu.memory_space<semaphore_mem>>
        %dma_wait3A_553 = tpu.memref_squeeze %dma_wait3A_552 : memref<1x!tpu.dma_semaphore, #tpu.memory_space<semaphore_mem>> -> memref<!tpu.dma_semaphore, #tpu.memory_space<semaphore_mem>>
        tpu.wait_indirect_dma semaphore(%dma_wait3A_553 : memref<!tpu.dma_semaphore, #tpu.memory_space<semaphore_mem>>) src(%dma_wait3A_545 : memref<128x64xi16, #tpu.memory_space<vmem>>) dst(%dma_wait3A_551 : memref<10240x64xi16, #tpu.memory_space<vmem_shared>>)
      } else {
      }
      %add3A_241 = arith.constant 4 : i32
      %add3A_242 = arith.addi %add3A_235, %add3A_241 : i32
      %dma_start3A_243 = arith.constant 6 : i32
      %dma_start3A_244 = arith.constant 6 : i32
      %dma_start3A_245 = arith.constant 0 : i32
      %dma_start3A_246 = arith.constant 0 : i32
      %dma_start3A_247 = tpu.memref_slice %arg9[%dma_start3A_243, %dma_start3A_245, %dma_start3A_246] : memref<8x128x64xi16, #tpu.memory_space<vmem>> -> memref<1x128x64xi16, #tpu.memory_space<vmem>>
      %dma_start3A_248 = tpu.memref_squeeze %dma_start3A_247 : memref<1x128x64xi16, #tpu.memory_space<vmem>> -> memref<128x64xi16, #tpu.memory_space<vmem>>
      %dma_start3A_249 = arith.constant 0 : i32
      %dma_start3A_250 = tpu.memref_slice %arg7[%add3A_242, %dma_start3A_249] : memref<80x128xi32, #tpu.memory_space<vmem>> -> memref<1x128xi32, #tpu.memory_space<vmem>>
      %dma_start3A_251 = tpu.memref_squeeze %dma_start3A_250 : memref<1x128xi32, #tpu.memory_space<vmem>> -> memref<128xi32, #tpu.memory_space<vmem>>
      %dma_start3A_252 = arith.constant 0 : i32
      %dma_start3A_253 = arith.constant 0 : i32
      %dma_start3A_254 = tpu.memref_slice %arg10[%dma_start3A_252, %dma_start3A_253] : memref<10240x64xi16, #tpu.memory_space<vmem_shared>> -> memref<10240x64xi16, #tpu.memory_space<vmem_shared>>
      %dma_start3A_255 = tpu.memref_slice %arg12[%dma_start3A_244] : memref<8x!tpu.dma_semaphore, #tpu.memory_space<semaphore_mem>> -> memref<1x!tpu.dma_semaphore, #tpu.memory_space<semaphore_mem>>
      %dma_start3A_256 = tpu.memref_squeeze %dma_start3A_255 : memref<1x!tpu.dma_semaphore, #tpu.memory_space<semaphore_mem>> -> memref<!tpu.dma_semaphore, #tpu.memory_space<semaphore_mem>>
      tpu.enqueue_indirect_dma source(%dma_start3A_254 : memref<10240x64xi16, #tpu.memory_space<vmem_shared>>) target(%dma_start3A_248 : memref<128x64xi16, #tpu.memory_space<vmem>>) offsets(%dma_start3A_251 : memref<128xi32, #tpu.memory_space<vmem>>) semaphore(%dma_start3A_256 : memref<!tpu.dma_semaphore, #tpu.memory_space<semaphore_mem>>)
      %dma_wait3A_257 = arith.constant 2 : i32
      %dma_wait3A_258 = arith.constant 2 : i32
      %dma_wait3A_259 = arith.constant 0 : i32
      %dma_wait3A_260 = arith.constant 0 : i32
      %dma_wait3A_261 = tpu.memref_slice %arg9[%dma_wait3A_257, %dma_wait3A_259, %dma_wait3A_260] : memref<8x128x64xi16, #tpu.memory_space<vmem>> -> memref<1x128x64xi16, #tpu.memory_space<vmem>>
      %dma_wait3A_262 = tpu.memref_squeeze %dma_wait3A_261 : memref<1x128x64xi16, #tpu.memory_space<vmem>> -> memref<128x64xi16, #tpu.memory_space<vmem>>
      %dma_wait3A_263 = arith.constant 0 : i32
      %dma_wait3A_264 = tpu.memref_slice %arg7[%add3A_235, %dma_wait3A_263] : memref<80x128xi32, #tpu.memory_space<vmem>> -> memref<1x128xi32, #tpu.memory_space<vmem>>
      %dma_wait3A_265 = tpu.memref_squeeze %dma_wait3A_264 : memref<1x128xi32, #tpu.memory_space<vmem>> -> memref<128xi32, #tpu.memory_space<vmem>>
      %dma_wait3A_266 = arith.constant 0 : i32
      %dma_wait3A_267 = arith.constant 0 : i32
      %dma_wait3A_268 = tpu.memref_slice %arg10[%dma_wait3A_266, %dma_wait3A_267] : memref<10240x64xi16, #tpu.memory_space<vmem_shared>> -> memref<10240x64xi16, #tpu.memory_space<vmem_shared>>
      %dma_wait3A_269 = tpu.memref_slice %arg12[%dma_wait3A_258] : memref<8x!tpu.dma_semaphore, #tpu.memory_space<semaphore_mem>> -> memref<1x!tpu.dma_semaphore, #tpu.memory_space<semaphore_mem>>
      %dma_wait3A_270 = tpu.memref_squeeze %dma_wait3A_269 : memref<1x!tpu.dma_semaphore, #tpu.memory_space<semaphore_mem>> -> memref<!tpu.dma_semaphore, #tpu.memory_space<semaphore_mem>>
      tpu.wait_indirect_dma semaphore(%dma_wait3A_270 : memref<!tpu.dma_semaphore, #tpu.memory_space<semaphore_mem>>) src(%dma_wait3A_268 : memref<10240x64xi16, #tpu.memory_space<vmem_shared>>) dst(%dma_wait3A_262 : memref<128x64xi16, #tpu.memory_space<vmem>>)
      %dma_start3A_271 = arith.constant 2 : i32
      %dma_start3A_272 = arith.constant 2 : i32
      %dma_start3A_273 = arith.constant 0 : i32
      %dma_start3A_274 = arith.constant 0 : i32
      %dma_start3A_275 = tpu.memref_slice %arg9[%dma_start3A_271, %dma_start3A_273, %dma_start3A_274] : memref<8x128x64xi16, #tpu.memory_space<vmem>> -> memref<1x128x64xi16, #tpu.memory_space<vmem>>
      %dma_start3A_276 = tpu.memref_squeeze %dma_start3A_275 : memref<1x128x64xi16, #tpu.memory_space<vmem>> -> memref<128x64xi16, #tpu.memory_space<vmem>>
      %dma_start3A_277 = arith.constant 0 : i32
      %dma_start3A_278 = tpu.memref_slice %arg8[%add3A_235, %dma_start3A_277] : memref<80x128xi32, #tpu.memory_space<vmem>> -> memref<1x128xi32, #tpu.memory_space<vmem>>
      %dma_start3A_279 = tpu.memref_squeeze %dma_start3A_278 : memref<1x128xi32, #tpu.memory_space<vmem>> -> memref<128xi32, #tpu.memory_space<vmem>>
      %dma_start3A_280 = arith.constant 0 : i32
      %dma_start3A_281 = arith.constant 0 : i32
      %dma_start3A_282 = tpu.memref_slice %arg11[%dma_start3A_280, %dma_start3A_281] : memref<10240x64xi16, #tpu.memory_space<vmem_shared>> -> memref<10240x64xi16, #tpu.memory_space<vmem_shared>>
      %dma_start3A_283 = tpu.memref_slice %arg13[%dma_start3A_272] : memref<8x!tpu.dma_semaphore, #tpu.memory_space<semaphore_mem>> -> memref<1x!tpu.dma_semaphore, #tpu.memory_space<semaphore_mem>>
      %dma_start3A_284 = tpu.memref_squeeze %dma_start3A_283 : memref<1x!tpu.dma_semaphore, #tpu.memory_space<semaphore_mem>> -> memref<!tpu.dma_semaphore, #tpu.memory_space<semaphore_mem>>
      tpu.enqueue_indirect_dma source(%dma_start3A_276 : memref<128x64xi16, #tpu.memory_space<vmem>>) target(%dma_start3A_282 : memref<10240x64xi16, #tpu.memory_space<vmem_shared>>) offsets(%dma_start3A_279 : memref<128xi32, #tpu.memory_space<vmem>>) semaphore(%dma_start3A_284 : memref<!tpu.dma_semaphore, #tpu.memory_space<semaphore_mem>>) {add = true}
      %add3A_285 = arith.constant 3 : i32
      %add3A_286 = arith.addi %mul3A_134, %add3A_285 : i32
      %ge3A_287 = arith.constant 1 : i32
      %ge3A_288 = arith.cmpi sge, %scan3A_132, %ge3A_287 : i32
      %convert_element_type3A_289 = arith.extui %ge3A_288 : i1 to i32
      %cond3A_290 = arith.constant 0 : i32
      %cond3A_291 = arith.cmpi ne, %convert_element_type3A_289, %cond3A_290 : i32
      scf.if %cond3A_291 {
        %sub3A_538 = arith.constant 4 : i32
        %sub3A_539 = arith.subi %add3A_286, %sub3A_538 : i32
        %dma_wait3A_540 = arith.constant 7 : i32
        %dma_wait3A_541 = arith.constant 7 : i32
        %dma_wait3A_542 = arith.constant 0 : i32
        %dma_wait3A_543 = arith.constant 0 : i32
        %dma_wait3A_544 = tpu.memref_slice %arg9[%dma_wait3A_540, %dma_wait3A_542, %dma_wait3A_543] : memref<8x128x64xi16, #tpu.memory_space<vmem>> -> memref<1x128x64xi16, #tpu.memory_space<vmem>>
        %dma_wait3A_545 = tpu.memref_squeeze %dma_wait3A_544 : memref<1x128x64xi16, #tpu.memory_space<vmem>> -> memref<128x64xi16, #tpu.memory_space<vmem>>
        %dma_wait3A_546 = arith.constant 0 : i32
        %dma_wait3A_547 = tpu.memref_slice %arg8[%sub3A_539, %dma_wait3A_546] : memref<80x128xi32, #tpu.memory_space<vmem>> -> memref<1x128xi32, #tpu.memory_space<vmem>>
        %dma_wait3A_548 = tpu.memref_squeeze %dma_wait3A_547 : memref<1x128xi32, #tpu.memory_space<vmem>> -> memref<128xi32, #tpu.memory_space<vmem>>
        %dma_wait3A_549 = arith.constant 0 : i32
        %dma_wait3A_550 = arith.constant 0 : i32
        %dma_wait3A_551 = tpu.memref_slice %arg11[%dma_wait3A_549, %dma_wait3A_550] : memref<10240x64xi16, #tpu.memory_space<vmem_shared>> -> memref<10240x64xi16, #tpu.memory_space<vmem_shared>>
        %dma_wait3A_552 = tpu.memref_slice %arg13[%dma_wait3A_541] : memref<8x!tpu.dma_semaphore, #tpu.memory_space<semaphore_mem>> -> memref<1x!tpu.dma_semaphore, #tpu.memory_space<semaphore_mem>>
        %dma_wait3A_553 = tpu.memref_squeeze %dma_wait3A_552 : memref<1x!tpu.dma_semaphore, #tpu.memory_space<semaphore_mem>> -> memref<!tpu.dma_semaphore, #tpu.memory_space<semaphore_mem>>
        tpu.wait_indirect_dma semaphore(%dma_wait3A_553 : memref<!tpu.dma_semaphore, #tpu.memory_space<semaphore_mem>>) src(%dma_wait3A_545 : memref<128x64xi16, #tpu.memory_space<vmem>>) dst(%dma_wait3A_551 : memref<10240x64xi16, #tpu.memory_space<vmem_shared>>)
      } else {
      }
      %add3A_292 = arith.constant 4 : i32
      %add3A_293 = arith.addi %add3A_286, %add3A_292 : i32
      %dma_start3A_294 = arith.constant 7 : i32
      %dma_start3A_295 = arith.constant 7 : i32
      %dma_start3A_296 = arith.constant 0 : i32
      %dma_start3A_297 = arith.constant 0 : i32
      %dma_start3A_298 = tpu.memref_slice %arg9[%dma_start3A_294, %dma_start3A_296, %dma_start3A_297] : memref<8x128x64xi16, #tpu.memory_space<vmem>> -> memref<1x128x64xi16, #tpu.memory_space<vmem>>
      %dma_start3A_299 = tpu.memref_squeeze %dma_start3A_298 : memref<1x128x64xi16, #tpu.memory_space<vmem>> -> memref<128x64xi16, #tpu.memory_space<vmem>>
      %dma_start3A_300 = arith.constant 0 : i32
      %dma_start3A_301 = tpu.memref_slice %arg7[%add3A_293, %dma_start3A_300] : memref<80x128xi32, #tpu.memory_space<vmem>> -> memref<1x128xi32, #tpu.memory_space<vmem>>
      %dma_start3A_302 = tpu.memref_squeeze %dma_start3A_301 : memref<1x128xi32, #tpu.memory_space<vmem>> -> memref<128xi32, #tpu.memory_space<vmem>>
      %dma_start3A_303 = arith.constant 0 : i32
      %dma_start3A_304 = arith.constant 0 : i32
      %dma_start3A_305 = tpu.memref_slice %arg10[%dma_start3A_303, %dma_start3A_304] : memref<10240x64xi16, #tpu.memory_space<vmem_shared>> -> memref<10240x64xi16, #tpu.memory_space<vmem_shared>>
      %dma_start3A_306 = tpu.memref_slice %arg12[%dma_start3A_295] : memref<8x!tpu.dma_semaphore, #tpu.memory_space<semaphore_mem>> -> memref<1x!tpu.dma_semaphore, #tpu.memory_space<semaphore_mem>>
      %dma_start3A_307 = tpu.memref_squeeze %dma_start3A_306 : memref<1x!tpu.dma_semaphore, #tpu.memory_space<semaphore_mem>> -> memref<!tpu.dma_semaphore, #tpu.memory_space<semaphore_mem>>
      tpu.enqueue_indirect_dma source(%dma_start3A_305 : memref<10240x64xi16, #tpu.memory_space<vmem_shared>>) target(%dma_start3A_299 : memref<128x64xi16, #tpu.memory_space<vmem>>) offsets(%dma_start3A_302 : memref<128xi32, #tpu.memory_space<vmem>>) semaphore(%dma_start3A_307 : memref<!tpu.dma_semaphore, #tpu.memory_space<semaphore_mem>>)
      %dma_wait3A_308 = arith.constant 3 : i32
      %dma_wait3A_309 = arith.constant 3 : i32
      %dma_wait3A_310 = arith.constant 0 : i32
      %dma_wait3A_311 = arith.constant 0 : i32
      %dma_wait3A_312 = tpu.memref_slice %arg9[%dma_wait3A_308, %dma_wait3A_310, %dma_wait3A_311] : memref<8x128x64xi16, #tpu.memory_space<vmem>> -> memref<1x128x64xi16, #tpu.memory_space<vmem>>
      %dma_wait3A_313 = tpu.memref_squeeze %dma_wait3A_312 : memref<1x128x64xi16, #tpu.memory_space<vmem>> -> memref<128x64xi16, #tpu.memory_space<vmem>>
      %dma_wait3A_314 = arith.constant 0 : i32
      %dma_wait3A_315 = tpu.memref_slice %arg7[%add3A_286, %dma_wait3A_314] : memref<80x128xi32, #tpu.memory_space<vmem>> -> memref<1x128xi32, #tpu.memory_space<vmem>>
      %dma_wait3A_316 = tpu.memref_squeeze %dma_wait3A_315 : memref<1x128xi32, #tpu.memory_space<vmem>> -> memref<128xi32, #tpu.memory_space<vmem>>
      %dma_wait3A_317 = arith.constant 0 : i32
      %dma_wait3A_318 = arith.constant 0 : i32
      %dma_wait3A_319 = tpu.memref_slice %arg10[%dma_wait3A_317, %dma_wait3A_318] : memref<10240x64xi16, #tpu.memory_space<vmem_shared>> -> memref<10240x64xi16, #tpu.memory_space<vmem_shared>>
      %dma_wait3A_320 = tpu.memref_slice %arg12[%dma_wait3A_309] : memref<8x!tpu.dma_semaphore, #tpu.memory_space<semaphore_mem>> -> memref<1x!tpu.dma_semaphore, #tpu.memory_space<semaphore_mem>>
      %dma_wait3A_321 = tpu.memref_squeeze %dma_wait3A_320 : memref<1x!tpu.dma_semaphore, #tpu.memory_space<semaphore_mem>> -> memref<!tpu.dma_semaphore, #tpu.memory_space<semaphore_mem>>
      tpu.wait_indirect_dma semaphore(%dma_wait3A_321 : memref<!tpu.dma_semaphore, #tpu.memory_space<semaphore_mem>>) src(%dma_wait3A_319 : memref<10240x64xi16, #tpu.memory_space<vmem_shared>>) dst(%dma_wait3A_313 : memref<128x64xi16, #tpu.memory_space<vmem>>)
      %dma_start3A_322 = arith.constant 3 : i32
      %dma_start3A_323 = arith.constant 3 : i32
      %dma_start3A_324 = arith.constant 0 : i32
      %dma_start3A_325 = arith.constant 0 : i32
      %dma_start3A_326 = tpu.memref_slice %arg9[%dma_start3A_322, %dma_start3A_324, %dma_start3A_325] : memref<8x128x64xi16, #tpu.memory_space<vmem>> -> memref<1x128x64xi16, #tpu.memory_space<vmem>>
      %dma_start3A_327 = tpu.memref_squeeze %dma_start3A_326 : memref<1x128x64xi16, #tpu.memory_space<vmem>> -> memref<128x64xi16, #tpu.memory_space<vmem>>
      %dma_start3A_328 = arith.constant 0 : i32
      %dma_start3A_329 = tpu.memref_slice %arg8[%add3A_286, %dma_start3A_328] : memref<80x128xi32, #tpu.memory_space<vmem>> -> memref<1x128xi32, #tpu.memory_space<vmem>>
      %dma_start3A_330 = tpu.memref_squeeze %dma_start3A_329 : memref<1x128xi32, #tpu.memory_space<vmem>> -> memref<128xi32, #tpu.memory_space<vmem>>
      %dma_start3A_331 = arith.constant 0 : i32
      %dma_start3A_332 = arith.constant 0 : i32
      %dma_start3A_333 = tpu.memref_slice %arg11[%dma_start3A_331, %dma_start3A_332] : memref<10240x64xi16, #tpu.memory_space<vmem_shared>> -> memref<10240x64xi16, #tpu.memory_space<vmem_shared>>
      %dma_start3A_334 = tpu.memref_slice %arg13[%dma_start3A_323] : memref<8x!tpu.dma_semaphore, #tpu.memory_space<semaphore_mem>> -> memref<1x!tpu.dma_semaphore, #tpu.memory_space<semaphore_mem>>
      %dma_start3A_335 = tpu.memref_squeeze %dma_start3A_334 : memref<1x!tpu.dma_semaphore, #tpu.memory_space<semaphore_mem>> -> memref<!tpu.dma_semaphore, #tpu.memory_space<semaphore_mem>>
      tpu.enqueue_indirect_dma source(%dma_start3A_327 : memref<128x64xi16, #tpu.memory_space<vmem>>) target(%dma_start3A_333 : memref<10240x64xi16, #tpu.memory_space<vmem_shared>>) offsets(%dma_start3A_330 : memref<128xi32, #tpu.memory_space<vmem>>) semaphore(%dma_start3A_335 : memref<!tpu.dma_semaphore, #tpu.memory_space<semaphore_mem>>) {add = true}
      %add3A_336 = arith.constant 4 : i32
      %add3A_337 = arith.addi %mul3A_134, %add3A_336 : i32
      %sub3A = arith.constant 4 : i32
      %sub3A_338 = arith.subi %add3A_337, %sub3A : i32
      %dma_wait3A_339 = arith.constant 0 : i32
      %dma_wait3A_340 = arith.constant 0 : i32
      %dma_wait3A_341 = arith.constant 0 : i32
      %dma_wait3A_342 = arith.constant 0 : i32
      %dma_wait3A_343 = tpu.memref_slice %arg9[%dma_wait3A_339, %dma_wait3A_341, %dma_wait3A_342] : memref<8x128x64xi16, #tpu.memory_space<vmem>> -> memref<1x128x64xi16, #tpu.memory_space<vmem>>
      %dma_wait3A_344 = tpu.memref_squeeze %dma_wait3A_343 : memref<1x128x64xi16, #tpu.memory_space<vmem>> -> memref<128x64xi16, #tpu.memory_space<vmem>>
      %dma_wait3A_345 = arith.constant 0 : i32
      %dma_wait3A_346 = tpu.memref_slice %arg8[%sub3A_338, %dma_wait3A_345] : memref<80x128xi32, #tpu.memory_space<vmem>> -> memref<1x128xi32, #tpu.memory_space<vmem>>
      %dma_wait3A_347 = tpu.memref_squeeze %dma_wait3A_346 : memref<1x128xi32, #tpu.memory_space<vmem>> -> memref<128xi32, #tpu.memory_space<vmem>>
      %dma_wait3A_348 = arith.constant 0 : i32
      %dma_wait3A_349 = arith.constant 0 : i32
      %dma_wait3A_350 = tpu.memref_slice %arg11[%dma_wait3A_348, %dma_wait3A_349] : memref<10240x64xi16, #tpu.memory_space<vmem_shared>> -> memref<10240x64xi16, #tpu.memory_space<vmem_shared>>
      %dma_wait3A_351 = tpu.memref_slice %arg13[%dma_wait3A_340] : memref<8x!tpu.dma_semaphore, #tpu.memory_space<semaphore_mem>> -> memref<1x!tpu.dma_semaphore, #tpu.memory_space<semaphore_mem>>
      %dma_wait3A_352 = tpu.memref_squeeze %dma_wait3A_351 : memref<1x!tpu.dma_semaphore, #tpu.memory_space<semaphore_mem>> -> memref<!tpu.dma_semaphore, #tpu.memory_space<semaphore_mem>>
      tpu.wait_indirect_dma semaphore(%dma_wait3A_352 : memref<!tpu.dma_semaphore, #tpu.memory_space<semaphore_mem>>) src(%dma_wait3A_344 : memref<128x64xi16, #tpu.memory_space<vmem>>) dst(%dma_wait3A_350 : memref<10240x64xi16, #tpu.memory_space<vmem_shared>>)
      %lt3A = arith.constant 9 : i32
      %lt3A_353 = arith.cmpi slt, %scan3A_132, %lt3A : i32
      %convert_element_type3A_354 = arith.extui %lt3A_353 : i1 to i32
      %cond3A_355 = arith.constant 0 : i32
      %cond3A_356 = arith.cmpi ne, %convert_element_type3A_354, %cond3A_355 : i32
      scf.if %cond3A_356 {
        %add3A_538 = arith.constant 4 : i32
        %add3A_539 = arith.addi %add3A_337, %add3A_538 : i32
        %dma_start3A_540 = arith.constant 0 : i32
        %dma_start3A_541 = arith.constant 0 : i32
        %dma_start3A_542 = arith.constant 0 : i32
        %dma_start3A_543 = arith.constant 0 : i32
        %dma_start3A_544 = tpu.memref_slice %arg9[%dma_start3A_540, %dma_start3A_542, %dma_start3A_543] : memref<8x128x64xi16, #tpu.memory_space<vmem>> -> memref<1x128x64xi16, #tpu.memory_space<vmem>>
        %dma_start3A_545 = tpu.memref_squeeze %dma_start3A_544 : memref<1x128x64xi16, #tpu.memory_space<vmem>> -> memref<128x64xi16, #tpu.memory_space<vmem>>
        %dma_start3A_546 = arith.constant 0 : i32
        %dma_start3A_547 = tpu.memref_slice %arg7[%add3A_539, %dma_start3A_546] : memref<80x128xi32, #tpu.memory_space<vmem>> -> memref<1x128xi32, #tpu.memory_space<vmem>>
        %dma_start3A_548 = tpu.memref_squeeze %dma_start3A_547 : memref<1x128xi32, #tpu.memory_space<vmem>> -> memref<128xi32, #tpu.memory_space<vmem>>
        %dma_start3A_549 = arith.constant 0 : i32
        %dma_start3A_550 = arith.constant 0 : i32
        %dma_start3A_551 = tpu.memref_slice %arg10[%dma_start3A_549, %dma_start3A_550] : memref<10240x64xi16, #tpu.memory_space<vmem_shared>> -> memref<10240x64xi16, #tpu.memory_space<vmem_shared>>
        %dma_start3A_552 = tpu.memref_slice %arg12[%dma_start3A_541] : memref<8x!tpu.dma_semaphore, #tpu.memory_space<semaphore_mem>> -> memref<1x!tpu.dma_semaphore, #tpu.memory_space<semaphore_mem>>
        %dma_start3A_553 = tpu.memref_squeeze %dma_start3A_552 : memref<1x!tpu.dma_semaphore, #tpu.memory_space<semaphore_mem>> -> memref<!tpu.dma_semaphore, #tpu.memory_space<semaphore_mem>>
        tpu.enqueue_indirect_dma source(%dma_start3A_551 : memref<10240x64xi16, #tpu.memory_space<vmem_shared>>) target(%dma_start3A_545 : memref<128x64xi16, #tpu.memory_space<vmem>>) offsets(%dma_start3A_548 : memref<128xi32, #tpu.memory_space<vmem>>) semaphore(%dma_start3A_553 : memref<!tpu.dma_semaphore, #tpu.memory_space<semaphore_mem>>)
      } else {
      }
      %dma_wait3A_357 = arith.constant 4 : i32
      %dma_wait3A_358 = arith.constant 4 : i32
      %dma_wait3A_359 = arith.constant 0 : i32
      %dma_wait3A_360 = arith.constant 0 : i32
      %dma_wait3A_361 = tpu.memref_slice %arg9[%dma_wait3A_357, %dma_wait3A_359, %dma_wait3A_360] : memref<8x128x64xi16, #tpu.memory_space<vmem>> -> memref<1x128x64xi16, #tpu.memory_space<vmem>>
      %dma_wait3A_362 = tpu.memref_squeeze %dma_wait3A_361 : memref<1x128x64xi16, #tpu.memory_space<vmem>> -> memref<128x64xi16, #tpu.memory_space<vmem>>
      %dma_wait3A_363 = arith.constant 0 : i32
      %dma_wait3A_364 = tpu.memref_slice %arg7[%add3A_337, %dma_wait3A_363] : memref<80x128xi32, #tpu.memory_space<vmem>> -> memref<1x128xi32, #tpu.memory_space<vmem>>
      %dma_wait3A_365 = tpu.memref_squeeze %dma_wait3A_364 : memref<1x128xi32, #tpu.memory_space<vmem>> -> memref<128xi32, #tpu.memory_space<vmem>>
      %dma_wait3A_366 = arith.constant 0 : i32
      %dma_wait3A_367 = arith.constant 0 : i32
      %dma_wait3A_368 = tpu.memref_slice %arg10[%dma_wait3A_366, %dma_wait3A_367] : memref<10240x64xi16, #tpu.memory_space<vmem_shared>> -> memref<10240x64xi16, #tpu.memory_space<vmem_shared>>
      %dma_wait3A_369 = tpu.memref_slice %arg12[%dma_wait3A_358] : memref<8x!tpu.dma_semaphore, #tpu.memory_space<semaphore_mem>> -> memref<1x!tpu.dma_semaphore, #tpu.memory_space<semaphore_mem>>
      %dma_wait3A_370 = tpu.memref_squeeze %dma_wait3A_369 : memref<1x!tpu.dma_semaphore, #tpu.memory_space<semaphore_mem>> -> memref<!tpu.dma_semaphore, #tpu.memory_space<semaphore_mem>>
      tpu.wait_indirect_dma semaphore(%dma_wait3A_370 : memref<!tpu.dma_semaphore, #tpu.memory_space<semaphore_mem>>) src(%dma_wait3A_368 : memref<10240x64xi16, #tpu.memory_space<vmem_shared>>) dst(%dma_wait3A_362 : memref<128x64xi16, #tpu.memory_space<vmem>>)
      %dma_start3A_371 = arith.constant 4 : i32
      %dma_start3A_372 = arith.constant 4 : i32
      %dma_start3A_373 = arith.constant 0 : i32
      %dma_start3A_374 = arith.constant 0 : i32
      %dma_start3A_375 = tpu.memref_slice %arg9[%dma_start3A_371, %dma_start3A_373, %dma_start3A_374] : memref<8x128x64xi16, #tpu.memory_space<vmem>> -> memref<1x128x64xi16, #tpu.memory_space<vmem>>
      %dma_start3A_376 = tpu.memref_squeeze %dma_start3A_375 : memref<1x128x64xi16, #tpu.memory_space<vmem>> -> memref<128x64xi16, #tpu.memory_space<vmem>>
      %dma_start3A_377 = arith.constant 0 : i32
      %dma_start3A_378 = tpu.memref_slice %arg8[%add3A_337, %dma_start3A_377] : memref<80x128xi32, #tpu.memory_space<vmem>> -> memref<1x128xi32, #tpu.memory_space<vmem>>
      %dma_start3A_379 = tpu.memref_squeeze %dma_start3A_378 : memref<1x128xi32, #tpu.memory_space<vmem>> -> memref<128xi32, #tpu.memory_space<vmem>>
      %dma_start3A_380 = arith.constant 0 : i32
      %dma_start3A_381 = arith.constant 0 : i32
      %dma_start3A_382 = tpu.memref_slice %arg11[%dma_start3A_380, %dma_start3A_381] : memref<10240x64xi16, #tpu.memory_space<vmem_shared>> -> memref<10240x64xi16, #tpu.memory_space<vmem_shared>>
      %dma_start3A_383 = tpu.memref_slice %arg13[%dma_start3A_372] : memref<8x!tpu.dma_semaphore, #tpu.memory_space<semaphore_mem>> -> memref<1x!tpu.dma_semaphore, #tpu.memory_space<semaphore_mem>>
      %dma_start3A_384 = tpu.memref_squeeze %dma_start3A_383 : memref<1x!tpu.dma_semaphore, #tpu.memory_space<semaphore_mem>> -> memref<!tpu.dma_semaphore, #tpu.memory_space<semaphore_mem>>
      tpu.enqueue_indirect_dma source(%dma_start3A_376 : memref<128x64xi16, #tpu.memory_space<vmem>>) target(%dma_start3A_382 : memref<10240x64xi16, #tpu.memory_space<vmem_shared>>) offsets(%dma_start3A_379 : memref<128xi32, #tpu.memory_space<vmem>>) semaphore(%dma_start3A_384 : memref<!tpu.dma_semaphore, #tpu.memory_space<semaphore_mem>>) {add = true}
      %add3A_385 = arith.constant 5 : i32
      %add3A_386 = arith.addi %mul3A_134, %add3A_385 : i32
      %sub3A_387 = arith.constant 4 : i32
      %sub3A_388 = arith.subi %add3A_386, %sub3A_387 : i32
      %dma_wait3A_389 = arith.constant 1 : i32
      %dma_wait3A_390 = arith.constant 1 : i32
      %dma_wait3A_391 = arith.constant 0 : i32
      %dma_wait3A_392 = arith.constant 0 : i32
      %dma_wait3A_393 = tpu.memref_slice %arg9[%dma_wait3A_389, %dma_wait3A_391, %dma_wait3A_392] : memref<8x128x64xi16, #tpu.memory_space<vmem>> -> memref<1x128x64xi16, #tpu.memory_space<vmem>>
      %dma_wait3A_394 = tpu.memref_squeeze %dma_wait3A_393 : memref<1x128x64xi16, #tpu.memory_space<vmem>> -> memref<128x64xi16, #tpu.memory_space<vmem>>
      %dma_wait3A_395 = arith.constant 0 : i32
      %dma_wait3A_396 = tpu.memref_slice %arg8[%sub3A_388, %dma_wait3A_395] : memref<80x128xi32, #tpu.memory_space<vmem>> -> memref<1x128xi32, #tpu.memory_space<vmem>>
      %dma_wait3A_397 = tpu.memref_squeeze %dma_wait3A_396 : memref<1x128xi32, #tpu.memory_space<vmem>> -> memref<128xi32, #tpu.memory_space<vmem>>
      %dma_wait3A_398 = arith.constant 0 : i32
      %dma_wait3A_399 = arith.constant 0 : i32
      %dma_wait3A_400 = tpu.memref_slice %arg11[%dma_wait3A_398, %dma_wait3A_399] : memref<10240x64xi16, #tpu.memory_space<vmem_shared>> -> memref<10240x64xi16, #tpu.memory_space<vmem_shared>>
      %dma_wait3A_401 = tpu.memref_slice %arg13[%dma_wait3A_390] : memref<8x!tpu.dma_semaphore, #tpu.memory_space<semaphore_mem>> -> memref<1x!tpu.dma_semaphore, #tpu.memory_space<semaphore_mem>>
      %dma_wait3A_402 = tpu.memref_squeeze %dma_wait3A_401 : memref<1x!tpu.dma_semaphore, #tpu.memory_space<semaphore_mem>> -> memref<!tpu.dma_semaphore, #tpu.memory_space<semaphore_mem>>
      tpu.wait_indirect_dma semaphore(%dma_wait3A_402 : memref<!tpu.dma_semaphore, #tpu.memory_space<semaphore_mem>>) src(%dma_wait3A_394 : memref<128x64xi16, #tpu.memory_space<vmem>>) dst(%dma_wait3A_400 : memref<10240x64xi16, #tpu.memory_space<vmem_shared>>)
      %lt3A_403 = arith.constant 9 : i32
      %lt3A_404 = arith.cmpi slt, %scan3A_132, %lt3A_403 : i32
      %convert_element_type3A_405 = arith.extui %lt3A_404 : i1 to i32
      %cond3A_406 = arith.constant 0 : i32
      %cond3A_407 = arith.cmpi ne, %convert_element_type3A_405, %cond3A_406 : i32
      scf.if %cond3A_407 {
        %add3A_538 = arith.constant 4 : i32
        %add3A_539 = arith.addi %add3A_386, %add3A_538 : i32
        %dma_start3A_540 = arith.constant 1 : i32
        %dma_start3A_541 = arith.constant 1 : i32
        %dma_start3A_542 = arith.constant 0 : i32
        %dma_start3A_543 = arith.constant 0 : i32
        %dma_start3A_544 = tpu.memref_slice %arg9[%dma_start3A_540, %dma_start3A_542, %dma_start3A_543] : memref<8x128x64xi16, #tpu.memory_space<vmem>> -> memref<1x128x64xi16, #tpu.memory_space<vmem>>
        %dma_start3A_545 = tpu.memref_squeeze %dma_start3A_544 : memref<1x128x64xi16, #tpu.memory_space<vmem>> -> memref<128x64xi16, #tpu.memory_space<vmem>>
        %dma_start3A_546 = arith.constant 0 : i32
        %dma_start3A_547 = tpu.memref_slice %arg7[%add3A_539, %dma_start3A_546] : memref<80x128xi32, #tpu.memory_space<vmem>> -> memref<1x128xi32, #tpu.memory_space<vmem>>
        %dma_start3A_548 = tpu.memref_squeeze %dma_start3A_547 : memref<1x128xi32, #tpu.memory_space<vmem>> -> memref<128xi32, #tpu.memory_space<vmem>>
        %dma_start3A_549 = arith.constant 0 : i32
        %dma_start3A_550 = arith.constant 0 : i32
        %dma_start3A_551 = tpu.memref_slice %arg10[%dma_start3A_549, %dma_start3A_550] : memref<10240x64xi16, #tpu.memory_space<vmem_shared>> -> memref<10240x64xi16, #tpu.memory_space<vmem_shared>>
        %dma_start3A_552 = tpu.memref_slice %arg12[%dma_start3A_541] : memref<8x!tpu.dma_semaphore, #tpu.memory_space<semaphore_mem>> -> memref<1x!tpu.dma_semaphore, #tpu.memory_space<semaphore_mem>>
        %dma_start3A_553 = tpu.memref_squeeze %dma_start3A_552 : memref<1x!tpu.dma_semaphore, #tpu.memory_space<semaphore_mem>> -> memref<!tpu.dma_semaphore, #tpu.memory_space<semaphore_mem>>
        tpu.enqueue_indirect_dma source(%dma_start3A_551 : memref<10240x64xi16, #tpu.memory_space<vmem_shared>>) target(%dma_start3A_545 : memref<128x64xi16, #tpu.memory_space<vmem>>) offsets(%dma_start3A_548 : memref<128xi32, #tpu.memory_space<vmem>>) semaphore(%dma_start3A_553 : memref<!tpu.dma_semaphore, #tpu.memory_space<semaphore_mem>>)
      } else {
      }
      %dma_wait3A_408 = arith.constant 5 : i32
      %dma_wait3A_409 = arith.constant 5 : i32
      %dma_wait3A_410 = arith.constant 0 : i32
      %dma_wait3A_411 = arith.constant 0 : i32
      %dma_wait3A_412 = tpu.memref_slice %arg9[%dma_wait3A_408, %dma_wait3A_410, %dma_wait3A_411] : memref<8x128x64xi16, #tpu.memory_space<vmem>> -> memref<1x128x64xi16, #tpu.memory_space<vmem>>
      %dma_wait3A_413 = tpu.memref_squeeze %dma_wait3A_412 : memref<1x128x64xi16, #tpu.memory_space<vmem>> -> memref<128x64xi16, #tpu.memory_space<vmem>>
      %dma_wait3A_414 = arith.constant 0 : i32
      %dma_wait3A_415 = tpu.memref_slice %arg7[%add3A_386, %dma_wait3A_414] : memref<80x128xi32, #tpu.memory_space<vmem>> -> memref<1x128xi32, #tpu.memory_space<vmem>>
      %dma_wait3A_416 = tpu.memref_squeeze %dma_wait3A_415 : memref<1x128xi32, #tpu.memory_space<vmem>> -> memref<128xi32, #tpu.memory_space<vmem>>
      %dma_wait3A_417 = arith.constant 0 : i32
      %dma_wait3A_418 = arith.constant 0 : i32
      %dma_wait3A_419 = tpu.memref_slice %arg10[%dma_wait3A_417, %dma_wait3A_418] : memref<10240x64xi16, #tpu.memory_space<vmem_shared>> -> memref<10240x64xi16, #tpu.memory_space<vmem_shared>>
      %dma_wait3A_420 = tpu.memref_slice %arg12[%dma_wait3A_409] : memref<8x!tpu.dma_semaphore, #tpu.memory_space<semaphore_mem>> -> memref<1x!tpu.dma_semaphore, #tpu.memory_space<semaphore_mem>>
      %dma_wait3A_421 = tpu.memref_squeeze %dma_wait3A_420 : memref<1x!tpu.dma_semaphore, #tpu.memory_space<semaphore_mem>> -> memref<!tpu.dma_semaphore, #tpu.memory_space<semaphore_mem>>
      tpu.wait_indirect_dma semaphore(%dma_wait3A_421 : memref<!tpu.dma_semaphore, #tpu.memory_space<semaphore_mem>>) src(%dma_wait3A_419 : memref<10240x64xi16, #tpu.memory_space<vmem_shared>>) dst(%dma_wait3A_413 : memref<128x64xi16, #tpu.memory_space<vmem>>)
      %dma_start3A_422 = arith.constant 5 : i32
      %dma_start3A_423 = arith.constant 5 : i32
      %dma_start3A_424 = arith.constant 0 : i32
      %dma_start3A_425 = arith.constant 0 : i32
      %dma_start3A_426 = tpu.memref_slice %arg9[%dma_start3A_422, %dma_start3A_424, %dma_start3A_425] : memref<8x128x64xi16, #tpu.memory_space<vmem>> -> memref<1x128x64xi16, #tpu.memory_space<vmem>>
      %dma_start3A_427 = tpu.memref_squeeze %dma_start3A_426 : memref<1x128x64xi16, #tpu.memory_space<vmem>> -> memref<128x64xi16, #tpu.memory_space<vmem>>
      %dma_start3A_428 = arith.constant 0 : i32
      %dma_start3A_429 = tpu.memref_slice %arg8[%add3A_386, %dma_start3A_428] : memref<80x128xi32, #tpu.memory_space<vmem>> -> memref<1x128xi32, #tpu.memory_space<vmem>>
      %dma_start3A_430 = tpu.memref_squeeze %dma_start3A_429 : memref<1x128xi32, #tpu.memory_space<vmem>> -> memref<128xi32, #tpu.memory_space<vmem>>
      %dma_start3A_431 = arith.constant 0 : i32
      %dma_start3A_432 = arith.constant 0 : i32
      %dma_start3A_433 = tpu.memref_slice %arg11[%dma_start3A_431, %dma_start3A_432] : memref<10240x64xi16, #tpu.memory_space<vmem_shared>> -> memref<10240x64xi16, #tpu.memory_space<vmem_shared>>
      %dma_start3A_434 = tpu.memref_slice %arg13[%dma_start3A_423] : memref<8x!tpu.dma_semaphore, #tpu.memory_space<semaphore_mem>> -> memref<1x!tpu.dma_semaphore, #tpu.memory_space<semaphore_mem>>
      %dma_start3A_435 = tpu.memref_squeeze %dma_start3A_434 : memref<1x!tpu.dma_semaphore, #tpu.memory_space<semaphore_mem>> -> memref<!tpu.dma_semaphore, #tpu.memory_space<semaphore_mem>>
      tpu.enqueue_indirect_dma source(%dma_start3A_427 : memref<128x64xi16, #tpu.memory_space<vmem>>) target(%dma_start3A_433 : memref<10240x64xi16, #tpu.memory_space<vmem_shared>>) offsets(%dma_start3A_430 : memref<128xi32, #tpu.memory_space<vmem>>) semaphore(%dma_start3A_435 : memref<!tpu.dma_semaphore, #tpu.memory_space<semaphore_mem>>) {add = true}
      %add3A_436 = arith.constant 6 : i32
      %add3A_437 = arith.addi %mul3A_134, %add3A_436 : i32
      %sub3A_438 = arith.constant 4 : i32
      %sub3A_439 = arith.subi %add3A_437, %sub3A_438 : i32
      %dma_wait3A_440 = arith.constant 2 : i32
      %dma_wait3A_441 = arith.constant 2 : i32
      %dma_wait3A_442 = arith.constant 0 : i32
      %dma_wait3A_443 = arith.constant 0 : i32
      %dma_wait3A_444 = tpu.memref_slice %arg9[%dma_wait3A_440, %dma_wait3A_442, %dma_wait3A_443] : memref<8x128x64xi16, #tpu.memory_space<vmem>> -> memref<1x128x64xi16, #tpu.memory_space<vmem>>
      %dma_wait3A_445 = tpu.memref_squeeze %dma_wait3A_444 : memref<1x128x64xi16, #tpu.memory_space<vmem>> -> memref<128x64xi16, #tpu.memory_space<vmem>>
      %dma_wait3A_446 = arith.constant 0 : i32
      %dma_wait3A_447 = tpu.memref_slice %arg8[%sub3A_439, %dma_wait3A_446] : memref<80x128xi32, #tpu.memory_space<vmem>> -> memref<1x128xi32, #tpu.memory_space<vmem>>
      %dma_wait3A_448 = tpu.memref_squeeze %dma_wait3A_447 : memref<1x128xi32, #tpu.memory_space<vmem>> -> memref<128xi32, #tpu.memory_space<vmem>>
      %dma_wait3A_449 = arith.constant 0 : i32
      %dma_wait3A_450 = arith.constant 0 : i32
      %dma_wait3A_451 = tpu.memref_slice %arg11[%dma_wait3A_449, %dma_wait3A_450] : memref<10240x64xi16, #tpu.memory_space<vmem_shared>> -> memref<10240x64xi16, #tpu.memory_space<vmem_shared>>
      %dma_wait3A_452 = tpu.memref_slice %arg13[%dma_wait3A_441] : memref<8x!tpu.dma_semaphore, #tpu.memory_space<semaphore_mem>> -> memref<1x!tpu.dma_semaphore, #tpu.memory_space<semaphore_mem>>
      %dma_wait3A_453 = tpu.memref_squeeze %dma_wait3A_452 : memref<1x!tpu.dma_semaphore, #tpu.memory_space<semaphore_mem>> -> memref<!tpu.dma_semaphore, #tpu.memory_space<semaphore_mem>>
      tpu.wait_indirect_dma semaphore(%dma_wait3A_453 : memref<!tpu.dma_semaphore, #tpu.memory_space<semaphore_mem>>) src(%dma_wait3A_445 : memref<128x64xi16, #tpu.memory_space<vmem>>) dst(%dma_wait3A_451 : memref<10240x64xi16, #tpu.memory_space<vmem_shared>>)
      %lt3A_454 = arith.constant 9 : i32
      %lt3A_455 = arith.cmpi slt, %scan3A_132, %lt3A_454 : i32
      %convert_element_type3A_456 = arith.extui %lt3A_455 : i1 to i32
      %cond3A_457 = arith.constant 0 : i32
      %cond3A_458 = arith.cmpi ne, %convert_element_type3A_456, %cond3A_457 : i32
      scf.if %cond3A_458 {
        %add3A_538 = arith.constant 4 : i32
        %add3A_539 = arith.addi %add3A_437, %add3A_538 : i32
        %dma_start3A_540 = arith.constant 2 : i32
        %dma_start3A_541 = arith.constant 2 : i32
        %dma_start3A_542 = arith.constant 0 : i32
        %dma_start3A_543 = arith.constant 0 : i32
        %dma_start3A_544 = tpu.memref_slice %arg9[%dma_start3A_540, %dma_start3A_542, %dma_start3A_543] : memref<8x128x64xi16, #tpu.memory_space<vmem>> -> memref<1x128x64xi16, #tpu.memory_space<vmem>>
        %dma_start3A_545 = tpu.memref_squeeze %dma_start3A_544 : memref<1x128x64xi16, #tpu.memory_space<vmem>> -> memref<128x64xi16, #tpu.memory_space<vmem>>
        %dma_start3A_546 = arith.constant 0 : i32
        %dma_start3A_547 = tpu.memref_slice %arg7[%add3A_539, %dma_start3A_546] : memref<80x128xi32, #tpu.memory_space<vmem>> -> memref<1x128xi32, #tpu.memory_space<vmem>>
        %dma_start3A_548 = tpu.memref_squeeze %dma_start3A_547 : memref<1x128xi32, #tpu.memory_space<vmem>> -> memref<128xi32, #tpu.memory_space<vmem>>
        %dma_start3A_549 = arith.constant 0 : i32
        %dma_start3A_550 = arith.constant 0 : i32
        %dma_start3A_551 = tpu.memref_slice %arg10[%dma_start3A_549, %dma_start3A_550] : memref<10240x64xi16, #tpu.memory_space<vmem_shared>> -> memref<10240x64xi16, #tpu.memory_space<vmem_shared>>
        %dma_start3A_552 = tpu.memref_slice %arg12[%dma_start3A_541] : memref<8x!tpu.dma_semaphore, #tpu.memory_space<semaphore_mem>> -> memref<1x!tpu.dma_semaphore, #tpu.memory_space<semaphore_mem>>
        %dma_start3A_553 = tpu.memref_squeeze %dma_start3A_552 : memref<1x!tpu.dma_semaphore, #tpu.memory_space<semaphore_mem>> -> memref<!tpu.dma_semaphore, #tpu.memory_space<semaphore_mem>>
        tpu.enqueue_indirect_dma source(%dma_start3A_551 : memref<10240x64xi16, #tpu.memory_space<vmem_shared>>) target(%dma_start3A_545 : memref<128x64xi16, #tpu.memory_space<vmem>>) offsets(%dma_start3A_548 : memref<128xi32, #tpu.memory_space<vmem>>) semaphore(%dma_start3A_553 : memref<!tpu.dma_semaphore, #tpu.memory_space<semaphore_mem>>)
      } else {
      }
      %dma_wait3A_459 = arith.constant 6 : i32
      %dma_wait3A_460 = arith.constant 6 : i32
      %dma_wait3A_461 = arith.constant 0 : i32
      %dma_wait3A_462 = arith.constant 0 : i32
      %dma_wait3A_463 = tpu.memref_slice %arg9[%dma_wait3A_459, %dma_wait3A_461, %dma_wait3A_462] : memref<8x128x64xi16, #tpu.memory_space<vmem>> -> memref<1x128x64xi16, #tpu.memory_space<vmem>>
      %dma_wait3A_464 = tpu.memref_squeeze %dma_wait3A_463 : memref<1x128x64xi16, #tpu.memory_space<vmem>> -> memref<128x64xi16, #tpu.memory_space<vmem>>
      %dma_wait3A_465 = arith.constant 0 : i32
      %dma_wait3A_466 = tpu.memref_slice %arg7[%add3A_437, %dma_wait3A_465] : memref<80x128xi32, #tpu.memory_space<vmem>> -> memref<1x128xi32, #tpu.memory_space<vmem>>
      %dma_wait3A_467 = tpu.memref_squeeze %dma_wait3A_466 : memref<1x128xi32, #tpu.memory_space<vmem>> -> memref<128xi32, #tpu.memory_space<vmem>>
      %dma_wait3A_468 = arith.constant 0 : i32
      %dma_wait3A_469 = arith.constant 0 : i32
      %dma_wait3A_470 = tpu.memref_slice %arg10[%dma_wait3A_468, %dma_wait3A_469] : memref<10240x64xi16, #tpu.memory_space<vmem_shared>> -> memref<10240x64xi16, #tpu.memory_space<vmem_shared>>
      %dma_wait3A_471 = tpu.memref_slice %arg12[%dma_wait3A_460] : memref<8x!tpu.dma_semaphore, #tpu.memory_space<semaphore_mem>> -> memref<1x!tpu.dma_semaphore, #tpu.memory_space<semaphore_mem>>
      %dma_wait3A_472 = tpu.memref_squeeze %dma_wait3A_471 : memref<1x!tpu.dma_semaphore, #tpu.memory_space<semaphore_mem>> -> memref<!tpu.dma_semaphore, #tpu.memory_space<semaphore_mem>>
      tpu.wait_indirect_dma semaphore(%dma_wait3A_472 : memref<!tpu.dma_semaphore, #tpu.memory_space<semaphore_mem>>) src(%dma_wait3A_470 : memref<10240x64xi16, #tpu.memory_space<vmem_shared>>) dst(%dma_wait3A_464 : memref<128x64xi16, #tpu.memory_space<vmem>>)
      %dma_start3A_473 = arith.constant 6 : i32
      %dma_start3A_474 = arith.constant 6 : i32
      %dma_start3A_475 = arith.constant 0 : i32
      %dma_start3A_476 = arith.constant 0 : i32
      %dma_start3A_477 = tpu.memref_slice %arg9[%dma_start3A_473, %dma_start3A_475, %dma_start3A_476] : memref<8x128x64xi16, #tpu.memory_space<vmem>> -> memref<1x128x64xi16, #tpu.memory_space<vmem>>
      %dma_start3A_478 = tpu.memref_squeeze %dma_start3A_477 : memref<1x128x64xi16, #tpu.memory_space<vmem>> -> memref<128x64xi16, #tpu.memory_space<vmem>>
      %dma_start3A_479 = arith.constant 0 : i32
      %dma_start3A_480 = tpu.memref_slice %arg8[%add3A_437, %dma_start3A_479] : memref<80x128xi32, #tpu.memory_space<vmem>> -> memref<1x128xi32, #tpu.memory_space<vmem>>
      %dma_start3A_481 = tpu.memref_squeeze %dma_start3A_480 : memref<1x128xi32, #tpu.memory_space<vmem>> -> memref<128xi32, #tpu.memory_space<vmem>>
      %dma_start3A_482 = arith.constant 0 : i32
      %dma_start3A_483 = arith.constant 0 : i32
      %dma_start3A_484 = tpu.memref_slice %arg11[%dma_start3A_482, %dma_start3A_483] : memref<10240x64xi16, #tpu.memory_space<vmem_shared>> -> memref<10240x64xi16, #tpu.memory_space<vmem_shared>>
      %dma_start3A_485 = tpu.memref_slice %arg13[%dma_start3A_474] : memref<8x!tpu.dma_semaphore, #tpu.memory_space<semaphore_mem>> -> memref<1x!tpu.dma_semaphore, #tpu.memory_space<semaphore_mem>>
      %dma_start3A_486 = tpu.memref_squeeze %dma_start3A_485 : memref<1x!tpu.dma_semaphore, #tpu.memory_space<semaphore_mem>> -> memref<!tpu.dma_semaphore, #tpu.memory_space<semaphore_mem>>
      tpu.enqueue_indirect_dma source(%dma_start3A_478 : memref<128x64xi16, #tpu.memory_space<vmem>>) target(%dma_start3A_484 : memref<10240x64xi16, #tpu.memory_space<vmem_shared>>) offsets(%dma_start3A_481 : memref<128xi32, #tpu.memory_space<vmem>>) semaphore(%dma_start3A_486 : memref<!tpu.dma_semaphore, #tpu.memory_space<semaphore_mem>>) {add = true}
      %add3A_487 = arith.constant 7 : i32
      %add3A_488 = arith.addi %mul3A_134, %add3A_487 : i32
      %sub3A_489 = arith.constant 4 : i32
      %sub3A_490 = arith.subi %add3A_488, %sub3A_489 : i32
      %dma_wait3A_491 = arith.constant 3 : i32
      %dma_wait3A_492 = arith.constant 3 : i32
      %dma_wait3A_493 = arith.constant 0 : i32
      %dma_wait3A_494 = arith.constant 0 : i32
      %dma_wait3A_495 = tpu.memref_slice %arg9[%dma_wait3A_491, %dma_wait3A_493, %dma_wait3A_494] : memref<8x128x64xi16, #tpu.memory_space<vmem>> -> memref<1x128x64xi16, #tpu.memory_space<vmem>>
      %dma_wait3A_496 = tpu.memref_squeeze %dma_wait3A_495 : memref<1x128x64xi16, #tpu.memory_space<vmem>> -> memref<128x64xi16, #tpu.memory_space<vmem>>
      %dma_wait3A_497 = arith.constant 0 : i32
      %dma_wait3A_498 = tpu.memref_slice %arg8[%sub3A_490, %dma_wait3A_497] : memref<80x128xi32, #tpu.memory_space<vmem>> -> memref<1x128xi32, #tpu.memory_space<vmem>>
      %dma_wait3A_499 = tpu.memref_squeeze %dma_wait3A_498 : memref<1x128xi32, #tpu.memory_space<vmem>> -> memref<128xi32, #tpu.memory_space<vmem>>
      %dma_wait3A_500 = arith.constant 0 : i32
      %dma_wait3A_501 = arith.constant 0 : i32
      %dma_wait3A_502 = tpu.memref_slice %arg11[%dma_wait3A_500, %dma_wait3A_501] : memref<10240x64xi16, #tpu.memory_space<vmem_shared>> -> memref<10240x64xi16, #tpu.memory_space<vmem_shared>>
      %dma_wait3A_503 = tpu.memref_slice %arg13[%dma_wait3A_492] : memref<8x!tpu.dma_semaphore, #tpu.memory_space<semaphore_mem>> -> memref<1x!tpu.dma_semaphore, #tpu.memory_space<semaphore_mem>>
      %dma_wait3A_504 = tpu.memref_squeeze %dma_wait3A_503 : memref<1x!tpu.dma_semaphore, #tpu.memory_space<semaphore_mem>> -> memref<!tpu.dma_semaphore, #tpu.memory_space<semaphore_mem>>
      tpu.wait_indirect_dma semaphore(%dma_wait3A_504 : memref<!tpu.dma_semaphore, #tpu.memory_space<semaphore_mem>>) src(%dma_wait3A_496 : memref<128x64xi16, #tpu.memory_space<vmem>>) dst(%dma_wait3A_502 : memref<10240x64xi16, #tpu.memory_space<vmem_shared>>)
      %lt3A_505 = arith.constant 9 : i32
      %lt3A_506 = arith.cmpi slt, %scan3A_132, %lt3A_505 : i32
      %convert_element_type3A_507 = arith.extui %lt3A_506 : i1 to i32
      %cond3A_508 = arith.constant 0 : i32
      %cond3A_509 = arith.cmpi ne, %convert_element_type3A_507, %cond3A_508 : i32
      scf.if %cond3A_509 {
        %add3A_538 = arith.constant 4 : i32
        %add3A_539 = arith.addi %add3A_488, %add3A_538 : i32
        %dma_start3A_540 = arith.constant 3 : i32
        %dma_start3A_541 = arith.constant 3 : i32
        %dma_start3A_542 = arith.constant 0 : i32
        %dma_start3A_543 = arith.constant 0 : i32
        %dma_start3A_544 = tpu.memref_slice %arg9[%dma_start3A_540, %dma_start3A_542, %dma_start3A_543] : memref<8x128x64xi16, #tpu.memory_space<vmem>> -> memref<1x128x64xi16, #tpu.memory_space<vmem>>
        %dma_start3A_545 = tpu.memref_squeeze %dma_start3A_544 : memref<1x128x64xi16, #tpu.memory_space<vmem>> -> memref<128x64xi16, #tpu.memory_space<vmem>>
        %dma_start3A_546 = arith.constant 0 : i32
        %dma_start3A_547 = tpu.memref_slice %arg7[%add3A_539, %dma_start3A_546] : memref<80x128xi32, #tpu.memory_space<vmem>> -> memref<1x128xi32, #tpu.memory_space<vmem>>
        %dma_start3A_548 = tpu.memref_squeeze %dma_start3A_547 : memref<1x128xi32, #tpu.memory_space<vmem>> -> memref<128xi32, #tpu.memory_space<vmem>>
        %dma_start3A_549 = arith.constant 0 : i32
        %dma_start3A_550 = arith.constant 0 : i32
        %dma_start3A_551 = tpu.memref_slice %arg10[%dma_start3A_549, %dma_start3A_550] : memref<10240x64xi16, #tpu.memory_space<vmem_shared>> -> memref<10240x64xi16, #tpu.memory_space<vmem_shared>>
        %dma_start3A_552 = tpu.memref_slice %arg12[%dma_start3A_541] : memref<8x!tpu.dma_semaphore, #tpu.memory_space<semaphore_mem>> -> memref<1x!tpu.dma_semaphore, #tpu.memory_space<semaphore_mem>>
        %dma_start3A_553 = tpu.memref_squeeze %dma_start3A_552 : memref<1x!tpu.dma_semaphore, #tpu.memory_space<semaphore_mem>> -> memref<!tpu.dma_semaphore, #tpu.memory_space<semaphore_mem>>
        tpu.enqueue_indirect_dma source(%dma_start3A_551 : memref<10240x64xi16, #tpu.memory_space<vmem_shared>>) target(%dma_start3A_545 : memref<128x64xi16, #tpu.memory_space<vmem>>) offsets(%dma_start3A_548 : memref<128xi32, #tpu.memory_space<vmem>>) semaphore(%dma_start3A_553 : memref<!tpu.dma_semaphore, #tpu.memory_space<semaphore_mem>>)
      } else {
      }
      %dma_wait3A_510 = arith.constant 7 : i32
      %dma_wait3A_511 = arith.constant 7 : i32
      %dma_wait3A_512 = arith.constant 0 : i32
      %dma_wait3A_513 = arith.constant 0 : i32
      %dma_wait3A_514 = tpu.memref_slice %arg9[%dma_wait3A_510, %dma_wait3A_512, %dma_wait3A_513] : memref<8x128x64xi16, #tpu.memory_space<vmem>> -> memref<1x128x64xi16, #tpu.memory_space<vmem>>
      %dma_wait3A_515 = tpu.memref_squeeze %dma_wait3A_514 : memref<1x128x64xi16, #tpu.memory_space<vmem>> -> memref<128x64xi16, #tpu.memory_space<vmem>>
      %dma_wait3A_516 = arith.constant 0 : i32
      %dma_wait3A_517 = tpu.memref_slice %arg7[%add3A_488, %dma_wait3A_516] : memref<80x128xi32, #tpu.memory_space<vmem>> -> memref<1x128xi32, #tpu.memory_space<vmem>>
      %dma_wait3A_518 = tpu.memref_squeeze %dma_wait3A_517 : memref<1x128xi32, #tpu.memory_space<vmem>> -> memref<128xi32, #tpu.memory_space<vmem>>
      %dma_wait3A_519 = arith.constant 0 : i32
      %dma_wait3A_520 = arith.constant 0 : i32
      %dma_wait3A_521 = tpu.memref_slice %arg10[%dma_wait3A_519, %dma_wait3A_520] : memref<10240x64xi16, #tpu.memory_space<vmem_shared>> -> memref<10240x64xi16, #tpu.memory_space<vmem_shared>>
      %dma_wait3A_522 = tpu.memref_slice %arg12[%dma_wait3A_511] : memref<8x!tpu.dma_semaphore, #tpu.memory_space<semaphore_mem>> -> memref<1x!tpu.dma_semaphore, #tpu.memory_space<semaphore_mem>>
      %dma_wait3A_523 = tpu.memref_squeeze %dma_wait3A_522 : memref<1x!tpu.dma_semaphore, #tpu.memory_space<semaphore_mem>> -> memref<!tpu.dma_semaphore, #tpu.memory_space<semaphore_mem>>
      tpu.wait_indirect_dma semaphore(%dma_wait3A_523 : memref<!tpu.dma_semaphore, #tpu.memory_space<semaphore_mem>>) src(%dma_wait3A_521 : memref<10240x64xi16, #tpu.memory_space<vmem_shared>>) dst(%dma_wait3A_515 : memref<128x64xi16, #tpu.memory_space<vmem>>)
      %dma_start3A_524 = arith.constant 7 : i32
      %dma_start3A_525 = arith.constant 7 : i32
      %dma_start3A_526 = arith.constant 0 : i32
      %dma_start3A_527 = arith.constant 0 : i32
      %dma_start3A_528 = tpu.memref_slice %arg9[%dma_start3A_524, %dma_start3A_526, %dma_start3A_527] : memref<8x128x64xi16, #tpu.memory_space<vmem>> -> memref<1x128x64xi16, #tpu.memory_space<vmem>>
      %dma_start3A_529 = tpu.memref_squeeze %dma_start3A_528 : memref<1x128x64xi16, #tpu.memory_space<vmem>> -> memref<128x64xi16, #tpu.memory_space<vmem>>
      %dma_start3A_530 = arith.constant 0 : i32
      %dma_start3A_531 = tpu.memref_slice %arg8[%add3A_488, %dma_start3A_530] : memref<80x128xi32, #tpu.memory_space<vmem>> -> memref<1x128xi32, #tpu.memory_space<vmem>>
      %dma_start3A_532 = tpu.memref_squeeze %dma_start3A_531 : memref<1x128xi32, #tpu.memory_space<vmem>> -> memref<128xi32, #tpu.memory_space<vmem>>
      %dma_start3A_533 = arith.constant 0 : i32
      %dma_start3A_534 = arith.constant 0 : i32
      %dma_start3A_535 = tpu.memref_slice %arg11[%dma_start3A_533, %dma_start3A_534] : memref<10240x64xi16, #tpu.memory_space<vmem_shared>> -> memref<10240x64xi16, #tpu.memory_space<vmem_shared>>
      %dma_start3A_536 = tpu.memref_slice %arg13[%dma_start3A_525] : memref<8x!tpu.dma_semaphore, #tpu.memory_space<semaphore_mem>> -> memref<1x!tpu.dma_semaphore, #tpu.memory_space<semaphore_mem>>
      %dma_start3A_537 = tpu.memref_squeeze %dma_start3A_536 : memref<1x!tpu.dma_semaphore, #tpu.memory_space<semaphore_mem>> -> memref<!tpu.dma_semaphore, #tpu.memory_space<semaphore_mem>>
      tpu.enqueue_indirect_dma source(%dma_start3A_529 : memref<128x64xi16, #tpu.memory_space<vmem>>) target(%dma_start3A_535 : memref<10240x64xi16, #tpu.memory_space<vmem_shared>>) offsets(%dma_start3A_532 : memref<128xi32, #tpu.memory_space<vmem>>) semaphore(%dma_start3A_537 : memref<!tpu.dma_semaphore, #tpu.memory_space<semaphore_mem>>) {add = true}
    }
    %scan3A_68 = arith.constant 10 : i32
    %dma_wait3A = arith.constant 4 : i32
    %dma_wait3A_69 = arith.constant 76 : i32
    %dma_wait3A_70 = arith.constant 4 : i32
    %dma_wait3A_71 = arith.constant 0 : i32
    %dma_wait3A_72 = arith.constant 0 : i32
    %dma_wait3A_73 = tpu.memref_slice %arg9[%dma_wait3A, %dma_wait3A_71, %dma_wait3A_72] : memref<8x128x64xi16, #tpu.memory_space<vmem>> -> memref<1x128x64xi16, #tpu.memory_space<vmem>>
    %dma_wait3A_74 = tpu.memref_squeeze %dma_wait3A_73 : memref<1x128x64xi16, #tpu.memory_space<vmem>> -> memref<128x64xi16, #tpu.memory_space<vmem>>
    %dma_wait3A_75 = arith.constant 0 : i32
    %dma_wait3A_76 = tpu.memref_slice %arg8[%dma_wait3A_69, %dma_wait3A_75] : memref<80x128xi32, #tpu.memory_space<vmem>> -> memref<1x128xi32, #tpu.memory_space<vmem>>
    %dma_wait3A_77 = tpu.memref_squeeze %dma_wait3A_76 : memref<1x128xi32, #tpu.memory_space<vmem>> -> memref<128xi32, #tpu.memory_space<vmem>>
    %dma_wait3A_78 = arith.constant 0 : i32
    %dma_wait3A_79 = arith.constant 0 : i32
    %dma_wait3A_80 = tpu.memref_slice %arg11[%dma_wait3A_78, %dma_wait3A_79] : memref<10240x64xi16, #tpu.memory_space<vmem_shared>> -> memref<10240x64xi16, #tpu.memory_space<vmem_shared>>
    %dma_wait3A_81 = tpu.memref_slice %arg13[%dma_wait3A_70] : memref<8x!tpu.dma_semaphore, #tpu.memory_space<semaphore_mem>> -> memref<1x!tpu.dma_semaphore, #tpu.memory_space<semaphore_mem>>
    %dma_wait3A_82 = tpu.memref_squeeze %dma_wait3A_81 : memref<1x!tpu.dma_semaphore, #tpu.memory_space<semaphore_mem>> -> memref<!tpu.dma_semaphore, #tpu.memory_space<semaphore_mem>>
    tpu.wait_indirect_dma semaphore(%dma_wait3A_82 : memref<!tpu.dma_semaphore, #tpu.memory_space<semaphore_mem>>) src(%dma_wait3A_74 : memref<128x64xi16, #tpu.memory_space<vmem>>) dst(%dma_wait3A_80 : memref<10240x64xi16, #tpu.memory_space<vmem_shared>>)
    %dma_wait3A_83 = arith.constant 5 : i32
    %dma_wait3A_84 = arith.constant 77 : i32
    %dma_wait3A_85 = arith.constant 5 : i32
    %dma_wait3A_86 = arith.constant 0 : i32
    %dma_wait3A_87 = arith.constant 0 : i32
    %dma_wait3A_88 = tpu.memref_slice %arg9[%dma_wait3A_83, %dma_wait3A_86, %dma_wait3A_87] : memref<8x128x64xi16, #tpu.memory_space<vmem>> -> memref<1x128x64xi16, #tpu.memory_space<vmem>>
    %dma_wait3A_89 = tpu.memref_squeeze %dma_wait3A_88 : memref<1x128x64xi16, #tpu.memory_space<vmem>> -> memref<128x64xi16, #tpu.memory_space<vmem>>
    %dma_wait3A_90 = arith.constant 0 : i32
    %dma_wait3A_91 = tpu.memref_slice %arg8[%dma_wait3A_84, %dma_wait3A_90] : memref<80x128xi32, #tpu.memory_space<vmem>> -> memref<1x128xi32, #tpu.memory_space<vmem>>
    %dma_wait3A_92 = tpu.memref_squeeze %dma_wait3A_91 : memref<1x128xi32, #tpu.memory_space<vmem>> -> memref<128xi32, #tpu.memory_space<vmem>>
    %dma_wait3A_93 = arith.constant 0 : i32
    %dma_wait3A_94 = arith.constant 0 : i32
    %dma_wait3A_95 = tpu.memref_slice %arg11[%dma_wait3A_93, %dma_wait3A_94] : memref<10240x64xi16, #tpu.memory_space<vmem_shared>> -> memref<10240x64xi16, #tpu.memory_space<vmem_shared>>
    %dma_wait3A_96 = tpu.memref_slice %arg13[%dma_wait3A_85] : memref<8x!tpu.dma_semaphore, #tpu.memory_space<semaphore_mem>> -> memref<1x!tpu.dma_semaphore, #tpu.memory_space<semaphore_mem>>
    %dma_wait3A_97 = tpu.memref_squeeze %dma_wait3A_96 : memref<1x!tpu.dma_semaphore, #tpu.memory_space<semaphore_mem>> -> memref<!tpu.dma_semaphore, #tpu.memory_space<semaphore_mem>>
    tpu.wait_indirect_dma semaphore(%dma_wait3A_97 : memref<!tpu.dma_semaphore, #tpu.memory_space<semaphore_mem>>) src(%dma_wait3A_89 : memref<128x64xi16, #tpu.memory_space<vmem>>) dst(%dma_wait3A_95 : memref<10240x64xi16, #tpu.memory_space<vmem_shared>>)
    %dma_wait3A_98 = arith.constant 6 : i32
    %dma_wait3A_99 = arith.constant 78 : i32
    %dma_wait3A_100 = arith.constant 6 : i32
    %dma_wait3A_101 = arith.constant 0 : i32
    %dma_wait3A_102 = arith.constant 0 : i32
    %dma_wait3A_103 = tpu.memref_slice %arg9[%dma_wait3A_98, %dma_wait3A_101, %dma_wait3A_102] : memref<8x128x64xi16, #tpu.memory_space<vmem>> -> memref<1x128x64xi16, #tpu.memory_space<vmem>>
    %dma_wait3A_104 = tpu.memref_squeeze %dma_wait3A_103 : memref<1x128x64xi16, #tpu.memory_space<vmem>> -> memref<128x64xi16, #tpu.memory_space<vmem>>
    %dma_wait3A_105 = arith.constant 0 : i32
    %dma_wait3A_106 = tpu.memref_slice %arg8[%dma_wait3A_99, %dma_wait3A_105] : memref<80x128xi32, #tpu.memory_space<vmem>> -> memref<1x128xi32, #tpu.memory_space<vmem>>
    %dma_wait3A_107 = tpu.memref_squeeze %dma_wait3A_106 : memref<1x128xi32, #tpu.memory_space<vmem>> -> memref<128xi32, #tpu.memory_space<vmem>>
    %dma_wait3A_108 = arith.constant 0 : i32
    %dma_wait3A_109 = arith.constant 0 : i32
    %dma_wait3A_110 = tpu.memref_slice %arg11[%dma_wait3A_108, %dma_wait3A_109] : memref<10240x64xi16, #tpu.memory_space<vmem_shared>> -> memref<10240x64xi16, #tpu.memory_space<vmem_shared>>
    %dma_wait3A_111 = tpu.memref_slice %arg13[%dma_wait3A_100] : memref<8x!tpu.dma_semaphore, #tpu.memory_space<semaphore_mem>> -> memref<1x!tpu.dma_semaphore, #tpu.memory_space<semaphore_mem>>
    %dma_wait3A_112 = tpu.memref_squeeze %dma_wait3A_111 : memref<1x!tpu.dma_semaphore, #tpu.memory_space<semaphore_mem>> -> memref<!tpu.dma_semaphore, #tpu.memory_space<semaphore_mem>>
    tpu.wait_indirect_dma semaphore(%dma_wait3A_112 : memref<!tpu.dma_semaphore, #tpu.memory_space<semaphore_mem>>) src(%dma_wait3A_104 : memref<128x64xi16, #tpu.memory_space<vmem>>) dst(%dma_wait3A_110 : memref<10240x64xi16, #tpu.memory_space<vmem_shared>>)
    %dma_wait3A_113 = arith.constant 7 : i32
    %dma_wait3A_114 = arith.constant 79 : i32
    %dma_wait3A_115 = arith.constant 7 : i32
    %dma_wait3A_116 = arith.constant 0 : i32
    %dma_wait3A_117 = arith.constant 0 : i32
    %dma_wait3A_118 = tpu.memref_slice %arg9[%dma_wait3A_113, %dma_wait3A_116, %dma_wait3A_117] : memref<8x128x64xi16, #tpu.memory_space<vmem>> -> memref<1x128x64xi16, #tpu.memory_space<vmem>>
    %dma_wait3A_119 = tpu.memref_squeeze %dma_wait3A_118 : memref<1x128x64xi16, #tpu.memory_space<vmem>> -> memref<128x64xi16, #tpu.memory_space<vmem>>
    %dma_wait3A_120 = arith.constant 0 : i32
    %dma_wait3A_121 = tpu.memref_slice %arg8[%dma_wait3A_114, %dma_wait3A_120] : memref<80x128xi32, #tpu.memory_space<vmem>> -> memref<1x128xi32, #tpu.memory_space<vmem>>
    %dma_wait3A_122 = tpu.memref_squeeze %dma_wait3A_121 : memref<1x128xi32, #tpu.memory_space<vmem>> -> memref<128xi32, #tpu.memory_space<vmem>>
    %dma_wait3A_123 = arith.constant 0 : i32
    %dma_wait3A_124 = arith.constant 0 : i32
    %dma_wait3A_125 = tpu.memref_slice %arg11[%dma_wait3A_123, %dma_wait3A_124] : memref<10240x64xi16, #tpu.memory_space<vmem_shared>> -> memref<10240x64xi16, #tpu.memory_space<vmem_shared>>
    %dma_wait3A_126 = tpu.memref_slice %arg13[%dma_wait3A_115] : memref<8x!tpu.dma_semaphore, #tpu.memory_space<semaphore_mem>> -> memref<1x!tpu.dma_semaphore, #tpu.memory_space<semaphore_mem>>
    %dma_wait3A_127 = tpu.memref_squeeze %dma_wait3A_126 : memref<1x!tpu.dma_semaphore, #tpu.memory_space<semaphore_mem>> -> memref<!tpu.dma_semaphore, #tpu.memory_space<semaphore_mem>>
    tpu.wait_indirect_dma semaphore(%dma_wait3A_127 : memref<!tpu.dma_semaphore, #tpu.memory_space<semaphore_mem>>) src(%dma_wait3A_119 : memref<128x64xi16, #tpu.memory_space<vmem>>) dst(%dma_wait3A_125 : memref<10240x64xi16, #tpu.memory_space<vmem_shared>>)
    %barrier3A_128 = arith.constant 0 : index
    tpu.barrier barrier_id(%barrier3A_128)
    %mul3A_129 = arith.constant 10240 : i32
    %mul3A_130 = arith.muli %arg0, %mul3A_129 : i32
    %add3A_131 = arith.addi %mul3A_130, %mul3A_2 : i32
    %multiple_of3A = tpu.assume_multiple %add3A_131, 8 : i32
    "tpu.region"() ({
      %run_scoped3A = tpu.sem_alloc : memref<!tpu.dma_semaphore, #tpu.memory_space<semaphore_mem>>
      %dma_start3A_132 = arith.constant 0 : i32
      %dma_start3A_133 = tpu.memref_slice %arg6[%multiple_of3A, %dma_start3A_132] : memref<20480x64xi16, #tpu.memory_space<hbm>> -> memref<640x64xi16, #tpu.memory_space<hbm>>
      %dma_start3A_134 = arith.constant 0 : i32
      %dma_start3A_135 = tpu.memref_slice %arg11[%mul3A_2, %dma_start3A_134] : memref<10240x64xi16, #tpu.memory_space<vmem_shared>> -> memref<640x64xi16, #tpu.memory_space<vmem_shared>>
      tpu.enqueue_dma source(%dma_start3A_135 : memref<640x64xi16, #tpu.memory_space<vmem_shared>>) target(%dma_start3A_133 : memref<640x64xi16, #tpu.memory_space<hbm>>) target_semaphore(%run_scoped3A : memref<!tpu.dma_semaphore, #tpu.memory_space<semaphore_mem>>)
      %dma_wait3A_136 = arith.constant 0 : i32
      %dma_wait3A_137 = tpu.memref_slice %arg6[%multiple_of3A, %dma_wait3A_136] : memref<20480x64xi16, #tpu.memory_space<hbm>> -> memref<640x64xi16, #tpu.memory_space<hbm>>
      %dma_wait3A_138 = arith.constant 0 : i32
      %dma_wait3A_139 = tpu.memref_slice %arg11[%mul3A_2, %dma_wait3A_138] : memref<10240x64xi16, #tpu.memory_space<vmem_shared>> -> memref<640x64xi16, #tpu.memory_space<vmem_shared>>
      tpu.wait_dma2 semaphore(%run_scoped3A : memref<!tpu.dma_semaphore, #tpu.memory_space<semaphore_mem>>) src(%dma_wait3A_139 : memref<640x64xi16, #tpu.memory_space<vmem_shared>>) dst(%dma_wait3A_137 : memref<640x64xi16, #tpu.memory_space<hbm>>)
      tpu.yield
    }) : () -> ()
    return
  }
}

#map = affine_map<(d0, d1) -> (0, 0)>
module attributes {stable_mosaic.version = 14 : i64} {
  func.func @body(%arg0: i32, %arg1: i32, %arg2: memref<10240x64xi16, #tpu.memory_space<hbm>>, %arg3: memref<2560x128xi32, #tpu.memory_space<hbm>>, %arg4: memref<2560x128xi32, #tpu.memory_space<hbm>>, %arg5: memref<640x64xi16, #tpu.memory_space<hbm>>, %arg6: memref<20480x64xi16, #tpu.memory_space<hbm>>, %arg7: memref<80x128xi32, #tpu.memory_space<vmem>>, %arg8: memref<80x128xi32, #tpu.memory_space<vmem>>, %arg9: memref<8x128x64xi16, #tpu.memory_space<vmem>>, %arg10: memref<10240x64xi16, #tpu.memory_space<vmem_shared>>, %arg11: memref<10240x64xi16, #tpu.memory_space<vmem_shared>>, %arg12: memref<8x!tpu.dma_semaphore, #tpu.memory_space<semaphore_mem>>, %arg13: memref<8x!tpu.dma_semaphore, #tpu.memory_space<semaphore_mem>>) attributes {dimension_semantics = [#tpu.dimension_semantics<core_parallel>, #tpu.dimension_semantics<subcore_parallel>], iteration_bounds = array<i64: 2, 16>, scalar_prefetch = 0 : i64, scratch_operands = 7 : i64, tpu.core_type = #tpu.core_type<sc_vector_subcore>, window_params = [{transform_indices = #map}, {transform_indices = #map}, {transform_indices = #map}, {transform_indices = #map}, {transform_indices = #map}]} {
    %mul3A = arith.constant 16 : i32
    %mul3A_0 = arith.muli %arg0, %mul3A : i32
    %add3A = arith.addi %mul3A_0, %arg1 : i32
    %mul3A_1 = arith.constant 640 : i32
    %mul3A_2 = arith.muli %arg1, %mul3A_1 : i32
    %mul3A_3 = arith.constant 80 : i32
    %mul3A_4 = arith.muli %add3A, %mul3A_3 : i32
    "tpu.region"() ({
      %run_scoped3A = tpu.sem_alloc : memref<!tpu.dma_semaphore, #tpu.memory_space<semaphore_mem>>
      %dma_start3A_132 = arith.constant 0 : i32
      %dma_start3A_133 = tpu.memref_slice %arg3[%mul3A_4, %dma_start3A_132] : memref<2560x128xi32, #tpu.memory_space<hbm>> -> memref<80x128xi32, #tpu.memory_space<hbm>>
      %dma_start3A_134 = arith.constant 0 : i32
      %dma_start3A_135 = tpu.memref_slice %arg3[%mul3A_4, %dma_start3A_134] : memref<2560x128xi32, #tpu.memory_space<hbm>> -> memref<80x128xi32, #tpu.memory_space<hbm>>
      tpu.enqueue_dma source(%dma_start3A_135 : memref<80x128xi32, #tpu.memory_space<hbm>>) target(%arg7 : memref<80x128xi32, #tpu.memory_space<vmem>>) target_semaphore(%run_scoped3A : memref<!tpu.dma_semaphore, #tpu.memory_space<semaphore_mem>>)
      %dma_wait3A_136 = arith.constant 0 : i32
      %dma_wait3A_137 = tpu.memref_slice %arg3[%mul3A_4, %dma_wait3A_136] : memref<2560x128xi32, #tpu.memory_space<hbm>> -> memref<80x128xi32, #tpu.memory_space<hbm>>
      %dma_wait3A_138 = arith.constant 0 : i32
      %dma_wait3A_139 = tpu.memref_slice %arg3[%mul3A_4, %dma_wait3A_138] : memref<2560x128xi32, #tpu.memory_space<hbm>> -> memref<80x128xi32, #tpu.memory_space<hbm>>
      tpu.wait_dma2 semaphore(%run_scoped3A : memref<!tpu.dma_semaphore, #tpu.memory_space<semaphore_mem>>) src(%dma_wait3A_139 : memref<80x128xi32, #tpu.memory_space<hbm>>) dst(%arg7 : memref<80x128xi32, #tpu.memory_space<vmem>>)
      tpu.yield
    }) : () -> ()
    "tpu.region"() ({
      %run_scoped3A = tpu.sem_alloc : memref<!tpu.dma_semaphore, #tpu.memory_space<semaphore_mem>>
      %dma_start3A_132 = arith.constant 0 : i32
      %dma_start3A_133 = tpu.memref_slice %arg4[%mul3A_4, %dma_start3A_132] : memref<2560x128xi32, #tpu.memory_space<hbm>> -> memref<80x128xi32, #tpu.memory_space<hbm>>
      %dma_start3A_134 = arith.constant 0 : i32
      %dma_start3A_135 = tpu.memref_slice %arg4[%mul3A_4, %dma_start3A_134] : memref<2560x128xi32, #tpu.memory_space<hbm>> -> memref<80x128xi32, #tpu.memory_space<hbm>>
      tpu.enqueue_dma source(%dma_start3A_135 : memref<80x128xi32, #tpu.memory_space<hbm>>) target(%arg8 : memref<80x128xi32, #tpu.memory_space<vmem>>) target_semaphore(%run_scoped3A : memref<!tpu.dma_semaphore, #tpu.memory_space<semaphore_mem>>)
      %dma_wait3A_136 = arith.constant 0 : i32
      %dma_wait3A_137 = tpu.memref_slice %arg4[%mul3A_4, %dma_wait3A_136] : memref<2560x128xi32, #tpu.memory_space<hbm>> -> memref<80x128xi32, #tpu.memory_space<hbm>>
      %dma_wait3A_138 = arith.constant 0 : i32
      %dma_wait3A_139 = tpu.memref_slice %arg4[%mul3A_4, %dma_wait3A_138] : memref<2560x128xi32, #tpu.memory_space<hbm>> -> memref<80x128xi32, #tpu.memory_space<hbm>>
      tpu.wait_dma2 semaphore(%run_scoped3A : memref<!tpu.dma_semaphore, #tpu.memory_space<semaphore_mem>>) src(%dma_wait3A_139 : memref<80x128xi32, #tpu.memory_space<hbm>>) dst(%arg8 : memref<80x128xi32, #tpu.memory_space<vmem>>)
      tpu.yield
    }) : () -> ()
    "tpu.region"() ({
      %run_scoped3A = tpu.sem_alloc : memref<!tpu.dma_semaphore, #tpu.memory_space<semaphore_mem>>
      %dma_start3A_132 = arith.constant 0 : i32
      %dma_start3A_133 = tpu.memref_slice %arg10[%mul3A_2, %dma_start3A_132] : memref<10240x64xi16, #tpu.memory_space<vmem_shared>> -> memref<640x64xi16, #tpu.memory_space<vmem_shared>>
      %dma_start3A_134 = arith.constant 0 : i32
      %dma_start3A_135 = tpu.memref_slice %arg2[%mul3A_2, %dma_start3A_134] : memref<10240x64xi16, #tpu.memory_space<hbm>> -> memref<640x64xi16, #tpu.memory_space<hbm>>
      tpu.enqueue_dma source(%dma_start3A_135 : memref<640x64xi16, #tpu.memory_space<hbm>>) target(%dma_start3A_133 : memref<640x64xi16, #tpu.memory_space<vmem_shared>>) target_semaphore(%run_scoped3A : memref<!tpu.dma_semaphore, #tpu.memory_space<semaphore_mem>>)
      %dma_wait3A_136 = arith.constant 0 : i32
      %dma_wait3A_137 = tpu.memref_slice %arg10[%mul3A_2, %dma_wait3A_136] : memref<10240x64xi16, #tpu.memory_space<vmem_shared>> -> memref<640x64xi16, #tpu.memory_space<vmem_shared>>
      %dma_wait3A_138 = arith.constant 0 : i32
      %dma_wait3A_139 = tpu.memref_slice %arg2[%mul3A_2, %dma_wait3A_138] : memref<10240x64xi16, #tpu.memory_space<hbm>> -> memref<640x64xi16, #tpu.memory_space<hbm>>
      tpu.wait_dma2 semaphore(%run_scoped3A : memref<!tpu.dma_semaphore, #tpu.memory_space<semaphore_mem>>) src(%dma_wait3A_139 : memref<640x64xi16, #tpu.memory_space<hbm>>) dst(%dma_wait3A_137 : memref<640x64xi16, #tpu.memory_space<vmem_shared>>)
      tpu.yield
    }) : () -> ()
    "tpu.region"() ({
      %run_scoped3A = tpu.sem_alloc : memref<!tpu.dma_semaphore, #tpu.memory_space<semaphore_mem>>
      %dma_start3A_132 = arith.constant 0 : i32
      %dma_start3A_133 = tpu.memref_slice %arg11[%mul3A_2, %dma_start3A_132] : memref<10240x64xi16, #tpu.memory_space<vmem_shared>> -> memref<640x64xi16, #tpu.memory_space<vmem_shared>>
      tpu.enqueue_dma source(%arg5 : memref<640x64xi16, #tpu.memory_space<hbm>>) target(%dma_start3A_133 : memref<640x64xi16, #tpu.memory_space<vmem_shared>>) target_semaphore(%run_scoped3A : memref<!tpu.dma_semaphore, #tpu.memory_space<semaphore_mem>>)
      %dma_wait3A_134 = arith.constant 0 : i32
      %dma_wait3A_135 = tpu.memref_slice %arg11[%mul3A_2, %dma_wait3A_134] : memref<10240x64xi16, #tpu.memory_space<vmem_shared>> -> memref<640x64xi16, #tpu.memory_space<vmem_shared>>
      tpu.wait_dma2 semaphore(%run_scoped3A : memref<!tpu.dma_semaphore, #tpu.memory_space<semaphore_mem>>) src(%arg5 : memref<640x64xi16, #tpu.memory_space<hbm>>) dst(%dma_wait3A_135 : memref<640x64xi16, #tpu.memory_space<vmem_shared>>)
      tpu.yield
    }) : () -> ()
    %barrier3A = arith.constant 0 : index
    tpu.barrier barrier_id(%barrier3A)
    %dma_start3A = arith.constant 0 : i32
    %dma_start3A_5 = arith.constant 0 : i32
    %dma_start3A_6 = arith.constant 0 : i32
    %dma_start3A_7 = arith.constant 0 : i32
    %dma_start3A_8 = arith.constant 0 : i32
    %dma_start3A_9 = tpu.memref_slice %arg9[%dma_start3A_5, %dma_start3A_7, %dma_start3A_8] : memref<8x128x64xi16, #tpu.memory_space<vmem>> -> memref<1x128x64xi16, #tpu.memory_space<vmem>>
    %dma_start3A_10 = tpu.memref_squeeze %dma_start3A_9 : memref<1x128x64xi16, #tpu.memory_space<vmem>> -> memref<128x64xi16, #tpu.memory_space<vmem>>
    %dma_start3A_11 = arith.constant 0 : i32
    %dma_start3A_12 = tpu.memref_slice %arg7[%dma_start3A, %dma_start3A_11] : memref<80x128xi32, #tpu.memory_space<vmem>> -> memref<1x128xi32, #tpu.memory_space<vmem>>
    %dma_start3A_13 = tpu.memref_squeeze %dma_start3A_12 : memref<1x128xi32, #tpu.memory_space<vmem>> -> memref<128xi32, #tpu.memory_space<vmem>>
    %dma_start3A_14 = arith.constant 0 : i32
    %dma_start3A_15 = arith.constant 0 : i32
    %dma_start3A_16 = tpu.memref_slice %arg10[%dma_start3A_14, %dma_start3A_15] : memref<10240x64xi16, #tpu.memory_space<vmem_shared>> -> memref<10240x64xi16, #tpu.memory_space<vmem_shared>>
    %dma_start3A_17 = tpu.memref_slice %arg12[%dma_start3A_6] : memref<8x!tpu.dma_semaphore, #tpu.memory_space<semaphore_mem>> -> memref<1x!tpu.dma_semaphore, #tpu.memory_space<semaphore_mem>>
    %dma_start3A_18 = tpu.memref_squeeze %dma_start3A_17 : memref<1x!tpu.dma_semaphore, #tpu.memory_space<semaphore_mem>> -> memref<!tpu.dma_semaphore, #tpu.memory_space<semaphore_mem>>
    tpu.enqueue_indirect_dma source(%dma_start3A_16 : memref<10240x64xi16, #tpu.memory_space<vmem_shared>>) target(%dma_start3A_10 : memref<128x64xi16, #tpu.memory_space<vmem>>) offsets(%dma_start3A_13 : memref<128xi32, #tpu.memory_space<vmem>>) semaphore(%dma_start3A_18 : memref<!tpu.dma_semaphore, #tpu.memory_space<semaphore_mem>>)
    %dma_start3A_19 = arith.constant 1 : i32
    %dma_start3A_20 = arith.constant 1 : i32
    %dma_start3A_21 = arith.constant 1 : i32
    %dma_start3A_22 = arith.constant 0 : i32
    %dma_start3A_23 = arith.constant 0 : i32
    %dma_start3A_24 = tpu.memref_slice %arg9[%dma_start3A_20, %dma_start3A_22, %dma_start3A_23] : memref<8x128x64xi16, #tpu.memory_space<vmem>> -> memref<1x128x64xi16, #tpu.memory_space<vmem>>
    %dma_start3A_25 = tpu.memref_squeeze %dma_start3A_24 : memref<1x128x64xi16, #tpu.memory_space<vmem>> -> memref<128x64xi16, #tpu.memory_space<vmem>>
    %dma_start3A_26 = arith.constant 0 : i32
    %dma_start3A_27 = tpu.memref_slice %arg7[%dma_start3A_19, %dma_start3A_26] : memref<80x128xi32, #tpu.memory_space<vmem>> -> memref<1x128xi32, #tpu.memory_space<vmem>>
    %dma_start3A_28 = tpu.memref_squeeze %dma_start3A_27 : memref<1x128xi32, #tpu.memory_space<vmem>> -> memref<128xi32, #tpu.memory_space<vmem>>
    %dma_start3A_29 = arith.constant 0 : i32
    %dma_start3A_30 = arith.constant 0 : i32
    %dma_start3A_31 = tpu.memref_slice %arg10[%dma_start3A_29, %dma_start3A_30] : memref<10240x64xi16, #tpu.memory_space<vmem_shared>> -> memref<10240x64xi16, #tpu.memory_space<vmem_shared>>
    %dma_start3A_32 = tpu.memref_slice %arg12[%dma_start3A_21] : memref<8x!tpu.dma_semaphore, #tpu.memory_space<semaphore_mem>> -> memref<1x!tpu.dma_semaphore, #tpu.memory_space<semaphore_mem>>
    %dma_start3A_33 = tpu.memref_squeeze %dma_start3A_32 : memref<1x!tpu.dma_semaphore, #tpu.memory_space<semaphore_mem>> -> memref<!tpu.dma_semaphore, #tpu.memory_space<semaphore_mem>>
    tpu.enqueue_indirect_dma source(%dma_start3A_31 : memref<10240x64xi16, #tpu.memory_space<vmem_shared>>) target(%dma_start3A_25 : memref<128x64xi16, #tpu.memory_space<vmem>>) offsets(%dma_start3A_28 : memref<128xi32, #tpu.memory_space<vmem>>) semaphore(%dma_start3A_33 : memref<!tpu.dma_semaphore, #tpu.memory_space<semaphore_mem>>)
    %dma_start3A_34 = arith.constant 2 : i32
    %dma_start3A_35 = arith.constant 2 : i32
    %dma_start3A_36 = arith.constant 2 : i32
    %dma_start3A_37 = arith.constant 0 : i32
    %dma_start3A_38 = arith.constant 0 : i32
    %dma_start3A_39 = tpu.memref_slice %arg9[%dma_start3A_35, %dma_start3A_37, %dma_start3A_38] : memref<8x128x64xi16, #tpu.memory_space<vmem>> -> memref<1x128x64xi16, #tpu.memory_space<vmem>>
    %dma_start3A_40 = tpu.memref_squeeze %dma_start3A_39 : memref<1x128x64xi16, #tpu.memory_space<vmem>> -> memref<128x64xi16, #tpu.memory_space<vmem>>
    %dma_start3A_41 = arith.constant 0 : i32
    %dma_start3A_42 = tpu.memref_slice %arg7[%dma_start3A_34, %dma_start3A_41] : memref<80x128xi32, #tpu.memory_space<vmem>> -> memref<1x128xi32, #tpu.memory_space<vmem>>
    %dma_start3A_43 = tpu.memref_squeeze %dma_start3A_42 : memref<1x128xi32, #tpu.memory_space<vmem>> -> memref<128xi32, #tpu.memory_space<vmem>>
    %dma_start3A_44 = arith.constant 0 : i32
    %dma_start3A_45 = arith.constant 0 : i32
    %dma_start3A_46 = tpu.memref_slice %arg10[%dma_start3A_44, %dma_start3A_45] : memref<10240x64xi16, #tpu.memory_space<vmem_shared>> -> memref<10240x64xi16, #tpu.memory_space<vmem_shared>>
    %dma_start3A_47 = tpu.memref_slice %arg12[%dma_start3A_36] : memref<8x!tpu.dma_semaphore, #tpu.memory_space<semaphore_mem>> -> memref<1x!tpu.dma_semaphore, #tpu.memory_space<semaphore_mem>>
    %dma_start3A_48 = tpu.memref_squeeze %dma_start3A_47 : memref<1x!tpu.dma_semaphore, #tpu.memory_space<semaphore_mem>> -> memref<!tpu.dma_semaphore, #tpu.memory_space<semaphore_mem>>
    tpu.enqueue_indirect_dma source(%dma_start3A_46 : memref<10240x64xi16, #tpu.memory_space<vmem_shared>>) target(%dma_start3A_40 : memref<128x64xi16, #tpu.memory_space<vmem>>) offsets(%dma_start3A_43 : memref<128xi32, #tpu.memory_space<vmem>>) semaphore(%dma_start3A_48 : memref<!tpu.dma_semaphore, #tpu.memory_space<semaphore_mem>>)
    %dma_start3A_49 = arith.constant 3 : i32
    %dma_start3A_50 = arith.constant 3 : i32
    %dma_start3A_51 = arith.constant 3 : i32
    %dma_start3A_52 = arith.constant 0 : i32
    %dma_start3A_53 = arith.constant 0 : i32
    %dma_start3A_54 = tpu.memref_slice %arg9[%dma_start3A_50, %dma_start3A_52, %dma_start3A_53] : memref<8x128x64xi16, #tpu.memory_space<vmem>> -> memref<1x128x64xi16, #tpu.memory_space<vmem>>
    %dma_start3A_55 = tpu.memref_squeeze %dma_start3A_54 : memref<1x128x64xi16, #tpu.memory_space<vmem>> -> memref<128x64xi16, #tpu.memory_space<vmem>>
    %dma_start3A_56 = arith.constant 0 : i32
    %dma_start3A_57 = tpu.memref_slice %arg7[%dma_start3A_49, %dma_start3A_56] : memref<80x128xi32, #tpu.memory_space<vmem>> -> memref<1x128xi32, #tpu.memory_space<vmem>>
    %dma_start3A_58 = tpu.memref_squeeze %dma_start3A_57 : memref<1x128xi32, #tpu.memory_space<vmem>> -> memref<128xi32, #tpu.memory_space<vmem>>
    %dma_start3A_59 = arith.constant 0 : i32
    %dma_start3A_60 = arith.constant 0 : i32
    %dma_start3A_61 = tpu.memref_slice %arg10[%dma_start3A_59, %dma_start3A_60] : memref<10240x64xi16, #tpu.memory_space<vmem_shared>> -> memref<10240x64xi16, #tpu.memory_space<vmem_shared>>
    %dma_start3A_62 = tpu.memref_slice %arg12[%dma_start3A_51] : memref<8x!tpu.dma_semaphore, #tpu.memory_space<semaphore_mem>> -> memref<1x!tpu.dma_semaphore, #tpu.memory_space<semaphore_mem>>
    %dma_start3A_63 = tpu.memref_squeeze %dma_start3A_62 : memref<1x!tpu.dma_semaphore, #tpu.memory_space<semaphore_mem>> -> memref<!tpu.dma_semaphore, #tpu.memory_space<semaphore_mem>>
    tpu.enqueue_indirect_dma source(%dma_start3A_61 : memref<10240x64xi16, #tpu.memory_space<vmem_shared>>) target(%dma_start3A_55 : memref<128x64xi16, #tpu.memory_space<vmem>>) offsets(%dma_start3A_58 : memref<128xi32, #tpu.memory_space<vmem>>) semaphore(%dma_start3A_63 : memref<!tpu.dma_semaphore, #tpu.memory_space<semaphore_mem>>)
    %scan3A = arith.constant 0 : i32
    %scan3A_64 = arith.constant 0 : i32
    %scan3A_65 = arith.constant 10 : i32
    %scan3A_66 = arith.addi %scan3A_64, %scan3A_65 : i32
    %scan3A_67 = arith.constant 1 : i32
    scf.for %scan3A_132 = %scan3A_64 to %scan3A_66 step %scan3A_67  : i32 {
      %mul3A_133 = arith.constant 8 : i32
      %mul3A_134 = arith.muli %scan3A_132, %mul3A_133 : i32
      %add3A_135 = arith.constant 0 : i32
      %add3A_136 = arith.addi %mul3A_134, %add3A_135 : i32
      %ge3A = arith.constant 1 : i32
      %ge3A_137 = arith.cmpi sge, %scan3A_132, %ge3A : i32
      %convert_element_type3A = arith.extui %ge3A_137 : i1 to i32
      %cond3A = arith.constant 0 : i32
      %cond3A_138 = arith.cmpi ne, %convert_element_type3A, %cond3A : i32
      scf.if %cond3A_138 {
        %sub3A_538 = arith.constant 4 : i32
        %sub3A_539 = arith.subi %add3A_136, %sub3A_538 : i32
        %dma_wait3A_540 = arith.constant 4 : i32
        %dma_wait3A_541 = arith.constant 4 : i32
        %dma_wait3A_542 = arith.constant 0 : i32
        %dma_wait3A_543 = arith.constant 0 : i32
        %dma_wait3A_544 = tpu.memref_slice %arg9[%dma_wait3A_540, %dma_wait3A_542, %dma_wait3A_543] : memref<8x128x64xi16, #tpu.memory_space<vmem>> -> memref<1x128x64xi16, #tpu.memory_space<vmem>>
        %dma_wait3A_545 = tpu.memref_squeeze %dma_wait3A_544 : memref<1x128x64xi16, #tpu.memory_space<vmem>> -> memref<128x64xi16, #tpu.memory_space<vmem>>
        %dma_wait3A_546 = arith.constant 0 : i32
        %dma_wait3A_547 = tpu.memref_slice %arg8[%sub3A_539, %dma_wait3A_546] : memref<80x128xi32, #tpu.memory_space<vmem>> -> memref<1x128xi32, #tpu.memory_space<vmem>>
        %dma_wait3A_548 = tpu.memref_squeeze %dma_wait3A_547 : memref<1x128xi32, #tpu.memory_space<vmem>> -> memref<128xi32, #tpu.memory_space<vmem>>
        %dma_wait3A_549 = arith.constant 0 : i32
        %dma_wait3A_550 = arith.constant 0 : i32
        %dma_wait3A_551 = tpu.memref_slice %arg11[%dma_wait3A_549, %dma_wait3A_550] : memref<10240x64xi16, #tpu.memory_space<vmem_shared>> -> memref<10240x64xi16, #tpu.memory_space<vmem_shared>>
        %dma_wait3A_552 = tpu.memref_slice %arg13[%dma_wait3A_541] : memref<8x!tpu.dma_semaphore, #tpu.memory_space<semaphore_mem>> -> memref<1x!tpu.dma_semaphore, #tpu.memory_space<semaphore_mem>>
        %dma_wait3A_553 = tpu.memref_squeeze %dma_wait3A_552 : memref<1x!tpu.dma_semaphore, #tpu.memory_space<semaphore_mem>> -> memref<!tpu.dma_semaphore, #tpu.memory_space<semaphore_mem>>
        tpu.wait_indirect_dma semaphore(%dma_wait3A_553 : memref<!tpu.dma_semaphore, #tpu.memory_space<semaphore_mem>>) src(%dma_wait3A_545 : memref<128x64xi16, #tpu.memory_space<vmem>>) dst(%dma_wait3A_551 : memref<10240x64xi16, #tpu.memory_space<vmem_shared>>)
      } else {
      }
      %add3A_139 = arith.constant 4 : i32
      %add3A_140 = arith.addi %add3A_136, %add3A_139 : i32
      %dma_start3A_141 = arith.constant 4 : i32
      %dma_start3A_142 = arith.constant 4 : i32
      %dma_start3A_143 = arith.constant 0 : i32
      %dma_start3A_144 = arith.constant 0 : i32
      %dma_start3A_145 = tpu.memref_slice %arg9[%dma_start3A_141, %dma_start3A_143, %dma_start3A_144] : memref<8x128x64xi16, #tpu.memory_space<vmem>> -> memref<1x128x64xi16, #tpu.memory_space<vmem>>
      %dma_start3A_146 = tpu.memref_squeeze %dma_start3A_145 : memref<1x128x64xi16, #tpu.memory_space<vmem>> -> memref<128x64xi16, #tpu.memory_space<vmem>>
      %dma_start3A_147 = arith.constant 0 : i32
      %dma_start3A_148 = tpu.memref_slice %arg7[%add3A_140, %dma_start3A_147] : memref<80x128xi32, #tpu.memory_space<vmem>> -> memref<1x128xi32, #tpu.memory_space<vmem>>
      %dma_start3A_149 = tpu.memref_squeeze %dma_start3A_148 : memref<1x128xi32, #tpu.memory_space<vmem>> -> memref<128xi32, #tpu.memory_space<vmem>>
      %dma_start3A_150 = arith.constant 0 : i32
      %dma_start3A_151 = arith.constant 0 : i32
      %dma_start3A_152 = tpu.memref_slice %arg10[%dma_start3A_150, %dma_start3A_151] : memref<10240x64xi16, #tpu.memory_space<vmem_shared>> -> memref<10240x64xi16, #tpu.memory_space<vmem_shared>>
      %dma_start3A_153 = tpu.memref_slice %arg12[%dma_start3A_142] : memref<8x!tpu.dma_semaphore, #tpu.memory_space<semaphore_mem>> -> memref<1x!tpu.dma_semaphore, #tpu.memory_space<semaphore_mem>>
      %dma_start3A_154 = tpu.memref_squeeze %dma_start3A_153 : memref<1x!tpu.dma_semaphore, #tpu.memory_space<semaphore_mem>> -> memref<!tpu.dma_semaphore, #tpu.memory_space<semaphore_mem>>
      tpu.enqueue_indirect_dma source(%dma_start3A_152 : memref<10240x64xi16, #tpu.memory_space<vmem_shared>>) target(%dma_start3A_146 : memref<128x64xi16, #tpu.memory_space<vmem>>) offsets(%dma_start3A_149 : memref<128xi32, #tpu.memory_space<vmem>>) semaphore(%dma_start3A_154 : memref<!tpu.dma_semaphore, #tpu.memory_space<semaphore_mem>>)
      %dma_wait3A_155 = arith.constant 0 : i32
      %dma_wait3A_156 = arith.constant 0 : i32
      %dma_wait3A_157 = arith.constant 0 : i32
      %dma_wait3A_158 = arith.constant 0 : i32
      %dma_wait3A_159 = tpu.memref_slice %arg9[%dma_wait3A_155, %dma_wait3A_157, %dma_wait3A_158] : memref<8x128x64xi16, #tpu.memory_space<vmem>> -> memref<1x128x64xi16, #tpu.memory_space<vmem>>
      %dma_wait3A_160 = tpu.memref_squeeze %dma_wait3A_159 : memref<1x128x64xi16, #tpu.memory_space<vmem>> -> memref<128x64xi16, #tpu.memory_space<vmem>>
      %dma_wait3A_161 = arith.constant 0 : i32
      %dma_wait3A_162 = tpu.memref_slice %arg7[%add3A_136, %dma_wait3A_161] : memref<80x128xi32, #tpu.memory_space<vmem>> -> memref<1x128xi32, #tpu.memory_space<vmem>>
      %dma_wait3A_163 = tpu.memref_squeeze %dma_wait3A_162 : memref<1x128xi32, #tpu.memory_space<vmem>> -> memref<128xi32, #tpu.memory_space<vmem>>
      %dma_wait3A_164 = arith.constant 0 : i32
      %dma_wait3A_165 = arith.constant 0 : i32
      %dma_wait3A_166 = tpu.memref_slice %arg10[%dma_wait3A_164, %dma_wait3A_165] : memref<10240x64xi16, #tpu.memory_space<vmem_shared>> -> memref<10240x64xi16, #tpu.memory_space<vmem_shared>>
      %dma_wait3A_167 = tpu.memref_slice %arg12[%dma_wait3A_156] : memref<8x!tpu.dma_semaphore, #tpu.memory_space<semaphore_mem>> -> memref<1x!tpu.dma_semaphore, #tpu.memory_space<semaphore_mem>>
      %dma_wait3A_168 = tpu.memref_squeeze %dma_wait3A_167 : memref<1x!tpu.dma_semaphore, #tpu.memory_space<semaphore_mem>> -> memref<!tpu.dma_semaphore, #tpu.memory_space<semaphore_mem>>
      tpu.wait_indirect_dma semaphore(%dma_wait3A_168 : memref<!tpu.dma_semaphore, #tpu.memory_space<semaphore_mem>>) src(%dma_wait3A_166 : memref<10240x64xi16, #tpu.memory_space<vmem_shared>>) dst(%dma_wait3A_160 : memref<128x64xi16, #tpu.memory_space<vmem>>)
      %dma_start3A_169 = arith.constant 0 : i32
      %dma_start3A_170 = arith.constant 0 : i32
      %dma_start3A_171 = arith.constant 0 : i32
      %dma_start3A_172 = arith.constant 0 : i32
      %dma_start3A_173 = tpu.memref_slice %arg9[%dma_start3A_169, %dma_start3A_171, %dma_start3A_172] : memref<8x128x64xi16, #tpu.memory_space<vmem>> -> memref<1x128x64xi16, #tpu.memory_space<vmem>>
      %dma_start3A_174 = tpu.memref_squeeze %dma_start3A_173 : memref<1x128x64xi16, #tpu.memory_space<vmem>> -> memref<128x64xi16, #tpu.memory_space<vmem>>
      %dma_start3A_175 = arith.constant 0 : i32
      %dma_start3A_176 = tpu.memref_slice %arg8[%add3A_136, %dma_start3A_175] : memref<80x128xi32, #tpu.memory_space<vmem>> -> memref<1x128xi32, #tpu.memory_space<vmem>>
      %dma_start3A_177 = tpu.memref_squeeze %dma_start3A_176 : memref<1x128xi32, #tpu.memory_space<vmem>> -> memref<128xi32, #tpu.memory_space<vmem>>
      %dma_start3A_178 = arith.constant 0 : i32
      %dma_start3A_179 = arith.constant 0 : i32
      %dma_start3A_180 = tpu.memref_slice %arg11[%dma_start3A_178, %dma_start3A_179] : memref<10240x64xi16, #tpu.memory_space<vmem_shared>> -> memref<10240x64xi16, #tpu.memory_space<vmem_shared>>
      %dma_start3A_181 = tpu.memref_slice %arg13[%dma_start3A_170] : memref<8x!tpu.dma_semaphore, #tpu.memory_space<semaphore_mem>> -> memref<1x!tpu.dma_semaphore, #tpu.memory_space<semaphore_mem>>
      %dma_start3A_182 = tpu.memref_squeeze %dma_start3A_181 : memref<1x!tpu.dma_semaphore, #tpu.memory_space<semaphore_mem>> -> memref<!tpu.dma_semaphore, #tpu.memory_space<semaphore_mem>>
      tpu.enqueue_indirect_dma source(%dma_start3A_174 : memref<128x64xi16, #tpu.memory_space<vmem>>) target(%dma_start3A_180 : memref<10240x64xi16, #tpu.memory_space<vmem_shared>>) offsets(%dma_start3A_177 : memref<128xi32, #tpu.memory_space<vmem>>) semaphore(%dma_start3A_182 : memref<!tpu.dma_semaphore, #tpu.memory_space<semaphore_mem>>) {add = true}
      %add3A_183 = arith.constant 1 : i32
      %add3A_184 = arith.addi %mul3A_134, %add3A_183 : i32
      %ge3A_185 = arith.constant 1 : i32
      %ge3A_186 = arith.cmpi sge, %scan3A_132, %ge3A_185 : i32
      %convert_element_type3A_187 = arith.extui %ge3A_186 : i1 to i32
      %cond3A_188 = arith.constant 0 : i32
      %cond3A_189 = arith.cmpi ne, %convert_element_type3A_187, %cond3A_188 : i32
      scf.if %cond3A_189 {
        %sub3A_538 = arith.constant 4 : i32
        %sub3A_539 = arith.subi %add3A_184, %sub3A_538 : i32
        %dma_wait3A_540 = arith.constant 5 : i32
        %dma_wait3A_541 = arith.constant 5 : i32
        %dma_wait3A_542 = arith.constant 0 : i32
        %dma_wait3A_543 = arith.constant 0 : i32
        %dma_wait3A_544 = tpu.memref_slice %arg9[%dma_wait3A_540, %dma_wait3A_542, %dma_wait3A_543] : memref<8x128x64xi16, #tpu.memory_space<vmem>> -> memref<1x128x64xi16, #tpu.memory_space<vmem>>
        %dma_wait3A_545 = tpu.memref_squeeze %dma_wait3A_544 : memref<1x128x64xi16, #tpu.memory_space<vmem>> -> memref<128x64xi16, #tpu.memory_space<vmem>>
        %dma_wait3A_546 = arith.constant 0 : i32
        %dma_wait3A_547 = tpu.memref_slice %arg8[%sub3A_539, %dma_wait3A_546] : memref<80x128xi32, #tpu.memory_space<vmem>> -> memref<1x128xi32, #tpu.memory_space<vmem>>
        %dma_wait3A_548 = tpu.memref_squeeze %dma_wait3A_547 : memref<1x128xi32, #tpu.memory_space<vmem>> -> memref<128xi32, #tpu.memory_space<vmem>>
        %dma_wait3A_549 = arith.constant 0 : i32
        %dma_wait3A_550 = arith.constant 0 : i32
        %dma_wait3A_551 = tpu.memref_slice %arg11[%dma_wait3A_549, %dma_wait3A_550] : memref<10240x64xi16, #tpu.memory_space<vmem_shared>> -> memref<10240x64xi16, #tpu.memory_space<vmem_shared>>
        %dma_wait3A_552 = tpu.memref_slice %arg13[%dma_wait3A_541] : memref<8x!tpu.dma_semaphore, #tpu.memory_space<semaphore_mem>> -> memref<1x!tpu.dma_semaphore, #tpu.memory_space<semaphore_mem>>
        %dma_wait3A_553 = tpu.memref_squeeze %dma_wait3A_552 : memref<1x!tpu.dma_semaphore, #tpu.memory_space<semaphore_mem>> -> memref<!tpu.dma_semaphore, #tpu.memory_space<semaphore_mem>>
        tpu.wait_indirect_dma semaphore(%dma_wait3A_553 : memref<!tpu.dma_semaphore, #tpu.memory_space<semaphore_mem>>) src(%dma_wait3A_545 : memref<128x64xi16, #tpu.memory_space<vmem>>) dst(%dma_wait3A_551 : memref<10240x64xi16, #tpu.memory_space<vmem_shared>>)
      } else {
      }
      %add3A_190 = arith.constant 4 : i32
      %add3A_191 = arith.addi %add3A_184, %add3A_190 : i32
      %dma_start3A_192 = arith.constant 5 : i32
      %dma_start3A_193 = arith.constant 5 : i32
      %dma_start3A_194 = arith.constant 0 : i32
      %dma_start3A_195 = arith.constant 0 : i32
      %dma_start3A_196 = tpu.memref_slice %arg9[%dma_start3A_192, %dma_start3A_194, %dma_start3A_195] : memref<8x128x64xi16, #tpu.memory_space<vmem>> -> memref<1x128x64xi16, #tpu.memory_space<vmem>>
      %dma_start3A_197 = tpu.memref_squeeze %dma_start3A_196 : memref<1x128x64xi16, #tpu.memory_space<vmem>> -> memref<128x64xi16, #tpu.memory_space<vmem>>
      %dma_start3A_198 = arith.constant 0 : i32
      %dma_start3A_199 = tpu.memref_slice %arg7[%add3A_191, %dma_start3A_198] : memref<80x128xi32, #tpu.memory_space<vmem>> -> memref<1x128xi32, #tpu.memory_space<vmem>>
      %dma_start3A_200 = tpu.memref_squeeze %dma_start3A_199 : memref<1x128xi32, #tpu.memory_space<vmem>> -> memref<128xi32, #tpu.memory_space<vmem>>
      %dma_start3A_201 = arith.constant 0 : i32
      %dma_start3A_202 = arith.constant 0 : i32
      %dma_start3A_203 = tpu.memref_slice %arg10[%dma_start3A_201, %dma_start3A_202] : memref<10240x64xi16, #tpu.memory_space<vmem_shared>> -> memref<10240x64xi16, #tpu.memory_space<vmem_shared>>
      %dma_start3A_204 = tpu.memref_slice %arg12[%dma_start3A_193] : memref<8x!tpu.dma_semaphore, #tpu.memory_space<semaphore_mem>> -> memref<1x!tpu.dma_semaphore, #tpu.memory_space<semaphore_mem>>
      %dma_start3A_205 = tpu.memref_squeeze %dma_start3A_204 : memref<1x!tpu.dma_semaphore, #tpu.memory_space<semaphore_mem>> -> memref<!tpu.dma_semaphore, #tpu.memory_space<semaphore_mem>>
      tpu.enqueue_indirect_dma source(%dma_start3A_203 : memref<10240x64xi16, #tpu.memory_space<vmem_shared>>) target(%dma_start3A_197 : memref<128x64xi16, #tpu.memory_space<vmem>>) offsets(%dma_start3A_200 : memref<128xi32, #tpu.memory_space<vmem>>) semaphore(%dma_start3A_205 : memref<!tpu.dma_semaphore, #tpu.memory_space<semaphore_mem>>)
      %dma_wait3A_206 = arith.constant 1 : i32
      %dma_wait3A_207 = arith.constant 1 : i32
      %dma_wait3A_208 = arith.constant 0 : i32
      %dma_wait3A_209 = arith.constant 0 : i32
      %dma_wait3A_210 = tpu.memref_slice %arg9[%dma_wait3A_206, %dma_wait3A_208, %dma_wait3A_209] : memref<8x128x64xi16, #tpu.memory_space<vmem>> -> memref<1x128x64xi16, #tpu.memory_space<vmem>>
      %dma_wait3A_211 = tpu.memref_squeeze %dma_wait3A_210 : memref<1x128x64xi16, #tpu.memory_space<vmem>> -> memref<128x64xi16, #tpu.memory_space<vmem>>
      %dma_wait3A_212 = arith.constant 0 : i32
      %dma_wait3A_213 = tpu.memref_slice %arg7[%add3A_184, %dma_wait3A_212] : memref<80x128xi32, #tpu.memory_space<vmem>> -> memref<1x128xi32, #tpu.memory_space<vmem>>
      %dma_wait3A_214 = tpu.memref_squeeze %dma_wait3A_213 : memref<1x128xi32, #tpu.memory_space<vmem>> -> memref<128xi32, #tpu.memory_space<vmem>>
      %dma_wait3A_215 = arith.constant 0 : i32
      %dma_wait3A_216 = arith.constant 0 : i32
      %dma_wait3A_217 = tpu.memref_slice %arg10[%dma_wait3A_215, %dma_wait3A_216] : memref<10240x64xi16, #tpu.memory_space<vmem_shared>> -> memref<10240x64xi16, #tpu.memory_space<vmem_shared>>
      %dma_wait3A_218 = tpu.memref_slice %arg12[%dma_wait3A_207] : memref<8x!tpu.dma_semaphore, #tpu.memory_space<semaphore_mem>> -> memref<1x!tpu.dma_semaphore, #tpu.memory_space<semaphore_mem>>
      %dma_wait3A_219 = tpu.memref_squeeze %dma_wait3A_218 : memref<1x!tpu.dma_semaphore, #tpu.memory_space<semaphore_mem>> -> memref<!tpu.dma_semaphore, #tpu.memory_space<semaphore_mem>>
      tpu.wait_indirect_dma semaphore(%dma_wait3A_219 : memref<!tpu.dma_semaphore, #tpu.memory_space<semaphore_mem>>) src(%dma_wait3A_217 : memref<10240x64xi16, #tpu.memory_space<vmem_shared>>) dst(%dma_wait3A_211 : memref<128x64xi16, #tpu.memory_space<vmem>>)
      %dma_start3A_220 = arith.constant 1 : i32
      %dma_start3A_221 = arith.constant 1 : i32
      %dma_start3A_222 = arith.constant 0 : i32
      %dma_start3A_223 = arith.constant 0 : i32
      %dma_start3A_224 = tpu.memref_slice %arg9[%dma_start3A_220, %dma_start3A_222, %dma_start3A_223] : memref<8x128x64xi16, #tpu.memory_space<vmem>> -> memref<1x128x64xi16, #tpu.memory_space<vmem>>
      %dma_start3A_225 = tpu.memref_squeeze %dma_start3A_224 : memref<1x128x64xi16, #tpu.memory_space<vmem>> -> memref<128x64xi16, #tpu.memory_space<vmem>>
      %dma_start3A_226 = arith.constant 0 : i32
      %dma_start3A_227 = tpu.memref_slice %arg8[%add3A_184, %dma_start3A_226] : memref<80x128xi32, #tpu.memory_space<vmem>> -> memref<1x128xi32, #tpu.memory_space<vmem>>
      %dma_start3A_228 = tpu.memref_squeeze %dma_start3A_227 : memref<1x128xi32, #tpu.memory_space<vmem>> -> memref<128xi32, #tpu.memory_space<vmem>>
      %dma_start3A_229 = arith.constant 0 : i32
      %dma_start3A_230 = arith.constant 0 : i32
      %dma_start3A_231 = tpu.memref_slice %arg11[%dma_start3A_229, %dma_start3A_230] : memref<10240x64xi16, #tpu.memory_space<vmem_shared>> -> memref<10240x64xi16, #tpu.memory_space<vmem_shared>>
      %dma_start3A_232 = tpu.memref_slice %arg13[%dma_start3A_221] : memref<8x!tpu.dma_semaphore, #tpu.memory_space<semaphore_mem>> -> memref<1x!tpu.dma_semaphore, #tpu.memory_space<semaphore_mem>>
      %dma_start3A_233 = tpu.memref_squeeze %dma_start3A_232 : memref<1x!tpu.dma_semaphore, #tpu.memory_space<semaphore_mem>> -> memref<!tpu.dma_semaphore, #tpu.memory_space<semaphore_mem>>
      tpu.enqueue_indirect_dma source(%dma_start3A_225 : memref<128x64xi16, #tpu.memory_space<vmem>>) target(%dma_start3A_231 : memref<10240x64xi16, #tpu.memory_space<vmem_shared>>) offsets(%dma_start3A_228 : memref<128xi32, #tpu.memory_space<vmem>>) semaphore(%dma_start3A_233 : memref<!tpu.dma_semaphore, #tpu.memory_space<semaphore_mem>>) {add = true}
      %add3A_234 = arith.constant 2 : i32
      %add3A_235 = arith.addi %mul3A_134, %add3A_234 : i32
      %ge3A_236 = arith.constant 1 : i32
      %ge3A_237 = arith.cmpi sge, %scan3A_132, %ge3A_236 : i32
      %convert_element_type3A_238 = arith.extui %ge3A_237 : i1 to i32
      %cond3A_239 = arith.constant 0 : i32
      %cond3A_240 = arith.cmpi ne, %convert_element_type3A_238, %cond3A_239 : i32
      scf.if %cond3A_240 {
        %sub3A_538 = arith.constant 4 : i32
        %sub3A_539 = arith.subi %add3A_235, %sub3A_538 : i32
        %dma_wait3A_540 = arith.constant 6 : i32
        %dma_wait3A_541 = arith.constant 6 : i32
        %dma_wait3A_542 = arith.constant 0 : i32
        %dma_wait3A_543 = arith.constant 0 : i32
        %dma_wait3A_544 = tpu.memref_slice %arg9[%dma_wait3A_540, %dma_wait3A_542, %dma_wait3A_543] : memref<8x128x64xi16, #tpu.memory_space<vmem>> -> memref<1x128x64xi16, #tpu.memory_space<vmem>>
        %dma_wait3A_545 = tpu.memref_squeeze %dma_wait3A_544 : memref<1x128x64xi16, #tpu.memory_space<vmem>> -> memref<128x64xi16, #tpu.memory_space<vmem>>
        %dma_wait3A_546 = arith.constant 0 : i32
        %dma_wait3A_547 = tpu.memref_slice %arg8[%sub3A_539, %dma_wait3A_546] : memref<80x128xi32, #tpu.memory_space<vmem>> -> memref<1x128xi32, #tpu.memory_space<vmem>>
        %dma_wait3A_548 = tpu.memref_squeeze %dma_wait3A_547 : memref<1x128xi32, #tpu.memory_space<vmem>> -> memref<128xi32, #tpu.memory_space<vmem>>
        %dma_wait3A_549 = arith.constant 0 : i32
        %dma_wait3A_550 = arith.constant 0 : i32
        %dma_wait3A_551 = tpu.memref_slice %arg11[%dma_wait3A_549, %dma_wait3A_550] : memref<10240x64xi16, #tpu.memory_space<vmem_shared>> -> memref<10240x64xi16, #tpu.memory_space<vmem_shared>>
        %dma_wait3A_552 = tpu.memref_slice %arg13[%dma_wait3A_541] : memref<8x!tpu.dma_semaphore, #tpu.memory_space<semaphore_mem>> -> memref<1x!tpu.dma_semaphore, #tpu.memory_space<semaphore_mem>>
        %dma_wait3A_553 = tpu.memref_squeeze %dma_wait3A_552 : memref<1x!tpu.dma_semaphore, #tpu.memory_space<semaphore_mem>> -> memref<!tpu.dma_semaphore, #tpu.memory_space<semaphore_mem>>
        tpu.wait_indirect_dma semaphore(%dma_wait3A_553 : memref<!tpu.dma_semaphore, #tpu.memory_space<semaphore_mem>>) src(%dma_wait3A_545 : memref<128x64xi16, #tpu.memory_space<vmem>>) dst(%dma_wait3A_551 : memref<10240x64xi16, #tpu.memory_space<vmem_shared>>)
      } else {
      }
      %add3A_241 = arith.constant 4 : i32
      %add3A_242 = arith.addi %add3A_235, %add3A_241 : i32
      %dma_start3A_243 = arith.constant 6 : i32
      %dma_start3A_244 = arith.constant 6 : i32
      %dma_start3A_245 = arith.constant 0 : i32
      %dma_start3A_246 = arith.constant 0 : i32
      %dma_start3A_247 = tpu.memref_slice %arg9[%dma_start3A_243, %dma_start3A_245, %dma_start3A_246] : memref<8x128x64xi16, #tpu.memory_space<vmem>> -> memref<1x128x64xi16, #tpu.memory_space<vmem>>
      %dma_start3A_248 = tpu.memref_squeeze %dma_start3A_247 : memref<1x128x64xi16, #tpu.memory_space<vmem>> -> memref<128x64xi16, #tpu.memory_space<vmem>>
      %dma_start3A_249 = arith.constant 0 : i32
      %dma_start3A_250 = tpu.memref_slice %arg7[%add3A_242, %dma_start3A_249] : memref<80x128xi32, #tpu.memory_space<vmem>> -> memref<1x128xi32, #tpu.memory_space<vmem>>
      %dma_start3A_251 = tpu.memref_squeeze %dma_start3A_250 : memref<1x128xi32, #tpu.memory_space<vmem>> -> memref<128xi32, #tpu.memory_space<vmem>>
      %dma_start3A_252 = arith.constant 0 : i32
      %dma_start3A_253 = arith.constant 0 : i32
      %dma_start3A_254 = tpu.memref_slice %arg10[%dma_start3A_252, %dma_start3A_253] : memref<10240x64xi16, #tpu.memory_space<vmem_shared>> -> memref<10240x64xi16, #tpu.memory_space<vmem_shared>>
      %dma_start3A_255 = tpu.memref_slice %arg12[%dma_start3A_244] : memref<8x!tpu.dma_semaphore, #tpu.memory_space<semaphore_mem>> -> memref<1x!tpu.dma_semaphore, #tpu.memory_space<semaphore_mem>>
      %dma_start3A_256 = tpu.memref_squeeze %dma_start3A_255 : memref<1x!tpu.dma_semaphore, #tpu.memory_space<semaphore_mem>> -> memref<!tpu.dma_semaphore, #tpu.memory_space<semaphore_mem>>
      tpu.enqueue_indirect_dma source(%dma_start3A_254 : memref<10240x64xi16, #tpu.memory_space<vmem_shared>>) target(%dma_start3A_248 : memref<128x64xi16, #tpu.memory_space<vmem>>) offsets(%dma_start3A_251 : memref<128xi32, #tpu.memory_space<vmem>>) semaphore(%dma_start3A_256 : memref<!tpu.dma_semaphore, #tpu.memory_space<semaphore_mem>>)
      %dma_wait3A_257 = arith.constant 2 : i32
      %dma_wait3A_258 = arith.constant 2 : i32
      %dma_wait3A_259 = arith.constant 0 : i32
      %dma_wait3A_260 = arith.constant 0 : i32
      %dma_wait3A_261 = tpu.memref_slice %arg9[%dma_wait3A_257, %dma_wait3A_259, %dma_wait3A_260] : memref<8x128x64xi16, #tpu.memory_space<vmem>> -> memref<1x128x64xi16, #tpu.memory_space<vmem>>
      %dma_wait3A_262 = tpu.memref_squeeze %dma_wait3A_261 : memref<1x128x64xi16, #tpu.memory_space<vmem>> -> memref<128x64xi16, #tpu.memory_space<vmem>>
      %dma_wait3A_263 = arith.constant 0 : i32
      %dma_wait3A_264 = tpu.memref_slice %arg7[%add3A_235, %dma_wait3A_263] : memref<80x128xi32, #tpu.memory_space<vmem>> -> memref<1x128xi32, #tpu.memory_space<vmem>>
      %dma_wait3A_265 = tpu.memref_squeeze %dma_wait3A_264 : memref<1x128xi32, #tpu.memory_space<vmem>> -> memref<128xi32, #tpu.memory_space<vmem>>
      %dma_wait3A_266 = arith.constant 0 : i32
      %dma_wait3A_267 = arith.constant 0 : i32
      %dma_wait3A_268 = tpu.memref_slice %arg10[%dma_wait3A_266, %dma_wait3A_267] : memref<10240x64xi16, #tpu.memory_space<vmem_shared>> -> memref<10240x64xi16, #tpu.memory_space<vmem_shared>>
      %dma_wait3A_269 = tpu.memref_slice %arg12[%dma_wait3A_258] : memref<8x!tpu.dma_semaphore, #tpu.memory_space<semaphore_mem>> -> memref<1x!tpu.dma_semaphore, #tpu.memory_space<semaphore_mem>>
      %dma_wait3A_270 = tpu.memref_squeeze %dma_wait3A_269 : memref<1x!tpu.dma_semaphore, #tpu.memory_space<semaphore_mem>> -> memref<!tpu.dma_semaphore, #tpu.memory_space<semaphore_mem>>
      tpu.wait_indirect_dma semaphore(%dma_wait3A_270 : memref<!tpu.dma_semaphore, #tpu.memory_space<semaphore_mem>>) src(%dma_wait3A_268 : memref<10240x64xi16, #tpu.memory_space<vmem_shared>>) dst(%dma_wait3A_262 : memref<128x64xi16, #tpu.memory_space<vmem>>)
      %dma_start3A_271 = arith.constant 2 : i32
      %dma_start3A_272 = arith.constant 2 : i32
      %dma_start3A_273 = arith.constant 0 : i32
      %dma_start3A_274 = arith.constant 0 : i32
      %dma_start3A_275 = tpu.memref_slice %arg9[%dma_start3A_271, %dma_start3A_273, %dma_start3A_274] : memref<8x128x64xi16, #tpu.memory_space<vmem>> -> memref<1x128x64xi16, #tpu.memory_space<vmem>>
      %dma_start3A_276 = tpu.memref_squeeze %dma_start3A_275 : memref<1x128x64xi16, #tpu.memory_space<vmem>> -> memref<128x64xi16, #tpu.memory_space<vmem>>
      %dma_start3A_277 = arith.constant 0 : i32
      %dma_start3A_278 = tpu.memref_slice %arg8[%add3A_235, %dma_start3A_277] : memref<80x128xi32, #tpu.memory_space<vmem>> -> memref<1x128xi32, #tpu.memory_space<vmem>>
      %dma_start3A_279 = tpu.memref_squeeze %dma_start3A_278 : memref<1x128xi32, #tpu.memory_space<vmem>> -> memref<128xi32, #tpu.memory_space<vmem>>
      %dma_start3A_280 = arith.constant 0 : i32
      %dma_start3A_281 = arith.constant 0 : i32
      %dma_start3A_282 = tpu.memref_slice %arg11[%dma_start3A_280, %dma_start3A_281] : memref<10240x64xi16, #tpu.memory_space<vmem_shared>> -> memref<10240x64xi16, #tpu.memory_space<vmem_shared>>
      %dma_start3A_283 = tpu.memref_slice %arg13[%dma_start3A_272] : memref<8x!tpu.dma_semaphore, #tpu.memory_space<semaphore_mem>> -> memref<1x!tpu.dma_semaphore, #tpu.memory_space<semaphore_mem>>
      %dma_start3A_284 = tpu.memref_squeeze %dma_start3A_283 : memref<1x!tpu.dma_semaphore, #tpu.memory_space<semaphore_mem>> -> memref<!tpu.dma_semaphore, #tpu.memory_space<semaphore_mem>>
      tpu.enqueue_indirect_dma source(%dma_start3A_276 : memref<128x64xi16, #tpu.memory_space<vmem>>) target(%dma_start3A_282 : memref<10240x64xi16, #tpu.memory_space<vmem_shared>>) offsets(%dma_start3A_279 : memref<128xi32, #tpu.memory_space<vmem>>) semaphore(%dma_start3A_284 : memref<!tpu.dma_semaphore, #tpu.memory_space<semaphore_mem>>) {add = true}
      %add3A_285 = arith.constant 3 : i32
      %add3A_286 = arith.addi %mul3A_134, %add3A_285 : i32
      %ge3A_287 = arith.constant 1 : i32
      %ge3A_288 = arith.cmpi sge, %scan3A_132, %ge3A_287 : i32
      %convert_element_type3A_289 = arith.extui %ge3A_288 : i1 to i32
      %cond3A_290 = arith.constant 0 : i32
      %cond3A_291 = arith.cmpi ne, %convert_element_type3A_289, %cond3A_290 : i32
      scf.if %cond3A_291 {
        %sub3A_538 = arith.constant 4 : i32
        %sub3A_539 = arith.subi %add3A_286, %sub3A_538 : i32
        %dma_wait3A_540 = arith.constant 7 : i32
        %dma_wait3A_541 = arith.constant 7 : i32
        %dma_wait3A_542 = arith.constant 0 : i32
        %dma_wait3A_543 = arith.constant 0 : i32
        %dma_wait3A_544 = tpu.memref_slice %arg9[%dma_wait3A_540, %dma_wait3A_542, %dma_wait3A_543] : memref<8x128x64xi16, #tpu.memory_space<vmem>> -> memref<1x128x64xi16, #tpu.memory_space<vmem>>
        %dma_wait3A_545 = tpu.memref_squeeze %dma_wait3A_544 : memref<1x128x64xi16, #tpu.memory_space<vmem>> -> memref<128x64xi16, #tpu.memory_space<vmem>>
        %dma_wait3A_546 = arith.constant 0 : i32
        %dma_wait3A_547 = tpu.memref_slice %arg8[%sub3A_539, %dma_wait3A_546] : memref<80x128xi32, #tpu.memory_space<vmem>> -> memref<1x128xi32, #tpu.memory_space<vmem>>
        %dma_wait3A_548 = tpu.memref_squeeze %dma_wait3A_547 : memref<1x128xi32, #tpu.memory_space<vmem>> -> memref<128xi32, #tpu.memory_space<vmem>>
        %dma_wait3A_549 = arith.constant 0 : i32
        %dma_wait3A_550 = arith.constant 0 : i32
        %dma_wait3A_551 = tpu.memref_slice %arg11[%dma_wait3A_549, %dma_wait3A_550] : memref<10240x64xi16, #tpu.memory_space<vmem_shared>> -> memref<10240x64xi16, #tpu.memory_space<vmem_shared>>
        %dma_wait3A_552 = tpu.memref_slice %arg13[%dma_wait3A_541] : memref<8x!tpu.dma_semaphore, #tpu.memory_space<semaphore_mem>> -> memref<1x!tpu.dma_semaphore, #tpu.memory_space<semaphore_mem>>
        %dma_wait3A_553 = tpu.memref_squeeze %dma_wait3A_552 : memref<1x!tpu.dma_semaphore, #tpu.memory_space<semaphore_mem>> -> memref<!tpu.dma_semaphore, #tpu.memory_space<semaphore_mem>>
        tpu.wait_indirect_dma semaphore(%dma_wait3A_553 : memref<!tpu.dma_semaphore, #tpu.memory_space<semaphore_mem>>) src(%dma_wait3A_545 : memref<128x64xi16, #tpu.memory_space<vmem>>) dst(%dma_wait3A_551 : memref<10240x64xi16, #tpu.memory_space<vmem_shared>>)
      } else {
      }
      %add3A_292 = arith.constant 4 : i32
      %add3A_293 = arith.addi %add3A_286, %add3A_292 : i32
      %dma_start3A_294 = arith.constant 7 : i32
      %dma_start3A_295 = arith.constant 7 : i32
      %dma_start3A_296 = arith.constant 0 : i32
      %dma_start3A_297 = arith.constant 0 : i32
      %dma_start3A_298 = tpu.memref_slice %arg9[%dma_start3A_294, %dma_start3A_296, %dma_start3A_297] : memref<8x128x64xi16, #tpu.memory_space<vmem>> -> memref<1x128x64xi16, #tpu.memory_space<vmem>>
      %dma_start3A_299 = tpu.memref_squeeze %dma_start3A_298 : memref<1x128x64xi16, #tpu.memory_space<vmem>> -> memref<128x64xi16, #tpu.memory_space<vmem>>
      %dma_start3A_300 = arith.constant 0 : i32
      %dma_start3A_301 = tpu.memref_slice %arg7[%add3A_293, %dma_start3A_300] : memref<80x128xi32, #tpu.memory_space<vmem>> -> memref<1x128xi32, #tpu.memory_space<vmem>>
      %dma_start3A_302 = tpu.memref_squeeze %dma_start3A_301 : memref<1x128xi32, #tpu.memory_space<vmem>> -> memref<128xi32, #tpu.memory_space<vmem>>
      %dma_start3A_303 = arith.constant 0 : i32
      %dma_start3A_304 = arith.constant 0 : i32
      %dma_start3A_305 = tpu.memref_slice %arg10[%dma_start3A_303, %dma_start3A_304] : memref<10240x64xi16, #tpu.memory_space<vmem_shared>> -> memref<10240x64xi16, #tpu.memory_space<vmem_shared>>
      %dma_start3A_306 = tpu.memref_slice %arg12[%dma_start3A_295] : memref<8x!tpu.dma_semaphore, #tpu.memory_space<semaphore_mem>> -> memref<1x!tpu.dma_semaphore, #tpu.memory_space<semaphore_mem>>
      %dma_start3A_307 = tpu.memref_squeeze %dma_start3A_306 : memref<1x!tpu.dma_semaphore, #tpu.memory_space<semaphore_mem>> -> memref<!tpu.dma_semaphore, #tpu.memory_space<semaphore_mem>>
      tpu.enqueue_indirect_dma source(%dma_start3A_305 : memref<10240x64xi16, #tpu.memory_space<vmem_shared>>) target(%dma_start3A_299 : memref<128x64xi16, #tpu.memory_space<vmem>>) offsets(%dma_start3A_302 : memref<128xi32, #tpu.memory_space<vmem>>) semaphore(%dma_start3A_307 : memref<!tpu.dma_semaphore, #tpu.memory_space<semaphore_mem>>)
      %dma_wait3A_308 = arith.constant 3 : i32
      %dma_wait3A_309 = arith.constant 3 : i32
      %dma_wait3A_310 = arith.constant 0 : i32
      %dma_wait3A_311 = arith.constant 0 : i32
      %dma_wait3A_312 = tpu.memref_slice %arg9[%dma_wait3A_308, %dma_wait3A_310, %dma_wait3A_311] : memref<8x128x64xi16, #tpu.memory_space<vmem>> -> memref<1x128x64xi16, #tpu.memory_space<vmem>>
      %dma_wait3A_313 = tpu.memref_squeeze %dma_wait3A_312 : memref<1x128x64xi16, #tpu.memory_space<vmem>> -> memref<128x64xi16, #tpu.memory_space<vmem>>
      %dma_wait3A_314 = arith.constant 0 : i32
      %dma_wait3A_315 = tpu.memref_slice %arg7[%add3A_286, %dma_wait3A_314] : memref<80x128xi32, #tpu.memory_space<vmem>> -> memref<1x128xi32, #tpu.memory_space<vmem>>
      %dma_wait3A_316 = tpu.memref_squeeze %dma_wait3A_315 : memref<1x128xi32, #tpu.memory_space<vmem>> -> memref<128xi32, #tpu.memory_space<vmem>>
      %dma_wait3A_317 = arith.constant 0 : i32
      %dma_wait3A_318 = arith.constant 0 : i32
      %dma_wait3A_319 = tpu.memref_slice %arg10[%dma_wait3A_317, %dma_wait3A_318] : memref<10240x64xi16, #tpu.memory_space<vmem_shared>> -> memref<10240x64xi16, #tpu.memory_space<vmem_shared>>
      %dma_wait3A_320 = tpu.memref_slice %arg12[%dma_wait3A_309] : memref<8x!tpu.dma_semaphore, #tpu.memory_space<semaphore_mem>> -> memref<1x!tpu.dma_semaphore, #tpu.memory_space<semaphore_mem>>
      %dma_wait3A_321 = tpu.memref_squeeze %dma_wait3A_320 : memref<1x!tpu.dma_semaphore, #tpu.memory_space<semaphore_mem>> -> memref<!tpu.dma_semaphore, #tpu.memory_space<semaphore_mem>>
      tpu.wait_indirect_dma semaphore(%dma_wait3A_321 : memref<!tpu.dma_semaphore, #tpu.memory_space<semaphore_mem>>) src(%dma_wait3A_319 : memref<10240x64xi16, #tpu.memory_space<vmem_shared>>) dst(%dma_wait3A_313 : memref<128x64xi16, #tpu.memory_space<vmem>>)
      %dma_start3A_322 = arith.constant 3 : i32
      %dma_start3A_323 = arith.constant 3 : i32
      %dma_start3A_324 = arith.constant 0 : i32
      %dma_start3A_325 = arith.constant 0 : i32
      %dma_start3A_326 = tpu.memref_slice %arg9[%dma_start3A_322, %dma_start3A_324, %dma_start3A_325] : memref<8x128x64xi16, #tpu.memory_space<vmem>> -> memref<1x128x64xi16, #tpu.memory_space<vmem>>
      %dma_start3A_327 = tpu.memref_squeeze %dma_start3A_326 : memref<1x128x64xi16, #tpu.memory_space<vmem>> -> memref<128x64xi16, #tpu.memory_space<vmem>>
      %dma_start3A_328 = arith.constant 0 : i32
      %dma_start3A_329 = tpu.memref_slice %arg8[%add3A_286, %dma_start3A_328] : memref<80x128xi32, #tpu.memory_space<vmem>> -> memref<1x128xi32, #tpu.memory_space<vmem>>
      %dma_start3A_330 = tpu.memref_squeeze %dma_start3A_329 : memref<1x128xi32, #tpu.memory_space<vmem>> -> memref<128xi32, #tpu.memory_space<vmem>>
      %dma_start3A_331 = arith.constant 0 : i32
      %dma_start3A_332 = arith.constant 0 : i32
      %dma_start3A_333 = tpu.memref_slice %arg11[%dma_start3A_331, %dma_start3A_332] : memref<10240x64xi16, #tpu.memory_space<vmem_shared>> -> memref<10240x64xi16, #tpu.memory_space<vmem_shared>>
      %dma_start3A_334 = tpu.memref_slice %arg13[%dma_start3A_323] : memref<8x!tpu.dma_semaphore, #tpu.memory_space<semaphore_mem>> -> memref<1x!tpu.dma_semaphore, #tpu.memory_space<semaphore_mem>>
      %dma_start3A_335 = tpu.memref_squeeze %dma_start3A_334 : memref<1x!tpu.dma_semaphore, #tpu.memory_space<semaphore_mem>> -> memref<!tpu.dma_semaphore, #tpu.memory_space<semaphore_mem>>
      tpu.enqueue_indirect_dma source(%dma_start3A_327 : memref<128x64xi16, #tpu.memory_space<vmem>>) target(%dma_start3A_333 : memref<10240x64xi16, #tpu.memory_space<vmem_shared>>) offsets(%dma_start3A_330 : memref<128xi32, #tpu.memory_space<vmem>>) semaphore(%dma_start3A_335 : memref<!tpu.dma_semaphore, #tpu.memory_space<semaphore_mem>>) {add = true}
      %add3A_336 = arith.constant 4 : i32
      %add3A_337 = arith.addi %mul3A_134, %add3A_336 : i32
      %sub3A = arith.constant 4 : i32
      %sub3A_338 = arith.subi %add3A_337, %sub3A : i32
      %dma_wait3A_339 = arith.constant 0 : i32
      %dma_wait3A_340 = arith.constant 0 : i32
      %dma_wait3A_341 = arith.constant 0 : i32
      %dma_wait3A_342 = arith.constant 0 : i32
      %dma_wait3A_343 = tpu.memref_slice %arg9[%dma_wait3A_339, %dma_wait3A_341, %dma_wait3A_342] : memref<8x128x64xi16, #tpu.memory_space<vmem>> -> memref<1x128x64xi16, #tpu.memory_space<vmem>>
      %dma_wait3A_344 = tpu.memref_squeeze %dma_wait3A_343 : memref<1x128x64xi16, #tpu.memory_space<vmem>> -> memref<128x64xi16, #tpu.memory_space<vmem>>
      %dma_wait3A_345 = arith.constant 0 : i32
      %dma_wait3A_346 = tpu.memref_slice %arg8[%sub3A_338, %dma_wait3A_345] : memref<80x128xi32, #tpu.memory_space<vmem>> -> memref<1x128xi32, #tpu.memory_space<vmem>>
      %dma_wait3A_347 = tpu.memref_squeeze %dma_wait3A_346 : memref<1x128xi32, #tpu.memory_space<vmem>> -> memref<128xi32, #tpu.memory_space<vmem>>
      %dma_wait3A_348 = arith.constant 0 : i32
      %dma_wait3A_349 = arith.constant 0 : i32
      %dma_wait3A_350 = tpu.memref_slice %arg11[%dma_wait3A_348, %dma_wait3A_349] : memref<10240x64xi16, #tpu.memory_space<vmem_shared>> -> memref<10240x64xi16, #tpu.memory_space<vmem_shared>>
      %dma_wait3A_351 = tpu.memref_slice %arg13[%dma_wait3A_340] : memref<8x!tpu.dma_semaphore, #tpu.memory_space<semaphore_mem>> -> memref<1x!tpu.dma_semaphore, #tpu.memory_space<semaphore_mem>>
      %dma_wait3A_352 = tpu.memref_squeeze %dma_wait3A_351 : memref<1x!tpu.dma_semaphore, #tpu.memory_space<semaphore_mem>> -> memref<!tpu.dma_semaphore, #tpu.memory_space<semaphore_mem>>
      tpu.wait_indirect_dma semaphore(%dma_wait3A_352 : memref<!tpu.dma_semaphore, #tpu.memory_space<semaphore_mem>>) src(%dma_wait3A_344 : memref<128x64xi16, #tpu.memory_space<vmem>>) dst(%dma_wait3A_350 : memref<10240x64xi16, #tpu.memory_space<vmem_shared>>)
      %lt3A = arith.constant 9 : i32
      %lt3A_353 = arith.cmpi slt, %scan3A_132, %lt3A : i32
      %convert_element_type3A_354 = arith.extui %lt3A_353 : i1 to i32
      %cond3A_355 = arith.constant 0 : i32
      %cond3A_356 = arith.cmpi ne, %convert_element_type3A_354, %cond3A_355 : i32
      scf.if %cond3A_356 {
        %add3A_538 = arith.constant 4 : i32
        %add3A_539 = arith.addi %add3A_337, %add3A_538 : i32
        %dma_start3A_540 = arith.constant 0 : i32
        %dma_start3A_541 = arith.constant 0 : i32
        %dma_start3A_542 = arith.constant 0 : i32
        %dma_start3A_543 = arith.constant 0 : i32
        %dma_start3A_544 = tpu.memref_slice %arg9[%dma_start3A_540, %dma_start3A_542, %dma_start3A_543] : memref<8x128x64xi16, #tpu.memory_space<vmem>> -> memref<1x128x64xi16, #tpu.memory_space<vmem>>
        %dma_start3A_545 = tpu.memref_squeeze %dma_start3A_544 : memref<1x128x64xi16, #tpu.memory_space<vmem>> -> memref<128x64xi16, #tpu.memory_space<vmem>>
        %dma_start3A_546 = arith.constant 0 : i32
        %dma_start3A_547 = tpu.memref_slice %arg7[%add3A_539, %dma_start3A_546] : memref<80x128xi32, #tpu.memory_space<vmem>> -> memref<1x128xi32, #tpu.memory_space<vmem>>
        %dma_start3A_548 = tpu.memref_squeeze %dma_start3A_547 : memref<1x128xi32, #tpu.memory_space<vmem>> -> memref<128xi32, #tpu.memory_space<vmem>>
        %dma_start3A_549 = arith.constant 0 : i32
        %dma_start3A_550 = arith.constant 0 : i32
        %dma_start3A_551 = tpu.memref_slice %arg10[%dma_start3A_549, %dma_start3A_550] : memref<10240x64xi16, #tpu.memory_space<vmem_shared>> -> memref<10240x64xi16, #tpu.memory_space<vmem_shared>>
        %dma_start3A_552 = tpu.memref_slice %arg12[%dma_start3A_541] : memref<8x!tpu.dma_semaphore, #tpu.memory_space<semaphore_mem>> -> memref<1x!tpu.dma_semaphore, #tpu.memory_space<semaphore_mem>>
        %dma_start3A_553 = tpu.memref_squeeze %dma_start3A_552 : memref<1x!tpu.dma_semaphore, #tpu.memory_space<semaphore_mem>> -> memref<!tpu.dma_semaphore, #tpu.memory_space<semaphore_mem>>
        tpu.enqueue_indirect_dma source(%dma_start3A_551 : memref<10240x64xi16, #tpu.memory_space<vmem_shared>>) target(%dma_start3A_545 : memref<128x64xi16, #tpu.memory_space<vmem>>) offsets(%dma_start3A_548 : memref<128xi32, #tpu.memory_space<vmem>>) semaphore(%dma_start3A_553 : memref<!tpu.dma_semaphore, #tpu.memory_space<semaphore_mem>>)
      } else {
      }
      %dma_wait3A_357 = arith.constant 4 : i32
      %dma_wait3A_358 = arith.constant 4 : i32
      %dma_wait3A_359 = arith.constant 0 : i32
      %dma_wait3A_360 = arith.constant 0 : i32
      %dma_wait3A_361 = tpu.memref_slice %arg9[%dma_wait3A_357, %dma_wait3A_359, %dma_wait3A_360] : memref<8x128x64xi16, #tpu.memory_space<vmem>> -> memref<1x128x64xi16, #tpu.memory_space<vmem>>
      %dma_wait3A_362 = tpu.memref_squeeze %dma_wait3A_361 : memref<1x128x64xi16, #tpu.memory_space<vmem>> -> memref<128x64xi16, #tpu.memory_space<vmem>>
      %dma_wait3A_363 = arith.constant 0 : i32
      %dma_wait3A_364 = tpu.memref_slice %arg7[%add3A_337, %dma_wait3A_363] : memref<80x128xi32, #tpu.memory_space<vmem>> -> memref<1x128xi32, #tpu.memory_space<vmem>>
      %dma_wait3A_365 = tpu.memref_squeeze %dma_wait3A_364 : memref<1x128xi32, #tpu.memory_space<vmem>> -> memref<128xi32, #tpu.memory_space<vmem>>
      %dma_wait3A_366 = arith.constant 0 : i32
      %dma_wait3A_367 = arith.constant 0 : i32
      %dma_wait3A_368 = tpu.memref_slice %arg10[%dma_wait3A_366, %dma_wait3A_367] : memref<10240x64xi16, #tpu.memory_space<vmem_shared>> -> memref<10240x64xi16, #tpu.memory_space<vmem_shared>>
      %dma_wait3A_369 = tpu.memref_slice %arg12[%dma_wait3A_358] : memref<8x!tpu.dma_semaphore, #tpu.memory_space<semaphore_mem>> -> memref<1x!tpu.dma_semaphore, #tpu.memory_space<semaphore_mem>>
      %dma_wait3A_370 = tpu.memref_squeeze %dma_wait3A_369 : memref<1x!tpu.dma_semaphore, #tpu.memory_space<semaphore_mem>> -> memref<!tpu.dma_semaphore, #tpu.memory_space<semaphore_mem>>
      tpu.wait_indirect_dma semaphore(%dma_wait3A_370 : memref<!tpu.dma_semaphore, #tpu.memory_space<semaphore_mem>>) src(%dma_wait3A_368 : memref<10240x64xi16, #tpu.memory_space<vmem_shared>>) dst(%dma_wait3A_362 : memref<128x64xi16, #tpu.memory_space<vmem>>)
      %dma_start3A_371 = arith.constant 4 : i32
      %dma_start3A_372 = arith.constant 4 : i32
      %dma_start3A_373 = arith.constant 0 : i32
      %dma_start3A_374 = arith.constant 0 : i32
      %dma_start3A_375 = tpu.memref_slice %arg9[%dma_start3A_371, %dma_start3A_373, %dma_start3A_374] : memref<8x128x64xi16, #tpu.memory_space<vmem>> -> memref<1x128x64xi16, #tpu.memory_space<vmem>>
      %dma_start3A_376 = tpu.memref_squeeze %dma_start3A_375 : memref<1x128x64xi16, #tpu.memory_space<vmem>> -> memref<128x64xi16, #tpu.memory_space<vmem>>
      %dma_start3A_377 = arith.constant 0 : i32
      %dma_start3A_378 = tpu.memref_slice %arg8[%add3A_337, %dma_start3A_377] : memref<80x128xi32, #tpu.memory_space<vmem>> -> memref<1x128xi32, #tpu.memory_space<vmem>>
      %dma_start3A_379 = tpu.memref_squeeze %dma_start3A_378 : memref<1x128xi32, #tpu.memory_space<vmem>> -> memref<128xi32, #tpu.memory_space<vmem>>
      %dma_start3A_380 = arith.constant 0 : i32
      %dma_start3A_381 = arith.constant 0 : i32
      %dma_start3A_382 = tpu.memref_slice %arg11[%dma_start3A_380, %dma_start3A_381] : memref<10240x64xi16, #tpu.memory_space<vmem_shared>> -> memref<10240x64xi16, #tpu.memory_space<vmem_shared>>
      %dma_start3A_383 = tpu.memref_slice %arg13[%dma_start3A_372] : memref<8x!tpu.dma_semaphore, #tpu.memory_space<semaphore_mem>> -> memref<1x!tpu.dma_semaphore, #tpu.memory_space<semaphore_mem>>
      %dma_start3A_384 = tpu.memref_squeeze %dma_start3A_383 : memref<1x!tpu.dma_semaphore, #tpu.memory_space<semaphore_mem>> -> memref<!tpu.dma_semaphore, #tpu.memory_space<semaphore_mem>>
      tpu.enqueue_indirect_dma source(%dma_start3A_376 : memref<128x64xi16, #tpu.memory_space<vmem>>) target(%dma_start3A_382 : memref<10240x64xi16, #tpu.memory_space<vmem_shared>>) offsets(%dma_start3A_379 : memref<128xi32, #tpu.memory_space<vmem>>) semaphore(%dma_start3A_384 : memref<!tpu.dma_semaphore, #tpu.memory_space<semaphore_mem>>) {add = true}
      %add3A_385 = arith.constant 5 : i32
      %add3A_386 = arith.addi %mul3A_134, %add3A_385 : i32
      %sub3A_387 = arith.constant 4 : i32
      %sub3A_388 = arith.subi %add3A_386, %sub3A_387 : i32
      %dma_wait3A_389 = arith.constant 1 : i32
      %dma_wait3A_390 = arith.constant 1 : i32
      %dma_wait3A_391 = arith.constant 0 : i32
      %dma_wait3A_392 = arith.constant 0 : i32
      %dma_wait3A_393 = tpu.memref_slice %arg9[%dma_wait3A_389, %dma_wait3A_391, %dma_wait3A_392] : memref<8x128x64xi16, #tpu.memory_space<vmem>> -> memref<1x128x64xi16, #tpu.memory_space<vmem>>
      %dma_wait3A_394 = tpu.memref_squeeze %dma_wait3A_393 : memref<1x128x64xi16, #tpu.memory_space<vmem>> -> memref<128x64xi16, #tpu.memory_space<vmem>>
      %dma_wait3A_395 = arith.constant 0 : i32
      %dma_wait3A_396 = tpu.memref_slice %arg8[%sub3A_388, %dma_wait3A_395] : memref<80x128xi32, #tpu.memory_space<vmem>> -> memref<1x128xi32, #tpu.memory_space<vmem>>
      %dma_wait3A_397 = tpu.memref_squeeze %dma_wait3A_396 : memref<1x128xi32, #tpu.memory_space<vmem>> -> memref<128xi32, #tpu.memory_space<vmem>>
      %dma_wait3A_398 = arith.constant 0 : i32
      %dma_wait3A_399 = arith.constant 0 : i32
      %dma_wait3A_400 = tpu.memref_slice %arg11[%dma_wait3A_398, %dma_wait3A_399] : memref<10240x64xi16, #tpu.memory_space<vmem_shared>> -> memref<10240x64xi16, #tpu.memory_space<vmem_shared>>
      %dma_wait3A_401 = tpu.memref_slice %arg13[%dma_wait3A_390] : memref<8x!tpu.dma_semaphore, #tpu.memory_space<semaphore_mem>> -> memref<1x!tpu.dma_semaphore, #tpu.memory_space<semaphore_mem>>
      %dma_wait3A_402 = tpu.memref_squeeze %dma_wait3A_401 : memref<1x!tpu.dma_semaphore, #tpu.memory_space<semaphore_mem>> -> memref<!tpu.dma_semaphore, #tpu.memory_space<semaphore_mem>>
      tpu.wait_indirect_dma semaphore(%dma_wait3A_402 : memref<!tpu.dma_semaphore, #tpu.memory_space<semaphore_mem>>) src(%dma_wait3A_394 : memref<128x64xi16, #tpu.memory_space<vmem>>) dst(%dma_wait3A_400 : memref<10240x64xi16, #tpu.memory_space<vmem_shared>>)
      %lt3A_403 = arith.constant 9 : i32
      %lt3A_404 = arith.cmpi slt, %scan3A_132, %lt3A_403 : i32
      %convert_element_type3A_405 = arith.extui %lt3A_404 : i1 to i32
      %cond3A_406 = arith.constant 0 : i32
      %cond3A_407 = arith.cmpi ne, %convert_element_type3A_405, %cond3A_406 : i32
      scf.if %cond3A_407 {
        %add3A_538 = arith.constant 4 : i32
        %add3A_539 = arith.addi %add3A_386, %add3A_538 : i32
        %dma_start3A_540 = arith.constant 1 : i32
        %dma_start3A_541 = arith.constant 1 : i32
        %dma_start3A_542 = arith.constant 0 : i32
        %dma_start3A_543 = arith.constant 0 : i32
        %dma_start3A_544 = tpu.memref_slice %arg9[%dma_start3A_540, %dma_start3A_542, %dma_start3A_543] : memref<8x128x64xi16, #tpu.memory_space<vmem>> -> memref<1x128x64xi16, #tpu.memory_space<vmem>>
        %dma_start3A_545 = tpu.memref_squeeze %dma_start3A_544 : memref<1x128x64xi16, #tpu.memory_space<vmem>> -> memref<128x64xi16, #tpu.memory_space<vmem>>
        %dma_start3A_546 = arith.constant 0 : i32
        %dma_start3A_547 = tpu.memref_slice %arg7[%add3A_539, %dma_start3A_546] : memref<80x128xi32, #tpu.memory_space<vmem>> -> memref<1x128xi32, #tpu.memory_space<vmem>>
        %dma_start3A_548 = tpu.memref_squeeze %dma_start3A_547 : memref<1x128xi32, #tpu.memory_space<vmem>> -> memref<128xi32, #tpu.memory_space<vmem>>
        %dma_start3A_549 = arith.constant 0 : i32
        %dma_start3A_550 = arith.constant 0 : i32
        %dma_start3A_551 = tpu.memref_slice %arg10[%dma_start3A_549, %dma_start3A_550] : memref<10240x64xi16, #tpu.memory_space<vmem_shared>> -> memref<10240x64xi16, #tpu.memory_space<vmem_shared>>
        %dma_start3A_552 = tpu.memref_slice %arg12[%dma_start3A_541] : memref<8x!tpu.dma_semaphore, #tpu.memory_space<semaphore_mem>> -> memref<1x!tpu.dma_semaphore, #tpu.memory_space<semaphore_mem>>
        %dma_start3A_553 = tpu.memref_squeeze %dma_start3A_552 : memref<1x!tpu.dma_semaphore, #tpu.memory_space<semaphore_mem>> -> memref<!tpu.dma_semaphore, #tpu.memory_space<semaphore_mem>>
        tpu.enqueue_indirect_dma source(%dma_start3A_551 : memref<10240x64xi16, #tpu.memory_space<vmem_shared>>) target(%dma_start3A_545 : memref<128x64xi16, #tpu.memory_space<vmem>>) offsets(%dma_start3A_548 : memref<128xi32, #tpu.memory_space<vmem>>) semaphore(%dma_start3A_553 : memref<!tpu.dma_semaphore, #tpu.memory_space<semaphore_mem>>)
      } else {
      }
      %dma_wait3A_408 = arith.constant 5 : i32
      %dma_wait3A_409 = arith.constant 5 : i32
      %dma_wait3A_410 = arith.constant 0 : i32
      %dma_wait3A_411 = arith.constant 0 : i32
      %dma_wait3A_412 = tpu.memref_slice %arg9[%dma_wait3A_408, %dma_wait3A_410, %dma_wait3A_411] : memref<8x128x64xi16, #tpu.memory_space<vmem>> -> memref<1x128x64xi16, #tpu.memory_space<vmem>>
      %dma_wait3A_413 = tpu.memref_squeeze %dma_wait3A_412 : memref<1x128x64xi16, #tpu.memory_space<vmem>> -> memref<128x64xi16, #tpu.memory_space<vmem>>
      %dma_wait3A_414 = arith.constant 0 : i32
      %dma_wait3A_415 = tpu.memref_slice %arg7[%add3A_386, %dma_wait3A_414] : memref<80x128xi32, #tpu.memory_space<vmem>> -> memref<1x128xi32, #tpu.memory_space<vmem>>
      %dma_wait3A_416 = tpu.memref_squeeze %dma_wait3A_415 : memref<1x128xi32, #tpu.memory_space<vmem>> -> memref<128xi32, #tpu.memory_space<vmem>>
      %dma_wait3A_417 = arith.constant 0 : i32
      %dma_wait3A_418 = arith.constant 0 : i32
      %dma_wait3A_419 = tpu.memref_slice %arg10[%dma_wait3A_417, %dma_wait3A_418] : memref<10240x64xi16, #tpu.memory_space<vmem_shared>> -> memref<10240x64xi16, #tpu.memory_space<vmem_shared>>
      %dma_wait3A_420 = tpu.memref_slice %arg12[%dma_wait3A_409] : memref<8x!tpu.dma_semaphore, #tpu.memory_space<semaphore_mem>> -> memref<1x!tpu.dma_semaphore, #tpu.memory_space<semaphore_mem>>
      %dma_wait3A_421 = tpu.memref_squeeze %dma_wait3A_420 : memref<1x!tpu.dma_semaphore, #tpu.memory_space<semaphore_mem>> -> memref<!tpu.dma_semaphore, #tpu.memory_space<semaphore_mem>>
      tpu.wait_indirect_dma semaphore(%dma_wait3A_421 : memref<!tpu.dma_semaphore, #tpu.memory_space<semaphore_mem>>) src(%dma_wait3A_419 : memref<10240x64xi16, #tpu.memory_space<vmem_shared>>) dst(%dma_wait3A_413 : memref<128x64xi16, #tpu.memory_space<vmem>>)
      %dma_start3A_422 = arith.constant 5 : i32
      %dma_start3A_423 = arith.constant 5 : i32
      %dma_start3A_424 = arith.constant 0 : i32
      %dma_start3A_425 = arith.constant 0 : i32
      %dma_start3A_426 = tpu.memref_slice %arg9[%dma_start3A_422, %dma_start3A_424, %dma_start3A_425] : memref<8x128x64xi16, #tpu.memory_space<vmem>> -> memref<1x128x64xi16, #tpu.memory_space<vmem>>
      %dma_start3A_427 = tpu.memref_squeeze %dma_start3A_426 : memref<1x128x64xi16, #tpu.memory_space<vmem>> -> memref<128x64xi16, #tpu.memory_space<vmem>>
      %dma_start3A_428 = arith.constant 0 : i32
      %dma_start3A_429 = tpu.memref_slice %arg8[%add3A_386, %dma_start3A_428] : memref<80x128xi32, #tpu.memory_space<vmem>> -> memref<1x128xi32, #tpu.memory_space<vmem>>
      %dma_start3A_430 = tpu.memref_squeeze %dma_start3A_429 : memref<1x128xi32, #tpu.memory_space<vmem>> -> memref<128xi32, #tpu.memory_space<vmem>>
      %dma_start3A_431 = arith.constant 0 : i32
      %dma_start3A_432 = arith.constant 0 : i32
      %dma_start3A_433 = tpu.memref_slice %arg11[%dma_start3A_431, %dma_start3A_432] : memref<10240x64xi16, #tpu.memory_space<vmem_shared>> -> memref<10240x64xi16, #tpu.memory_space<vmem_shared>>
      %dma_start3A_434 = tpu.memref_slice %arg13[%dma_start3A_423] : memref<8x!tpu.dma_semaphore, #tpu.memory_space<semaphore_mem>> -> memref<1x!tpu.dma_semaphore, #tpu.memory_space<semaphore_mem>>
      %dma_start3A_435 = tpu.memref_squeeze %dma_start3A_434 : memref<1x!tpu.dma_semaphore, #tpu.memory_space<semaphore_mem>> -> memref<!tpu.dma_semaphore, #tpu.memory_space<semaphore_mem>>
      tpu.enqueue_indirect_dma source(%dma_start3A_427 : memref<128x64xi16, #tpu.memory_space<vmem>>) target(%dma_start3A_433 : memref<10240x64xi16, #tpu.memory_space<vmem_shared>>) offsets(%dma_start3A_430 : memref<128xi32, #tpu.memory_space<vmem>>) semaphore(%dma_start3A_435 : memref<!tpu.dma_semaphore, #tpu.memory_space<semaphore_mem>>) {add = true}
      %add3A_436 = arith.constant 6 : i32
      %add3A_437 = arith.addi %mul3A_134, %add3A_436 : i32
      %sub3A_438 = arith.constant 4 : i32
      %sub3A_439 = arith.subi %add3A_437, %sub3A_438 : i32
      %dma_wait3A_440 = arith.constant 2 : i32
      %dma_wait3A_441 = arith.constant 2 : i32
      %dma_wait3A_442 = arith.constant 0 : i32
      %dma_wait3A_443 = arith.constant 0 : i32
      %dma_wait3A_444 = tpu.memref_slice %arg9[%dma_wait3A_440, %dma_wait3A_442, %dma_wait3A_443] : memref<8x128x64xi16, #tpu.memory_space<vmem>> -> memref<1x128x64xi16, #tpu.memory_space<vmem>>
      %dma_wait3A_445 = tpu.memref_squeeze %dma_wait3A_444 : memref<1x128x64xi16, #tpu.memory_space<vmem>> -> memref<128x64xi16, #tpu.memory_space<vmem>>
      %dma_wait3A_446 = arith.constant 0 : i32
      %dma_wait3A_447 = tpu.memref_slice %arg8[%sub3A_439, %dma_wait3A_446] : memref<80x128xi32, #tpu.memory_space<vmem>> -> memref<1x128xi32, #tpu.memory_space<vmem>>
      %dma_wait3A_448 = tpu.memref_squeeze %dma_wait3A_447 : memref<1x128xi32, #tpu.memory_space<vmem>> -> memref<128xi32, #tpu.memory_space<vmem>>
      %dma_wait3A_449 = arith.constant 0 : i32
      %dma_wait3A_450 = arith.constant 0 : i32
      %dma_wait3A_451 = tpu.memref_slice %arg11[%dma_wait3A_449, %dma_wait3A_450] : memref<10240x64xi16, #tpu.memory_space<vmem_shared>> -> memref<10240x64xi16, #tpu.memory_space<vmem_shared>>
      %dma_wait3A_452 = tpu.memref_slice %arg13[%dma_wait3A_441] : memref<8x!tpu.dma_semaphore, #tpu.memory_space<semaphore_mem>> -> memref<1x!tpu.dma_semaphore, #tpu.memory_space<semaphore_mem>>
      %dma_wait3A_453 = tpu.memref_squeeze %dma_wait3A_452 : memref<1x!tpu.dma_semaphore, #tpu.memory_space<semaphore_mem>> -> memref<!tpu.dma_semaphore, #tpu.memory_space<semaphore_mem>>
      tpu.wait_indirect_dma semaphore(%dma_wait3A_453 : memref<!tpu.dma_semaphore, #tpu.memory_space<semaphore_mem>>) src(%dma_wait3A_445 : memref<128x64xi16, #tpu.memory_space<vmem>>) dst(%dma_wait3A_451 : memref<10240x64xi16, #tpu.memory_space<vmem_shared>>)
      %lt3A_454 = arith.constant 9 : i32
      %lt3A_455 = arith.cmpi slt, %scan3A_132, %lt3A_454 : i32
      %convert_element_type3A_456 = arith.extui %lt3A_455 : i1 to i32
      %cond3A_457 = arith.constant 0 : i32
      %cond3A_458 = arith.cmpi ne, %convert_element_type3A_456, %cond3A_457 : i32
      scf.if %cond3A_458 {
        %add3A_538 = arith.constant 4 : i32
        %add3A_539 = arith.addi %add3A_437, %add3A_538 : i32
        %dma_start3A_540 = arith.constant 2 : i32
        %dma_start3A_541 = arith.constant 2 : i32
        %dma_start3A_542 = arith.constant 0 : i32
        %dma_start3A_543 = arith.constant 0 : i32
        %dma_start3A_544 = tpu.memref_slice %arg9[%dma_start3A_540, %dma_start3A_542, %dma_start3A_543] : memref<8x128x64xi16, #tpu.memory_space<vmem>> -> memref<1x128x64xi16, #tpu.memory_space<vmem>>
        %dma_start3A_545 = tpu.memref_squeeze %dma_start3A_544 : memref<1x128x64xi16, #tpu.memory_space<vmem>> -> memref<128x64xi16, #tpu.memory_space<vmem>>
        %dma_start3A_546 = arith.constant 0 : i32
        %dma_start3A_547 = tpu.memref_slice %arg7[%add3A_539, %dma_start3A_546] : memref<80x128xi32, #tpu.memory_space<vmem>> -> memref<1x128xi32, #tpu.memory_space<vmem>>
        %dma_start3A_548 = tpu.memref_squeeze %dma_start3A_547 : memref<1x128xi32, #tpu.memory_space<vmem>> -> memref<128xi32, #tpu.memory_space<vmem>>
        %dma_start3A_549 = arith.constant 0 : i32
        %dma_start3A_550 = arith.constant 0 : i32
        %dma_start3A_551 = tpu.memref_slice %arg10[%dma_start3A_549, %dma_start3A_550] : memref<10240x64xi16, #tpu.memory_space<vmem_shared>> -> memref<10240x64xi16, #tpu.memory_space<vmem_shared>>
        %dma_start3A_552 = tpu.memref_slice %arg12[%dma_start3A_541] : memref<8x!tpu.dma_semaphore, #tpu.memory_space<semaphore_mem>> -> memref<1x!tpu.dma_semaphore, #tpu.memory_space<semaphore_mem>>
        %dma_start3A_553 = tpu.memref_squeeze %dma_start3A_552 : memref<1x!tpu.dma_semaphore, #tpu.memory_space<semaphore_mem>> -> memref<!tpu.dma_semaphore, #tpu.memory_space<semaphore_mem>>
        tpu.enqueue_indirect_dma source(%dma_start3A_551 : memref<10240x64xi16, #tpu.memory_space<vmem_shared>>) target(%dma_start3A_545 : memref<128x64xi16, #tpu.memory_space<vmem>>) offsets(%dma_start3A_548 : memref<128xi32, #tpu.memory_space<vmem>>) semaphore(%dma_start3A_553 : memref<!tpu.dma_semaphore, #tpu.memory_space<semaphore_mem>>)
      } else {
      }
      %dma_wait3A_459 = arith.constant 6 : i32
      %dma_wait3A_460 = arith.constant 6 : i32
      %dma_wait3A_461 = arith.constant 0 : i32
      %dma_wait3A_462 = arith.constant 0 : i32
      %dma_wait3A_463 = tpu.memref_slice %arg9[%dma_wait3A_459, %dma_wait3A_461, %dma_wait3A_462] : memref<8x128x64xi16, #tpu.memory_space<vmem>> -> memref<1x128x64xi16, #tpu.memory_space<vmem>>
      %dma_wait3A_464 = tpu.memref_squeeze %dma_wait3A_463 : memref<1x128x64xi16, #tpu.memory_space<vmem>> -> memref<128x64xi16, #tpu.memory_space<vmem>>
      %dma_wait3A_465 = arith.constant 0 : i32
      %dma_wait3A_466 = tpu.memref_slice %arg7[%add3A_437, %dma_wait3A_465] : memref<80x128xi32, #tpu.memory_space<vmem>> -> memref<1x128xi32, #tpu.memory_space<vmem>>
      %dma_wait3A_467 = tpu.memref_squeeze %dma_wait3A_466 : memref<1x128xi32, #tpu.memory_space<vmem>> -> memref<128xi32, #tpu.memory_space<vmem>>
      %dma_wait3A_468 = arith.constant 0 : i32
      %dma_wait3A_469 = arith.constant 0 : i32
      %dma_wait3A_470 = tpu.memref_slice %arg10[%dma_wait3A_468, %dma_wait3A_469] : memref<10240x64xi16, #tpu.memory_space<vmem_shared>> -> memref<10240x64xi16, #tpu.memory_space<vmem_shared>>
      %dma_wait3A_471 = tpu.memref_slice %arg12[%dma_wait3A_460] : memref<8x!tpu.dma_semaphore, #tpu.memory_space<semaphore_mem>> -> memref<1x!tpu.dma_semaphore, #tpu.memory_space<semaphore_mem>>
      %dma_wait3A_472 = tpu.memref_squeeze %dma_wait3A_471 : memref<1x!tpu.dma_semaphore, #tpu.memory_space<semaphore_mem>> -> memref<!tpu.dma_semaphore, #tpu.memory_space<semaphore_mem>>
      tpu.wait_indirect_dma semaphore(%dma_wait3A_472 : memref<!tpu.dma_semaphore, #tpu.memory_space<semaphore_mem>>) src(%dma_wait3A_470 : memref<10240x64xi16, #tpu.memory_space<vmem_shared>>) dst(%dma_wait3A_464 : memref<128x64xi16, #tpu.memory_space<vmem>>)
      %dma_start3A_473 = arith.constant 6 : i32
      %dma_start3A_474 = arith.constant 6 : i32
      %dma_start3A_475 = arith.constant 0 : i32
      %dma_start3A_476 = arith.constant 0 : i32
      %dma_start3A_477 = tpu.memref_slice %arg9[%dma_start3A_473, %dma_start3A_475, %dma_start3A_476] : memref<8x128x64xi16, #tpu.memory_space<vmem>> -> memref<1x128x64xi16, #tpu.memory_space<vmem>>
      %dma_start3A_478 = tpu.memref_squeeze %dma_start3A_477 : memref<1x128x64xi16, #tpu.memory_space<vmem>> -> memref<128x64xi16, #tpu.memory_space<vmem>>
      %dma_start3A_479 = arith.constant 0 : i32
      %dma_start3A_480 = tpu.memref_slice %arg8[%add3A_437, %dma_start3A_479] : memref<80x128xi32, #tpu.memory_space<vmem>> -> memref<1x128xi32, #tpu.memory_space<vmem>>
      %dma_start3A_481 = tpu.memref_squeeze %dma_start3A_480 : memref<1x128xi32, #tpu.memory_space<vmem>> -> memref<128xi32, #tpu.memory_space<vmem>>
      %dma_start3A_482 = arith.constant 0 : i32
      %dma_start3A_483 = arith.constant 0 : i32
      %dma_start3A_484 = tpu.memref_slice %arg11[%dma_start3A_482, %dma_start3A_483] : memref<10240x64xi16, #tpu.memory_space<vmem_shared>> -> memref<10240x64xi16, #tpu.memory_space<vmem_shared>>
      %dma_start3A_485 = tpu.memref_slice %arg13[%dma_start3A_474] : memref<8x!tpu.dma_semaphore, #tpu.memory_space<semaphore_mem>> -> memref<1x!tpu.dma_semaphore, #tpu.memory_space<semaphore_mem>>
      %dma_start3A_486 = tpu.memref_squeeze %dma_start3A_485 : memref<1x!tpu.dma_semaphore, #tpu.memory_space<semaphore_mem>> -> memref<!tpu.dma_semaphore, #tpu.memory_space<semaphore_mem>>
      tpu.enqueue_indirect_dma source(%dma_start3A_478 : memref<128x64xi16, #tpu.memory_space<vmem>>) target(%dma_start3A_484 : memref<10240x64xi16, #tpu.memory_space<vmem_shared>>) offsets(%dma_start3A_481 : memref<128xi32, #tpu.memory_space<vmem>>) semaphore(%dma_start3A_486 : memref<!tpu.dma_semaphore, #tpu.memory_space<semaphore_mem>>) {add = true}
      %add3A_487 = arith.constant 7 : i32
      %add3A_488 = arith.addi %mul3A_134, %add3A_487 : i32
      %sub3A_489 = arith.constant 4 : i32
      %sub3A_490 = arith.subi %add3A_488, %sub3A_489 : i32
      %dma_wait3A_491 = arith.constant 3 : i32
      %dma_wait3A_492 = arith.constant 3 : i32
      %dma_wait3A_493 = arith.constant 0 : i32
      %dma_wait3A_494 = arith.constant 0 : i32
      %dma_wait3A_495 = tpu.memref_slice %arg9[%dma_wait3A_491, %dma_wait3A_493, %dma_wait3A_494] : memref<8x128x64xi16, #tpu.memory_space<vmem>> -> memref<1x128x64xi16, #tpu.memory_space<vmem>>
      %dma_wait3A_496 = tpu.memref_squeeze %dma_wait3A_495 : memref<1x128x64xi16, #tpu.memory_space<vmem>> -> memref<128x64xi16, #tpu.memory_space<vmem>>
      %dma_wait3A_497 = arith.constant 0 : i32
      %dma_wait3A_498 = tpu.memref_slice %arg8[%sub3A_490, %dma_wait3A_497] : memref<80x128xi32, #tpu.memory_space<vmem>> -> memref<1x128xi32, #tpu.memory_space<vmem>>
      %dma_wait3A_499 = tpu.memref_squeeze %dma_wait3A_498 : memref<1x128xi32, #tpu.memory_space<vmem>> -> memref<128xi32, #tpu.memory_space<vmem>>
      %dma_wait3A_500 = arith.constant 0 : i32
      %dma_wait3A_501 = arith.constant 0 : i32
      %dma_wait3A_502 = tpu.memref_slice %arg11[%dma_wait3A_500, %dma_wait3A_501] : memref<10240x64xi16, #tpu.memory_space<vmem_shared>> -> memref<10240x64xi16, #tpu.memory_space<vmem_shared>>
      %dma_wait3A_503 = tpu.memref_slice %arg13[%dma_wait3A_492] : memref<8x!tpu.dma_semaphore, #tpu.memory_space<semaphore_mem>> -> memref<1x!tpu.dma_semaphore, #tpu.memory_space<semaphore_mem>>
      %dma_wait3A_504 = tpu.memref_squeeze %dma_wait3A_503 : memref<1x!tpu.dma_semaphore, #tpu.memory_space<semaphore_mem>> -> memref<!tpu.dma_semaphore, #tpu.memory_space<semaphore_mem>>
      tpu.wait_indirect_dma semaphore(%dma_wait3A_504 : memref<!tpu.dma_semaphore, #tpu.memory_space<semaphore_mem>>) src(%dma_wait3A_496 : memref<128x64xi16, #tpu.memory_space<vmem>>) dst(%dma_wait3A_502 : memref<10240x64xi16, #tpu.memory_space<vmem_shared>>)
      %lt3A_505 = arith.constant 9 : i32
      %lt3A_506 = arith.cmpi slt, %scan3A_132, %lt3A_505 : i32
      %convert_element_type3A_507 = arith.extui %lt3A_506 : i1 to i32
      %cond3A_508 = arith.constant 0 : i32
      %cond3A_509 = arith.cmpi ne, %convert_element_type3A_507, %cond3A_508 : i32
      scf.if %cond3A_509 {
        %add3A_538 = arith.constant 4 : i32
        %add3A_539 = arith.addi %add3A_488, %add3A_538 : i32
        %dma_start3A_540 = arith.constant 3 : i32
        %dma_start3A_541 = arith.constant 3 : i32
        %dma_start3A_542 = arith.constant 0 : i32
        %dma_start3A_543 = arith.constant 0 : i32
        %dma_start3A_544 = tpu.memref_slice %arg9[%dma_start3A_540, %dma_start3A_542, %dma_start3A_543] : memref<8x128x64xi16, #tpu.memory_space<vmem>> -> memref<1x128x64xi16, #tpu.memory_space<vmem>>
        %dma_start3A_545 = tpu.memref_squeeze %dma_start3A_544 : memref<1x128x64xi16, #tpu.memory_space<vmem>> -> memref<128x64xi16, #tpu.memory_space<vmem>>
        %dma_start3A_546 = arith.constant 0 : i32
        %dma_start3A_547 = tpu.memref_slice %arg7[%add3A_539, %dma_start3A_546] : memref<80x128xi32, #tpu.memory_space<vmem>> -> memref<1x128xi32, #tpu.memory_space<vmem>>
        %dma_start3A_548 = tpu.memref_squeeze %dma_start3A_547 : memref<1x128xi32, #tpu.memory_space<vmem>> -> memref<128xi32, #tpu.memory_space<vmem>>
        %dma_start3A_549 = arith.constant 0 : i32
        %dma_start3A_550 = arith.constant 0 : i32
        %dma_start3A_551 = tpu.memref_slice %arg10[%dma_start3A_549, %dma_start3A_550] : memref<10240x64xi16, #tpu.memory_space<vmem_shared>> -> memref<10240x64xi16, #tpu.memory_space<vmem_shared>>
        %dma_start3A_552 = tpu.memref_slice %arg12[%dma_start3A_541] : memref<8x!tpu.dma_semaphore, #tpu.memory_space<semaphore_mem>> -> memref<1x!tpu.dma_semaphore, #tpu.memory_space<semaphore_mem>>
        %dma_start3A_553 = tpu.memref_squeeze %dma_start3A_552 : memref<1x!tpu.dma_semaphore, #tpu.memory_space<semaphore_mem>> -> memref<!tpu.dma_semaphore, #tpu.memory_space<semaphore_mem>>
        tpu.enqueue_indirect_dma source(%dma_start3A_551 : memref<10240x64xi16, #tpu.memory_space<vmem_shared>>) target(%dma_start3A_545 : memref<128x64xi16, #tpu.memory_space<vmem>>) offsets(%dma_start3A_548 : memref<128xi32, #tpu.memory_space<vmem>>) semaphore(%dma_start3A_553 : memref<!tpu.dma_semaphore, #tpu.memory_space<semaphore_mem>>)
      } else {
      }
      %dma_wait3A_510 = arith.constant 7 : i32
      %dma_wait3A_511 = arith.constant 7 : i32
      %dma_wait3A_512 = arith.constant 0 : i32
      %dma_wait3A_513 = arith.constant 0 : i32
      %dma_wait3A_514 = tpu.memref_slice %arg9[%dma_wait3A_510, %dma_wait3A_512, %dma_wait3A_513] : memref<8x128x64xi16, #tpu.memory_space<vmem>> -> memref<1x128x64xi16, #tpu.memory_space<vmem>>
      %dma_wait3A_515 = tpu.memref_squeeze %dma_wait3A_514 : memref<1x128x64xi16, #tpu.memory_space<vmem>> -> memref<128x64xi16, #tpu.memory_space<vmem>>
      %dma_wait3A_516 = arith.constant 0 : i32
      %dma_wait3A_517 = tpu.memref_slice %arg7[%add3A_488, %dma_wait3A_516] : memref<80x128xi32, #tpu.memory_space<vmem>> -> memref<1x128xi32, #tpu.memory_space<vmem>>
      %dma_wait3A_518 = tpu.memref_squeeze %dma_wait3A_517 : memref<1x128xi32, #tpu.memory_space<vmem>> -> memref<128xi32, #tpu.memory_space<vmem>>
      %dma_wait3A_519 = arith.constant 0 : i32
      %dma_wait3A_520 = arith.constant 0 : i32
      %dma_wait3A_521 = tpu.memref_slice %arg10[%dma_wait3A_519, %dma_wait3A_520] : memref<10240x64xi16, #tpu.memory_space<vmem_shared>> -> memref<10240x64xi16, #tpu.memory_space<vmem_shared>>
      %dma_wait3A_522 = tpu.memref_slice %arg12[%dma_wait3A_511] : memref<8x!tpu.dma_semaphore, #tpu.memory_space<semaphore_mem>> -> memref<1x!tpu.dma_semaphore, #tpu.memory_space<semaphore_mem>>
      %dma_wait3A_523 = tpu.memref_squeeze %dma_wait3A_522 : memref<1x!tpu.dma_semaphore, #tpu.memory_space<semaphore_mem>> -> memref<!tpu.dma_semaphore, #tpu.memory_space<semaphore_mem>>
      tpu.wait_indirect_dma semaphore(%dma_wait3A_523 : memref<!tpu.dma_semaphore, #tpu.memory_space<semaphore_mem>>) src(%dma_wait3A_521 : memref<10240x64xi16, #tpu.memory_space<vmem_shared>>) dst(%dma_wait3A_515 : memref<128x64xi16, #tpu.memory_space<vmem>>)
      %dma_start3A_524 = arith.constant 7 : i32
      %dma_start3A_525 = arith.constant 7 : i32
      %dma_start3A_526 = arith.constant 0 : i32
      %dma_start3A_527 = arith.constant 0 : i32
      %dma_start3A_528 = tpu.memref_slice %arg9[%dma_start3A_524, %dma_start3A_526, %dma_start3A_527] : memref<8x128x64xi16, #tpu.memory_space<vmem>> -> memref<1x128x64xi16, #tpu.memory_space<vmem>>
      %dma_start3A_529 = tpu.memref_squeeze %dma_start3A_528 : memref<1x128x64xi16, #tpu.memory_space<vmem>> -> memref<128x64xi16, #tpu.memory_space<vmem>>
      %dma_start3A_530 = arith.constant 0 : i32
      %dma_start3A_531 = tpu.memref_slice %arg8[%add3A_488, %dma_start3A_530] : memref<80x128xi32, #tpu.memory_space<vmem>> -> memref<1x128xi32, #tpu.memory_space<vmem>>
      %dma_start3A_532 = tpu.memref_squeeze %dma_start3A_531 : memref<1x128xi32, #tpu.memory_space<vmem>> -> memref<128xi32, #tpu.memory_space<vmem>>
      %dma_start3A_533 = arith.constant 0 : i32
      %dma_start3A_534 = arith.constant 0 : i32
      %dma_start3A_535 = tpu.memref_slice %arg11[%dma_start3A_533, %dma_start3A_534] : memref<10240x64xi16, #tpu.memory_space<vmem_shared>> -> memref<10240x64xi16, #tpu.memory_space<vmem_shared>>
      %dma_start3A_536 = tpu.memref_slice %arg13[%dma_start3A_525] : memref<8x!tpu.dma_semaphore, #tpu.memory_space<semaphore_mem>> -> memref<1x!tpu.dma_semaphore, #tpu.memory_space<semaphore_mem>>
      %dma_start3A_537 = tpu.memref_squeeze %dma_start3A_536 : memref<1x!tpu.dma_semaphore, #tpu.memory_space<semaphore_mem>> -> memref<!tpu.dma_semaphore, #tpu.memory_space<semaphore_mem>>
      tpu.enqueue_indirect_dma source(%dma_start3A_529 : memref<128x64xi16, #tpu.memory_space<vmem>>) target(%dma_start3A_535 : memref<10240x64xi16, #tpu.memory_space<vmem_shared>>) offsets(%dma_start3A_532 : memref<128xi32, #tpu.memory_space<vmem>>) semaphore(%dma_start3A_537 : memref<!tpu.dma_semaphore, #tpu.memory_space<semaphore_mem>>) {add = true}
    }
    %scan3A_68 = arith.constant 10 : i32
    %dma_wait3A = arith.constant 4 : i32
    %dma_wait3A_69 = arith.constant 76 : i32
    %dma_wait3A_70 = arith.constant 4 : i32
    %dma_wait3A_71 = arith.constant 0 : i32
    %dma_wait3A_72 = arith.constant 0 : i32
    %dma_wait3A_73 = tpu.memref_slice %arg9[%dma_wait3A, %dma_wait3A_71, %dma_wait3A_72] : memref<8x128x64xi16, #tpu.memory_space<vmem>> -> memref<1x128x64xi16, #tpu.memory_space<vmem>>
    %dma_wait3A_74 = tpu.memref_squeeze %dma_wait3A_73 : memref<1x128x64xi16, #tpu.memory_space<vmem>> -> memref<128x64xi16, #tpu.memory_space<vmem>>
    %dma_wait3A_75 = arith.constant 0 : i32
    %dma_wait3A_76 = tpu.memref_slice %arg8[%dma_wait3A_69, %dma_wait3A_75] : memref<80x128xi32, #tpu.memory_space<vmem>> -> memref<1x128xi32, #tpu.memory_space<vmem>>
    %dma_wait3A_77 = tpu.memref_squeeze %dma_wait3A_76 : memref<1x128xi32, #tpu.memory_space<vmem>> -> memref<128xi32, #tpu.memory_space<vmem>>
    %dma_wait3A_78 = arith.constant 0 : i32
    %dma_wait3A_79 = arith.constant 0 : i32
    %dma_wait3A_80 = tpu.memref_slice %arg11[%dma_wait3A_78, %dma_wait3A_79] : memref<10240x64xi16, #tpu.memory_space<vmem_shared>> -> memref<10240x64xi16, #tpu.memory_space<vmem_shared>>
    %dma_wait3A_81 = tpu.memref_slice %arg13[%dma_wait3A_70] : memref<8x!tpu.dma_semaphore, #tpu.memory_space<semaphore_mem>> -> memref<1x!tpu.dma_semaphore, #tpu.memory_space<semaphore_mem>>
    %dma_wait3A_82 = tpu.memref_squeeze %dma_wait3A_81 : memref<1x!tpu.dma_semaphore, #tpu.memory_space<semaphore_mem>> -> memref<!tpu.dma_semaphore, #tpu.memory_space<semaphore_mem>>
    tpu.wait_indirect_dma semaphore(%dma_wait3A_82 : memref<!tpu.dma_semaphore, #tpu.memory_space<semaphore_mem>>) src(%dma_wait3A_74 : memref<128x64xi16, #tpu.memory_space<vmem>>) dst(%dma_wait3A_80 : memref<10240x64xi16, #tpu.memory_space<vmem_shared>>)
    %dma_wait3A_83 = arith.constant 5 : i32
    %dma_wait3A_84 = arith.constant 77 : i32
    %dma_wait3A_85 = arith.constant 5 : i32
    %dma_wait3A_86 = arith.constant 0 : i32
    %dma_wait3A_87 = arith.constant 0 : i32
    %dma_wait3A_88 = tpu.memref_slice %arg9[%dma_wait3A_83, %dma_wait3A_86, %dma_wait3A_87] : memref<8x128x64xi16, #tpu.memory_space<vmem>> -> memref<1x128x64xi16, #tpu.memory_space<vmem>>
    %dma_wait3A_89 = tpu.memref_squeeze %dma_wait3A_88 : memref<1x128x64xi16, #tpu.memory_space<vmem>> -> memref<128x64xi16, #tpu.memory_space<vmem>>
    %dma_wait3A_90 = arith.constant 0 : i32
    %dma_wait3A_91 = tpu.memref_slice %arg8[%dma_wait3A_84, %dma_wait3A_90] : memref<80x128xi32, #tpu.memory_space<vmem>> -> memref<1x128xi32, #tpu.memory_space<vmem>>
    %dma_wait3A_92 = tpu.memref_squeeze %dma_wait3A_91 : memref<1x128xi32, #tpu.memory_space<vmem>> -> memref<128xi32, #tpu.memory_space<vmem>>
    %dma_wait3A_93 = arith.constant 0 : i32
    %dma_wait3A_94 = arith.constant 0 : i32
    %dma_wait3A_95 = tpu.memref_slice %arg11[%dma_wait3A_93, %dma_wait3A_94] : memref<10240x64xi16, #tpu.memory_space<vmem_shared>> -> memref<10240x64xi16, #tpu.memory_space<vmem_shared>>
    %dma_wait3A_96 = tpu.memref_slice %arg13[%dma_wait3A_85] : memref<8x!tpu.dma_semaphore, #tpu.memory_space<semaphore_mem>> -> memref<1x!tpu.dma_semaphore, #tpu.memory_space<semaphore_mem>>
    %dma_wait3A_97 = tpu.memref_squeeze %dma_wait3A_96 : memref<1x!tpu.dma_semaphore, #tpu.memory_space<semaphore_mem>> -> memref<!tpu.dma_semaphore, #tpu.memory_space<semaphore_mem>>
    tpu.wait_indirect_dma semaphore(%dma_wait3A_97 : memref<!tpu.dma_semaphore, #tpu.memory_space<semaphore_mem>>) src(%dma_wait3A_89 : memref<128x64xi16, #tpu.memory_space<vmem>>) dst(%dma_wait3A_95 : memref<10240x64xi16, #tpu.memory_space<vmem_shared>>)
    %dma_wait3A_98 = arith.constant 6 : i32
    %dma_wait3A_99 = arith.constant 78 : i32
    %dma_wait3A_100 = arith.constant 6 : i32
    %dma_wait3A_101 = arith.constant 0 : i32
    %dma_wait3A_102 = arith.constant 0 : i32
    %dma_wait3A_103 = tpu.memref_slice %arg9[%dma_wait3A_98, %dma_wait3A_101, %dma_wait3A_102] : memref<8x128x64xi16, #tpu.memory_space<vmem>> -> memref<1x128x64xi16, #tpu.memory_space<vmem>>
    %dma_wait3A_104 = tpu.memref_squeeze %dma_wait3A_103 : memref<1x128x64xi16, #tpu.memory_space<vmem>> -> memref<128x64xi16, #tpu.memory_space<vmem>>
    %dma_wait3A_105 = arith.constant 0 : i32
    %dma_wait3A_106 = tpu.memref_slice %arg8[%dma_wait3A_99, %dma_wait3A_105] : memref<80x128xi32, #tpu.memory_space<vmem>> -> memref<1x128xi32, #tpu.memory_space<vmem>>
    %dma_wait3A_107 = tpu.memref_squeeze %dma_wait3A_106 : memref<1x128xi32, #tpu.memory_space<vmem>> -> memref<128xi32, #tpu.memory_space<vmem>>
    %dma_wait3A_108 = arith.constant 0 : i32
    %dma_wait3A_109 = arith.constant 0 : i32
    %dma_wait3A_110 = tpu.memref_slice %arg11[%dma_wait3A_108, %dma_wait3A_109] : memref<10240x64xi16, #tpu.memory_space<vmem_shared>> -> memref<10240x64xi16, #tpu.memory_space<vmem_shared>>
    %dma_wait3A_111 = tpu.memref_slice %arg13[%dma_wait3A_100] : memref<8x!tpu.dma_semaphore, #tpu.memory_space<semaphore_mem>> -> memref<1x!tpu.dma_semaphore, #tpu.memory_space<semaphore_mem>>
    %dma_wait3A_112 = tpu.memref_squeeze %dma_wait3A_111 : memref<1x!tpu.dma_semaphore, #tpu.memory_space<semaphore_mem>> -> memref<!tpu.dma_semaphore, #tpu.memory_space<semaphore_mem>>
    tpu.wait_indirect_dma semaphore(%dma_wait3A_112 : memref<!tpu.dma_semaphore, #tpu.memory_space<semaphore_mem>>) src(%dma_wait3A_104 : memref<128x64xi16, #tpu.memory_space<vmem>>) dst(%dma_wait3A_110 : memref<10240x64xi16, #tpu.memory_space<vmem_shared>>)
    %dma_wait3A_113 = arith.constant 7 : i32
    %dma_wait3A_114 = arith.constant 79 : i32
    %dma_wait3A_115 = arith.constant 7 : i32
    %dma_wait3A_116 = arith.constant 0 : i32
    %dma_wait3A_117 = arith.constant 0 : i32
    %dma_wait3A_118 = tpu.memref_slice %arg9[%dma_wait3A_113, %dma_wait3A_116, %dma_wait3A_117] : memref<8x128x64xi16, #tpu.memory_space<vmem>> -> memref<1x128x64xi16, #tpu.memory_space<vmem>>
    %dma_wait3A_119 = tpu.memref_squeeze %dma_wait3A_118 : memref<1x128x64xi16, #tpu.memory_space<vmem>> -> memref<128x64xi16, #tpu.memory_space<vmem>>
    %dma_wait3A_120 = arith.constant 0 : i32
    %dma_wait3A_121 = tpu.memref_slice %arg8[%dma_wait3A_114, %dma_wait3A_120] : memref<80x128xi32, #tpu.memory_space<vmem>> -> memref<1x128xi32, #tpu.memory_space<vmem>>
    %dma_wait3A_122 = tpu.memref_squeeze %dma_wait3A_121 : memref<1x128xi32, #tpu.memory_space<vmem>> -> memref<128xi32, #tpu.memory_space<vmem>>
    %dma_wait3A_123 = arith.constant 0 : i32
    %dma_wait3A_124 = arith.constant 0 : i32
    %dma_wait3A_125 = tpu.memref_slice %arg11[%dma_wait3A_123, %dma_wait3A_124] : memref<10240x64xi16, #tpu.memory_space<vmem_shared>> -> memref<10240x64xi16, #tpu.memory_space<vmem_shared>>
    %dma_wait3A_126 = tpu.memref_slice %arg13[%dma_wait3A_115] : memref<8x!tpu.dma_semaphore, #tpu.memory_space<semaphore_mem>> -> memref<1x!tpu.dma_semaphore, #tpu.memory_space<semaphore_mem>>
    %dma_wait3A_127 = tpu.memref_squeeze %dma_wait3A_126 : memref<1x!tpu.dma_semaphore, #tpu.memory_space<semaphore_mem>> -> memref<!tpu.dma_semaphore, #tpu.memory_space<semaphore_mem>>
    tpu.wait_indirect_dma semaphore(%dma_wait3A_127 : memref<!tpu.dma_semaphore, #tpu.memory_space<semaphore_mem>>) src(%dma_wait3A_119 : memref<128x64xi16, #tpu.memory_space<vmem>>) dst(%dma_wait3A_125 : memref<10240x64xi16, #tpu.memory_space<vmem_shared>>)
    %barrier3A_128 = arith.constant 0 : index
    tpu.barrier barrier_id(%barrier3A_128)
    %mul3A_129 = arith.constant 10240 : i32
    %mul3A_130 = arith.muli %arg0, %mul3A_129 : i32
    %add3A_131 = arith.addi %mul3A_130, %mul3A_2 : i32
    %multiple_of3A = tpu.assume_multiple %add3A_131, 8 : i32
    "tpu.region"() ({
      %run_scoped3A = tpu.sem_alloc : memref<!tpu.dma_semaphore, #tpu.memory_space<semaphore_mem>>
      %dma_start3A_132 = arith.constant 0 : i32
      %dma_start3A_133 = tpu.memref_slice %arg6[%multiple_of3A, %dma_start3A_132] : memref<20480x64xi16, #tpu.memory_space<hbm>> -> memref<640x64xi16, #tpu.memory_space<hbm>>
      %dma_start3A_134 = arith.constant 0 : i32
      %dma_start3A_135 = tpu.memref_slice %arg11[%mul3A_2, %dma_start3A_134] : memref<10240x64xi16, #tpu.memory_space<vmem_shared>> -> memref<640x64xi16, #tpu.memory_space<vmem_shared>>
      tpu.enqueue_dma source(%dma_start3A_135 : memref<640x64xi16, #tpu.memory_space<vmem_shared>>) target(%dma_start3A_133 : memref<640x64xi16, #tpu.memory_space<hbm>>) target_semaphore(%run_scoped3A : memref<!tpu.dma_semaphore, #tpu.memory_space<semaphore_mem>>)
      %dma_wait3A_136 = arith.constant 0 : i32
      %dma_wait3A_137 = tpu.memref_slice %arg6[%multiple_of3A, %dma_wait3A_136] : memref<20480x64xi16, #tpu.memory_space<hbm>> -> memref<640x64xi16, #tpu.memory_space<hbm>>
      %dma_wait3A_138 = arith.constant 0 : i32
      %dma_wait3A_139 = tpu.memref_slice %arg11[%mul3A_2, %dma_wait3A_138] : memref<10240x64xi16, #tpu.memory_space<vmem_shared>> -> memref<640x64xi16, #tpu.memory_space<vmem_shared>>
      tpu.wait_dma2 semaphore(%run_scoped3A : memref<!tpu.dma_semaphore, #tpu.memory_space<semaphore_mem>>) src(%dma_wait3A_139 : memref<640x64xi16, #tpu.memory_space<vmem_shared>>) dst(%dma_wait3A_137 : memref<640x64xi16, #tpu.memory_space<hbm>>)
      tpu.yield
    }) : () -> ()
    return
  }
}

module attributes {stable_mosaic.version = 14 : i64} {
  func.func @_mm_body(%arg0: i32, %arg1: memref<5120x128xf32, #tpu.memory_space<vmem>>, %arg2: memref<128x64xf32, #tpu.memory_space<vmem>>, %arg3: memref<5120x64xf32, #tpu.memory_space<vmem>>, %arg4: memref<1x1xf32, #tpu.memory_space<vmem>>) attributes {dimension_semantics = [#tpu.dimension_semantics<arbitrary>], iteration_bounds = array<i64: 2>, scalar_prefetch = 0 : i64, scratch_operands = 0 : i64, tpu.core_type = #tpu.core_type<tc>, window_params = [{transform_indices = @transform_0, window_bounds = array<i64: 5120, 128>}, {pipeline_mode = #tpu.pipeline_mode<synchronous>, transform_indices = @transform_1, window_bounds = array<i64: 128, 64>}, {transform_indices = @transform_2, window_bounds = array<i64: 5120, 64>}, {pipeline_mode = #tpu.pipeline_mode<synchronous>, transform_indices = @transform_3, window_bounds = array<i64: 1, 1>}]} {
    %get3A = arith.constant 0 : index
    %get3A_0 = arith.constant 0 : index
    %get3A_1 = vector.load %arg1[%get3A, %get3A_0] : memref<5120x128xf32, #tpu.memory_space<vmem>>, vector<5120x128xf32>
    %get3A_2 = arith.constant 0 : index
    %get3A_3 = arith.constant 0 : index
    %get3A_4 = vector.load %arg2[%get3A_2, %get3A_3] : memref<128x64xf32, #tpu.memory_space<vmem>>, vector<128x64xf32>
    %dot_general3A = arith.constant dense<0.000000e+00> : vector<5120x64xf32>
    %dot_general3A_5 = tpu.matmul %get3A_1, %get3A_4, %dot_general3A {dimension_numbers = #tpu.dot_dimension_numbers<[1], [0], [0], [1], [0, 0, 1, 1], [], []>, transpose_lhs_hint = false} : vector<5120x128xf32>, vector<128x64xf32>, vector<5120x64xf32> -> vector<5120x64xf32>
    %swap3A = arith.constant 0 : index
    %swap3A_6 = arith.constant 0 : index
    %swap3A_7 = vector.load %arg3[%swap3A, %swap3A_6] : memref<5120x64xf32, #tpu.memory_space<vmem>>, vector<5120x64xf32>
    tpu.vector_store %arg3[%swap3A, %swap3A_6], %dot_general3A_5 {strides = array<i32>} : memref<5120x64xf32, #tpu.memory_space<vmem>>, vector<5120x64xf32>,
    %eq3A = arith.constant 0 : i32
    %eq3A_8 = arith.cmpi eq, %arg0, %eq3A : i32
    %convert_element_type3A = arith.extui %eq3A_8 : i1 to i32
    %cond3A = arith.constant 0 : i32
    %cond3A_9 = arith.cmpi ne, %convert_element_type3A, %cond3A : i32
    scf.if %cond3A_9 {
      %broadcast_in_dim3A = arith.constant 0.000000e+00 : f32
      %broadcast_in_dim3A_21 = vector.broadcast %broadcast_in_dim3A : f32 to vector<1x1xf32>
      %swap3A_22 = arith.constant 0 : index
      %swap3A_23 = arith.constant 0 : index
      %swap3A_24 = vector.load %arg4[%swap3A_22, %swap3A_23] : memref<1x1xf32, #tpu.memory_space<vmem>>, vector<1x1xf32>
      tpu.vector_store %arg4[%swap3A_22, %swap3A_23], %broadcast_in_dim3A_21 {strides = array<i32>} : memref<1x1xf32, #tpu.memory_space<vmem>>, vector<1x1xf32>,
    } else {
    }
    %get3A_10 = arith.constant 0 : index
    %get3A_11 = arith.constant 0 : index
    %get3A_12 = vector.load %arg4[%get3A_10, %get3A_11] : memref<1x1xf32, #tpu.memory_space<vmem>>, vector<1x1xf32>
    %abs3A = math.absf %dot_general3A_5 : vector<5120x64xf32>
    %reduce_max3A = vector.shape_cast %abs3A : vector<5120x64xf32> to vector<1x5120x64xf32>
    %reduce_max3A_13 = arith.constant dense<0xFF800000> : vector<1xf32>
    %reduce_max3A_14 = vector.multi_reduction <maximumf>, %reduce_max3A, %reduce_max3A_13 [1, 2] : vector<1x5120x64xf32> to vector<1xf32>
    %reduce_max3A_15 = vector.shape_cast %reduce_max3A_14 : vector<1xf32> to vector<1x1x1xf32>
    %reduce_max3A_16 = vector.extract %reduce_max3A_15[0, 0, 0] : f32 from vector<1x1x1xf32>
    %max3A = vector.broadcast %reduce_max3A_16 : f32 to vector<1x1xf32>
    %max3A_17 = arith.maximumf %get3A_12, %max3A : vector<1x1xf32>
    %swap3A_18 = arith.constant 0 : index
    %swap3A_19 = arith.constant 0 : index
    %swap3A_20 = vector.load %arg4[%swap3A_18, %swap3A_19] : memref<1x1xf32, #tpu.memory_space<vmem>>, vector<1x1xf32>
    tpu.vector_store %arg4[%swap3A_18, %swap3A_19], %max3A_17 {strides = array<i32>} : memref<1x1xf32, #tpu.memory_space<vmem>>, vector<1x1xf32>,
    return
  }
  func.func @transform_0(%arg0: i32) -> (i32, i32) {
    %c0_i32 = arith.constant 0 : i32
    %c0_i32_0 = arith.constant 0 : i32
    return %arg0, %c0_i32 : i32, i32
  }
  func.func @transform_1(%arg0: i32) -> (i32, i32) {
    %c0_i32 = arith.constant 0 : i32
    %c0_i32_0 = arith.constant 0 : i32
    %c0_i32_1 = arith.constant 0 : i32
    return %c0_i32, %c0_i32_0 : i32, i32
  }
  func.func @transform_2(%arg0: i32) -> (i32, i32) {
    %c0_i32 = arith.constant 0 : i32
    %c0_i32_0 = arith.constant 0 : i32
    return %arg0, %c0_i32 : i32, i32
  }
  func.func @transform_3(%arg0: i32) -> (i32, i32) {
    %c0_i32 = arith.constant 0 : i32
    %c0_i32_0 = arith.constant 0 : i32
    %c0_i32_1 = arith.constant 0 : i32
    return %c0_i32, %c0_i32_0 : i32, i32
  }
}

module attributes {stable_mosaic.version = 14 : i64} {
  func.func @_quant_body(%arg0: i32, %arg1: memref<5120x64xf32, #tpu.memory_space<vmem>>, %arg2: memref<1x1xf32, #tpu.memory_space<vmem>>, %arg3: memref<5120x64xi16, #tpu.memory_space<vmem>>) attributes {dimension_semantics = [#tpu.dimension_semantics<arbitrary>], iteration_bounds = array<i64: 2>, scalar_prefetch = 0 : i64, scratch_operands = 0 : i64, tpu.core_type = #tpu.core_type<tc>, window_params = [{transform_indices = @transform_0, window_bounds = array<i64: 5120, 64>}, {pipeline_mode = #tpu.pipeline_mode<synchronous>, transform_indices = @transform_1, window_bounds = array<i64: 1, 1>}, {transform_indices = @transform_2, window_bounds = array<i64: 5120, 64>}]} {
    %get3A = arith.constant 0 : index
    %get3A_0 = arith.constant 0 : index
    %get3A_1 = vector.load %arg2[%get3A, %get3A_0] : memref<1x1xf32, #tpu.memory_space<vmem>>, vector<1x1xf32>
    %get3A_2 = vector.extract %get3A_1[0, 0] : f32 from vector<1x1xf32>
    %max3A = arith.constant 1.000000e-30 : f32
    %max3A_3 = arith.maximumf %get3A_2, %max3A : f32
    %div3A = arith.constant 1.023000e+03 : f32
    %div3A_4 = arith.divf %div3A, %max3A_3 : f32
    %get3A_5 = arith.constant 0 : index
    %get3A_6 = arith.constant 0 : index
    %get3A_7 = vector.load %arg1[%get3A_5, %get3A_6] : memref<5120x64xf32, #tpu.memory_space<vmem>>, vector<5120x64xf32>
    %mul3A = vector.broadcast %div3A_4 : f32 to vector<5120x64xf32>
    %mul3A_8 = arith.mulf %get3A_7, %mul3A : vector<5120x64xf32>
    %round3A = math.roundeven %mul3A_8 : vector<5120x64xf32>
    %convert_element_type3A = arith.fptosi %round3A : vector<5120x64xf32> to vector<5120x64xi16>
    %swap3A = arith.constant 0 : index
    %swap3A_9 = arith.constant 0 : index
    %swap3A_10 = vector.load %arg3[%swap3A, %swap3A_9] : memref<5120x64xi16, #tpu.memory_space<vmem>>, vector<5120x64xi16>
    tpu.vector_store %arg3[%swap3A, %swap3A_9], %convert_element_type3A {strides = array<i32>} : memref<5120x64xi16, #tpu.memory_space<vmem>>, vector<5120x64xi16>,
    return
  }
  func.func @transform_0(%arg0: i32) -> (i32, i32) {
    %c0_i32 = arith.constant 0 : i32
    %c0_i32_0 = arith.constant 0 : i32
    return %arg0, %c0_i32 : i32, i32
  }
  func.func @transform_1(%arg0: i32) -> (i32, i32) {
    %c0_i32 = arith.constant 0 : i32
    %c0_i32_0 = arith.constant 0 : i32
    %c0_i32_1 = arith.constant 0 : i32
    return %c0_i32, %c0_i32_0 : i32, i32
  }
  func.func @transform_2(%arg0: i32) -> (i32, i32) {
    %c0_i32 = arith.constant 0 : i32
    %c0_i32_0 = arith.constant 0 : i32
    return %arg0, %c0_i32 : i32, i32
  }
}

module attributes {stable_mosaic.version = 14 : i64} {
  func.func @_layer_body(%arg0: i32, %arg1: memref<5120x64xf32, #tpu.memory_space<vmem>>, %arg2: memref<5120x64xi16, #tpu.memory_space<vmem>>, %arg3: memref<5120x64xi16, #tpu.memory_space<vmem>>, %arg4: memref<5120x1xi32, #tpu.memory_space<vmem>>, %arg5: memref<1x64xf32, #tpu.memory_space<vmem>>, %arg6: memref<1x64xf32, #tpu.memory_space<vmem>>, %arg7: memref<1x64xf32, #tpu.memory_space<vmem>>, %arg8: memref<64x64xf32, #tpu.memory_space<vmem>>, %arg9: memref<1x64xf32, #tpu.memory_space<vmem>>, %arg10: memref<64x64xf32, #tpu.memory_space<vmem>>, %arg11: memref<5120x64xf32, #tpu.memory_space<vmem>>, %arg12: memref<64x64xf32, #tpu.memory_space<vmem>>, %arg13: memref<64x1xf32, #tpu.memory_space<vmem>>, %arg14: memref<1x1xf32, #tpu.memory_space<vmem>>) attributes {dimension_semantics = [#tpu.dimension_semantics<arbitrary>], iteration_bounds = array<i64: 2>, scalar_prefetch = 0 : i64, scratch_operands = 0 : i64, tpu.core_type = #tpu.core_type<tc>, window_params = [{transform_indices = @transform_0, window_bounds = array<i64: 5120, 64>}, {transform_indices = @transform_1, window_bounds = array<i64: 5120, 64>}, {transform_indices = @transform_2, window_bounds = array<i64: 5120, 64>}, {transform_indices = @transform_3, window_bounds = array<i64: 5120, 1>}, {pipeline_mode = #tpu.pipeline_mode<synchronous>, transform_indices = @transform_4, window_bounds = array<i64: 1, 64>}, {pipeline_mode = #tpu.pipeline_mode<synchronous>, transform_indices = @transform_5, window_bounds = array<i64: 1, 64>}, {pipeline_mode = #tpu.pipeline_mode<synchronous>, transform_indices = @transform_6, window_bounds = array<i64: 1, 64>}, {pipeline_mode = #tpu.pipeline_mode<synchronous>, transform_indices = @transform_7, window_bounds = array<i64: 64, 64>}, {pipeline_mode = #tpu.pipeline_mode<synchronous>, transform_indices = @transform_8, window_bounds = array<i64: 1, 64>}, {pipeline_mode = #tpu.pipeline_mode<synchronous>, transform_indices = @transform_9, window_bounds = array<i64: 64, 64>}, {transform_indices = @transform_10, window_bounds = array<i64: 5120, 64>}, {pipeline_mode = #tpu.pipeline_mode<synchronous>, transform_indices = @transform_11, window_bounds = array<i64: 64, 64>}, {pipeline_mode = #tpu.pipeline_mode<synchronous>, transform_indices = @transform_12, window_bounds = array<i64: 64, 1>}, {pipeline_mode = #tpu.pipeline_mode<synchronous>, transform_indices = @transform_13, window_bounds = array<i64: 1, 1>}]} {
    %get3A = arith.constant 0 : index
    %get3A_0 = arith.constant 0 : index
    %get3A_1 = vector.load %arg1[%get3A, %get3A_0] : memref<5120x64xf32, #tpu.memory_space<vmem>>, vector<5120x64xf32>
    %get3A_2 = arith.constant 0 : index
    %get3A_3 = arith.constant 0 : index
    %get3A_4 = vector.load %arg2[%get3A_2, %get3A_3] : memref<5120x64xi16, #tpu.memory_space<vmem>>, vector<5120x64xi16>
    %convert_element_type3A = arith.sitofp %get3A_4 : vector<5120x64xi16> to vector<5120x64xf32>
    %get3A_5 = arith.constant 0 : index
    %get3A_6 = arith.constant 0 : index
    %get3A_7 = vector.load %arg3[%get3A_5, %get3A_6] : memref<5120x64xi16, #tpu.memory_space<vmem>>, vector<5120x64xi16>
    %convert_element_type3A_8 = arith.sitofp %get3A_7 : vector<5120x64xi16> to vector<5120x64xf32>
    %add3A = arith.addf %convert_element_type3A, %convert_element_type3A_8 : vector<5120x64xf32>
    %get3A_9 = arith.constant 0 : index
    %get3A_10 = arith.constant 0 : index
    %get3A_11 = vector.load %arg5[%get3A_9, %get3A_10] : memref<1x64xf32, #tpu.memory_space<vmem>>, vector<1x64xf32>
    %mul3A = vector.broadcast %get3A_11 : vector<1x64xf32> to vector<5120x64xf32>
    %mul3A_12 = arith.mulf %get3A_1, %mul3A : vector<5120x64xf32>
    %get3A_13 = arith.constant 0 : index
    %get3A_14 = arith.constant 0 : index
    %get3A_15 = vector.load %arg6[%get3A_13, %get3A_14] : memref<1x64xf32, #tpu.memory_space<vmem>>, vector<1x64xf32>
    %mul3A_16 = vector.broadcast %get3A_15 : vector<1x64xf32> to vector<5120x64xf32>
    %mul3A_17 = arith.mulf %add3A, %mul3A_16 : vector<5120x64xf32>
    %add3A_18 = arith.addf %mul3A_12, %mul3A_17 : vector<5120x64xf32>
    %get3A_19 = arith.constant 0 : index
    %get3A_20 = arith.constant 0 : index
    %get3A_21 = vector.load %arg7[%get3A_19, %get3A_20] : memref<1x64xf32, #tpu.memory_space<vmem>>, vector<1x64xf32>
    %add3A_22 = vector.broadcast %get3A_21 : vector<1x64xf32> to vector<5120x64xf32>
    %add3A_23 = arith.addf %add3A_18, %add3A_22 : vector<5120x64xf32>
    %max3A = arith.constant 0.000000e+00 : f32
    %max3A_24 = vector.broadcast %max3A : f32 to vector<5120x64xf32>
    %max3A_25 = arith.maximumf %add3A_23, %max3A_24 : vector<5120x64xf32>
    %get3A_26 = arith.constant 0 : index
    %get3A_27 = arith.constant 0 : index
    %get3A_28 = vector.load %arg8[%get3A_26, %get3A_27] : memref<64x64xf32, #tpu.memory_space<vmem>>, vector<64x64xf32>
    %dot_general3A = arith.constant dense<0.000000e+00> : vector<5120x64xf32>
    %dot_general3A_29 = tpu.matmul %max3A_25, %get3A_28, %dot_general3A {dimension_numbers = #tpu.dot_dimension_numbers<[1], [0], [0], [1], [0, 0, 1, 1], [], []>, transpose_lhs_hint = false} : vector<5120x64xf32>, vector<64x64xf32>, vector<5120x64xf32> -> vector<5120x64xf32>
    %get3A_30 = arith.constant 0 : index
    %get3A_31 = arith.constant 0 : index
    %get3A_32 = vector.load %arg9[%get3A_30, %get3A_31] : memref<1x64xf32, #tpu.memory_space<vmem>>, vector<1x64xf32>
    %add3A_33 = vector.broadcast %get3A_32 : vector<1x64xf32> to vector<5120x64xf32>
    %add3A_34 = arith.addf %dot_general3A_29, %add3A_33 : vector<5120x64xf32>
    %max3A_35 = arith.constant 0.000000e+00 : f32
    %max3A_36 = vector.broadcast %max3A_35 : f32 to vector<5120x64xf32>
    %max3A_37 = arith.maximumf %add3A_34, %max3A_36 : vector<5120x64xf32>
    %get3A_38 = arith.constant 0 : index
    %get3A_39 = arith.constant 0 : index
    %get3A_40 = vector.load %arg10[%get3A_38, %get3A_39] : memref<64x64xf32, #tpu.memory_space<vmem>>, vector<64x64xf32>
    %dot_general3A_41 = arith.constant dense<0.000000e+00> : vector<5120x64xf32>
    %dot_general3A_42 = tpu.matmul %max3A_37, %get3A_40, %dot_general3A_41 {dimension_numbers = #tpu.dot_dimension_numbers<[1], [0], [0], [1], [0, 0, 1, 1], [], []>, transpose_lhs_hint = false} : vector<5120x64xf32>, vector<64x64xf32>, vector<5120x64xf32> -> vector<5120x64xf32>
    %swap3A = arith.constant 0 : index
    %swap3A_43 = arith.constant 0 : index
    %swap3A_44 = vector.load %arg11[%swap3A, %swap3A_43] : memref<5120x64xf32, #tpu.memory_space<vmem>>, vector<5120x64xf32>
    tpu.vector_store %arg11[%swap3A, %swap3A_43], %dot_general3A_42 {strides = array<i32>} : memref<5120x64xf32, #tpu.memory_space<vmem>>, vector<5120x64xf32>,
    %get3A_45 = arith.constant 0 : index
    %get3A_46 = arith.constant 0 : index
    %get3A_47 = vector.load %arg4[%get3A_45, %get3A_46] : memref<5120x1xi32, #tpu.memory_space<vmem>>, vector<5120x1xi32>
    %iota3A = tpu.iota {dimensions = array<i32: 1>} : vector<5120x64xi32>
    %eq3A = vector.broadcast %get3A_47 : vector<5120x1xi32> to vector<5120x64xi32>
    %eq3A_48 = arith.cmpi eq, %eq3A, %iota3A : vector<5120x64xi32>
    %convert_element_type3A_49 = arith.extui %eq3A_48 : vector<5120x64xi1> to vector<5120x64xi32>
    %convert_element_type3A_50 = arith.sitofp %convert_element_type3A_49 : vector<5120x64xi32> to vector<5120x64xf32>
    %dot_general3A_51 = arith.constant dense<0.000000e+00> : vector<64x64xf32>
    %dot_general3A_52 = tpu.matmul %convert_element_type3A_50, %max3A_37, %dot_general3A_51 {dimension_numbers = #tpu.dot_dimension_numbers<[0], [0], [1], [1], [0, 1, 1, 1], [], []>, transpose_lhs_hint = false} : vector<5120x64xf32>, vector<5120x64xf32>, vector<64x64xf32> -> vector<64x64xf32>
    %broadcast_in_dim3A = arith.constant 1.000000e+00 : f32
    %broadcast_in_dim3A_53 = vector.broadcast %broadcast_in_dim3A : f32 to vector<5120x1xf32>
    %dot_general3A_54 = arith.constant dense<0.000000e+00> : vector<64x1xf32>
    %dot_general3A_55 = tpu.matmul %convert_element_type3A_50, %broadcast_in_dim3A_53, %dot_general3A_54 {dimension_numbers = #tpu.dot_dimension_numbers<[0], [0], [1], [1], [0, 1, 1, 1], [], []>, transpose_lhs_hint = false} : vector<5120x64xf32>, vector<5120x1xf32>, vector<64x1xf32> -> vector<64x1xf32>
    %eq3A_56 = arith.constant 0 : i32
    %eq3A_57 = arith.cmpi eq, %arg0, %eq3A_56 : i32
    %convert_element_type3A_58 = arith.extui %eq3A_57 : i1 to i32
    %cond3A = arith.constant 0 : i32
    %cond3A_59 = arith.cmpi ne, %convert_element_type3A_58, %cond3A : i32
    scf.if %cond3A_59 {
      %broadcast_in_dim3A_86 = arith.constant 0.000000e+00 : f32
      %broadcast_in_dim3A_87 = vector.broadcast %broadcast_in_dim3A_86 : f32 to vector<64x64xf32>
      %swap3A_88 = arith.constant 0 : index
      %swap3A_89 = arith.constant 0 : index
      %swap3A_90 = vector.load %arg12[%swap3A_88, %swap3A_89] : memref<64x64xf32, #tpu.memory_space<vmem>>, vector<64x64xf32>
      tpu.vector_store %arg12[%swap3A_88, %swap3A_89], %broadcast_in_dim3A_87 {strides = array<i32>} : memref<64x64xf32, #tpu.memory_space<vmem>>, vector<64x64xf32>,
      %broadcast_in_dim3A_91 = arith.constant 0.000000e+00 : f32
      %broadcast_in_dim3A_92 = vector.broadcast %broadcast_in_dim3A_91 : f32 to vector<64x1xf32>
      %swap3A_93 = arith.constant 0 : index
      %swap3A_94 = arith.constant 0 : index
      %swap3A_95 = vector.load %arg13[%swap3A_93, %swap3A_94] : memref<64x1xf32, #tpu.memory_space<vmem>>, vector<64x1xf32>
      tpu.vector_store %arg13[%swap3A_93, %swap3A_94], %broadcast_in_dim3A_92 {strides = array<i32>} : memref<64x1xf32, #tpu.memory_space<vmem>>, vector<64x1xf32>,
      %broadcast_in_dim3A_96 = arith.constant 0.000000e+00 : f32
      %broadcast_in_dim3A_97 = vector.broadcast %broadcast_in_dim3A_96 : f32 to vector<1x1xf32>
      %swap3A_98 = arith.constant 0 : index
      %swap3A_99 = arith.constant 0 : index
      %swap3A_100 = vector.load %arg14[%swap3A_98, %swap3A_99] : memref<1x1xf32, #tpu.memory_space<vmem>>, vector<1x1xf32>
      tpu.vector_store %arg14[%swap3A_98, %swap3A_99], %broadcast_in_dim3A_97 {strides = array<i32>} : memref<1x1xf32, #tpu.memory_space<vmem>>, vector<1x1xf32>,
    } else {
    }
    %get3A_60 = arith.constant 0 : index
    %get3A_61 = arith.constant 0 : index
    %get3A_62 = vector.load %arg12[%get3A_60, %get3A_61] : memref<64x64xf32, #tpu.memory_space<vmem>>, vector<64x64xf32>
    %add3A_63 = arith.addf %get3A_62, %dot_general3A_52 : vector<64x64xf32>
    %swap3A_64 = arith.constant 0 : index
    %swap3A_65 = arith.constant 0 : index
    %swap3A_66 = vector.load %arg12[%swap3A_64, %swap3A_65] : memref<64x64xf32, #tpu.memory_space<vmem>>, vector<64x64xf32>
    tpu.vector_store %arg12[%swap3A_64, %swap3A_65], %add3A_63 {strides = array<i32>} : memref<64x64xf32, #tpu.memory_space<vmem>>, vector<64x64xf32>,
    %get3A_67 = arith.constant 0 : index
    %get3A_68 = arith.constant 0 : index
    %get3A_69 = vector.load %arg13[%get3A_67, %get3A_68] : memref<64x1xf32, #tpu.memory_space<vmem>>, vector<64x1xf32>
    %add3A_70 = arith.addf %get3A_69, %dot_general3A_55 : vector<64x1xf32>
    %swap3A_71 = arith.constant 0 : index
    %swap3A_72 = arith.constant 0 : index
    %swap3A_73 = vector.load %arg13[%swap3A_71, %swap3A_72] : memref<64x1xf32, #tpu.memory_space<vmem>>, vector<64x1xf32>
    tpu.vector_store %arg13[%swap3A_71, %swap3A_72], %add3A_70 {strides = array<i32>} : memref<64x1xf32, #tpu.memory_space<vmem>>, vector<64x1xf32>,
    %get3A_74 = arith.constant 0 : index
    %get3A_75 = arith.constant 0 : index
    %get3A_76 = vector.load %arg14[%get3A_74, %get3A_75] : memref<1x1xf32, #tpu.memory_space<vmem>>, vector<1x1xf32>
    %abs3A = math.absf %dot_general3A_42 : vector<5120x64xf32>
    %reduce_max3A = vector.shape_cast %abs3A : vector<5120x64xf32> to vector<1x5120x64xf32>
    %reduce_max3A_77 = arith.constant dense<0xFF800000> : vector<1xf32>
    %reduce_max3A_78 = vector.multi_reduction <maximumf>, %reduce_max3A, %reduce_max3A_77 [1, 2] : vector<1x5120x64xf32> to vector<1xf32>
    %reduce_max3A_79 = vector.shape_cast %reduce_max3A_78 : vector<1xf32> to vector<1x1x1xf32>
    %reduce_max3A_80 = vector.extract %reduce_max3A_79[0, 0, 0] : f32 from vector<1x1x1xf32>
    %max3A_81 = vector.broadcast %reduce_max3A_80 : f32 to vector<1x1xf32>
    %max3A_82 = arith.maximumf %get3A_76, %max3A_81 : vector<1x1xf32>
    %swap3A_83 = arith.constant 0 : index
    %swap3A_84 = arith.constant 0 : index
    %swap3A_85 = vector.load %arg14[%swap3A_83, %swap3A_84] : memref<1x1xf32, #tpu.memory_space<vmem>>, vector<1x1xf32>
    tpu.vector_store %arg14[%swap3A_83, %swap3A_84], %max3A_82 {strides = array<i32>} : memref<1x1xf32, #tpu.memory_space<vmem>>, vector<1x1xf32>,
    return
  }
  func.func @transform_0(%arg0: i32) -> (i32, i32) {
    %c0_i32 = arith.constant 0 : i32
    %c0_i32_0 = arith.constant 0 : i32
    return %arg0, %c0_i32 : i32, i32
  }
  func.func @transform_1(%arg0: i32) -> (i32, i32) {
    %c0_i32 = arith.constant 0 : i32
    %c0_i32_0 = arith.constant 0 : i32
    return %arg0, %c0_i32 : i32, i32
  }
  func.func @transform_2(%arg0: i32) -> (i32, i32) {
    %add3A = arith.constant 2 : i32
    %add3A_0 = arith.addi %arg0, %add3A : i32
    %c0_i32 = arith.constant 0 : i32
    %c0_i32_1 = arith.constant 0 : i32
    return %add3A_0, %c0_i32 : i32, i32
  }
  func.func @transform_3(%arg0: i32) -> (i32, i32) {
    %c0_i32 = arith.constant 0 : i32
    %c0_i32_0 = arith.constant 0 : i32
    return %arg0, %c0_i32 : i32, i32
  }
  func.func @transform_4(%arg0: i32) -> (i32, i32) {
    %c0_i32 = arith.constant 0 : i32
    %c0_i32_0 = arith.constant 0 : i32
    %c0_i32_1 = arith.constant 0 : i32
    return %c0_i32, %c0_i32_0 : i32, i32
  }
  func.func @transform_5(%arg0: i32) -> (i32, i32) {
    %c0_i32 = arith.constant 0 : i32
    %c0_i32_0 = arith.constant 0 : i32
    %c0_i32_1 = arith.constant 0 : i32
    return %c0_i32, %c0_i32_0 : i32, i32
  }
  func.func @transform_6(%arg0: i32) -> (i32, i32) {
    %c0_i32 = arith.constant 0 : i32
    %c0_i32_0 = arith.constant 0 : i32
    %c0_i32_1 = arith.constant 0 : i32
    return %c0_i32, %c0_i32_0 : i32, i32
  }
  func.func @transform_7(%arg0: i32) -> (i32, i32) {
    %c0_i32 = arith.constant 0 : i32
    %c0_i32_0 = arith.constant 0 : i32
    %c0_i32_1 = arith.constant 0 : i32
    return %c0_i32, %c0_i32_0 : i32, i32
  }
  func.func @transform_8(%arg0: i32) -> (i32, i32) {
    %c0_i32 = arith.constant 0 : i32
    %c0_i32_0 = arith.constant 0 : i32
    %c0_i32_1 = arith.constant 0 : i32
    return %c0_i32, %c0_i32_0 : i32, i32
  }
  func.func @transform_9(%arg0: i32) -> (i32, i32) {
    %c0_i32 = arith.constant 0 : i32
    %c0_i32_0 = arith.constant 0 : i32
    %c0_i32_1 = arith.constant 0 : i32
    return %c0_i32, %c0_i32_0 : i32, i32
  }
  func.func @transform_10(%arg0: i32) -> (i32, i32) {
    %c0_i32 = arith.constant 0 : i32
    %c0_i32_0 = arith.constant 0 : i32
    return %arg0, %c0_i32 : i32, i32
  }
  func.func @transform_11(%arg0: i32) -> (i32, i32) {
    %c0_i32 = arith.constant 0 : i32
    %c0_i32_0 = arith.constant 0 : i32
    %c0_i32_1 = arith.constant 0 : i32
    return %c0_i32, %c0_i32_0 : i32, i32
  }
  func.func @transform_12(%arg0: i32) -> (i32, i32) {
    %c0_i32 = arith.constant 0 : i32
    %c0_i32_0 = arith.constant 0 : i32
    %c0_i32_1 = arith.constant 0 : i32
    return %c0_i32, %c0_i32_0 : i32, i32
  }
  func.func @transform_13(%arg0: i32) -> (i32, i32) {
    %c0_i32 = arith.constant 0 : i32
    %c0_i32_0 = arith.constant 0 : i32
    %c0_i32_1 = arith.constant 0 : i32
    return %c0_i32, %c0_i32_0 : i32, i32
  }
}

module attributes {stable_mosaic.version = 14 : i64} {
  func.func @_layer_body(%arg0: i32, %arg1: memref<5120x64xf32, #tpu.memory_space<vmem>>, %arg2: memref<5120x64xi16, #tpu.memory_space<vmem>>, %arg3: memref<5120x64xi16, #tpu.memory_space<vmem>>, %arg4: memref<5120x1xi32, #tpu.memory_space<vmem>>, %arg5: memref<1x64xf32, #tpu.memory_space<vmem>>, %arg6: memref<1x64xf32, #tpu.memory_space<vmem>>, %arg7: memref<1x64xf32, #tpu.memory_space<vmem>>, %arg8: memref<64x64xf32, #tpu.memory_space<vmem>>, %arg9: memref<1x64xf32, #tpu.memory_space<vmem>>, %arg10: memref<64x64xf32, #tpu.memory_space<vmem>>, %arg11: memref<5120x64xf32, #tpu.memory_space<vmem>>, %arg12: memref<64x64xf32, #tpu.memory_space<vmem>>, %arg13: memref<64x1xf32, #tpu.memory_space<vmem>>, %arg14: memref<1x1xf32, #tpu.memory_space<vmem>>) attributes {dimension_semantics = [#tpu.dimension_semantics<arbitrary>], iteration_bounds = array<i64: 2>, scalar_prefetch = 0 : i64, scratch_operands = 0 : i64, tpu.core_type = #tpu.core_type<tc>, window_params = [{transform_indices = @transform_0, window_bounds = array<i64: 5120, 64>}, {transform_indices = @transform_1, window_bounds = array<i64: 5120, 64>}, {transform_indices = @transform_2, window_bounds = array<i64: 5120, 64>}, {transform_indices = @transform_3, window_bounds = array<i64: 5120, 1>}, {pipeline_mode = #tpu.pipeline_mode<synchronous>, transform_indices = @transform_4, window_bounds = array<i64: 1, 64>}, {pipeline_mode = #tpu.pipeline_mode<synchronous>, transform_indices = @transform_5, window_bounds = array<i64: 1, 64>}, {pipeline_mode = #tpu.pipeline_mode<synchronous>, transform_indices = @transform_6, window_bounds = array<i64: 1, 64>}, {pipeline_mode = #tpu.pipeline_mode<synchronous>, transform_indices = @transform_7, window_bounds = array<i64: 64, 64>}, {pipeline_mode = #tpu.pipeline_mode<synchronous>, transform_indices = @transform_8, window_bounds = array<i64: 1, 64>}, {pipeline_mode = #tpu.pipeline_mode<synchronous>, transform_indices = @transform_9, window_bounds = array<i64: 64, 64>}, {transform_indices = @transform_10, window_bounds = array<i64: 5120, 64>}, {pipeline_mode = #tpu.pipeline_mode<synchronous>, transform_indices = @transform_11, window_bounds = array<i64: 64, 64>}, {pipeline_mode = #tpu.pipeline_mode<synchronous>, transform_indices = @transform_12, window_bounds = array<i64: 64, 1>}, {pipeline_mode = #tpu.pipeline_mode<synchronous>, transform_indices = @transform_13, window_bounds = array<i64: 1, 1>}]} {
    %get3A = arith.constant 0 : index
    %get3A_0 = arith.constant 0 : index
    %get3A_1 = vector.load %arg1[%get3A, %get3A_0] : memref<5120x64xf32, #tpu.memory_space<vmem>>, vector<5120x64xf32>
    %get3A_2 = arith.constant 0 : index
    %get3A_3 = arith.constant 0 : index
    %get3A_4 = vector.load %arg2[%get3A_2, %get3A_3] : memref<5120x64xi16, #tpu.memory_space<vmem>>, vector<5120x64xi16>
    %convert_element_type3A = arith.sitofp %get3A_4 : vector<5120x64xi16> to vector<5120x64xf32>
    %get3A_5 = arith.constant 0 : index
    %get3A_6 = arith.constant 0 : index
    %get3A_7 = vector.load %arg3[%get3A_5, %get3A_6] : memref<5120x64xi16, #tpu.memory_space<vmem>>, vector<5120x64xi16>
    %convert_element_type3A_8 = arith.sitofp %get3A_7 : vector<5120x64xi16> to vector<5120x64xf32>
    %add3A = arith.addf %convert_element_type3A, %convert_element_type3A_8 : vector<5120x64xf32>
    %get3A_9 = arith.constant 0 : index
    %get3A_10 = arith.constant 0 : index
    %get3A_11 = vector.load %arg5[%get3A_9, %get3A_10] : memref<1x64xf32, #tpu.memory_space<vmem>>, vector<1x64xf32>
    %mul3A = vector.broadcast %get3A_11 : vector<1x64xf32> to vector<5120x64xf32>
    %mul3A_12 = arith.mulf %get3A_1, %mul3A : vector<5120x64xf32>
    %get3A_13 = arith.constant 0 : index
    %get3A_14 = arith.constant 0 : index
    %get3A_15 = vector.load %arg6[%get3A_13, %get3A_14] : memref<1x64xf32, #tpu.memory_space<vmem>>, vector<1x64xf32>
    %mul3A_16 = vector.broadcast %get3A_15 : vector<1x64xf32> to vector<5120x64xf32>
    %mul3A_17 = arith.mulf %add3A, %mul3A_16 : vector<5120x64xf32>
    %add3A_18 = arith.addf %mul3A_12, %mul3A_17 : vector<5120x64xf32>
    %get3A_19 = arith.constant 0 : index
    %get3A_20 = arith.constant 0 : index
    %get3A_21 = vector.load %arg7[%get3A_19, %get3A_20] : memref<1x64xf32, #tpu.memory_space<vmem>>, vector<1x64xf32>
    %add3A_22 = vector.broadcast %get3A_21 : vector<1x64xf32> to vector<5120x64xf32>
    %add3A_23 = arith.addf %add3A_18, %add3A_22 : vector<5120x64xf32>
    %max3A = arith.constant 0.000000e+00 : f32
    %max3A_24 = vector.broadcast %max3A : f32 to vector<5120x64xf32>
    %max3A_25 = arith.maximumf %add3A_23, %max3A_24 : vector<5120x64xf32>
    %get3A_26 = arith.constant 0 : index
    %get3A_27 = arith.constant 0 : index
    %get3A_28 = vector.load %arg8[%get3A_26, %get3A_27] : memref<64x64xf32, #tpu.memory_space<vmem>>, vector<64x64xf32>
    %dot_general3A = arith.constant dense<0.000000e+00> : vector<5120x64xf32>
    %dot_general3A_29 = tpu.matmul %max3A_25, %get3A_28, %dot_general3A {dimension_numbers = #tpu.dot_dimension_numbers<[1], [0], [0], [1], [0, 0, 1, 1], [], []>, transpose_lhs_hint = false} : vector<5120x64xf32>, vector<64x64xf32>, vector<5120x64xf32> -> vector<5120x64xf32>
    %get3A_30 = arith.constant 0 : index
    %get3A_31 = arith.constant 0 : index
    %get3A_32 = vector.load %arg9[%get3A_30, %get3A_31] : memref<1x64xf32, #tpu.memory_space<vmem>>, vector<1x64xf32>
    %add3A_33 = vector.broadcast %get3A_32 : vector<1x64xf32> to vector<5120x64xf32>
    %add3A_34 = arith.addf %dot_general3A_29, %add3A_33 : vector<5120x64xf32>
    %max3A_35 = arith.constant 0.000000e+00 : f32
    %max3A_36 = vector.broadcast %max3A_35 : f32 to vector<5120x64xf32>
    %max3A_37 = arith.maximumf %add3A_34, %max3A_36 : vector<5120x64xf32>
    %get3A_38 = arith.constant 0 : index
    %get3A_39 = arith.constant 0 : index
    %get3A_40 = vector.load %arg10[%get3A_38, %get3A_39] : memref<64x64xf32, #tpu.memory_space<vmem>>, vector<64x64xf32>
    %dot_general3A_41 = arith.constant dense<0.000000e+00> : vector<5120x64xf32>
    %dot_general3A_42 = tpu.matmul %max3A_37, %get3A_40, %dot_general3A_41 {dimension_numbers = #tpu.dot_dimension_numbers<[1], [0], [0], [1], [0, 0, 1, 1], [], []>, transpose_lhs_hint = false} : vector<5120x64xf32>, vector<64x64xf32>, vector<5120x64xf32> -> vector<5120x64xf32>
    %swap3A = arith.constant 0 : index
    %swap3A_43 = arith.constant 0 : index
    %swap3A_44 = vector.load %arg11[%swap3A, %swap3A_43] : memref<5120x64xf32, #tpu.memory_space<vmem>>, vector<5120x64xf32>
    tpu.vector_store %arg11[%swap3A, %swap3A_43], %dot_general3A_42 {strides = array<i32>} : memref<5120x64xf32, #tpu.memory_space<vmem>>, vector<5120x64xf32>,
    %get3A_45 = arith.constant 0 : index
    %get3A_46 = arith.constant 0 : index
    %get3A_47 = vector.load %arg4[%get3A_45, %get3A_46] : memref<5120x1xi32, #tpu.memory_space<vmem>>, vector<5120x1xi32>
    %iota3A = tpu.iota {dimensions = array<i32: 1>} : vector<5120x64xi32>
    %eq3A = vector.broadcast %get3A_47 : vector<5120x1xi32> to vector<5120x64xi32>
    %eq3A_48 = arith.cmpi eq, %eq3A, %iota3A : vector<5120x64xi32>
    %convert_element_type3A_49 = arith.extui %eq3A_48 : vector<5120x64xi1> to vector<5120x64xi32>
    %convert_element_type3A_50 = arith.sitofp %convert_element_type3A_49 : vector<5120x64xi32> to vector<5120x64xf32>
    %dot_general3A_51 = arith.constant dense<0.000000e+00> : vector<64x64xf32>
    %dot_general3A_52 = tpu.matmul %convert_element_type3A_50, %max3A_37, %dot_general3A_51 {dimension_numbers = #tpu.dot_dimension_numbers<[0], [0], [1], [1], [0, 1, 1, 1], [], []>, transpose_lhs_hint = false} : vector<5120x64xf32>, vector<5120x64xf32>, vector<64x64xf32> -> vector<64x64xf32>
    %broadcast_in_dim3A = arith.constant 1.000000e+00 : f32
    %broadcast_in_dim3A_53 = vector.broadcast %broadcast_in_dim3A : f32 to vector<5120x1xf32>
    %dot_general3A_54 = arith.constant dense<0.000000e+00> : vector<64x1xf32>
    %dot_general3A_55 = tpu.matmul %convert_element_type3A_50, %broadcast_in_dim3A_53, %dot_general3A_54 {dimension_numbers = #tpu.dot_dimension_numbers<[0], [0], [1], [1], [0, 1, 1, 1], [], []>, transpose_lhs_hint = false} : vector<5120x64xf32>, vector<5120x1xf32>, vector<64x1xf32> -> vector<64x1xf32>
    %eq3A_56 = arith.constant 0 : i32
    %eq3A_57 = arith.cmpi eq, %arg0, %eq3A_56 : i32
    %convert_element_type3A_58 = arith.extui %eq3A_57 : i1 to i32
    %cond3A = arith.constant 0 : i32
    %cond3A_59 = arith.cmpi ne, %convert_element_type3A_58, %cond3A : i32
    scf.if %cond3A_59 {
      %broadcast_in_dim3A_86 = arith.constant 0.000000e+00 : f32
      %broadcast_in_dim3A_87 = vector.broadcast %broadcast_in_dim3A_86 : f32 to vector<64x64xf32>
      %swap3A_88 = arith.constant 0 : index
      %swap3A_89 = arith.constant 0 : index
      %swap3A_90 = vector.load %arg12[%swap3A_88, %swap3A_89] : memref<64x64xf32, #tpu.memory_space<vmem>>, vector<64x64xf32>
      tpu.vector_store %arg12[%swap3A_88, %swap3A_89], %broadcast_in_dim3A_87 {strides = array<i32>} : memref<64x64xf32, #tpu.memory_space<vmem>>, vector<64x64xf32>,
      %broadcast_in_dim3A_91 = arith.constant 0.000000e+00 : f32
      %broadcast_in_dim3A_92 = vector.broadcast %broadcast_in_dim3A_91 : f32 to vector<64x1xf32>
      %swap3A_93 = arith.constant 0 : index
      %swap3A_94 = arith.constant 0 : index
      %swap3A_95 = vector.load %arg13[%swap3A_93, %swap3A_94] : memref<64x1xf32, #tpu.memory_space<vmem>>, vector<64x1xf32>
      tpu.vector_store %arg13[%swap3A_93, %swap3A_94], %broadcast_in_dim3A_92 {strides = array<i32>} : memref<64x1xf32, #tpu.memory_space<vmem>>, vector<64x1xf32>,
      %broadcast_in_dim3A_96 = arith.constant 0.000000e+00 : f32
      %broadcast_in_dim3A_97 = vector.broadcast %broadcast_in_dim3A_96 : f32 to vector<1x1xf32>
      %swap3A_98 = arith.constant 0 : index
      %swap3A_99 = arith.constant 0 : index
      %swap3A_100 = vector.load %arg14[%swap3A_98, %swap3A_99] : memref<1x1xf32, #tpu.memory_space<vmem>>, vector<1x1xf32>
      tpu.vector_store %arg14[%swap3A_98, %swap3A_99], %broadcast_in_dim3A_97 {strides = array<i32>} : memref<1x1xf32, #tpu.memory_space<vmem>>, vector<1x1xf32>,
    } else {
    }
    %get3A_60 = arith.constant 0 : index
    %get3A_61 = arith.constant 0 : index
    %get3A_62 = vector.load %arg12[%get3A_60, %get3A_61] : memref<64x64xf32, #tpu.memory_space<vmem>>, vector<64x64xf32>
    %add3A_63 = arith.addf %get3A_62, %dot_general3A_52 : vector<64x64xf32>
    %swap3A_64 = arith.constant 0 : index
    %swap3A_65 = arith.constant 0 : index
    %swap3A_66 = vector.load %arg12[%swap3A_64, %swap3A_65] : memref<64x64xf32, #tpu.memory_space<vmem>>, vector<64x64xf32>
    tpu.vector_store %arg12[%swap3A_64, %swap3A_65], %add3A_63 {strides = array<i32>} : memref<64x64xf32, #tpu.memory_space<vmem>>, vector<64x64xf32>,
    %get3A_67 = arith.constant 0 : index
    %get3A_68 = arith.constant 0 : index
    %get3A_69 = vector.load %arg13[%get3A_67, %get3A_68] : memref<64x1xf32, #tpu.memory_space<vmem>>, vector<64x1xf32>
    %add3A_70 = arith.addf %get3A_69, %dot_general3A_55 : vector<64x1xf32>
    %swap3A_71 = arith.constant 0 : index
    %swap3A_72 = arith.constant 0 : index
    %swap3A_73 = vector.load %arg13[%swap3A_71, %swap3A_72] : memref<64x1xf32, #tpu.memory_space<vmem>>, vector<64x1xf32>
    tpu.vector_store %arg13[%swap3A_71, %swap3A_72], %add3A_70 {strides = array<i32>} : memref<64x1xf32, #tpu.memory_space<vmem>>, vector<64x1xf32>,
    %get3A_74 = arith.constant 0 : index
    %get3A_75 = arith.constant 0 : index
    %get3A_76 = vector.load %arg14[%get3A_74, %get3A_75] : memref<1x1xf32, #tpu.memory_space<vmem>>, vector<1x1xf32>
    %abs3A = math.absf %dot_general3A_42 : vector<5120x64xf32>
    %reduce_max3A = vector.shape_cast %abs3A : vector<5120x64xf32> to vector<1x5120x64xf32>
    %reduce_max3A_77 = arith.constant dense<0xFF800000> : vector<1xf32>
    %reduce_max3A_78 = vector.multi_reduction <maximumf>, %reduce_max3A, %reduce_max3A_77 [1, 2] : vector<1x5120x64xf32> to vector<1xf32>
    %reduce_max3A_79 = vector.shape_cast %reduce_max3A_78 : vector<1xf32> to vector<1x1x1xf32>
    %reduce_max3A_80 = vector.extract %reduce_max3A_79[0, 0, 0] : f32 from vector<1x1x1xf32>
    %max3A_81 = vector.broadcast %reduce_max3A_80 : f32 to vector<1x1xf32>
    %max3A_82 = arith.maximumf %get3A_76, %max3A_81 : vector<1x1xf32>
    %swap3A_83 = arith.constant 0 : index
    %swap3A_84 = arith.constant 0 : index
    %swap3A_85 = vector.load %arg14[%swap3A_83, %swap3A_84] : memref<1x1xf32, #tpu.memory_space<vmem>>, vector<1x1xf32>
    tpu.vector_store %arg14[%swap3A_83, %swap3A_84], %max3A_82 {strides = array<i32>} : memref<1x1xf32, #tpu.memory_space<vmem>>, vector<1x1xf32>,
    return
  }
  func.func @transform_0(%arg0: i32) -> (i32, i32) {
    %c0_i32 = arith.constant 0 : i32
    %c0_i32_0 = arith.constant 0 : i32
    return %arg0, %c0_i32 : i32, i32
  }
  func.func @transform_1(%arg0: i32) -> (i32, i32) {
    %c0_i32 = arith.constant 0 : i32
    %c0_i32_0 = arith.constant 0 : i32
    return %arg0, %c0_i32 : i32, i32
  }
  func.func @transform_2(%arg0: i32) -> (i32, i32) {
    %add3A = arith.constant 2 : i32
    %add3A_0 = arith.addi %arg0, %add3A : i32
    %c0_i32 = arith.constant 0 : i32
    %c0_i32_1 = arith.constant 0 : i32
    return %add3A_0, %c0_i32 : i32, i32
  }
  func.func @transform_3(%arg0: i32) -> (i32, i32) {
    %c0_i32 = arith.constant 0 : i32
    %c0_i32_0 = arith.constant 0 : i32
    return %arg0, %c0_i32 : i32, i32
  }
  func.func @transform_4(%arg0: i32) -> (i32, i32) {
    %c0_i32 = arith.constant 0 : i32
    %c0_i32_0 = arith.constant 0 : i32
    %c0_i32_1 = arith.constant 0 : i32
    return %c0_i32, %c0_i32_0 : i32, i32
  }
  func.func @transform_5(%arg0: i32) -> (i32, i32) {
    %c0_i32 = arith.constant 0 : i32
    %c0_i32_0 = arith.constant 0 : i32
    %c0_i32_1 = arith.constant 0 : i32
    return %c0_i32, %c0_i32_0 : i32, i32
  }
  func.func @transform_6(%arg0: i32) -> (i32, i32) {
    %c0_i32 = arith.constant 0 : i32
    %c0_i32_0 = arith.constant 0 : i32
    %c0_i32_1 = arith.constant 0 : i32
    return %c0_i32, %c0_i32_0 : i32, i32
  }
  func.func @transform_7(%arg0: i32) -> (i32, i32) {
    %c0_i32 = arith.constant 0 : i32
    %c0_i32_0 = arith.constant 0 : i32
    %c0_i32_1 = arith.constant 0 : i32
    return %c0_i32, %c0_i32_0 : i32, i32
  }
  func.func @transform_8(%arg0: i32) -> (i32, i32) {
    %c0_i32 = arith.constant 0 : i32
    %c0_i32_0 = arith.constant 0 : i32
    %c0_i32_1 = arith.constant 0 : i32
    return %c0_i32, %c0_i32_0 : i32, i32
  }
  func.func @transform_9(%arg0: i32) -> (i32, i32) {
    %c0_i32 = arith.constant 0 : i32
    %c0_i32_0 = arith.constant 0 : i32
    %c0_i32_1 = arith.constant 0 : i32
    return %c0_i32, %c0_i32_0 : i32, i32
  }
  func.func @transform_10(%arg0: i32) -> (i32, i32) {
    %c0_i32 = arith.constant 0 : i32
    %c0_i32_0 = arith.constant 0 : i32
    return %arg0, %c0_i32 : i32, i32
  }
  func.func @transform_11(%arg0: i32) -> (i32, i32) {
    %c0_i32 = arith.constant 0 : i32
    %c0_i32_0 = arith.constant 0 : i32
    %c0_i32_1 = arith.constant 0 : i32
    return %c0_i32, %c0_i32_0 : i32, i32
  }
  func.func @transform_12(%arg0: i32) -> (i32, i32) {
    %c0_i32 = arith.constant 0 : i32
    %c0_i32_0 = arith.constant 0 : i32
    %c0_i32_1 = arith.constant 0 : i32
    return %c0_i32, %c0_i32_0 : i32, i32
  }
  func.func @transform_13(%arg0: i32) -> (i32, i32) {
    %c0_i32 = arith.constant 0 : i32
    %c0_i32_0 = arith.constant 0 : i32
    %c0_i32_1 = arith.constant 0 : i32
    return %c0_i32, %c0_i32_0 : i32, i32
  }
}

module attributes {stable_mosaic.version = 14 : i64} {
  func.func @_layer_body(%arg0: i32, %arg1: memref<5120x64xf32, #tpu.memory_space<vmem>>, %arg2: memref<5120x64xi16, #tpu.memory_space<vmem>>, %arg3: memref<5120x64xi16, #tpu.memory_space<vmem>>, %arg4: memref<5120x1xi32, #tpu.memory_space<vmem>>, %arg5: memref<1x64xf32, #tpu.memory_space<vmem>>, %arg6: memref<1x64xf32, #tpu.memory_space<vmem>>, %arg7: memref<1x64xf32, #tpu.memory_space<vmem>>, %arg8: memref<64x64xf32, #tpu.memory_space<vmem>>, %arg9: memref<1x64xf32, #tpu.memory_space<vmem>>, %arg10: memref<64x64xf32, #tpu.memory_space<vmem>>, %arg11: memref<5120x64xf32, #tpu.memory_space<vmem>>, %arg12: memref<64x64xf32, #tpu.memory_space<vmem>>, %arg13: memref<64x1xf32, #tpu.memory_space<vmem>>, %arg14: memref<1x1xf32, #tpu.memory_space<vmem>>) attributes {dimension_semantics = [#tpu.dimension_semantics<arbitrary>], iteration_bounds = array<i64: 2>, scalar_prefetch = 0 : i64, scratch_operands = 0 : i64, tpu.core_type = #tpu.core_type<tc>, window_params = [{transform_indices = @transform_0, window_bounds = array<i64: 5120, 64>}, {transform_indices = @transform_1, window_bounds = array<i64: 5120, 64>}, {transform_indices = @transform_2, window_bounds = array<i64: 5120, 64>}, {transform_indices = @transform_3, window_bounds = array<i64: 5120, 1>}, {pipeline_mode = #tpu.pipeline_mode<synchronous>, transform_indices = @transform_4, window_bounds = array<i64: 1, 64>}, {pipeline_mode = #tpu.pipeline_mode<synchronous>, transform_indices = @transform_5, window_bounds = array<i64: 1, 64>}, {pipeline_mode = #tpu.pipeline_mode<synchronous>, transform_indices = @transform_6, window_bounds = array<i64: 1, 64>}, {pipeline_mode = #tpu.pipeline_mode<synchronous>, transform_indices = @transform_7, window_bounds = array<i64: 64, 64>}, {pipeline_mode = #tpu.pipeline_mode<synchronous>, transform_indices = @transform_8, window_bounds = array<i64: 1, 64>}, {pipeline_mode = #tpu.pipeline_mode<synchronous>, transform_indices = @transform_9, window_bounds = array<i64: 64, 64>}, {transform_indices = @transform_10, window_bounds = array<i64: 5120, 64>}, {pipeline_mode = #tpu.pipeline_mode<synchronous>, transform_indices = @transform_11, window_bounds = array<i64: 64, 64>}, {pipeline_mode = #tpu.pipeline_mode<synchronous>, transform_indices = @transform_12, window_bounds = array<i64: 64, 1>}, {pipeline_mode = #tpu.pipeline_mode<synchronous>, transform_indices = @transform_13, window_bounds = array<i64: 1, 1>}]} {
    %get3A = arith.constant 0 : index
    %get3A_0 = arith.constant 0 : index
    %get3A_1 = vector.load %arg1[%get3A, %get3A_0] : memref<5120x64xf32, #tpu.memory_space<vmem>>, vector<5120x64xf32>
    %get3A_2 = arith.constant 0 : index
    %get3A_3 = arith.constant 0 : index
    %get3A_4 = vector.load %arg2[%get3A_2, %get3A_3] : memref<5120x64xi16, #tpu.memory_space<vmem>>, vector<5120x64xi16>
    %convert_element_type3A = arith.sitofp %get3A_4 : vector<5120x64xi16> to vector<5120x64xf32>
    %get3A_5 = arith.constant 0 : index
    %get3A_6 = arith.constant 0 : index
    %get3A_7 = vector.load %arg3[%get3A_5, %get3A_6] : memref<5120x64xi16, #tpu.memory_space<vmem>>, vector<5120x64xi16>
    %convert_element_type3A_8 = arith.sitofp %get3A_7 : vector<5120x64xi16> to vector<5120x64xf32>
    %add3A = arith.addf %convert_element_type3A, %convert_element_type3A_8 : vector<5120x64xf32>
    %get3A_9 = arith.constant 0 : index
    %get3A_10 = arith.constant 0 : index
    %get3A_11 = vector.load %arg5[%get3A_9, %get3A_10] : memref<1x64xf32, #tpu.memory_space<vmem>>, vector<1x64xf32>
    %mul3A = vector.broadcast %get3A_11 : vector<1x64xf32> to vector<5120x64xf32>
    %mul3A_12 = arith.mulf %get3A_1, %mul3A : vector<5120x64xf32>
    %get3A_13 = arith.constant 0 : index
    %get3A_14 = arith.constant 0 : index
    %get3A_15 = vector.load %arg6[%get3A_13, %get3A_14] : memref<1x64xf32, #tpu.memory_space<vmem>>, vector<1x64xf32>
    %mul3A_16 = vector.broadcast %get3A_15 : vector<1x64xf32> to vector<5120x64xf32>
    %mul3A_17 = arith.mulf %add3A, %mul3A_16 : vector<5120x64xf32>
    %add3A_18 = arith.addf %mul3A_12, %mul3A_17 : vector<5120x64xf32>
    %get3A_19 = arith.constant 0 : index
    %get3A_20 = arith.constant 0 : index
    %get3A_21 = vector.load %arg7[%get3A_19, %get3A_20] : memref<1x64xf32, #tpu.memory_space<vmem>>, vector<1x64xf32>
    %add3A_22 = vector.broadcast %get3A_21 : vector<1x64xf32> to vector<5120x64xf32>
    %add3A_23 = arith.addf %add3A_18, %add3A_22 : vector<5120x64xf32>
    %max3A = arith.constant 0.000000e+00 : f32
    %max3A_24 = vector.broadcast %max3A : f32 to vector<5120x64xf32>
    %max3A_25 = arith.maximumf %add3A_23, %max3A_24 : vector<5120x64xf32>
    %get3A_26 = arith.constant 0 : index
    %get3A_27 = arith.constant 0 : index
    %get3A_28 = vector.load %arg8[%get3A_26, %get3A_27] : memref<64x64xf32, #tpu.memory_space<vmem>>, vector<64x64xf32>
    %dot_general3A = arith.constant dense<0.000000e+00> : vector<5120x64xf32>
    %dot_general3A_29 = tpu.matmul %max3A_25, %get3A_28, %dot_general3A {dimension_numbers = #tpu.dot_dimension_numbers<[1], [0], [0], [1], [0, 0, 1, 1], [], []>, transpose_lhs_hint = false} : vector<5120x64xf32>, vector<64x64xf32>, vector<5120x64xf32> -> vector<5120x64xf32>
    %get3A_30 = arith.constant 0 : index
    %get3A_31 = arith.constant 0 : index
    %get3A_32 = vector.load %arg9[%get3A_30, %get3A_31] : memref<1x64xf32, #tpu.memory_space<vmem>>, vector<1x64xf32>
    %add3A_33 = vector.broadcast %get3A_32 : vector<1x64xf32> to vector<5120x64xf32>
    %add3A_34 = arith.addf %dot_general3A_29, %add3A_33 : vector<5120x64xf32>
    %max3A_35 = arith.constant 0.000000e+00 : f32
    %max3A_36 = vector.broadcast %max3A_35 : f32 to vector<5120x64xf32>
    %max3A_37 = arith.maximumf %add3A_34, %max3A_36 : vector<5120x64xf32>
    %get3A_38 = arith.constant 0 : index
    %get3A_39 = arith.constant 0 : index
    %get3A_40 = vector.load %arg10[%get3A_38, %get3A_39] : memref<64x64xf32, #tpu.memory_space<vmem>>, vector<64x64xf32>
    %dot_general3A_41 = arith.constant dense<0.000000e+00> : vector<5120x64xf32>
    %dot_general3A_42 = tpu.matmul %max3A_37, %get3A_40, %dot_general3A_41 {dimension_numbers = #tpu.dot_dimension_numbers<[1], [0], [0], [1], [0, 0, 1, 1], [], []>, transpose_lhs_hint = false} : vector<5120x64xf32>, vector<64x64xf32>, vector<5120x64xf32> -> vector<5120x64xf32>
    %swap3A = arith.constant 0 : index
    %swap3A_43 = arith.constant 0 : index
    %swap3A_44 = vector.load %arg11[%swap3A, %swap3A_43] : memref<5120x64xf32, #tpu.memory_space<vmem>>, vector<5120x64xf32>
    tpu.vector_store %arg11[%swap3A, %swap3A_43], %dot_general3A_42 {strides = array<i32>} : memref<5120x64xf32, #tpu.memory_space<vmem>>, vector<5120x64xf32>,
    %get3A_45 = arith.constant 0 : index
    %get3A_46 = arith.constant 0 : index
    %get3A_47 = vector.load %arg4[%get3A_45, %get3A_46] : memref<5120x1xi32, #tpu.memory_space<vmem>>, vector<5120x1xi32>
    %iota3A = tpu.iota {dimensions = array<i32: 1>} : vector<5120x64xi32>
    %eq3A = vector.broadcast %get3A_47 : vector<5120x1xi32> to vector<5120x64xi32>
    %eq3A_48 = arith.cmpi eq, %eq3A, %iota3A : vector<5120x64xi32>
    %convert_element_type3A_49 = arith.extui %eq3A_48 : vector<5120x64xi1> to vector<5120x64xi32>
    %convert_element_type3A_50 = arith.sitofp %convert_element_type3A_49 : vector<5120x64xi32> to vector<5120x64xf32>
    %dot_general3A_51 = arith.constant dense<0.000000e+00> : vector<64x64xf32>
    %dot_general3A_52 = tpu.matmul %convert_element_type3A_50, %max3A_37, %dot_general3A_51 {dimension_numbers = #tpu.dot_dimension_numbers<[0], [0], [1], [1], [0, 1, 1, 1], [], []>, transpose_lhs_hint = false} : vector<5120x64xf32>, vector<5120x64xf32>, vector<64x64xf32> -> vector<64x64xf32>
    %broadcast_in_dim3A = arith.constant 1.000000e+00 : f32
    %broadcast_in_dim3A_53 = vector.broadcast %broadcast_in_dim3A : f32 to vector<5120x1xf32>
    %dot_general3A_54 = arith.constant dense<0.000000e+00> : vector<64x1xf32>
    %dot_general3A_55 = tpu.matmul %convert_element_type3A_50, %broadcast_in_dim3A_53, %dot_general3A_54 {dimension_numbers = #tpu.dot_dimension_numbers<[0], [0], [1], [1], [0, 1, 1, 1], [], []>, transpose_lhs_hint = false} : vector<5120x64xf32>, vector<5120x1xf32>, vector<64x1xf32> -> vector<64x1xf32>
    %eq3A_56 = arith.constant 0 : i32
    %eq3A_57 = arith.cmpi eq, %arg0, %eq3A_56 : i32
    %convert_element_type3A_58 = arith.extui %eq3A_57 : i1 to i32
    %cond3A = arith.constant 0 : i32
    %cond3A_59 = arith.cmpi ne, %convert_element_type3A_58, %cond3A : i32
    scf.if %cond3A_59 {
      %broadcast_in_dim3A_86 = arith.constant 0.000000e+00 : f32
      %broadcast_in_dim3A_87 = vector.broadcast %broadcast_in_dim3A_86 : f32 to vector<64x64xf32>
      %swap3A_88 = arith.constant 0 : index
      %swap3A_89 = arith.constant 0 : index
      %swap3A_90 = vector.load %arg12[%swap3A_88, %swap3A_89] : memref<64x64xf32, #tpu.memory_space<vmem>>, vector<64x64xf32>
      tpu.vector_store %arg12[%swap3A_88, %swap3A_89], %broadcast_in_dim3A_87 {strides = array<i32>} : memref<64x64xf32, #tpu.memory_space<vmem>>, vector<64x64xf32>,
      %broadcast_in_dim3A_91 = arith.constant 0.000000e+00 : f32
      %broadcast_in_dim3A_92 = vector.broadcast %broadcast_in_dim3A_91 : f32 to vector<64x1xf32>
      %swap3A_93 = arith.constant 0 : index
      %swap3A_94 = arith.constant 0 : index
      %swap3A_95 = vector.load %arg13[%swap3A_93, %swap3A_94] : memref<64x1xf32, #tpu.memory_space<vmem>>, vector<64x1xf32>
      tpu.vector_store %arg13[%swap3A_93, %swap3A_94], %broadcast_in_dim3A_92 {strides = array<i32>} : memref<64x1xf32, #tpu.memory_space<vmem>>, vector<64x1xf32>,
      %broadcast_in_dim3A_96 = arith.constant 0.000000e+00 : f32
      %broadcast_in_dim3A_97 = vector.broadcast %broadcast_in_dim3A_96 : f32 to vector<1x1xf32>
      %swap3A_98 = arith.constant 0 : index
      %swap3A_99 = arith.constant 0 : index
      %swap3A_100 = vector.load %arg14[%swap3A_98, %swap3A_99] : memref<1x1xf32, #tpu.memory_space<vmem>>, vector<1x1xf32>
      tpu.vector_store %arg14[%swap3A_98, %swap3A_99], %broadcast_in_dim3A_97 {strides = array<i32>} : memref<1x1xf32, #tpu.memory_space<vmem>>, vector<1x1xf32>,
    } else {
    }
    %get3A_60 = arith.constant 0 : index
    %get3A_61 = arith.constant 0 : index
    %get3A_62 = vector.load %arg12[%get3A_60, %get3A_61] : memref<64x64xf32, #tpu.memory_space<vmem>>, vector<64x64xf32>
    %add3A_63 = arith.addf %get3A_62, %dot_general3A_52 : vector<64x64xf32>
    %swap3A_64 = arith.constant 0 : index
    %swap3A_65 = arith.constant 0 : index
    %swap3A_66 = vector.load %arg12[%swap3A_64, %swap3A_65] : memref<64x64xf32, #tpu.memory_space<vmem>>, vector<64x64xf32>
    tpu.vector_store %arg12[%swap3A_64, %swap3A_65], %add3A_63 {strides = array<i32>} : memref<64x64xf32, #tpu.memory_space<vmem>>, vector<64x64xf32>,
    %get3A_67 = arith.constant 0 : index
    %get3A_68 = arith.constant 0 : index
    %get3A_69 = vector.load %arg13[%get3A_67, %get3A_68] : memref<64x1xf32, #tpu.memory_space<vmem>>, vector<64x1xf32>
    %add3A_70 = arith.addf %get3A_69, %dot_general3A_55 : vector<64x1xf32>
    %swap3A_71 = arith.constant 0 : index
    %swap3A_72 = arith.constant 0 : index
    %swap3A_73 = vector.load %arg13[%swap3A_71, %swap3A_72] : memref<64x1xf32, #tpu.memory_space<vmem>>, vector<64x1xf32>
    tpu.vector_store %arg13[%swap3A_71, %swap3A_72], %add3A_70 {strides = array<i32>} : memref<64x1xf32, #tpu.memory_space<vmem>>, vector<64x1xf32>,
    %get3A_74 = arith.constant 0 : index
    %get3A_75 = arith.constant 0 : index
    %get3A_76 = vector.load %arg14[%get3A_74, %get3A_75] : memref<1x1xf32, #tpu.memory_space<vmem>>, vector<1x1xf32>
    %abs3A = math.absf %dot_general3A_42 : vector<5120x64xf32>
    %reduce_max3A = vector.shape_cast %abs3A : vector<5120x64xf32> to vector<1x5120x64xf32>
    %reduce_max3A_77 = arith.constant dense<0xFF800000> : vector<1xf32>
    %reduce_max3A_78 = vector.multi_reduction <maximumf>, %reduce_max3A, %reduce_max3A_77 [1, 2] : vector<1x5120x64xf32> to vector<1xf32>
    %reduce_max3A_79 = vector.shape_cast %reduce_max3A_78 : vector<1xf32> to vector<1x1x1xf32>
    %reduce_max3A_80 = vector.extract %reduce_max3A_79[0, 0, 0] : f32 from vector<1x1x1xf32>
    %max3A_81 = vector.broadcast %reduce_max3A_80 : f32 to vector<1x1xf32>
    %max3A_82 = arith.maximumf %get3A_76, %max3A_81 : vector<1x1xf32>
    %swap3A_83 = arith.constant 0 : index
    %swap3A_84 = arith.constant 0 : index
    %swap3A_85 = vector.load %arg14[%swap3A_83, %swap3A_84] : memref<1x1xf32, #tpu.memory_space<vmem>>, vector<1x1xf32>
    tpu.vector_store %arg14[%swap3A_83, %swap3A_84], %max3A_82 {strides = array<i32>} : memref<1x1xf32, #tpu.memory_space<vmem>>, vector<1x1xf32>,
    return
  }
  func.func @transform_0(%arg0: i32) -> (i32, i32) {
    %c0_i32 = arith.constant 0 : i32
    %c0_i32_0 = arith.constant 0 : i32
    return %arg0, %c0_i32 : i32, i32
  }
  func.func @transform_1(%arg0: i32) -> (i32, i32) {
    %c0_i32 = arith.constant 0 : i32
    %c0_i32_0 = arith.constant 0 : i32
    return %arg0, %c0_i32 : i32, i32
  }
  func.func @transform_2(%arg0: i32) -> (i32, i32) {
    %add3A = arith.constant 2 : i32
    %add3A_0 = arith.addi %arg0, %add3A : i32
    %c0_i32 = arith.constant 0 : i32
    %c0_i32_1 = arith.constant 0 : i32
    return %add3A_0, %c0_i32 : i32, i32
  }
  func.func @transform_3(%arg0: i32) -> (i32, i32) {
    %c0_i32 = arith.constant 0 : i32
    %c0_i32_0 = arith.constant 0 : i32
    return %arg0, %c0_i32 : i32, i32
  }
  func.func @transform_4(%arg0: i32) -> (i32, i32) {
    %c0_i32 = arith.constant 0 : i32
    %c0_i32_0 = arith.constant 0 : i32
    %c0_i32_1 = arith.constant 0 : i32
    return %c0_i32, %c0_i32_0 : i32, i32
  }
  func.func @transform_5(%arg0: i32) -> (i32, i32) {
    %c0_i32 = arith.constant 0 : i32
    %c0_i32_0 = arith.constant 0 : i32
    %c0_i32_1 = arith.constant 0 : i32
    return %c0_i32, %c0_i32_0 : i32, i32
  }
  func.func @transform_6(%arg0: i32) -> (i32, i32) {
    %c0_i32 = arith.constant 0 : i32
    %c0_i32_0 = arith.constant 0 : i32
    %c0_i32_1 = arith.constant 0 : i32
    return %c0_i32, %c0_i32_0 : i32, i32
  }
  func.func @transform_7(%arg0: i32) -> (i32, i32) {
    %c0_i32 = arith.constant 0 : i32
    %c0_i32_0 = arith.constant 0 : i32
    %c0_i32_1 = arith.constant 0 : i32
    return %c0_i32, %c0_i32_0 : i32, i32
  }
  func.func @transform_8(%arg0: i32) -> (i32, i32) {
    %c0_i32 = arith.constant 0 : i32
    %c0_i32_0 = arith.constant 0 : i32
    %c0_i32_1 = arith.constant 0 : i32
    return %c0_i32, %c0_i32_0 : i32, i32
  }
  func.func @transform_9(%arg0: i32) -> (i32, i32) {
    %c0_i32 = arith.constant 0 : i32
    %c0_i32_0 = arith.constant 0 : i32
    %c0_i32_1 = arith.constant 0 : i32
    return %c0_i32, %c0_i32_0 : i32, i32
  }
  func.func @transform_10(%arg0: i32) -> (i32, i32) {
    %c0_i32 = arith.constant 0 : i32
    %c0_i32_0 = arith.constant 0 : i32
    return %arg0, %c0_i32 : i32, i32
  }
  func.func @transform_11(%arg0: i32) -> (i32, i32) {
    %c0_i32 = arith.constant 0 : i32
    %c0_i32_0 = arith.constant 0 : i32
    %c0_i32_1 = arith.constant 0 : i32
    return %c0_i32, %c0_i32_0 : i32, i32
  }
  func.func @transform_12(%arg0: i32) -> (i32, i32) {
    %c0_i32 = arith.constant 0 : i32
    %c0_i32_0 = arith.constant 0 : i32
    %c0_i32_1 = arith.constant 0 : i32
    return %c0_i32, %c0_i32_0 : i32, i32
  }
  func.func @transform_13(%arg0: i32) -> (i32, i32) {
    %c0_i32 = arith.constant 0 : i32
    %c0_i32_0 = arith.constant 0 : i32
    %c0_i32_1 = arith.constant 0 : i32
    return %c0_i32, %c0_i32_0 : i32, i32
  }
}

module attributes {stable_mosaic.version = 14 : i64} {
  func.func @_clf_body(%arg0: memref<64x64xf32, #tpu.memory_space<vmem>>, %arg1: memref<64x64xf32, #tpu.memory_space<vmem>>, %arg2: memref<64x64xf32, #tpu.memory_space<vmem>>, %arg3: memref<64x1xf32, #tpu.memory_space<vmem>>, %arg4: memref<64x128xf32, #tpu.memory_space<vmem>>, %arg5: memref<64x64xf32, #tpu.memory_space<vmem>>, %arg6: memref<64x64xf32, #tpu.memory_space<vmem>>, %arg7: memref<64x64xf32, #tpu.memory_space<vmem>>, %arg8: memref<128x64xf32, #tpu.memory_space<vmem>>, %arg9: memref<1x64xf32, #tpu.memory_space<vmem>>, %arg10: memref<64x128xf32, #tpu.memory_space<vmem>>, %arg11: memref<1x128xf32, #tpu.memory_space<vmem>>, %arg12: memref<64x128xf32, #tpu.memory_space<vmem>>) attributes {dimension_semantics = [], scalar_prefetch = 0 : i64, scratch_operands = 0 : i64, tpu.core_type = #tpu.core_type<tc>} {
    %get3A = arith.constant 0 : index
    %get3A_0 = arith.constant 0 : index
    %get3A_1 = vector.load %arg3[%get3A, %get3A_0] : memref<64x1xf32, #tpu.memory_space<vmem>>, vector<64x1xf32>
    %max3A = arith.constant 1.000000e+00 : f32
    %max3A_2 = vector.broadcast %max3A : f32 to vector<64x1xf32>
    %max3A_3 = arith.maximumf %get3A_1, %max3A_2 : vector<64x1xf32>
    %div3A = arith.constant 1.000000e+00 : f32
    %div3A_4 = vector.broadcast %div3A : f32 to vector<64x1xf32>
    %div3A_5 = arith.divf %div3A_4, %max3A_3 : vector<64x1xf32>
    %get3A_6 = arith.constant 0 : index
    %get3A_7 = arith.constant 0 : index
    %get3A_8 = vector.load %arg0[%get3A_6, %get3A_7] : memref<64x64xf32, #tpu.memory_space<vmem>>, vector<64x64xf32>
    %mul3A = vector.broadcast %div3A_5 : vector<64x1xf32> to vector<64x64xf32>
    %mul3A_9 = arith.mulf %get3A_8, %mul3A : vector<64x64xf32>
    %get3A_10 = arith.constant 0 : index
    %get3A_11 = arith.constant 0 : index
    %get3A_12 = vector.load %arg5[%get3A_10, %get3A_11] : memref<64x64xf32, #tpu.memory_space<vmem>>, vector<64x64xf32>
    %dot_general3A = arith.constant dense<0.000000e+00> : vector<64x64xf32>
    %dot_general3A_13 = tpu.matmul %mul3A_9, %get3A_12, %dot_general3A {dimension_numbers = #tpu.dot_dimension_numbers<[1], [0], [0], [1], [0, 0, 1, 1], [], []>, transpose_lhs_hint = false} : vector<64x64xf32>, vector<64x64xf32>, vector<64x64xf32> -> vector<64x64xf32>
    %get3A_14 = arith.constant 0 : index
    %get3A_15 = arith.constant 0 : index
    %get3A_16 = vector.load %arg1[%get3A_14, %get3A_15] : memref<64x64xf32, #tpu.memory_space<vmem>>, vector<64x64xf32>
    %mul3A_17 = vector.broadcast %div3A_5 : vector<64x1xf32> to vector<64x64xf32>
    %mul3A_18 = arith.mulf %get3A_16, %mul3A_17 : vector<64x64xf32>
    %get3A_19 = arith.constant 0 : index
    %get3A_20 = arith.constant 0 : index
    %get3A_21 = vector.load %arg6[%get3A_19, %get3A_20] : memref<64x64xf32, #tpu.memory_space<vmem>>, vector<64x64xf32>
    %dot_general3A_22 = arith.constant dense<0.000000e+00> : vector<64x64xf32>
    %dot_general3A_23 = tpu.matmul %mul3A_18, %get3A_21, %dot_general3A_22 {dimension_numbers = #tpu.dot_dimension_numbers<[1], [0], [0], [1], [0, 0, 1, 1], [], []>, transpose_lhs_hint = false} : vector<64x64xf32>, vector<64x64xf32>, vector<64x64xf32> -> vector<64x64xf32>
    %add3A = arith.addf %dot_general3A_13, %dot_general3A_23 : vector<64x64xf32>
    %get3A_24 = arith.constant 0 : index
    %get3A_25 = arith.constant 0 : index
    %get3A_26 = vector.load %arg2[%get3A_24, %get3A_25] : memref<64x64xf32, #tpu.memory_space<vmem>>, vector<64x64xf32>
    %mul3A_27 = vector.broadcast %div3A_5 : vector<64x1xf32> to vector<64x64xf32>
    %mul3A_28 = arith.mulf %get3A_26, %mul3A_27 : vector<64x64xf32>
    %get3A_29 = arith.constant 0 : index
    %get3A_30 = arith.constant 0 : index
    %get3A_31 = vector.load %arg7[%get3A_29, %get3A_30] : memref<64x64xf32, #tpu.memory_space<vmem>>, vector<64x64xf32>
    %dot_general3A_32 = arith.constant dense<0.000000e+00> : vector<64x64xf32>
    %dot_general3A_33 = tpu.matmul %mul3A_28, %get3A_31, %dot_general3A_32 {dimension_numbers = #tpu.dot_dimension_numbers<[1], [0], [0], [1], [0, 0, 1, 1], [], []>, transpose_lhs_hint = false} : vector<64x64xf32>, vector<64x64xf32>, vector<64x64xf32> -> vector<64x64xf32>
    %add3A_34 = arith.addf %add3A, %dot_general3A_33 : vector<64x64xf32>
    %get3A_35 = arith.constant 0 : index
    %get3A_36 = arith.constant 0 : index
    %get3A_37 = vector.load %arg4[%get3A_35, %get3A_36] : memref<64x128xf32, #tpu.memory_space<vmem>>, vector<64x128xf32>
    %get3A_38 = arith.constant 0 : index
    %get3A_39 = arith.constant 0 : index
    %get3A_40 = vector.load %arg8[%get3A_38, %get3A_39] : memref<128x64xf32, #tpu.memory_space<vmem>>, vector<128x64xf32>
    %dot_general3A_41 = arith.constant dense<0.000000e+00> : vector<64x64xf32>
    %dot_general3A_42 = tpu.matmul %get3A_37, %get3A_40, %dot_general3A_41 {dimension_numbers = #tpu.dot_dimension_numbers<[1], [0], [0], [1], [0, 0, 1, 1], [], []>, transpose_lhs_hint = false} : vector<64x128xf32>, vector<128x64xf32>, vector<64x64xf32> -> vector<64x64xf32>
    %add3A_43 = arith.addf %add3A_34, %dot_general3A_42 : vector<64x64xf32>
    %get3A_44 = arith.constant 0 : index
    %get3A_45 = arith.constant 0 : index
    %get3A_46 = vector.load %arg9[%get3A_44, %get3A_45] : memref<1x64xf32, #tpu.memory_space<vmem>>, vector<1x64xf32>
    %add3A_47 = vector.broadcast %get3A_46 : vector<1x64xf32> to vector<64x64xf32>
    %add3A_48 = arith.addf %add3A_43, %add3A_47 : vector<64x64xf32>
    %max3A_49 = arith.constant 0.000000e+00 : f32
    %max3A_50 = vector.broadcast %max3A_49 : f32 to vector<64x64xf32>
    %max3A_51 = arith.maximumf %add3A_48, %max3A_50 : vector<64x64xf32>
    %get3A_52 = arith.constant 0 : index
    %get3A_53 = arith.constant 0 : index
    %get3A_54 = vector.load %arg10[%get3A_52, %get3A_53] : memref<64x128xf32, #tpu.memory_space<vmem>>, vector<64x128xf32>
    %dot_general3A_55 = arith.constant dense<0.000000e+00> : vector<64x128xf32>
    %dot_general3A_56 = tpu.matmul %max3A_51, %get3A_54, %dot_general3A_55 {dimension_numbers = #tpu.dot_dimension_numbers<[1], [0], [0], [1], [0, 0, 1, 1], [], []>, transpose_lhs_hint = false} : vector<64x64xf32>, vector<64x128xf32>, vector<64x128xf32> -> vector<64x128xf32>
    %get3A_57 = arith.constant 0 : index
    %get3A_58 = arith.constant 0 : index
    %get3A_59 = vector.load %arg11[%get3A_57, %get3A_58] : memref<1x128xf32, #tpu.memory_space<vmem>>, vector<1x128xf32>
    %add3A_60 = vector.broadcast %get3A_59 : vector<1x128xf32> to vector<64x128xf32>
    %add3A_61 = arith.addf %dot_general3A_56, %add3A_60 : vector<64x128xf32>
    %swap3A = arith.constant 0 : index
    %swap3A_62 = arith.constant 0 : index
    %swap3A_63 = vector.load %arg12[%swap3A, %swap3A_62] : memref<64x128xf32, #tpu.memory_space<vmem>>, vector<64x128xf32>
    tpu.vector_store %arg12[%swap3A, %swap3A_62], %add3A_61 {strides = array<i32>} : memref<64x128xf32, #tpu.memory_space<vmem>>, vector<64x128xf32>,
    return
  }
}

</mosaic_0001>

<sc_bundles>
// kernel: kernel.13.cloned.1.call-start
scs
__scs_entry_jumppad:
0x0: {  	(pc) =	sbr.rel $0x88, $3  }
0x1: {  	(tag) =	ssettag $0x0;
	lr =	simm.s32 $0x1  }
0x2: {  	[smem:$0x3F7E] =	sst lr;
	_ =	strace $0xD0000000  }
0x3: {  	_ = 	snop  }
0x4: {  	_ = 	snop  }
0x5: {  	_ = 	snop  }
0x6: {  	_ = 	snop  }
0x7: {  	_ = 	snop  }
__scs_overlays_trampoline_lowered:
0x8: {  	[smem:$0x3F8D] =	sst s0  }
0x9: {  	[smem:$0x3F8E] =	sst s1  }
0xa: {  	[smem:$0x3F8F] =	sst s2  }
0xb: {  	[smem:$0x3F90] =	sst s3  }
0xc: {  	[smem:$0x3F91] =	sst s4  }
0xd: {  	[smem:$0x3F92] =	sst s5  }
0xe: {  	[smem:$0x3F93] =	sst s6  }
0xf: {  	[smem:$0x3F94] =	sst s7  }
0x10: {  	[smem:$0x3F95] =	sst s8  }
0x11: {  	[smem:$0x3F96] =	sst s9;
	s0 =	simm.s32 @!p0 $0x0  }
0x12: {  	s1 =	sld [smem:$0x3F7C];
	s0 =	simm.s32 @p0 $0x1  }
0x13: {  	[smem:$0x3F97] =	sst s0;
	s0 =	simm.s32 @!p1 $0x0  }
0x14: {  	s2 =	sld [smem:$0x3F7B];
	s0 =	simm.s32 @p1 $0x1  }
0x15: {  	[smem:$0x3F98] =	sst s0;
	s0 =	simm.s32 @!p2 $0x0  }
0x16: {  	s3 =	sld [smem:$0x3FDB];
	s0 =	simm.s32 @p2 $0x1  }
0x17: {  	s4 =	simm.s32 $0x1BF5;
	[smem:$0x3F9A] =	sst s0  }
0x18: {  	s0 =	sld [smem:$0x3F7D];
	_ =	swait.ge [sflag:s4], $0x0  }
0x19: {  	s7 =	sld [smem:$0x3F7E]  }
0x1a: {  	s8 =	sadd.s32 $0xFFFFE003, lr  }
0x1b: {  	s9 =	sadd.s32 $0xFFFFFEF7, lr;
	s5 =	simm.s32 $0xFFFFFFFF;
	p2 =	slt.u32 s8, $0xFFFFF086  }
0x1c: {  	p1 =	slt.u32 s9, $0xF7A;
	s5 =	simm.s32 @!p2 $0x0  }
0x1d: {  	s5 =	simm.s32 @p1 $0x1;
	p0 =	seq.s32 s7, s2  }
0x1e: {  	s7 =	smul.u32 @!p0 $0xF7A, s2;
	p2 =	seq.s32 @!p0 s5, $0x0  }
0x1f: {  	s9 =	smul.u32 $0xF7A, s1;
	s8 =	simm.s32 @!p0 $0x1BF5;
	p2 =	por !p2, p0  }
0x20: {  	[sflag:s8] =	ssyncset.s32 @!p0 $0xFFFFF086;
	s6 =	sadd.s32 @!p0 s3, s7;
	s7 =	simm.s32 @!p0 $0x108  }
0x21: {  	s3 =	sadd.s32 s3, s9;
	s6 =	sadd.s32 @!p0 $0x88, s6;
	s7 =	simm.s32 @p2 $0x1082  }
0x22: {  	[simem:s7], [sflag:s8] =	dma.local @!p0 [hbm:s6], $0xF7A  }
0x23: {  	s9 =	sor.u32 $0xD0000000, s2;
	s6 =	simm.s32 $0x108;
	_ =	swait.ge @!p0 [sflag:s8], $0x0  }
0x24: {  	s3 =	sadd.s32 $0x88, s3;
	s6 =	simm.s32 @!p1 $0x1082;
	[sflag:s4] =	ssyncset.s32 $0xFFFFF086  }
0x25: {  	[simem:s6], [sflag:s4] =	dma.local [hbm:s3], $0xF7A  }
0x26: {  	[smem:$0x3F7E] =	sst s1;
	(tag) =	ssettag s2;
	_ =	strace s9  }
0x27: {  	s1 =	sld [smem:$0x3F8E]  }
0x28: {  	s2 =	sld [smem:$0x3F8F]  }
0x29: {  	s4 =	sld [smem:$0x3F91]  }
0x2a: {  	p0 =	seq.s32 s5, $0x0;
	s5 =	sld [smem:$0x3F92]  }
0x2b: {  	s6 =	sld [smem:$0x3F93]  }
0x2c: {  	s7 =	sld [smem:$0x3F94]  }
0x2d: {  	s3 =	simm.s32 $0x108;
	s8 =	sld [smem:$0x3F95]  }
0x2e: {  	s3 =	simm.s32 @!p0 $0x1082;
	s9 =	sld [smem:$0x3F96]  }
0x2f: {  	lr =	sadd.s32 s0, s3;
	s0 =	sld [smem:$0x3F8D]  }
0x30: {  	s3 =	sld [smem:$0x3F90]  }
0x31: {  	[smem:$0x3F99] =	sst s10  }
0x32: {  	s10 =	sld [smem:$0x3F97];
	_ =	sdelay $0x3  }
0x33: {  	p0 =	seq.s32 s10, $0x1;
	s10 =	sld [smem:$0x3F99];
	_ =	sdelay $0x3  }
0x34: {  	[smem:$0x3F99] =	sst s10  }
0x35: {  	s10 =	sld [smem:$0x3F98];
	_ =	sdelay $0x3  }
0x36: {  	p1 =	seq.s32 s10, $0x1;
	s10 =	sld [smem:$0x3F99];
	_ =	sdelay $0x3  }
0x37: {  	[smem:$0x3F99] =	sst s10  }
0x38: {  	s10 =	sld [smem:$0x3F9A]  }
0x39: {  	_ = 	snop;
	(pc) =	sbr.ind lr, $3  }
0x3a: {  	_ = 	snop  }
0x3b: {  	_ = 	snop  }
0x3c: {  	p2 =	seq.s32 s10, $0x1;
	s10 =	sld [smem:$0x3F99]  }
0x3d: {  	_ =	shalt  }
0x3e: {  	_ =	shalt  }
0x3f: {  	_ =	shalt  }
0x40: {  	_ =	shalt  }
0x41: {  	_ =	shalt  }
0x42: {  	_ =	shalt  }
0x43: {  	_ =	shalt  }
0x44: {  	_ =	shalt  }
0x45: {  	_ =	shalt  }
0x46: {  	_ =	shalt  }
0x47: {  	_ =	shalt  }
0x48: {  	_ =	shalt  }
0x49: {  	_ =	shalt  }
0x4a: {  	_ =	shalt  }
0x4b: {  	_ =	shalt  }
0x4c: {  	_ =	shalt  }
0x4d: {  	_ =	shalt  }
0x4e: {  	_ =	shalt  }
0x4f: {  	_ =	shalt  }
0x50: {  	_ =	shalt  }
0x51: {  	_ =	shalt  }
0x52: {  	_ =	shalt  }
0x53: {  	_ =	shalt  }
0x54: {  	_ =	shalt  }
0x55: {  	_ =	shalt  }
0x56: {  	_ =	shalt  }
0x57: {  	_ =	shalt  }
0x58: {  	_ =	shalt  }
0x59: {  	_ =	shalt  }
0x5a: {  	_ =	shalt  }
0x5b: {  	_ =	shalt  }
0x5c: {  	_ =	shalt  }
0x5d: {  	_ =	shalt  }
0x5e: {  	_ =	shalt  }
0x5f: {  	_ =	shalt  }
0x60: {  	_ =	shalt  }
0x61: {  	_ =	shalt  }
0x62: {  	_ =	shalt  }
0x63: {  	_ =	shalt  }
0x64: {  	_ =	shalt  }
0x65: {  	_ =	shalt  }
0x66: {  	_ =	shalt  }
0x67: {  	_ =	shalt  }
0x68: {  	_ =	shalt  }
0x69: {  	_ =	shalt  }
0x6a: {  	_ =	shalt  }
0x6b: {  	_ =	shalt  }
0x6c: {  	_ =	shalt  }
0x6d: {  	_ =	shalt  }
0x6e: {  	_ =	shalt  }
0x6f: {  	_ =	shalt  }
0x70: {  	_ =	shalt  }
0x71: {  	_ =	shalt  }
0x72: {  	_ =	shalt  }
0x73: {  	_ =	shalt  }
0x74: {  	_ =	shalt  }
0x75: {  	_ =	shalt  }
0x76: {  	_ =	shalt  }
0x77: {  	_ =	shalt  }
0x78: {  	_ =	shalt  }
0x79: {  	_ =	shalt  }
0x7a: {  	_ =	shalt  }
0x7b: {  	_ =	shalt  }
0x7c: {  	_ =	shalt  }
0x7d: {  	_ =	shalt  }
0x7e: {  	_ =	shalt  }
0x7f: {  	_ =	shalt  }
0x80: {  	_ =	shalt  }
0x81: {  	_ =	shalt  }
0x82: {  	_ =	shalt  }
0x83: {  	_ =	shalt  }
0x84: {  	_ =	shalt  }
0x85: {  	_ =	shalt  }
0x86: {  	_ =	shalt  }
0x87: {  	_ =	shalt  }
.Lfunc_end0:
.L_simem_size_0:
called_computation_lowered:
.L_overlay_start_0:
0x88: {  	s2 =	sld [smem:$0x3FD9]  }
0x89: {  	s3 =	sld [smem:$0x3FFE];
	_ =	sdelay $0x1  }
0x8a: {  	s1 =	srdreg.scid  }
0x8b: {  	s0 =	sand.u32 $0x1, s1  }
0x8c: {  	s16 =	sshll.u32 s0, $0xA;
	s2 =	sadd.s32 s3, s2  }
0x8d: {  	s2 =	sadd.s32 s2, s16  }
0x8e: {  	[smem:$0x3FA5] =	sst s2  }
0x8f: {  	_ = 	snop  }
0x90: {  	(tm) =	ssettm $0x1  }
0x91: {  	s17 =	sld [smem:$0x3FFB];
	_ =	sdelay $0x3  }
0x92: {  	_ =	strace s17  }
0x93: {  	s2 =	sld [smem:$0x3FFC];
	_ =	sdelay $0x3  }
0x94: {  	_ =	strace s2  }
0x95: {  	s2 =	sld [smem:$0x3FFD];
	_ =	sdelay $0x3  }
0x96: {  	_ =	strace s2  }
0x97: {  	_ =	strace $0x8FFFFFFF  }
0x98: {  	s18 =	sld [smem:$0x3FDB];
	_ =	sdelay $0x1  }
0x99: {  	s19 =	simm.s32 $_scs_section_size  }
0x9a: {  	s4 =	simm.s32 $_size__tile_overlayer_lowered;
	s5 =	simm.s32 $_tile_overlayer_lowered  }
0x9b: {  	s22 =	simm.s32 $0x1BFF;
	s21 =	sshll.u32 s5, $0x1;
	s2 =	sadd.s32 s19, s18  }
0x9c: {  	s6 =	simm.s32 $0x0;
	s20 =	sshll.u32 s4, $0x1;
	s4 =	sadd.s32 s21, s2  }
0x9d: {  	[timem:s6], [sflag:s22] =	dma.local [hbm:s4], s20  }
0x9e: {  	_ =	swait.ge [sflag:s22], s20  }
0x9f: {  	s3 =	ssub.s32 $0x0, s20;
	[sflag:s22] =	ssyncset.done $0x0  }
0xa0: {  	[sflag:s22] =	ssyncadd.s32 s3;
	_ =	sdelay $0x1  }
0xa1: {  	s23 =	simm.s32 $0x1B8B  }
0xa2: {  	_ =	swait.ge [sflag:s23], $0x1  }
0xa3: {  	[sflag:s23] =	ssyncset.done $0x0  }
0xa4: {  	s25 =	simm.s32 $0x1B8E;
	s24 =	sld [smem:$0x3FFE];
	[sflag:s23] =	ssyncadd.s32 $0xFFFFFFFF  }
0xa5: {  	s26 =	simm.s32 $execute0_lowered;
	[smem:$0x3FD2] =	sst s25  }
0xa6: {  	s4 =	sshll.u32 s26, $0x1;
	_ =	strace $0x80000046;
	[dreg:$0x1] =	wrdreg $0xFFFFFFFF  }
0xa7: {  	s28 =	simm.s32 $_size_execute0_lowered;
	s2 =	sadd.s32 s2, s4;
	[dreg:$0x0] =	wrdreg $0x0  }
0xa8: {  	s4 =	sshll.u32 s28, $0x1;
	[dreg:$0x2] =	wrdreg s2  }
0xa9: {  	[dreg:$0x3] =	wrdreg s4  }
0xaa: {  	[dreg:$0x4] =	wrdreg $0xC0  }
0xab: {  	_ =	task [dreg:s6], $0x5FFFF  }
0xac: {  	[dreg:$0x1] =	wrdreg $0xFFFFFFFF  }
0xad: {  	[dreg:$0x0] =	wrdreg $0x60  }
0xae: {  	[dreg:$0x2] =	wrdreg s24  }
0xaf: {  	[dreg:$0x3] =	wrdreg $0xD0000  }
0xb0: {  	[dreg:$0x4] =	wrdreg $0x120000  }
0xb1: {  	[dreg:$0x5] =	wrdreg $0x9  }
0xb2: {  	_ =	task.clear_ibuf [dreg:s6], $0x6FFFF;
	_ =	strace $0x90000046  }
0xb3: {  	s29 =	simm.s32 $0x9;
	_ =	strace $0x80000048  }
0xb4: {  	_ =	swait.ge [sflag:s29], $0x1  }
0xb5: {  	[sflag:s29] =	ssyncadd.s32 $0xFFFFFFFF  }
0xb6: {  	_ =	strace $0x90000048  }
0xb7: {  	_ =	sfence  }
0xb8: {  	s30 =	sld [smem:$0x0];
	_ =	sdelay $0x2  }
0xb9: {  	s31 =	sshll.u32 s1, $0xD;
	s1 =	sshrl.u32 s1, $0x2  }
0xba: {  	s3 =	sand.u32 $0x4000, s31;
	s1 =	sadd.s32 s1, s30  }
0xbb: {  	s0 =	sor.u32 s3, s0;
	s1 =	sshll.u32 s1, $0x11  }
0xbc: {  	s0 =	sor.u32 s1, s0  }
0xbd: {  	s0 =	sadd.s32 $0x8F2B, s0  }
0xbe: {  	[sflag:s0] =	ssyncadd.remote.s32 $0x1  }
0xbf: {  	_ =	sfence.sel $0xFFFF  }
0xc0: {  	[dreg:$0x0] =	wrdreg $0xFFFFFFFF;
	(pc) =	sbr.abs _section_cstart, $3  }
0xc1: {  	[dreg:$0x1] =	wrdreg $0xFFFFFFFF  }
0xc2: {  	_ =	task.clear_ibuf [dreg:s6], $0x2FFFF;
	_ =	strace $0x9FFFFFFF  }
0xc3: {  	(tm) =	ssettm $0x7FFFFFFF  }
tec
execute0_lowered:
.L_overlay_start_1:
0x0: {  	(tag) =	ssettag $0x1  }
0x1: {  	s1 =	rddreg [dreg:$0x0]  }
0x2: {  	s0 =	srdreg.scid;
	s2 =	rddreg [dreg:$0x1]  }
0x3: {  	s9 =	stileid.u32;
	s3 =	rddreg [dreg:$0x2];
	s6 =	simm.s32 $0x0  }
0x4: {  	s16 =	simm.s32 $0x80;
	s17 =	simm.s32 $0x5000;
	s25 =	simm.s32 $0x9000  }
0x5: {  	s26 =	simm.s32 $0xB000;
	s28 =	simm.s32 $0xC000;
	s29 =	simm.s32 $0x4  }
0x6: {  	s30 =	simm.s32 $0x9;
	s31 =	simm.s32 $0x6;
	s0 =	sand.u32 $0x1, s0  }
0x7: {  	s5 =	smul.u32 $0xA000, s9;
	[smem:$0x7FF] =	sst s6;
	s10 =	sadd.s32 $0xEA00, s1  }
0x8: {  	s18 =	smul.u32 $0xA00, s9;
	_ =	strace $0x80000047;
	[dreg:$0x6] =	wrdreg s10  }
0x9: {  	s23 =	sshll.u32 s9, $0x6;
	s4 =	sshll.u32 s0, $0x4;
	[dreg:$0x4] =	wrdreg s25  }
0xa: {  	s8 =	smul.u32 $0xA000, s0;
	s0 =	ssub.s32 $0x2, s0;
	[dreg:$0x5] =	wrdreg s26  }
0xb: {  	s25 =	simm.s32 $0x2;
	s26 =	simm.s32 $0x3;
	s4 =	sor.u32 s9, s4  }
0xc: {  	s7 =	sshrl.u32 s5, $0x4;
	s19 =	sshrl.u32 s0, $0x1;
	s5 =	sshrl.u32 s5, $0x1  }
0xd: {  	s4 =	smul.u32 $0x500, s4;
	s7 =	sadd.s32 s7, s1;
	s6 =	sadd.s32 s18, s8  }
0xe: {  	s0 =	ssub.s32 s0, s19;
	s21 =	sadd.s32 s5, s2;
	s5 =	sadd.s32 s5, s3  }
0xf: {  	s8 =	sor.u32 $0x1C11, s23;
	s18 =	simm.s32 $0x6000;
	s23 =	simm.s32 $0x1  }
0x10: {  	s22 =	sadd.s32 $0x4A00, s7;
	s0 =	smax.u32 s0, $0x1;
	[dreg:$0xc] =	wrdreg s8  }
0x11: {  	s24 =	sshrl.u32 s21, $0x3;
	s9 =	sshrl.u32 s5, $0x3;
	[dreg:$0x9] =	wrdreg s22  }
0x12: {  	s5 =	simm.s32 $0x0;
	s4 =	sadd.s32 s4, s1;
	[dreg:$0xb] =	wrdreg s0  }
0x13: {  	s1 =	sadd.s32 s6, s1;
	s6 =	simm.s32 $0x11;
	[dreg:$0xd] =	wrdreg s24  }
0x14: {  	s22 =	simm.s32 $0x8000;
	[dreg:$0xe] =	wrdreg s9;
	s20 =	sadd.s32 $0x19400, s4  }
0x15: {  	s24 =	simm.s32 $0xA000;
	s4 =	sadd.s32 $0xF400, s4;
	[dreg:$0x7] =	wrdreg s20  }
0x16: {  	s0 =	simm.s32 $0x8;
	s1 =	sadd.s32 $0x23400, s1;
	[dreg:$0x8] =	wrdreg s4  }
0x17: {  	[dreg:$0xa] =	wrdreg s1;
	s20 =	simm.s32 $0x7000;
	s1 =	simm.s32 $0xB  }
.LBB2_1:
0x18: {  	[dreg:$0xf] =	wrdreg s5  }
0x19: {  	s4 =	simm.s32 $0x0;
	s12 =	rddreg [dreg:$0x7]  }
0x1a: {  	[tilespmem:s4], [sflag:$0x11] =	stream.linear.gather [hbm4b:s12+s4], $0x2800, $0x38;
	[tilespmem:$0x17000] =	vst v63  }
0x1b: {  	_ =	swait.ge [sflag:s6], $0x2800  }
0x1c: {  	[sflag:s6] =	ssyncset.done $0x0  }
0x1d: {  	s7 =	simm.s32 $0x2800;
	s13 =	rddreg [dreg:$0x8];
	[sflag:s6] =	ssyncadd.s32 $0xFFFFD800  }
0x1e: {  	[tilespmem:s7], [sflag:$0x11] =	stream.linear.gather [hbm4b:s13+s4], $0x2800, $0x38;
	[tilespmem:$0x17000] =	vst v63  }
0x1f: {  	_ =	swait.ge [sflag:s6], $0x2800  }
0x20: {  	[sflag:s6] =	ssyncset.done $0x0;
	s14 =	rddreg [dreg:$0x9]  }
0x21: {  	s15 =	rddreg [dreg:$0xd];
	[sflag:s6] =	ssyncadd.s32 $0xFFFFD800  }
0x22: {  	[spmem:s15], [sflag:s8] =	dma.local [hbm:s14], $0xA00  }
0x23: {  	_ =	swait.ge [sflag:s6], $0xA00  }
0x24: {  	[sflag:s6] =	ssyncset.done $0x0  }
0x25: {  	s19 =	rddreg [dreg:$0x6];
	[sflag:s6] =	ssyncadd.s32 $0xFFFFF600  }
0x26: {  	[spmem:s9], [sflag:s8] =	dma.local [hbm:s19], $0xA00  }
0x27: {  	_ =	swait.ge [sflag:s6], $0xA00  }
0x28: {  	[sflag:s6] =	ssyncset.done $0x0  }
0x29: {  	[sflag:s6] =	ssyncadd.s32 $0xFFFFF600  }
0x2a: {  	[bflag:$0x0] =	sbarrier.arrive $0xFFFF  }
0x2b: {  	[tilespmem:s17], [sflag:$0x1] =	stream.indirect.gather [spmem:s2], $0x20, s4, s16, $0xb8;
	[tilespmem:$0x17000] =	vst v63  }
0x2c: {  	_ = 	snop  }
0x2d: {  	[tilespmem:s18], [sflag:$0x2] =	stream.indirect.gather [spmem:s2], $0x20, s16, s16, $0xb8;
	[tilespmem:$0x17000] =	vst v63  }
0x2e: {  	s21 =	simm.s32 $0x100;
	p0 =	por $0x1, $0x1  }
0x2f: {  	[tilespmem:s20], [sflag:$0x3] =	stream.indirect.gather [spmem:s2], $0x20, s21, s16, $0xb8;
	[tilespmem:$0x17000] =	vst v63  }
0x30: {  	s5 =	simm.s32 $0x180;
	s4 =	simm.s32 @!p0 $0xD  }
0x31: {  	[tilespmem:s22], [sflag:$0x4] =	stream.indirect.gather [spmem:s2], $0x20, s5, s16, $0xb8;
	[tilespmem:$0x17000] =	vst v63  }
0x32: {  	_ =	swait.ge @!p0 [sflag:s4], $0x1000  }
0x33: {  	[sflag:s4] =	ssyncset.done @!p0 $0x0  }
0x34: {  	s8 =	simm.s32 $0x200;
	s6 =	rddreg [dreg:$0x4];
	[sflag:s4] =	ssyncadd.s32 @!p0 $0xFFFFF000  }
0x35: {  	[tilespmem:s6], [sflag:$0x5] =	stream.indirect.gather [spmem:s2], $0x20, s8, s16, $0xb8;
	[tilespmem:$0x17000] =	vst v63  }
0x36: {  	_ =	swait.ge [sflag:s23], $0x1000  }
0x37: {  	[sflag:s23] =	ssyncset.done $0x0  }
0x38: {  	s7 =	simm.s32 @!p0 $0xE;
	s9 =	simm.s32 $0x2800;
	[sflag:s23] =	ssyncadd.s32 $0xFFFFF000  }
0x39: {  	[spmem:s3] =	stream.indirect.scatter.add.s16 [tilespmem:s17], [sflag:$0x9], $0x20, s9, s16, $0xb8;
	[tilespmem:$0x17000] =	vst v63  }
0x3a: {  	_ =	swait.ge @!p0 [sflag:s7], $0x1000  }
0x3b: {  	[sflag:s7] =	ssyncset.done @!p0 $0x0  }
0x3c: {  	s10 =	simm.s32 $0x280;
	[sflag:s7] =	ssyncadd.s32 @!p0 $0xFFFFF000  }
0x3d: {  	[tilespmem:s24], [sflag:$0x6] =	stream.indirect.gather [spmem:s2], $0x20, s10, s16, $0xb8;
	[tilespmem:$0x17000] =	vst v63  }
0x3e: {  	_ =	swait.ge [sflag:s25], $0x1000  }
0x3f: {  	[sflag:s25] =	ssyncset.done $0x0  }
0x40: {  	s11 =	simm.s32 $0x2880;
	s7 =	simm.s32 @!p0 $0xF;
	[sflag:s25] =	ssyncadd.s32 $0xFFFFF000  }
0x41: {  	[spmem:s3] =	stream.indirect.scatter.add.s16 [tilespmem:s18], [sflag:$0xA], $0x20, s11, s16, $0xb8;
	[tilespmem:$0x17000] =	vst v63  }
0x42: {  	_ =	swait.ge @!p0 [sflag:s7], $0x1000  }
0x43: {  	[sflag:s7] =	ssyncset.done @!p0 $0x0  }
0x44: {  	s13 =	simm.s32 $0x300;
	s12 =	rddreg [dreg:$0x5];
	[sflag:s7] =	ssyncadd.s32 @!p0 $0xFFFFF000  }
0x45: {  	[tilespmem:s12], [sflag:$0x7] =	stream.indirect.gather [spmem:s2], $0x20, s13, s16, $0xb8;
	[tilespmem:$0x17000] =	vst v63  }
0x46: {  	_ =	swait.ge [sflag:s26], $0x1000  }
0x47: {  	[sflag:s26] =	ssyncset.done $0x0  }
0x48: {  	s14 =	simm.s32 $0x2900;
	s7 =	simm.s32 @!p0 $0x10;
	[sflag:s26] =	ssyncadd.s32 $0xFFFFF000  }
0x49: {  	[spmem:s3] =	stream.indirect.scatter.add.s16 [tilespmem:s20], [sflag:$0xB], $0x20, s14, s16, $0xb8;
	[tilespmem:$0x17000] =	vst v63  }
0x4a: {  	_ =	swait.ge @!p0 [sflag:s7], $0x1000  }
0x4b: {  	[sflag:s7] =	ssyncset.done @!p0 $0x0  }
0x4c: {  	s15 =	simm.s32 $0x380;
	[sflag:s7] =	ssyncadd.s32 @!p0 $0xFFFFF000  }
0x4d: {  	[tilespmem:s28], [sflag:$0x8] =	stream.indirect.gather [spmem:s2], $0x20, s15, s16, $0xb8;
	[tilespmem:$0x17000] =	vst v63  }
0x4e: {  	_ =	swait.ge [sflag:s29], $0x1000  }
0x4f: {  	[sflag:s29] =	ssyncset.done $0x0  }
0x50: {  	s19 =	simm.s32 $0x2980;
	[sflag:s29] =	ssyncadd.s32 $0xFFFFF000  }
0x51: {  	[spmem:s3] =	stream.indirect.scatter.add.s16 [tilespmem:s22], [sflag:$0xC], $0x20, s19, s16, $0xb8;
	[tilespmem:$0x17000] =	vst v63  }
0x52: {  	_ =	swait.ge [sflag:s30], $0x1000  }
0x53: {  	p0 =	por $0x0, $0x0;
	[sflag:s30] =	ssyncset.done $0x0  }
0x54: {  	s4 =	simm.s32 @p0 $0x5;
	[sflag:s30] =	ssyncadd.s32 $0xFFFFF000  }
0x55: {  	_ =	swait.ge @p0 [sflag:s4], $0x1000  }
0x56: {  	s7 =	simm.s32 @p0 $0x2A00;
	s8 =	simm.s32 @p0 $0xA;
	[sflag:s4] =	ssyncset.done @p0 $0x0  }
0x57: {  	s9 =	simm.s32 @p0 $0x9000;
	[sflag:s4] =	ssyncadd.s32 @p0 $0xFFFFF000;
	s4 =	simm.s32 @p0 $0x80  }
0x58: {  	[spmem:s3] =	stream.indirect.scatter.add.s16 @p0 [tilespmem:s9], [sflag:$0xD], $0x20, s7, s4, $0xb8;
	[tilespmem:$0x17000] =	vst v63  }
0x59: {  	_ =	swait.ge @p0 [sflag:s8], $0x1000  }
0x5a: {  	s7 =	simm.s32 @!p0 $0x400;
	[sflag:s8] =	ssyncset.done @p0 $0x0  }
0x5b: {  	s9 =	simm.s32 @!p0 $0x5000;
	[sflag:s8] =	ssyncadd.s32 @p0 $0xFFFFF000;
	s8 =	simm.s32 @!p0 $0x80  }
0x5c: {  	[tilespmem:s9], [sflag:$0x1] =	stream.indirect.gather @!p0 [spmem:s2], $0x20, s7, s8, $0xb8;
	[tilespmem:$0x17000] =	vst v63  }
0x5d: {  	s7 =	simm.s32 @!p0 $0x5  }
0x5e: {  	_ =	swait.ge @!p0 [sflag:s7], $0x1000  }
0x5f: {  	[sflag:s7] =	ssyncset.done @!p0 $0x0  }
0x60: {  	s9 =	simm.s32 @!p0 $0x2A00;
	[sflag:s7] =	ssyncadd.s32 @!p0 $0xFFFFF000;
	s7 =	simm.s32 @!p0 $0x9000  }
0x61: {  	[spmem:s3] =	stream.indirect.scatter.add.s16 @!p0 [tilespmem:s7], [sflag:$0xD], $0x20, s9, s8, $0xb8;
	[tilespmem:$0x17000] =	vst v63  }
0x62: {  	s7 =	simm.s32 @!p0 $0xA  }
0x63: {  	_ =	swait.ge @!p0 [sflag:s7], $0x1000  }
0x64: {  	[sflag:s7] =	ssyncset.done @!p0 $0x0  }
0x65: {  	s9 =	simm.s32 @!p0 $0x480;
	[sflag:s7] =	ssyncadd.s32 @!p0 $0xFFFFF000;
	s7 =	simm.s32 @!p0 $0x6000  }
0x66: {  	[tilespmem:s7], [sflag:$0x2] =	stream.indirect.gather @!p0 [spmem:s2], $0x20, s9, s8, $0xb8;
	[tilespmem:$0x17000] =	vst v63  }
0x67: {  	_ =	swait.ge [sflag:s31], $0x1000  }
0x68: {  	[sflag:s31] =	ssyncset.done $0x0  }
0x69: {  	s21 =	simm.s32 $0x2A80;
	[sflag:s31] =	ssyncadd.s32 $0xFFFFF000  }
0x6a: {  	[spmem:s3] =	stream.indirect.scatter.add.s16 [tilespmem:s24], [sflag:$0xE], $0x20, s21, s16, $0xb8;
	[tilespmem:$0x17000] =	vst v63  }
0x6b: {  	_ =	swait.ge [sflag:s1], $0x1000  }
0x6c: {  	[sflag:s1] =	ssyncset.done $0x0  }
0x6d: {  	s7 =	simm.s32 @p0 $0x7;
	[sflag:s1] =	ssyncadd.s32 $0xFFFFF000  }
0x6e: {  	_ =	swait.ge @p0 [sflag:s7], $0x1000  }
0x6f: {  	[sflag:s7] =	ssyncset.done @p0 $0x0  }
0x70: {  	s9 =	simm.s32 @p0 $0x2B00;
	[sflag:s7] =	ssyncadd.s32 @p0 $0xFFFFF000;
	s7 =	simm.s32 @p0 $0xB000  }
0x71: {  	[spmem:s3] =	stream.indirect.scatter.add.s16 @p0 [tilespmem:s7], [sflag:$0xF], $0x20, s9, s4, $0xb8;
	[tilespmem:$0x17000] =	vst v63  }
0x72: {  	s4 =	simm.s32 @p0 $0xC  }
0x73: {  	_ =	swait.ge @p0 [sflag:s4], $0x1000  }
0x74: {  	[sflag:s4] =	ssyncset.done @p0 $0x0  }
0x75: {  	s7 =	simm.s32 @!p0 $0x500;
	[sflag:s4] =	ssyncadd.s32 @p0 $0xFFFFF000;
	s4 =	simm.s32 @!p0 $0x7000  }
0x76: {  	[tilespmem:s4], [sflag:$0x3] =	stream.indirect.gather @!p0 [spmem:s2], $0x20, s7, s8, $0xb8;
	[tilespmem:$0x17000] =	vst v63  }
0x77: {  	s4 =	simm.s32 @!p0 $0x7  }
0x78: {  	_ =	swait.ge @!p0 [sflag:s4], $0x1000  }
0x79: {  	[sflag:s4] =	ssyncset.done @!p0 $0x0  }
0x7a: {  	s7 =	simm.s32 @!p0 $0x2B00;
	[sflag:s4] =	ssyncadd.s32 @!p0 $0xFFFFF000;
	s4 =	simm.s32 @!p0 $0xB000  }
0x7b: {  	[spmem:s3] =	stream.indirect.scatter.add.s16 @!p0 [tilespmem:s4], [sflag:$0xF], $0x20, s7, s8, $0xb8;
	[tilespmem:$0x17000] =	vst v63  }
0x7c: {  	s4 =	simm.s32 @!p0 $0xC  }
0x7d: {  	_ =	swait.ge @!p0 [sflag:s4], $0x1000  }
0x7e: {  	[sflag:s4] =	ssyncset.done @!p0 $0x0  }
0x7f: {  	s7 =	simm.s32 @!p0 $0x580;
	[sflag:s4] =	ssyncadd.s32 @!p0 $0xFFFFF000;
	s4 =	simm.s32 @!p0 $0x8000  }
0x80: {  	[tilespmem:s4], [sflag:$0x4] =	stream.indirect.gather @!p0 [spmem:s2], $0x20, s7, s8, $0xb8;
	[tilespmem:$0x17000] =	vst v63  }
0x81: {  	p1 =	por $0x0, $0x0;
	s7 =	simm.s32 $0x1000;
	_ =	swait.ge [sflag:s0], $0x1000  }
0x82: {  	s8 =	simm.s32 $0x2000;
	s4 =	simm.s32 $0x2B80;
	[sflag:s0] =	ssyncset.done $0x0  }
.LBB2_2:
0x83: {  	s9 =	simm.s32 @!p1 $0xD;
	[sflag:s0] =	ssyncadd.s32 $0xFFFFF000  }
0x84: {  	[spmem:s3] =	stream.indirect.scatter.add.s16 [tilespmem:s28], [sflag:$0x10], $0x20, s4, s16, $0xb8;
	[tilespmem:$0x17000] =	vst v63  }
0x85: {  	_ =	swait.ge @!p1 [sflag:s9], $0x1000  }
0x86: {  	[sflag:s9] =	ssyncset.done @!p1 $0x0  }
0x87: {  	[sflag:s9] =	ssyncadd.s32 @!p1 $0xFFFFF000;
	s9 =	sshra.s32 s7, $0x2  }
0x88: {  	s19 =	rddreg [dreg:$0x4];
	s12 =	sadd.s32 $0x200, s9  }
0x89: {  	[tilespmem:s19], [sflag:$0x5] =	stream.indirect.gather [spmem:s2], $0x20, s12, s16, $0xb8;
	[tilespmem:$0x17000] =	vst v63  }
0x8a: {  	_ =	swait.ge [sflag:s23], $0x1000  }
0x8b: {  	[sflag:s23] =	ssyncset.done $0x0  }
0x8c: {  	s21 =	sadd.s32 $0x2800, s9;
	s12 =	simm.s32 @!p1 $0xE;
	[sflag:s23] =	ssyncadd.s32 $0xFFFFF000  }
0x8d: {  	[spmem:s3] =	stream.indirect.scatter.add.s16 [tilespmem:s17], [sflag:$0x9], $0x20, s21, s16, $0xb8;
	[tilespmem:$0x17000] =	vst v63  }
0x8e: {  	_ =	swait.ge @!p1 [sflag:s12], $0x1000  }
0x8f: {  	[sflag:s12] =	ssyncset.done @!p1 $0x0  }
0x90: {  	s5 =	sadd.s32 $0x280, s9;
	[sflag:s12] =	ssyncadd.s32 @!p1 $0xFFFFF000  }
0x91: {  	[tilespmem:s24], [sflag:$0x6] =	stream.indirect.gather [spmem:s2], $0x20, s5, s16, $0xb8;
	[tilespmem:$0x17000] =	vst v63  }
0x92: {  	_ =	swait.ge [sflag:s25], $0x1000  }
0x93: {  	[sflag:s25] =	ssyncset.done $0x0  }
0x94: {  	s6 =	sadd.s32 $0x2880, s9;
	s12 =	simm.s32 @!p1 $0xF;
	[sflag:s25] =	ssyncadd.s32 $0xFFFFF000  }
0x95: {  	[spmem:s3] =	stream.indirect.scatter.add.s16 [tilespmem:s18], [sflag:$0xA], $0x20, s6, s16, $0xb8;
	[tilespmem:$0x17000] =	vst v63  }
0x96: {  	_ =	swait.ge @!p1 [sflag:s12], $0x1000  }
0x97: {  	[sflag:s12] =	ssyncset.done @!p1 $0x0  }
0x98: {  	s13 =	sadd.s32 $0x300, s9;
	s11 =	rddreg [dreg:$0x5];
	[sflag:s12] =	ssyncadd.s32 @!p1 $0xFFFFF000  }
0x99: {  	[tilespmem:s11], [sflag:$0x7] =	stream.indirect.gather [spmem:s2], $0x20, s13, s16, $0xb8;
	[tilespmem:$0x17000] =	vst v63  }
0x9a: {  	_ =	swait.ge [sflag:s26], $0x1000  }
0x9b: {  	[sflag:s26] =	ssyncset.done $0x0  }
0x9c: {  	s14 =	sadd.s32 $0x2900, s9;
	s12 =	simm.s32 @!p1 $0x10;
	[sflag:s26] =	ssyncadd.s32 $0xFFFFF000  }
0x9d: {  	[spmem:s3] =	stream.indirect.scatter.add.s16 [tilespmem:s20], [sflag:$0xB], $0x20, s14, s16, $0xb8;
	[tilespmem:$0x17000] =	vst v63  }
0x9e: {  	_ =	swait.ge @!p1 [sflag:s12], $0x1000  }
0x9f: {  	[sflag:s12] =	ssyncset.done @!p1 $0x0  }
0xa0: {  	s15 =	sadd.s32 $0x380, s9;
	[sflag:s12] =	ssyncadd.s32 @!p1 $0xFFFFF000  }
0xa1: {  	[tilespmem:s28], [sflag:$0x8] =	stream.indirect.gather [spmem:s2], $0x20, s15, s16, $0xb8;
	[tilespmem:$0x17000] =	vst v63  }
0xa2: {  	_ =	swait.ge [sflag:s29], $0x1000  }
0xa3: {  	[sflag:s29] =	ssyncset.done $0x0  }
0xa4: {  	s19 =	sadd.s32 $0x2980, s9;
	[sflag:s29] =	ssyncadd.s32 $0xFFFFF000  }
0xa5: {  	[spmem:s3] =	stream.indirect.scatter.add.s16 [tilespmem:s22], [sflag:$0xC], $0x20, s19, s16, $0xb8;
	[tilespmem:$0x17000] =	vst v63  }
0xa6: {  	_ =	swait.ge [sflag:s30], $0x1000  }
0xa7: {  	s10 =	smov.u32 s8;
	p1 =	seq.s32 s7, $0x9000;
	[sflag:s30] =	ssyncset.done $0x0  }
0xa8: {  	s4 =	simm.s32 @p1 $0x5;
	s14 =	sshra.s32 @p1 s7, $0x2;
	[sflag:s30] =	ssyncadd.s32 $0xFFFFF000  }
0xa9: {  	s7 =	sshra.s32 @!p1 s7, $0x2;
	s21 =	simm.s32 @p1 $0xA;
	_ =	swait.ge @p1 [sflag:s4], $0x1000  }
0xaa: {  	s12 =	simm.s32 @p1 $0x80;
	s6 =	simm.s32 @!p1 $0x5;
	[sflag:s4] =	ssyncset.done @p1 $0x0  }
0xab: {  	s19 =	sadd.s32 @p1 $0x2A00, s14;
	[sflag:s4] =	ssyncadd.s32 @p1 $0xFFFFF000;
	s4 =	simm.s32 @p1 $0x9000  }
0xac: {  	[spmem:s3] =	stream.indirect.scatter.add.s16 @p1 [tilespmem:s4], [sflag:$0xD], $0x20, s19, s12, $0xb8;
	[tilespmem:$0x17000] =	vst v63  }
0xad: {  	s5 =	sadd.s32 @!p1 $0x400, s7;
	s15 =	sadd.s32 @!p1 $0x2A00, s7;
	_ =	swait.ge @p1 [sflag:s21], $0x1000  }
0xae: {  	s13 =	sadd.s32 @!p1 $0x480, s7;
	s11 =	sadd.s32 @p1 $0x2B00, s14;
	[sflag:s21] =	ssyncset.done @p1 $0x0  }
0xaf: {  	s14 =	simm.s32 @!p1 $0x80;
	s4 =	simm.s32 @!p1 $0x5000;
	[sflag:s21] =	ssyncadd.s32 @p1 $0xFFFFF000  }
0xb0: {  	[tilespmem:s4], [sflag:$0x1] =	stream.indirect.gather @!p1 [spmem:s2], $0x20, s5, s14, $0xb8;
	[tilespmem:$0x17000] =	vst v63  }
0xb1: {  	s19 =	sadd.s32 @!p1 $0x2B00, s7;
	s5 =	sadd.s32 @!p1 $0x500, s7;
	_ =	swait.ge @!p1 [sflag:s6], $0x1000  }
0xb2: {  	s4 =	sadd.s32 @!p1 $0x580, s7;
	s7 =	smov.u32 s10;
	[sflag:s6] =	ssyncset.done @!p1 $0x0  }
0xb3: {  	s10 =	simm.s32 @!p1 $0xA;
	[sflag:s6] =	ssyncadd.s32 @!p1 $0xFFFFF000;
	s6 =	simm.s32 @!p1 $0x9000  }
0xb4: {  	[spmem:s3] =	stream.indirect.scatter.add.s16 @!p1 [tilespmem:s6], [sflag:$0xD], $0x20, s15, s14, $0xb8;
	[tilespmem:$0x17000] =	vst v63  }
0xb5: {  	_ =	swait.ge @!p1 [sflag:s10], $0x1000  }
0xb6: {  	[sflag:s10] =	ssyncset.done @!p1 $0x0  }
0xb7: {  	s6 =	simm.s32 @!p1 $0x6000;
	[sflag:s10] =	ssyncadd.s32 @!p1 $0xFFFFF000  }
0xb8: {  	[tilespmem:s6], [sflag:$0x2] =	stream.indirect.gather @!p1 [spmem:s2], $0x20, s13, s14, $0xb8;
	[tilespmem:$0x17000] =	vst v63  }
0xb9: {  	_ =	swait.ge [sflag:s31], $0x1000  }
0xba: {  	[sflag:s31] =	ssyncset.done $0x0  }
0xbb: {  	s21 =	sadd.s32 $0x2A80, s9;
	[sflag:s31] =	ssyncadd.s32 $0xFFFFF000  }
0xbc: {  	[spmem:s3] =	stream.indirect.scatter.add.s16 [tilespmem:s24], [sflag:$0xE], $0x20, s21, s16, $0xb8;
	[tilespmem:$0x17000] =	vst v63  }
0xbd: {  	_ =	swait.ge [sflag:s1], $0x1000  }
0xbe: {  	[sflag:s1] =	ssyncset.done $0x0  }
0xbf: {  	s6 =	simm.s32 @p1 $0x7;
	[sflag:s1] =	ssyncadd.s32 $0xFFFFF000  }
0xc0: {  	_ =	swait.ge @p1 [sflag:s6], $0x1000  }
0xc1: {  	[sflag:s6] =	ssyncset.done @p1 $0x0  }
0xc2: {  	s10 =	simm.s32 @p1 $0xC;
	[sflag:s6] =	ssyncadd.s32 @p1 $0xFFFFF000;
	s6 =	simm.s32 @p1 $0xB000  }
0xc3: {  	[spmem:s3] =	stream.indirect.scatter.add.s16 @p1 [tilespmem:s6], [sflag:$0xF], $0x20, s11, s12, $0xb8;
	[tilespmem:$0x17000] =	vst v63  }
0xc4: {  	_ =	swait.ge @p1 [sflag:s10], $0x1000  }
0xc5: {  	[sflag:s10] =	ssyncset.done @p1 $0x0  }
0xc6: {  	s6 =	simm.s32 @!p1 $0x7000;
	[sflag:s10] =	ssyncadd.s32 @p1 $0xFFFFF000;
	s10 =	simm.s32 @!p1 $0x7  }
0xc7: {  	[tilespmem:s6], [sflag:$0x3] =	stream.indirect.gather @!p1 [spmem:s2], $0x20, s5, s14, $0xb8;
	[tilespmem:$0x17000] =	vst v63  }
0xc8: {  	_ =	swait.ge @!p1 [sflag:s10], $0x1000  }
0xc9: {  	s8 =	sadd.s32 $0x1000, s8;
	[sflag:s10] =	ssyncset.done @!p1 $0x0  }
0xca: {  	s5 =	simm.s32 @!p1 $0xB000;
	s6 =	simm.s32 @!p1 $0xC;
	[sflag:s10] =	ssyncadd.s32 @!p1 $0xFFFFF000  }
0xcb: {  	[spmem:s3] =	stream.indirect.scatter.add.s16 @!p1 [tilespmem:s5], [sflag:$0xF], $0x20, s19, s14, $0xb8;
	[tilespmem:$0x17000] =	vst v63  }
0xcc: {  	p0 =	sne.s32 s8, $0xA000;
	_ =	swait.ge @!p1 [sflag:s6], $0x1000  }
.Ltmp0:
0xcd: {  	[sflag:s6] =	ssyncset.done @!p1 $0x0;
	(pc) =	sbr.rel @p0 .LBB2_2-.Ltmp0, $4  }
0xce: {  	s5 =	simm.s32 @!p1 $0x8000;
	[sflag:s6] =	ssyncadd.s32 @!p1 $0xFFFFF000  }
0xcf: {  	[tilespmem:s5], [sflag:$0x4] =	stream.indirect.gather @!p1 [spmem:s2], $0x20, s4, s14, $0xb8;
	[tilespmem:$0x17000] =	vst v63  }
0xd0: {  	_ =	swait.ge [sflag:s0], $0x1000  }
0xd1: {  	p1 =	seq.s32 s7, $0x0;
	s4 =	sadd.s32 $0x2B80, s9;
	[sflag:s0] =	ssyncset.done $0x0  }
0xd2: {  	s5 =	simm.s32 @!p1 $0xD;
	[sflag:s0] =	ssyncadd.s32 $0xFFFFF000  }
0xd3: {  	[spmem:s3] =	stream.indirect.scatter.add.s16 [tilespmem:s28], [sflag:$0x10], $0x20, s4, s16, $0xb8;
	[tilespmem:$0x17000] =	vst v63  }
0xd4: {  	_ =	swait.ge @!p1 [sflag:s5], $0x1000  }
0xd5: {  	s8 =	sshra.s32 s7, $0x2;
	[sflag:s5] =	ssyncset.done @!p1 $0x0  }
0xd6: {  	s6 =	sadd.s32 $0x200, s8;
	s21 =	rddreg [dreg:$0x4];
	[sflag:s5] =	ssyncadd.s32 @!p1 $0xFFFFF000  }
0xd7: {  	[tilespmem:s21], [sflag:$0x5] =	stream.indirect.gather [spmem:s2], $0x20, s6, s16, $0xb8;
	[tilespmem:$0x17000] =	vst v63  }
0xd8: {  	_ =	swait.ge [sflag:s23], $0x1000  }
0xd9: {  	[sflag:s23] =	ssyncset.done $0x0  }
0xda: {  	s9 =	sadd.s32 $0x2800, s8;
	s5 =	simm.s32 @!p1 $0xE;
	[sflag:s23] =	ssyncadd.s32 $0xFFFFF000  }
0xdb: {  	[spmem:s3] =	stream.indirect.scatter.add.s16 [tilespmem:s17], [sflag:$0x9], $0x20, s9, s16, $0xb8;
	[tilespmem:$0x17000] =	vst v63  }
0xdc: {  	_ =	swait.ge @!p1 [sflag:s5], $0x1000  }
0xdd: {  	[sflag:s5] =	ssyncset.done @!p1 $0x0  }
0xde: {  	s10 =	sadd.s32 $0x280, s8;
	[sflag:s5] =	ssyncadd.s32 @!p1 $0xFFFFF000  }
0xdf: {  	[tilespmem:s24], [sflag:$0x6] =	stream.indirect.gather [spmem:s2], $0x20, s10, s16, $0xb8;
	[tilespmem:$0x17000] =	vst v63  }
0xe0: {  	_ =	swait.ge [sflag:s25], $0x1000  }
0xe1: {  	[sflag:s25] =	ssyncset.done $0x0  }
0xe2: {  	s11 =	sadd.s32 $0x2880, s8;
	s5 =	simm.s32 @!p1 $0xF;
	[sflag:s25] =	ssyncadd.s32 $0xFFFFF000  }
0xe3: {  	[spmem:s3] =	stream.indirect.scatter.add.s16 [tilespmem:s18], [sflag:$0xA], $0x20, s11, s16, $0xb8;
	[tilespmem:$0x17000] =	vst v63  }
0xe4: {  	_ =	swait.ge @!p1 [sflag:s5], $0x1000  }
0xe5: {  	[sflag:s5] =	ssyncset.done @!p1 $0x0  }
0xe6: {  	s13 =	sadd.s32 $0x300, s8;
	s12 =	rddreg [dreg:$0x5];
	[sflag:s5] =	ssyncadd.s32 @!p1 $0xFFFFF000  }
0xe7: {  	[tilespmem:s12], [sflag:$0x7] =	stream.indirect.gather [spmem:s2], $0x20, s13, s16, $0xb8;
	[tilespmem:$0x17000] =	vst v63  }
0xe8: {  	_ =	swait.ge [sflag:s26], $0x1000  }
0xe9: {  	[sflag:s26] =	ssyncset.done $0x0  }
0xea: {  	s14 =	sadd.s32 $0x2900, s8;
	s5 =	simm.s32 @!p1 $0x10;
	[sflag:s26] =	ssyncadd.s32 $0xFFFFF000  }
0xeb: {  	[spmem:s3] =	stream.indirect.scatter.add.s16 [tilespmem:s20], [sflag:$0xB], $0x20, s14, s16, $0xb8;
	[tilespmem:$0x17000] =	vst v63  }
0xec: {  	_ =	swait.ge @!p1 [sflag:s5], $0x1000  }
0xed: {  	[sflag:s5] =	ssyncset.done @!p1 $0x0  }
0xee: {  	s15 =	sadd.s32 $0x380, s8;
	[sflag:s5] =	ssyncadd.s32 @!p1 $0xFFFFF000  }
0xef: {  	[tilespmem:s28], [sflag:$0x8] =	stream.indirect.gather [spmem:s2], $0x20, s15, s16, $0xb8;
	[tilespmem:$0x17000] =	vst v63  }
0xf0: {  	_ =	swait.ge [sflag:s29], $0x1000  }
0xf1: {  	[sflag:s29] =	ssyncset.done $0x0  }
0xf2: {  	s19 =	sadd.s32 $0x2980, s8;
	[sflag:s29] =	ssyncadd.s32 $0xFFFFF000  }
0xf3: {  	[spmem:s3] =	stream.indirect.scatter.add.s16 [tilespmem:s22], [sflag:$0xC], $0x20, s19, s16, $0xb8;
	[tilespmem:$0x17000] =	vst v63  }
0xf4: {  	_ =	swait.ge [sflag:s30], $0x1000  }
0xf5: {  	p0 =	seq.s32 s7, $0x9000;
	[sflag:s30] =	ssyncset.done $0x0  }
0xf6: {  	s4 =	simm.s32 @p0 $0x5;
	[sflag:s30] =	ssyncadd.s32 $0xFFFFF000  }
0xf7: {  	s9 =	simm.s32 @p0 $0xA;
	_ =	swait.ge @p0 [sflag:s4], $0x1000  }
0xf8: {  	s10 =	simm.s32 @p0 $0x9000;
	s5 =	sshra.s32 @p0 s7, $0x2;
	[sflag:s4] =	ssyncset.done @p0 $0x0  }
0xf9: {  	s6 =	sadd.s32 @p0 $0x2A00, s5;
	[sflag:s4] =	ssyncadd.s32 @p0 $0xFFFFF000;
	s4 =	simm.s32 @p0 $0x80  }
0xfa: {  	[spmem:s3] =	stream.indirect.scatter.add.s16 @p0 [tilespmem:s10], [sflag:$0xD], $0x20, s6, s4, $0xb8;
	[tilespmem:$0x17000] =	vst v63  }
0xfb: {  	_ =	swait.ge @p0 [sflag:s9], $0x1000  }
0xfc: {  	s6 =	sshra.s32 @!p0 s7, $0x2;
	s10 =	simm.s32 @!p0 $0x5000;
	[sflag:s9] =	ssyncset.done @p0 $0x0  }
0xfd: {  	s7 =	sadd.s32 @!p0 $0x400, s6;
	[sflag:s9] =	ssyncadd.s32 @p0 $0xFFFFF000;
	s9 =	simm.s32 @!p0 $0x80  }
0xfe: {  	[tilespmem:s10], [sflag:$0x1] =	stream.indirect.gather @!p0 [spmem:s2], $0x20, s7, s9, $0xb8;
	[tilespmem:$0x17000] =	vst v63  }
0xff: {  	s7 =	simm.s32 @!p0 $0x5  }
0x100: {  	_ =	swait.ge @!p0 [sflag:s7], $0x1000  }
0x101: {  	[sflag:s7] =	ssyncset.done @!p0 $0x0  }
0x102: {  	s10 =	sadd.s32 @!p0 $0x2A00, s6;
	[sflag:s7] =	ssyncadd.s32 @!p0 $0xFFFFF000;
	s7 =	simm.s32 @!p0 $0x9000  }
0x103: {  	[spmem:s3] =	stream.indirect.scatter.add.s16 @!p0 [tilespmem:s7], [sflag:$0xD], $0x20, s10, s9, $0xb8;
	[tilespmem:$0x17000] =	vst v63  }
0x104: {  	s7 =	simm.s32 @!p0 $0xA  }
0x105: {  	_ =	swait.ge @!p0 [sflag:s7], $0x1000  }
0x106: {  	[sflag:s7] =	ssyncset.done @!p0 $0x0  }
0x107: {  	s10 =	sadd.s32 @!p0 $0x480, s6;
	[sflag:s7] =	ssyncadd.s32 @!p0 $0xFFFFF000;
	s7 =	simm.s32 @!p0 $0x6000  }
0x108: {  	[tilespmem:s7], [sflag:$0x2] =	stream.indirect.gather @!p0 [spmem:s2], $0x20, s10, s9, $0xb8;
	[tilespmem:$0x17000] =	vst v63  }
0x109: {  	_ =	swait.ge [sflag:s31], $0x1000  }
0x10a: {  	[sflag:s31] =	ssyncset.done $0x0  }
0x10b: {  	s21 =	sadd.s32 $0x2A80, s8;
	[sflag:s31] =	ssyncadd.s32 $0xFFFFF000  }
0x10c: {  	[spmem:s3] =	stream.indirect.scatter.add.s16 [tilespmem:s24], [sflag:$0xE], $0x20, s21, s16, $0xb8;
	[tilespmem:$0x17000] =	vst v63  }
0x10d: {  	_ =	swait.ge [sflag:s1], $0x1000  }
0x10e: {  	[sflag:s1] =	ssyncset.done $0x0  }
0x10f: {  	s7 =	simm.s32 @p0 $0x7;
	[sflag:s1] =	ssyncadd.s32 $0xFFFFF000  }
0x110: {  	_ =	swait.ge @p0 [sflag:s7], $0x1000  }
0x111: {  	[sflag:s7] =	ssyncset.done @p0 $0x0  }
0x112: {  	s5 =	sadd.s32 @p0 $0x2B00, s5;
	[sflag:s7] =	ssyncadd.s32 @p0 $0xFFFFF000;
	s7 =	simm.s32 @p0 $0xB000  }
0x113: {  	[spmem:s3] =	stream.indirect.scatter.add.s16 @p0 [tilespmem:s7], [sflag:$0xF], $0x20, s5, s4, $0xb8;
	[tilespmem:$0x17000] =	vst v63  }
0x114: {  	s4 =	simm.s32 @p0 $0xC  }
0x115: {  	_ =	swait.ge @p0 [sflag:s4], $0x1000  }
0x116: {  	[sflag:s4] =	ssyncset.done @p0 $0x0  }
0x117: {  	s5 =	sadd.s32 @!p0 $0x500, s6;
	[sflag:s4] =	ssyncadd.s32 @p0 $0xFFFFF000;
	s4 =	simm.s32 @!p0 $0x7000  }
0x118: {  	[tilespmem:s4], [sflag:$0x3] =	stream.indirect.gather @!p0 [spmem:s2], $0x20, s5, s9, $0xb8;
	[tilespmem:$0x17000] =	vst v63  }
0x119: {  	s4 =	simm.s32 @!p0 $0x7  }
0x11a: {  	_ =	swait.ge @!p0 [sflag:s4], $0x1000  }
0x11b: {  	[sflag:s4] =	ssyncset.done @!p0 $0x0  }
0x11c: {  	s5 =	sadd.s32 @!p0 $0x2B00, s6;
	[sflag:s4] =	ssyncadd.s32 @!p0 $0xFFFFF000;
	s4 =	simm.s32 @!p0 $0xB000  }
0x11d: {  	[spmem:s3] =	stream.indirect.scatter.add.s16 @!p0 [tilespmem:s4], [sflag:$0xF], $0x20, s5, s9, $0xb8;
	[tilespmem:$0x17000] =	vst v63  }
0x11e: {  	s4 =	simm.s32 @!p0 $0xC  }
0x11f: {  	_ =	swait.ge @!p0 [sflag:s4], $0x1000  }
0x120: {  	[sflag:s4] =	ssyncset.done @!p0 $0x0  }
0x121: {  	s5 =	sadd.s32 @!p0 $0x580, s6;
	[sflag:s4] =	ssyncadd.s32 @!p0 $0xFFFFF000;
	s4 =	simm.s32 @!p0 $0x8000  }
0x122: {  	[tilespmem:s4], [sflag:$0x4] =	stream.indirect.gather @!p0 [spmem:s2], $0x20, s5, s9, $0xb8;
	[tilespmem:$0x17000] =	vst v63  }
0x123: {  	_ =	swait.ge [sflag:s0], $0x1000  }
0x124: {  	[sflag:s0] =	ssyncset.done $0x0  }
0x125: {  	s11 =	simm.s32 $0xD;
	s10 =	sadd.s32 $0x2B80, s8;
	[sflag:s0] =	ssyncadd.s32 $0xFFFFF000  }
0x126: {  	[spmem:s3] =	stream.indirect.scatter.add.s16 [tilespmem:s28], [sflag:$0x10], $0x20, s10, s16, $0xb8;
	[tilespmem:$0x17000] =	vst v63  }
0x127: {  	_ =	swait.ge [sflag:s11], $0x1000  }
0x128: {  	[sflag:s11] =	ssyncset.done $0x0  }
0x129: {  	s12 =	simm.s32 $0xE;
	[sflag:s11] =	ssyncadd.s32 $0xFFFFF000  }
0x12a: {  	_ =	swait.ge [sflag:s12], $0x1000  }
0x12b: {  	[sflag:s12] =	ssyncset.done $0x0  }
0x12c: {  	s13 =	simm.s32 $0xF;
	[sflag:s12] =	ssyncadd.s32 $0xFFFFF000  }
0x12d: {  	_ =	swait.ge [sflag:s13], $0x1000  }
0x12e: {  	[sflag:s13] =	ssyncset.done $0x0  }
0x12f: {  	s14 =	simm.s32 $0x10;
	[sflag:s13] =	ssyncadd.s32 $0xFFFFF000  }
0x130: {  	_ =	swait.ge [sflag:s14], $0x1000  }
0x131: {  	[sflag:s14] =	ssyncset.done $0x0  }
0x132: {  	[sflag:s14] =	ssyncadd.s32 $0xFFFFF000  }
0x133: {  	[bflag:$0x0] =	sbarrier.arrive $0xFFFF  }
0x134: {  	s15 =	rddreg [dreg:$0xa]  }
0x135: {  	s8 =	rddreg [dreg:$0xc]  }
0x136: {  	s6 =	simm.s32 $0x11;
	s9 =	rddreg [dreg:$0xe]  }
0x137: {  	[hbm:s15], [sflag:s8] =	dma.local [spmem:s9], $0xA00  }
0x138: {  	_ =	swait.ge [sflag:s6], $0xA00  }
0x139: {  	s19 =	rddreg [dreg:$0xf]  }
0x13a: {  	s21 =	rddreg [dreg:$0xb];
	s5 =	sadd.s32 $0x1, s19  }
0x13b: {  	p0 =	sne.s32 s5, s21  }
.Ltmp1:
0x13c: {  	_ = 	snop;
	(pc) =	sbr.rel @p0 .LBB2_1-.Ltmp1, $3  }
0x13d: {  	_ =	sdelay $0x1  }
0x13e: {  	[sflag:s6] =	ssyncset.done $0x0  }
0x13f: {  	[sflag:s6] =	ssyncadd.s32 $0xFFFFF600  }
0x140: {  	_ =	sfence.sel $0x180000  }
0x141: {  	[bflag:$0x0] =	sbarrier.arrive $0xFFFF  }
0x142: {  	_ =	strace $0x90000047  }
0x143: {  	s0 =	stileid.u32;
	[bflag:$0x2] =	sbarrier.arrive $0xFFFF  }
0x144: {  	p0 =	sne.s32 s0, $0x0;
	s0 =	rddreg [dreg:$0x3]  }
0x145: {  	s0 =	sadd.s32 @!p0 $0x100000, s0  }
0x146: {  	[sflag:s0] =	ssyncadd.tile.s32 @!p0 $0x1;
	_ =	shalt  }
.Lfunc_end2:
_tile_overlayer_lowered:
.L_overlay_start_2:
0x147: {  	(tag) =	ssettag $0x2  }
0x148: {  	s0 =	rddreg [dreg:$0x0];
	s2 =	stileid.u32  }
0x149: {  	s1 =	rddreg [dreg:$0x1];
	p0 =	sne.s32 s2, $0x0  }
0x14a: {  	s3 =	rddreg [dreg:$0x2];
	[bflag:$0x3] =	sbarrier.arrive $0xFFFF;
	s2 =	simm.s32 @!p0 $0x1C11  }
0x14b: {  	[timem:s3], [sflag:s2] =	dma.local @!p0 [hbm:s0], s1  }
0x14c: {  	s0 =	simm.s32 @!p0 $0x11  }
0x14d: {  	_ =	swait.ge @!p0 [sflag:s0], s1  }
0x14e: {  	s1 =	ssub.s32 @!p0 $0x0, s1;
	[sflag:s0] =	ssyncset.done @!p0 $0x0  }
0x14f: {  	[sflag:s0] =	ssyncadd.s32 @!p0 s1  }
0x150: {  	[bflag:$0x3] =	sbarrier.arrive $0xFFFF  }
0x151: {  	_ =	shalt  }

// kernel: kernel.16.cloned.1.call-start
scs
__scs_entry_jumppad:
0x0: {  	(pc) =	sbr.rel $0x88, $3  }
0x1: {  	(tag) =	ssettag $0x0;
	lr =	simm.s32 $0x1  }
0x2: {  	[smem:$0x3F7E] =	sst lr;
	_ =	strace $0xD0000000  }
0x3: {  	_ = 	snop  }
0x4: {  	_ = 	snop  }
0x5: {  	_ = 	snop  }
0x6: {  	_ = 	snop  }
0x7: {  	_ = 	snop  }
__scs_overlays_trampoline_lowered:
0x8: {  	[smem:$0x3F8D] =	sst s0  }
0x9: {  	[smem:$0x3F8E] =	sst s1  }
0xa: {  	[smem:$0x3F8F] =	sst s2  }
0xb: {  	[smem:$0x3F90] =	sst s3  }
0xc: {  	[smem:$0x3F91] =	sst s4  }
0xd: {  	[smem:$0x3F92] =	sst s5  }
0xe: {  	[smem:$0x3F93] =	sst s6  }
0xf: {  	[smem:$0x3F94] =	sst s7  }
0x10: {  	[smem:$0x3F95] =	sst s8  }
0x11: {  	[smem:$0x3F96] =	sst s9;
	s0 =	simm.s32 @!p0 $0x0  }
0x12: {  	s1 =	sld [smem:$0x3F7C];
	s0 =	simm.s32 @p0 $0x1  }
0x13: {  	[smem:$0x3F97] =	sst s0;
	s0 =	simm.s32 @!p1 $0x0  }
0x14: {  	s2 =	sld [smem:$0x3F7B];
	s0 =	simm.s32 @p1 $0x1  }
0x15: {  	[smem:$0x3F98] =	sst s0;
	s0 =	simm.s32 @!p2 $0x0  }
0x16: {  	s3 =	sld [smem:$0x3FDB];
	s0 =	simm.s32 @p2 $0x1  }
0x17: {  	s4 =	simm.s32 $0x1BF5;
	[smem:$0x3F9A] =	sst s0  }
0x18: {  	s0 =	sld [smem:$0x3F7D];
	_ =	swait.ge [sflag:s4], $0x0  }
0x19: {  	s7 =	sld [smem:$0x3F7E]  }
0x1a: {  	s8 =	sadd.s32 $0xFFFFE003, lr  }
0x1b: {  	s9 =	sadd.s32 $0xFFFFFEF7, lr;
	s5 =	simm.s32 $0xFFFFFFFF;
	p2 =	slt.u32 s8, $0xFFFFF086  }
0x1c: {  	p1 =	slt.u32 s9, $0xF7A;
	s5 =	simm.s32 @!p2 $0x0  }
0x1d: {  	s5 =	simm.s32 @p1 $0x1;
	p0 =	seq.s32 s7, s2  }
0x1e: {  	s7 =	smul.u32 @!p0 $0xF7A, s2;
	p2 =	seq.s32 @!p0 s5, $0x0  }
0x1f: {  	s9 =	smul.u32 $0xF7A, s1;
	s8 =	simm.s32 @!p0 $0x1BF5;
	p2 =	por !p2, p0  }
0x20: {  	[sflag:s8] =	ssyncset.s32 @!p0 $0xFFFFF086;
	s6 =	sadd.s32 @!p0 s3, s7;
	s7 =	simm.s32 @!p0 $0x108  }
0x21: {  	s3 =	sadd.s32 s3, s9;
	s6 =	sadd.s32 @!p0 $0x88, s6;
	s7 =	simm.s32 @p2 $0x1082  }
0x22: {  	[simem:s7], [sflag:s8] =	dma.local @!p0 [hbm:s6], $0xF7A  }
0x23: {  	s9 =	sor.u32 $0xD0000000, s2;
	s6 =	simm.s32 $0x108;
	_ =	swait.ge @!p0 [sflag:s8], $0x0  }
0x24: {  	s3 =	sadd.s32 $0x88, s3;
	s6 =	simm.s32 @!p1 $0x1082;
	[sflag:s4] =	ssyncset.s32 $0xFFFFF086  }
0x25: {  	[simem:s6], [sflag:s4] =	dma.local [hbm:s3], $0xF7A  }
0x26: {  	[smem:$0x3F7E] =	sst s1;
	(tag) =	ssettag s2;
	_ =	strace s9  }
0x27: {  	s1 =	sld [smem:$0x3F8E]  }
0x28: {  	s2 =	sld [smem:$0x3F8F]  }
0x29: {  	s4 =	sld [smem:$0x3F91]  }
0x2a: {  	p0 =	seq.s32 s5, $0x0;
	s5 =	sld [smem:$0x3F92]  }
0x2b: {  	s6 =	sld [smem:$0x3F93]  }
0x2c: {  	s7 =	sld [smem:$0x3F94]  }
0x2d: {  	s3 =	simm.s32 $0x108;
	s8 =	sld [smem:$0x3F95]  }
0x2e: {  	s3 =	simm.s32 @!p0 $0x1082;
	s9 =	sld [smem:$0x3F96]  }
0x2f: {  	lr =	sadd.s32 s0, s3;
	s0 =	sld [smem:$0x3F8D]  }
0x30: {  	s3 =	sld [smem:$0x3F90]  }
0x31: {  	[smem:$0x3F99] =	sst s10  }
0x32: {  	s10 =	sld [smem:$0x3F97];
	_ =	sdelay $0x3  }
0x33: {  	p0 =	seq.s32 s10, $0x1;
	s10 =	sld [smem:$0x3F99];
	_ =	sdelay $0x3  }
0x34: {  	[smem:$0x3F99] =	sst s10  }
0x35: {  	s10 =	sld [smem:$0x3F98];
	_ =	sdelay $0x3  }
0x36: {  	p1 =	seq.s32 s10, $0x1;
	s10 =	sld [smem:$0x3F99];
	_ =	sdelay $0x3  }
0x37: {  	[smem:$0x3F99] =	sst s10  }
0x38: {  	s10 =	sld [smem:$0x3F9A]  }
0x39: {  	_ = 	snop;
	(pc) =	sbr.ind lr, $3  }
0x3a: {  	_ = 	snop  }
0x3b: {  	_ = 	snop  }
0x3c: {  	p2 =	seq.s32 s10, $0x1;
	s10 =	sld [smem:$0x3F99]  }
0x3d: {  	_ =	shalt  }
0x3e: {  	_ =	shalt  }
0x3f: {  	_ =	shalt  }
0x40: {  	_ =	shalt  }
0x41: {  	_ =	shalt  }
0x42: {  	_ =	shalt  }
0x43: {  	_ =	shalt  }
0x44: {  	_ =	shalt  }
0x45: {  	_ =	shalt  }
0x46: {  	_ =	shalt  }
0x47: {  	_ =	shalt  }
0x48: {  	_ =	shalt  }
0x49: {  	_ =	shalt  }
0x4a: {  	_ =	shalt  }
0x4b: {  	_ =	shalt  }
0x4c: {  	_ =	shalt  }
0x4d: {  	_ =	shalt  }
0x4e: {  	_ =	shalt  }
0x4f: {  	_ =	shalt  }
0x50: {  	_ =	shalt  }
0x51: {  	_ =	shalt  }
0x52: {  	_ =	shalt  }
0x53: {  	_ =	shalt  }
0x54: {  	_ =	shalt  }
0x55: {  	_ =	shalt  }
0x56: {  	_ =	shalt  }
0x57: {  	_ =	shalt  }
0x58: {  	_ =	shalt  }
0x59: {  	_ =	shalt  }
0x5a: {  	_ =	shalt  }
0x5b: {  	_ =	shalt  }
0x5c: {  	_ =	shalt  }
0x5d: {  	_ =	shalt  }
0x5e: {  	_ =	shalt  }
0x5f: {  	_ =	shalt  }
0x60: {  	_ =	shalt  }
0x61: {  	_ =	shalt  }
0x62: {  	_ =	shalt  }
0x63: {  	_ =	shalt  }
0x64: {  	_ =	shalt  }
0x65: {  	_ =	shalt  }
0x66: {  	_ =	shalt  }
0x67: {  	_ =	shalt  }
0x68: {  	_ =	shalt  }
0x69: {  	_ =	shalt  }
0x6a: {  	_ =	shalt  }
0x6b: {  	_ =	shalt  }
0x6c: {  	_ =	shalt  }
0x6d: {  	_ =	shalt  }
0x6e: {  	_ =	shalt  }
0x6f: {  	_ =	shalt  }
0x70: {  	_ =	shalt  }
0x71: {  	_ =	shalt  }
0x72: {  	_ =	shalt  }
0x73: {  	_ =	shalt  }
0x74: {  	_ =	shalt  }
0x75: {  	_ =	shalt  }
0x76: {  	_ =	shalt  }
0x77: {  	_ =	shalt  }
0x78: {  	_ =	shalt  }
0x79: {  	_ =	shalt  }
0x7a: {  	_ =	shalt  }
0x7b: {  	_ =	shalt  }
0x7c: {  	_ =	shalt  }
0x7d: {  	_ =	shalt  }
0x7e: {  	_ =	shalt  }
0x7f: {  	_ =	shalt  }
0x80: {  	_ =	shalt  }
0x81: {  	_ =	shalt  }
0x82: {  	_ =	shalt  }
0x83: {  	_ =	shalt  }
0x84: {  	_ =	shalt  }
0x85: {  	_ =	shalt  }
0x86: {  	_ =	shalt  }
0x87: {  	_ =	shalt  }
.Lfunc_end0:
.L_simem_size_0:
called_computation.1_lowered:
.L_overlay_start_0:
0x88: {  	s2 =	sld [smem:$0x3FD9]  }
0x89: {  	s3 =	sld [smem:$0x3FFE];
	_ =	sdelay $0x1  }
0x8a: {  	s1 =	srdreg.scid  }
0x8b: {  	s0 =	sand.u32 $0x1, s1  }
0x8c: {  	s16 =	sshll.u32 s0, $0xA;
	s2 =	sadd.s32 s3, s2  }
0x8d: {  	s2 =	sadd.s32 s2, s16  }
0x8e: {  	[smem:$0x3FA5] =	sst s2  }
0x8f: {  	_ = 	snop  }
0x90: {  	(tm) =	ssettm $0x1  }
0x91: {  	s17 =	sld [smem:$0x3FFB];
	_ =	sdelay $0x3  }
0x92: {  	_ =	strace s17  }
0x93: {  	s2 =	sld [smem:$0x3FFC];
	_ =	sdelay $0x3  }
0x94: {  	_ =	strace s2  }
0x95: {  	s2 =	sld [smem:$0x3FFD];
	_ =	sdelay $0x3  }
0x96: {  	_ =	strace s2  }
0x97: {  	_ =	strace $0x8FFFFFFF  }
0x98: {  	s18 =	sld [smem:$0x3FDB];
	_ =	sdelay $0x1  }
0x99: {  	s19 =	simm.s32 $_scs_section_size  }
0x9a: {  	s4 =	simm.s32 $_size__tile_overlayer_lowered;
	s5 =	simm.s32 $_tile_overlayer_lowered  }
0x9b: {  	s22 =	simm.s32 $0x1BFF;
	s21 =	sshll.u32 s5, $0x1;
	s2 =	sadd.s32 s19, s18  }
0x9c: {  	s6 =	simm.s32 $0x0;
	s20 =	sshll.u32 s4, $0x1;
	s4 =	sadd.s32 s21, s2  }
0x9d: {  	[timem:s6], [sflag:s22] =	dma.local [hbm:s4], s20  }
0x9e: {  	_ =	swait.ge [sflag:s22], s20  }
0x9f: {  	s3 =	ssub.s32 $0x0, s20;
	[sflag:s22] =	ssyncset.done $0x0  }
0xa0: {  	[sflag:s22] =	ssyncadd.s32 s3;
	_ =	sdelay $0x1  }
0xa1: {  	s23 =	simm.s32 $0x1B8B  }
0xa2: {  	_ =	swait.ge [sflag:s23], $0x1  }
0xa3: {  	[sflag:s23] =	ssyncset.done $0x0  }
0xa4: {  	s25 =	simm.s32 $0x1B8E;
	s24 =	sld [smem:$0x3FFE];
	[sflag:s23] =	ssyncadd.s32 $0xFFFFFFFF  }
0xa5: {  	s26 =	simm.s32 $execute0_lowered;
	[smem:$0x3FD2] =	sst s25  }
0xa6: {  	s4 =	sshll.u32 s26, $0x1;
	_ =	strace $0x80000049;
	[dreg:$0x1] =	wrdreg $0xFFFFFFFF  }
0xa7: {  	s28 =	simm.s32 $_size_execute0_lowered;
	s2 =	sadd.s32 s2, s4;
	[dreg:$0x0] =	wrdreg $0x0  }
0xa8: {  	s4 =	sshll.u32 s28, $0x1;
	[dreg:$0x2] =	wrdreg s2  }
0xa9: {  	[dreg:$0x3] =	wrdreg s4  }
0xaa: {  	[dreg:$0x4] =	wrdreg $0xC0  }
0xab: {  	_ =	task [dreg:s6], $0x5FFFF  }
0xac: {  	[dreg:$0x1] =	wrdreg $0xFFFFFFFF  }
0xad: {  	[dreg:$0x0] =	wrdreg $0x60  }
0xae: {  	[dreg:$0x2] =	wrdreg s24  }
0xaf: {  	[dreg:$0x3] =	wrdreg $0xD0000  }
0xb0: {  	[dreg:$0x4] =	wrdreg $0x120000  }
0xb1: {  	[dreg:$0x5] =	wrdreg $0x9  }
0xb2: {  	_ =	task.clear_ibuf [dreg:s6], $0x6FFFF;
	_ =	strace $0x90000049  }
0xb3: {  	s29 =	simm.s32 $0x9;
	_ =	strace $0x8000004B  }
0xb4: {  	_ =	swait.ge [sflag:s29], $0x1  }
0xb5: {  	[sflag:s29] =	ssyncadd.s32 $0xFFFFFFFF  }
0xb6: {  	_ =	strace $0x9000004B  }
0xb7: {  	_ =	sfence  }
0xb8: {  	s30 =	sld [smem:$0x0];
	_ =	sdelay $0x2  }
0xb9: {  	s31 =	sshll.u32 s1, $0xD;
	s1 =	sshrl.u32 s1, $0x2  }
0xba: {  	s3 =	sand.u32 $0x4000, s31;
	s1 =	sadd.s32 s1, s30  }
0xbb: {  	s0 =	sor.u32 s3, s0;
	s1 =	sshll.u32 s1, $0x11  }
0xbc: {  	s0 =	sor.u32 s1, s0  }
0xbd: {  	s0 =	sadd.s32 $0x8F2B, s0  }
0xbe: {  	[sflag:s0] =	ssyncadd.remote.s32 $0x1  }
0xbf: {  	_ =	sfence.sel $0xFFFF  }
0xc0: {  	[dreg:$0x0] =	wrdreg $0xFFFFFFFF;
	(pc) =	sbr.abs _section_cstart, $3  }
0xc1: {  	[dreg:$0x1] =	wrdreg $0xFFFFFFFF  }
0xc2: {  	_ =	task.clear_ibuf [dreg:s6], $0x2FFFF;
	_ =	strace $0x9FFFFFFF  }
0xc3: {  	(tm) =	ssettm $0x7FFFFFFF  }
tec
execute0_lowered:
.L_overlay_start_1:
0x0: {  	(tag) =	ssettag $0x1  }
0x1: {  	s1 =	rddreg [dreg:$0x0]  }
0x2: {  	s0 =	srdreg.scid;
	s2 =	rddreg [dreg:$0x1]  }
0x3: {  	s9 =	stileid.u32;
	s3 =	rddreg [dreg:$0x2];
	s6 =	simm.s32 $0x0  }
0x4: {  	s16 =	simm.s32 $0x80;
	s17 =	simm.s32 $0x5000;
	s25 =	simm.s32 $0x9000  }
0x5: {  	s26 =	simm.s32 $0xB000;
	s28 =	simm.s32 $0xC000;
	s29 =	simm.s32 $0x4  }
0x6: {  	s30 =	simm.s32 $0x9;
	s31 =	simm.s32 $0x6;
	s0 =	sand.u32 $0x1, s0  }
0x7: {  	s5 =	smul.u32 $0xA000, s9;
	[smem:$0x7FF] =	sst s6;
	s10 =	sadd.s32 $0xEA00, s1  }
0x8: {  	s18 =	smul.u32 $0xA00, s9;
	_ =	strace $0x8000004A;
	[dreg:$0x6] =	wrdreg s10  }
0x9: {  	s23 =	sshll.u32 s9, $0x6;
	s4 =	sshll.u32 s0, $0x4;
	[dreg:$0x4] =	wrdreg s25  }
0xa: {  	s8 =	smul.u32 $0xA000, s0;
	s0 =	ssub.s32 $0x2, s0;
	[dreg:$0x5] =	wrdreg s26  }
0xb: {  	s25 =	simm.s32 $0x2;
	s26 =	simm.s32 $0x3;
	s4 =	sor.u32 s9, s4  }
0xc: {  	s7 =	sshrl.u32 s5, $0x4;
	s19 =	sshrl.u32 s0, $0x1;
	s5 =	sshrl.u32 s5, $0x1  }
0xd: {  	s4 =	smul.u32 $0x500, s4;
	s7 =	sadd.s32 s7, s1;
	s6 =	sadd.s32 s18, s8  }
0xe: {  	s0 =	ssub.s32 s0, s19;
	s21 =	sadd.s32 s5, s2;
	s5 =	sadd.s32 s5, s3  }
0xf: {  	s8 =	sor.u32 $0x1C11, s23;
	s18 =	simm.s32 $0x6000;
	s23 =	simm.s32 $0x1  }
0x10: {  	s22 =	sadd.s32 $0x4A00, s7;
	s0 =	smax.u32 s0, $0x1;
	[dreg:$0xc] =	wrdreg s8  }
0x11: {  	s24 =	sshrl.u32 s21, $0x3;
	s9 =	sshrl.u32 s5, $0x3;
	[dreg:$0x9] =	wrdreg s22  }
0x12: {  	s5 =	simm.s32 $0x0;
	s4 =	sadd.s32 s4, s1;
	[dreg:$0xb] =	wrdreg s0  }
0x13: {  	s1 =	sadd.s32 s6, s1;
	s6 =	simm.s32 $0x11;
	[dreg:$0xd] =	wrdreg s24  }
0x14: {  	s22 =	simm.s32 $0x8000;
	[dreg:$0xe] =	wrdreg s9;
	s20 =	sadd.s32 $0x19400, s4  }
0x15: {  	s24 =	simm.s32 $0xA000;
	s4 =	sadd.s32 $0xF400, s4;
	[dreg:$0x7] =	wrdreg s20  }
0x16: {  	s0 =	simm.s32 $0x8;
	s1 =	sadd.s32 $0x23400, s1;
	[dreg:$0x8] =	wrdreg s4  }
0x17: {  	[dreg:$0xa] =	wrdreg s1;
	s20 =	simm.s32 $0x7000;
	s1 =	simm.s32 $0xB  }
.LBB2_1:
0x18: {  	[dreg:$0xf] =	wrdreg s5  }
0x19: {  	s4 =	simm.s32 $0x0;
	s12 =	rddreg [dreg:$0x7]  }
0x1a: {  	[tilespmem:s4], [sflag:$0x11] =	stream.linear.gather [hbm4b:s12+s4], $0x2800, $0x38;
	[tilespmem:$0x17000] =	vst v63  }
0x1b: {  	_ =	swait.ge [sflag:s6], $0x2800  }
0x1c: {  	[sflag:s6] =	ssyncset.done $0x0  }
0x1d: {  	s7 =	simm.s32 $0x2800;
	s13 =	rddreg [dreg:$0x8];
	[sflag:s6] =	ssyncadd.s32 $0xFFFFD800  }
0x1e: {  	[tilespmem:s7], [sflag:$0x11] =	stream.linear.gather [hbm4b:s13+s4], $0x2800, $0x38;
	[tilespmem:$0x17000] =	vst v63  }
0x1f: {  	_ =	swait.ge [sflag:s6], $0x2800  }
0x20: {  	[sflag:s6] =	ssyncset.done $0x0;
	s14 =	rddreg [dreg:$0x9]  }
0x21: {  	s15 =	rddreg [dreg:$0xd];
	[sflag:s6] =	ssyncadd.s32 $0xFFFFD800  }
0x22: {  	[spmem:s15], [sflag:s8] =	dma.local [hbm:s14], $0xA00  }
0x23: {  	_ =	swait.ge [sflag:s6], $0xA00  }
0x24: {  	[sflag:s6] =	ssyncset.done $0x0  }
0x25: {  	s19 =	rddreg [dreg:$0x6];
	[sflag:s6] =	ssyncadd.s32 $0xFFFFF600  }
0x26: {  	[spmem:s9], [sflag:s8] =	dma.local [hbm:s19], $0xA00  }
0x27: {  	_ =	swait.ge [sflag:s6], $0xA00  }
0x28: {  	[sflag:s6] =	ssyncset.done $0x0  }
0x29: {  	[sflag:s6] =	ssyncadd.s32 $0xFFFFF600  }
0x2a: {  	[bflag:$0x0] =	sbarrier.arrive $0xFFFF  }
0x2b: {  	[tilespmem:s17], [sflag:$0x1] =	stream.indirect.gather [spmem:s2], $0x20, s4, s16, $0xb8;
	[tilespmem:$0x17000] =	vst v63  }
0x2c: {  	_ = 	snop  }
0x2d: {  	[tilespmem:s18], [sflag:$0x2] =	stream.indirect.gather [spmem:s2], $0x20, s16, s16, $0xb8;
	[tilespmem:$0x17000] =	vst v63  }
0x2e: {  	s21 =	simm.s32 $0x100;
	p0 =	por $0x1, $0x1  }
0x2f: {  	[tilespmem:s20], [sflag:$0x3] =	stream.indirect.gather [spmem:s2], $0x20, s21, s16, $0xb8;
	[tilespmem:$0x17000] =	vst v63  }
0x30: {  	s5 =	simm.s32 $0x180;
	s4 =	simm.s32 @!p0 $0xD  }
0x31: {  	[tilespmem:s22], [sflag:$0x4] =	stream.indirect.gather [spmem:s2], $0x20, s5, s16, $0xb8;
	[tilespmem:$0x17000] =	vst v63  }
0x32: {  	_ =	swait.ge @!p0 [sflag:s4], $0x1000  }
0x33: {  	[sflag:s4] =	ssyncset.done @!p0 $0x0  }
0x34: {  	s8 =	simm.s32 $0x200;
	s6 =	rddreg [dreg:$0x4];
	[sflag:s4] =	ssyncadd.s32 @!p0 $0xFFFFF000  }
0x35: {  	[tilespmem:s6], [sflag:$0x5] =	stream.indirect.gather [spmem:s2], $0x20, s8, s16, $0xb8;
	[tilespmem:$0x17000] =	vst v63  }
0x36: {  	_ =	swait.ge [sflag:s23], $0x1000  }
0x37: {  	[sflag:s23] =	ssyncset.done $0x0  }
0x38: {  	s7 =	simm.s32 @!p0 $0xE;
	s9 =	simm.s32 $0x2800;
	[sflag:s23] =	ssyncadd.s32 $0xFFFFF000  }
0x39: {  	[spmem:s3] =	stream.indirect.scatter.add.s16 [tilespmem:s17], [sflag:$0x9], $0x20, s9, s16, $0xb8;
	[tilespmem:$0x17000] =	vst v63  }
0x3a: {  	_ =	swait.ge @!p0 [sflag:s7], $0x1000  }
0x3b: {  	[sflag:s7] =	ssyncset.done @!p0 $0x0  }
0x3c: {  	s10 =	simm.s32 $0x280;
	[sflag:s7] =	ssyncadd.s32 @!p0 $0xFFFFF000  }
0x3d: {  	[tilespmem:s24], [sflag:$0x6] =	stream.indirect.gather [spmem:s2], $0x20, s10, s16, $0xb8;
	[tilespmem:$0x17000] =	vst v63  }
0x3e: {  	_ =	swait.ge [sflag:s25], $0x1000  }
0x3f: {  	[sflag:s25] =	ssyncset.done $0x0  }
0x40: {  	s11 =	simm.s32 $0x2880;
	s7 =	simm.s32 @!p0 $0xF;
	[sflag:s25] =	ssyncadd.s32 $0xFFFFF000  }
0x41: {  	[spmem:s3] =	stream.indirect.scatter.add.s16 [tilespmem:s18], [sflag:$0xA], $0x20, s11, s16, $0xb8;
	[tilespmem:$0x17000] =	vst v63  }
0x42: {  	_ =	swait.ge @!p0 [sflag:s7], $0x1000  }
0x43: {  	[sflag:s7] =	ssyncset.done @!p0 $0x0  }
0x44: {  	s13 =	simm.s32 $0x300;
	s12 =	rddreg [dreg:$0x5];
	[sflag:s7] =	ssyncadd.s32 @!p0 $0xFFFFF000  }
0x45: {  	[tilespmem:s12], [sflag:$0x7] =	stream.indirect.gather [spmem:s2], $0x20, s13, s16, $0xb8;
	[tilespmem:$0x17000] =	vst v63  }
0x46: {  	_ =	swait.ge [sflag:s26], $0x1000  }
0x47: {  	[sflag:s26] =	ssyncset.done $0x0  }
0x48: {  	s14 =	simm.s32 $0x2900;
	s7 =	simm.s32 @!p0 $0x10;
	[sflag:s26] =	ssyncadd.s32 $0xFFFFF000  }
0x49: {  	[spmem:s3] =	stream.indirect.scatter.add.s16 [tilespmem:s20], [sflag:$0xB], $0x20, s14, s16, $0xb8;
	[tilespmem:$0x17000] =	vst v63  }
0x4a: {  	_ =	swait.ge @!p0 [sflag:s7], $0x1000  }
0x4b: {  	[sflag:s7] =	ssyncset.done @!p0 $0x0  }
0x4c: {  	s15 =	simm.s32 $0x380;
	[sflag:s7] =	ssyncadd.s32 @!p0 $0xFFFFF000  }
0x4d: {  	[tilespmem:s28], [sflag:$0x8] =	stream.indirect.gather [spmem:s2], $0x20, s15, s16, $0xb8;
	[tilespmem:$0x17000] =	vst v63  }
0x4e: {  	_ =	swait.ge [sflag:s29], $0x1000  }
0x4f: {  	[sflag:s29] =	ssyncset.done $0x0  }
0x50: {  	s19 =	simm.s32 $0x2980;
	[sflag:s29] =	ssyncadd.s32 $0xFFFFF000  }
0x51: {  	[spmem:s3] =	stream.indirect.scatter.add.s16 [tilespmem:s22], [sflag:$0xC], $0x20, s19, s16, $0xb8;
	[tilespmem:$0x17000] =	vst v63  }
0x52: {  	_ =	swait.ge [sflag:s30], $0x1000  }
0x53: {  	p0 =	por $0x0, $0x0;
	[sflag:s30] =	ssyncset.done $0x0  }
0x54: {  	s4 =	simm.s32 @p0 $0x5;
	[sflag:s30] =	ssyncadd.s32 $0xFFFFF000  }
0x55: {  	_ =	swait.ge @p0 [sflag:s4], $0x1000  }
0x56: {  	s7 =	simm.s32 @p0 $0x2A00;
	s8 =	simm.s32 @p0 $0xA;
	[sflag:s4] =	ssyncset.done @p0 $0x0  }
0x57: {  	s9 =	simm.s32 @p0 $0x9000;
	[sflag:s4] =	ssyncadd.s32 @p0 $0xFFFFF000;
	s4 =	simm.s32 @p0 $0x80  }
0x58: {  	[spmem:s3] =	stream.indirect.scatter.add.s16 @p0 [tilespmem:s9], [sflag:$0xD], $0x20, s7, s4, $0xb8;
	[tilespmem:$0x17000] =	vst v63  }
0x59: {  	_ =	swait.ge @p0 [sflag:s8], $0x1000  }
0x5a: {  	s7 =	simm.s32 @!p0 $0x400;
	[sflag:s8] =	ssyncset.done @p0 $0x0  }
0x5b: {  	s9 =	simm.s32 @!p0 $0x5000;
	[sflag:s8] =	ssyncadd.s32 @p0 $0xFFFFF000;
	s8 =	simm.s32 @!p0 $0x80  }
0x5c: {  	[tilespmem:s9], [sflag:$0x1] =	stream.indirect.gather @!p0 [spmem:s2], $0x20, s7, s8, $0xb8;
	[tilespmem:$0x17000] =	vst v63  }
0x5d: {  	s7 =	simm.s32 @!p0 $0x5  }
0x5e: {  	_ =	swait.ge @!p0 [sflag:s7], $0x1000  }
0x5f: {  	[sflag:s7] =	ssyncset.done @!p0 $0x0  }
0x60: {  	s9 =	simm.s32 @!p0 $0x2A00;
	[sflag:s7] =	ssyncadd.s32 @!p0 $0xFFFFF000;
	s7 =	simm.s32 @!p0 $0x9000  }
0x61: {  	[spmem:s3] =	stream.indirect.scatter.add.s16 @!p0 [tilespmem:s7], [sflag:$0xD], $0x20, s9, s8, $0xb8;
	[tilespmem:$0x17000] =	vst v63  }
0x62: {  	s7 =	simm.s32 @!p0 $0xA  }
0x63: {  	_ =	swait.ge @!p0 [sflag:s7], $0x1000  }
0x64: {  	[sflag:s7] =	ssyncset.done @!p0 $0x0  }
0x65: {  	s9 =	simm.s32 @!p0 $0x480;
	[sflag:s7] =	ssyncadd.s32 @!p0 $0xFFFFF000;
	s7 =	simm.s32 @!p0 $0x6000  }
0x66: {  	[tilespmem:s7], [sflag:$0x2] =	stream.indirect.gather @!p0 [spmem:s2], $0x20, s9, s8, $0xb8;
	[tilespmem:$0x17000] =	vst v63  }
0x67: {  	_ =	swait.ge [sflag:s31], $0x1000  }
0x68: {  	[sflag:s31] =	ssyncset.done $0x0  }
0x69: {  	s21 =	simm.s32 $0x2A80;
	[sflag:s31] =	ssyncadd.s32 $0xFFFFF000  }
0x6a: {  	[spmem:s3] =	stream.indirect.scatter.add.s16 [tilespmem:s24], [sflag:$0xE], $0x20, s21, s16, $0xb8;
	[tilespmem:$0x17000] =	vst v63  }
0x6b: {  	_ =	swait.ge [sflag:s1], $0x1000  }
0x6c: {  	[sflag:s1] =	ssyncset.done $0x0  }
0x6d: {  	s7 =	simm.s32 @p0 $0x7;
	[sflag:s1] =	ssyncadd.s32 $0xFFFFF000  }
0x6e: {  	_ =	swait.ge @p0 [sflag:s7], $0x1000  }
0x6f: {  	[sflag:s7] =	ssyncset.done @p0 $0x0  }
0x70: {  	s9 =	simm.s32 @p0 $0x2B00;
	[sflag:s7] =	ssyncadd.s32 @p0 $0xFFFFF000;
	s7 =	simm.s32 @p0 $0xB000  }
0x71: {  	[spmem:s3] =	stream.indirect.scatter.add.s16 @p0 [tilespmem:s7], [sflag:$0xF], $0x20, s9, s4, $0xb8;
	[tilespmem:$0x17000] =	vst v63  }
0x72: {  	s4 =	simm.s32 @p0 $0xC  }
0x73: {  	_ =	swait.ge @p0 [sflag:s4], $0x1000  }
0x74: {  	[sflag:s4] =	ssyncset.done @p0 $0x0  }
0x75: {  	s7 =	simm.s32 @!p0 $0x500;
	[sflag:s4] =	ssyncadd.s32 @p0 $0xFFFFF000;
	s4 =	simm.s32 @!p0 $0x7000  }
0x76: {  	[tilespmem:s4], [sflag:$0x3] =	stream.indirect.gather @!p0 [spmem:s2], $0x20, s7, s8, $0xb8;
	[tilespmem:$0x17000] =	vst v63  }
0x77: {  	s4 =	simm.s32 @!p0 $0x7  }
0x78: {  	_ =	swait.ge @!p0 [sflag:s4], $0x1000  }
0x79: {  	[sflag:s4] =	ssyncset.done @!p0 $0x0  }
0x7a: {  	s7 =	simm.s32 @!p0 $0x2B00;
	[sflag:s4] =	ssyncadd.s32 @!p0 $0xFFFFF000;
	s4 =	simm.s32 @!p0 $0xB000  }
0x7b: {  	[spmem:s3] =	stream.indirect.scatter.add.s16 @!p0 [tilespmem:s4], [sflag:$0xF], $0x20, s7, s8, $0xb8;
	[tilespmem:$0x17000] =	vst v63  }
0x7c: {  	s4 =	simm.s32 @!p0 $0xC  }
0x7d: {  	_ =	swait.ge @!p0 [sflag:s4], $0x1000  }
0x7e: {  	[sflag:s4] =	ssyncset.done @!p0 $0x0  }
0x7f: {  	s7 =	simm.s32 @!p0 $0x580;
	[sflag:s4] =	ssyncadd.s32 @!p0 $0xFFFFF000;
	s4 =	simm.s32 @!p0 $0x8000  }
0x80: {  	[tilespmem:s4], [sflag:$0x4] =	stream.indirect.gather @!p0 [spmem:s2], $0x20, s7, s8, $0xb8;
	[tilespmem:$0x17000] =	vst v63  }
0x81: {  	p1 =	por $0x0, $0x0;
	s7 =	simm.s32 $0x1000;
	_ =	swait.ge [sflag:s0], $0x1000  }
0x82: {  	s8 =	simm.s32 $0x2000;
	s4 =	simm.s32 $0x2B80;
	[sflag:s0] =	ssyncset.done $0x0  }
.LBB2_2:
0x83: {  	s9 =	simm.s32 @!p1 $0xD;
	[sflag:s0] =	ssyncadd.s32 $0xFFFFF000  }
0x84: {  	[spmem:s3] =	stream.indirect.scatter.add.s16 [tilespmem:s28], [sflag:$0x10], $0x20, s4, s16, $0xb8;
	[tilespmem:$0x17000] =	vst v63  }
0x85: {  	_ =	swait.ge @!p1 [sflag:s9], $0x1000  }
0x86: {  	[sflag:s9] =	ssyncset.done @!p1 $0x0  }
0x87: {  	[sflag:s9] =	ssyncadd.s32 @!p1 $0xFFFFF000;
	s9 =	sshra.s32 s7, $0x2  }
0x88: {  	s19 =	rddreg [dreg:$0x4];
	s12 =	sadd.s32 $0x200, s9  }
0x89: {  	[tilespmem:s19], [sflag:$0x5] =	stream.indirect.gather [spmem:s2], $0x20, s12, s16, $0xb8;
	[tilespmem:$0x17000] =	vst v63  }
0x8a: {  	_ =	swait.ge [sflag:s23], $0x1000  }
0x8b: {  	[sflag:s23] =	ssyncset.done $0x0  }
0x8c: {  	s21 =	sadd.s32 $0x2800, s9;
	s12 =	simm.s32 @!p1 $0xE;
	[sflag:s23] =	ssyncadd.s32 $0xFFFFF000  }
0x8d: {  	[spmem:s3] =	stream.indirect.scatter.add.s16 [tilespmem:s17], [sflag:$0x9], $0x20, s21, s16, $0xb8;
	[tilespmem:$0x17000] =	vst v63  }
0x8e: {  	_ =	swait.ge @!p1 [sflag:s12], $0x1000  }
0x8f: {  	[sflag:s12] =	ssyncset.done @!p1 $0x0  }
0x90: {  	s5 =	sadd.s32 $0x280, s9;
	[sflag:s12] =	ssyncadd.s32 @!p1 $0xFFFFF000  }
0x91: {  	[tilespmem:s24], [sflag:$0x6] =	stream.indirect.gather [spmem:s2], $0x20, s5, s16, $0xb8;
	[tilespmem:$0x17000] =	vst v63  }
0x92: {  	_ =	swait.ge [sflag:s25], $0x1000  }
0x93: {  	[sflag:s25] =	ssyncset.done $0x0  }
0x94: {  	s6 =	sadd.s32 $0x2880, s9;
	s12 =	simm.s32 @!p1 $0xF;
	[sflag:s25] =	ssyncadd.s32 $0xFFFFF000  }
0x95: {  	[spmem:s3] =	stream.indirect.scatter.add.s16 [tilespmem:s18], [sflag:$0xA], $0x20, s6, s16, $0xb8;
	[tilespmem:$0x17000] =	vst v63  }
0x96: {  	_ =	swait.ge @!p1 [sflag:s12], $0x1000  }
0x97: {  	[sflag:s12] =	ssyncset.done @!p1 $0x0  }
0x98: {  	s13 =	sadd.s32 $0x300, s9;
	s11 =	rddreg [dreg:$0x5];
	[sflag:s12] =	ssyncadd.s32 @!p1 $0xFFFFF000  }
0x99: {  	[tilespmem:s11], [sflag:$0x7] =	stream.indirect.gather [spmem:s2], $0x20, s13, s16, $0xb8;
	[tilespmem:$0x17000] =	vst v63  }
0x9a: {  	_ =	swait.ge [sflag:s26], $0x1000  }
0x9b: {  	[sflag:s26] =	ssyncset.done $0x0  }
0x9c: {  	s14 =	sadd.s32 $0x2900, s9;
	s12 =	simm.s32 @!p1 $0x10;
	[sflag:s26] =	ssyncadd.s32 $0xFFFFF000  }
0x9d: {  	[spmem:s3] =	stream.indirect.scatter.add.s16 [tilespmem:s20], [sflag:$0xB], $0x20, s14, s16, $0xb8;
	[tilespmem:$0x17000] =	vst v63  }
0x9e: {  	_ =	swait.ge @!p1 [sflag:s12], $0x1000  }
0x9f: {  	[sflag:s12] =	ssyncset.done @!p1 $0x0  }
0xa0: {  	s15 =	sadd.s32 $0x380, s9;
	[sflag:s12] =	ssyncadd.s32 @!p1 $0xFFFFF000  }
0xa1: {  	[tilespmem:s28], [sflag:$0x8] =	stream.indirect.gather [spmem:s2], $0x20, s15, s16, $0xb8;
	[tilespmem:$0x17000] =	vst v63  }
0xa2: {  	_ =	swait.ge [sflag:s29], $0x1000  }
0xa3: {  	[sflag:s29] =	ssyncset.done $0x0  }
0xa4: {  	s19 =	sadd.s32 $0x2980, s9;
	[sflag:s29] =	ssyncadd.s32 $0xFFFFF000  }
0xa5: {  	[spmem:s3] =	stream.indirect.scatter.add.s16 [tilespmem:s22], [sflag:$0xC], $0x20, s19, s16, $0xb8;
	[tilespmem:$0x17000] =	vst v63  }
0xa6: {  	_ =	swait.ge [sflag:s30], $0x1000  }
0xa7: {  	s10 =	smov.u32 s8;
	p1 =	seq.s32 s7, $0x9000;
	[sflag:s30] =	ssyncset.done $0x0  }
0xa8: {  	s4 =	simm.s32 @p1 $0x5;
	s14 =	sshra.s32 @p1 s7, $0x2;
	[sflag:s30] =	ssyncadd.s32 $0xFFFFF000  }
0xa9: {  	s7 =	sshra.s32 @!p1 s7, $0x2;
	s21 =	simm.s32 @p1 $0xA;
	_ =	swait.ge @p1 [sflag:s4], $0x1000  }
0xaa: {  	s12 =	simm.s32 @p1 $0x80;
	s6 =	simm.s32 @!p1 $0x5;
	[sflag:s4] =	ssyncset.done @p1 $0x0  }
0xab: {  	s19 =	sadd.s32 @p1 $0x2A00, s14;
	[sflag:s4] =	ssyncadd.s32 @p1 $0xFFFFF000;
	s4 =	simm.s32 @p1 $0x9000  }
0xac: {  	[spmem:s3] =	stream.indirect.scatter.add.s16 @p1 [tilespmem:s4], [sflag:$0xD], $0x20, s19, s12, $0xb8;
	[tilespmem:$0x17000] =	vst v63  }
0xad: {  	s5 =	sadd.s32 @!p1 $0x400, s7;
	s15 =	sadd.s32 @!p1 $0x2A00, s7;
	_ =	swait.ge @p1 [sflag:s21], $0x1000  }
0xae: {  	s13 =	sadd.s32 @!p1 $0x480, s7;
	s11 =	sadd.s32 @p1 $0x2B00, s14;
	[sflag:s21] =	ssyncset.done @p1 $0x0  }
0xaf: {  	s14 =	simm.s32 @!p1 $0x80;
	s4 =	simm.s32 @!p1 $0x5000;
	[sflag:s21] =	ssyncadd.s32 @p1 $0xFFFFF000  }
0xb0: {  	[tilespmem:s4], [sflag:$0x1] =	stream.indirect.gather @!p1 [spmem:s2], $0x20, s5, s14, $0xb8;
	[tilespmem:$0x17000] =	vst v63  }
0xb1: {  	s19 =	sadd.s32 @!p1 $0x2B00, s7;
	s5 =	sadd.s32 @!p1 $0x500, s7;
	_ =	swait.ge @!p1 [sflag:s6], $0x1000  }
0xb2: {  	s4 =	sadd.s32 @!p1 $0x580, s7;
	s7 =	smov.u32 s10;
	[sflag:s6] =	ssyncset.done @!p1 $0x0  }
0xb3: {  	s10 =	simm.s32 @!p1 $0xA;
	[sflag:s6] =	ssyncadd.s32 @!p1 $0xFFFFF000;
	s6 =	simm.s32 @!p1 $0x9000  }
0xb4: {  	[spmem:s3] =	stream.indirect.scatter.add.s16 @!p1 [tilespmem:s6], [sflag:$0xD], $0x20, s15, s14, $0xb8;
	[tilespmem:$0x17000] =	vst v63  }
0xb5: {  	_ =	swait.ge @!p1 [sflag:s10], $0x1000  }
0xb6: {  	[sflag:s10] =	ssyncset.done @!p1 $0x0  }
0xb7: {  	s6 =	simm.s32 @!p1 $0x6000;
	[sflag:s10] =	ssyncadd.s32 @!p1 $0xFFFFF000  }
0xb8: {  	[tilespmem:s6], [sflag:$0x2] =	stream.indirect.gather @!p1 [spmem:s2], $0x20, s13, s14, $0xb8;
	[tilespmem:$0x17000] =	vst v63  }
0xb9: {  	_ =	swait.ge [sflag:s31], $0x1000  }
0xba: {  	[sflag:s31] =	ssyncset.done $0x0  }
0xbb: {  	s21 =	sadd.s32 $0x2A80, s9;
	[sflag:s31] =	ssyncadd.s32 $0xFFFFF000  }
0xbc: {  	[spmem:s3] =	stream.indirect.scatter.add.s16 [tilespmem:s24], [sflag:$0xE], $0x20, s21, s16, $0xb8;
	[tilespmem:$0x17000] =	vst v63  }
0xbd: {  	_ =	swait.ge [sflag:s1], $0x1000  }
0xbe: {  	[sflag:s1] =	ssyncset.done $0x0  }
0xbf: {  	s6 =	simm.s32 @p1 $0x7;
	[sflag:s1] =	ssyncadd.s32 $0xFFFFF000  }
0xc0: {  	_ =	swait.ge @p1 [sflag:s6], $0x1000  }
0xc1: {  	[sflag:s6] =	ssyncset.done @p1 $0x0  }
0xc2: {  	s10 =	simm.s32 @p1 $0xC;
	[sflag:s6] =	ssyncadd.s32 @p1 $0xFFFFF000;
	s6 =	simm.s32 @p1 $0xB000  }
0xc3: {  	[spmem:s3] =	stream.indirect.scatter.add.s16 @p1 [tilespmem:s6], [sflag:$0xF], $0x20, s11, s12, $0xb8;
	[tilespmem:$0x17000] =	vst v63  }
0xc4: {  	_ =	swait.ge @p1 [sflag:s10], $0x1000  }
0xc5: {  	[sflag:s10] =	ssyncset.done @p1 $0x0  }
0xc6: {  	s6 =	simm.s32 @!p1 $0x7000;
	[sflag:s10] =	ssyncadd.s32 @p1 $0xFFFFF000;
	s10 =	simm.s32 @!p1 $0x7  }
0xc7: {  	[tilespmem:s6], [sflag:$0x3] =	stream.indirect.gather @!p1 [spmem:s2], $0x20, s5, s14, $0xb8;
	[tilespmem:$0x17000] =	vst v63  }
0xc8: {  	_ =	swait.ge @!p1 [sflag:s10], $0x1000  }
0xc9: {  	s8 =	sadd.s32 $0x1000, s8;
	[sflag:s10] =	ssyncset.done @!p1 $0x0  }
0xca: {  	s5 =	simm.s32 @!p1 $0xB000;
	s6 =	simm.s32 @!p1 $0xC;
	[sflag:s10] =	ssyncadd.s32 @!p1 $0xFFFFF000  }
0xcb: {  	[spmem:s3] =	stream.indirect.scatter.add.s16 @!p1 [tilespmem:s5], [sflag:$0xF], $0x20, s19, s14, $0xb8;
	[tilespmem:$0x17000] =	vst v63  }
0xcc: {  	p0 =	sne.s32 s8, $0xA000;
	_ =	swait.ge @!p1 [sflag:s6], $0x1000  }
.Ltmp0:
0xcd: {  	[sflag:s6] =	ssyncset.done @!p1 $0x0;
	(pc) =	sbr.rel @p0 .LBB2_2-.Ltmp0, $4  }
0xce: {  	s5 =	simm.s32 @!p1 $0x8000;
	[sflag:s6] =	ssyncadd.s32 @!p1 $0xFFFFF000  }
0xcf: {  	[tilespmem:s5], [sflag:$0x4] =	stream.indirect.gather @!p1 [spmem:s2], $0x20, s4, s14, $0xb8;
	[tilespmem:$0x17000] =	vst v63  }
0xd0: {  	_ =	swait.ge [sflag:s0], $0x1000  }
0xd1: {  	p1 =	seq.s32 s7, $0x0;
	s4 =	sadd.s32 $0x2B80, s9;
	[sflag:s0] =	ssyncset.done $0x0  }
0xd2: {  	s5 =	simm.s32 @!p1 $0xD;
	[sflag:s0] =	ssyncadd.s32 $0xFFFFF000  }
0xd3: {  	[spmem:s3] =	stream.indirect.scatter.add.s16 [tilespmem:s28], [sflag:$0x10], $0x20, s4, s16, $0xb8;
	[tilespmem:$0x17000] =	vst v63  }
0xd4: {  	_ =	swait.ge @!p1 [sflag:s5], $0x1000  }
0xd5: {  	s8 =	sshra.s32 s7, $0x2;
	[sflag:s5] =	ssyncset.done @!p1 $0x0  }
0xd6: {  	s6 =	sadd.s32 $0x200, s8;
	s21 =	rddreg [dreg:$0x4];
	[sflag:s5] =	ssyncadd.s32 @!p1 $0xFFFFF000  }
0xd7: {  	[tilespmem:s21], [sflag:$0x5] =	stream.indirect.gather [spmem:s2], $0x20, s6, s16, $0xb8;
	[tilespmem:$0x17000] =	vst v63  }
0xd8: {  	_ =	swait.ge [sflag:s23], $0x1000  }
0xd9: {  	[sflag:s23] =	ssyncset.done $0x0  }
0xda: {  	s9 =	sadd.s32 $0x2800, s8;
	s5 =	simm.s32 @!p1 $0xE;
	[sflag:s23] =	ssyncadd.s32 $0xFFFFF000  }
0xdb: {  	[spmem:s3] =	stream.indirect.scatter.add.s16 [tilespmem:s17], [sflag:$0x9], $0x20, s9, s16, $0xb8;
	[tilespmem:$0x17000] =	vst v63  }
0xdc: {  	_ =	swait.ge @!p1 [sflag:s5], $0x1000  }
0xdd: {  	[sflag:s5] =	ssyncset.done @!p1 $0x0  }
0xde: {  	s10 =	sadd.s32 $0x280, s8;
	[sflag:s5] =	ssyncadd.s32 @!p1 $0xFFFFF000  }
0xdf: {  	[tilespmem:s24], [sflag:$0x6] =	stream.indirect.gather [spmem:s2], $0x20, s10, s16, $0xb8;
	[tilespmem:$0x17000] =	vst v63  }
0xe0: {  	_ =	swait.ge [sflag:s25], $0x1000  }
0xe1: {  	[sflag:s25] =	ssyncset.done $0x0  }
0xe2: {  	s11 =	sadd.s32 $0x2880, s8;
	s5 =	simm.s32 @!p1 $0xF;
	[sflag:s25] =	ssyncadd.s32 $0xFFFFF000  }
0xe3: {  	[spmem:s3] =	stream.indirect.scatter.add.s16 [tilespmem:s18], [sflag:$0xA], $0x20, s11, s16, $0xb8;
	[tilespmem:$0x17000] =	vst v63  }
0xe4: {  	_ =	swait.ge @!p1 [sflag:s5], $0x1000  }
0xe5: {  	[sflag:s5] =	ssyncset.done @!p1 $0x0  }
0xe6: {  	s13 =	sadd.s32 $0x300, s8;
	s12 =	rddreg [dreg:$0x5];
	[sflag:s5] =	ssyncadd.s32 @!p1 $0xFFFFF000  }
0xe7: {  	[tilespmem:s12], [sflag:$0x7] =	stream.indirect.gather [spmem:s2], $0x20, s13, s16, $0xb8;
	[tilespmem:$0x17000] =	vst v63  }
0xe8: {  	_ =	swait.ge [sflag:s26], $0x1000  }
0xe9: {  	[sflag:s26] =	ssyncset.done $0x0  }
0xea: {  	s14 =	sadd.s32 $0x2900, s8;
	s5 =	simm.s32 @!p1 $0x10;
	[sflag:s26] =	ssyncadd.s32 $0xFFFFF000  }
0xeb: {  	[spmem:s3] =	stream.indirect.scatter.add.s16 [tilespmem:s20], [sflag:$0xB], $0x20, s14, s16, $0xb8;
	[tilespmem:$0x17000] =	vst v63  }
0xec: {  	_ =	swait.ge @!p1 [sflag:s5], $0x1000  }
0xed: {  	[sflag:s5] =	ssyncset.done @!p1 $0x0  }
0xee: {  	s15 =	sadd.s32 $0x380, s8;
	[sflag:s5] =	ssyncadd.s32 @!p1 $0xFFFFF000  }
0xef: {  	[tilespmem:s28], [sflag:$0x8] =	stream.indirect.gather [spmem:s2], $0x20, s15, s16, $0xb8;
	[tilespmem:$0x17000] =	vst v63  }
0xf0: {  	_ =	swait.ge [sflag:s29], $0x1000  }
0xf1: {  	[sflag:s29] =	ssyncset.done $0x0  }
0xf2: {  	s19 =	sadd.s32 $0x2980, s8;
	[sflag:s29] =	ssyncadd.s32 $0xFFFFF000  }
0xf3: {  	[spmem:s3] =	stream.indirect.scatter.add.s16 [tilespmem:s22], [sflag:$0xC], $0x20, s19, s16, $0xb8;
	[tilespmem:$0x17000] =	vst v63  }
0xf4: {  	_ =	swait.ge [sflag:s30], $0x1000  }
0xf5: {  	p0 =	seq.s32 s7, $0x9000;
	[sflag:s30] =	ssyncset.done $0x0  }
0xf6: {  	s4 =	simm.s32 @p0 $0x5;
	[sflag:s30] =	ssyncadd.s32 $0xFFFFF000  }
0xf7: {  	s9 =	simm.s32 @p0 $0xA;
	_ =	swait.ge @p0 [sflag:s4], $0x1000  }
0xf8: {  	s10 =	simm.s32 @p0 $0x9000;
	s5 =	sshra.s32 @p0 s7, $0x2;
	[sflag:s4] =	ssyncset.done @p0 $0x0  }
0xf9: {  	s6 =	sadd.s32 @p0 $0x2A00, s5;
	[sflag:s4] =	ssyncadd.s32 @p0 $0xFFFFF000;
	s4 =	simm.s32 @p0 $0x80  }
0xfa: {  	[spmem:s3] =	stream.indirect.scatter.add.s16 @p0 [tilespmem:s10], [sflag:$0xD], $0x20, s6, s4, $0xb8;
	[tilespmem:$0x17000] =	vst v63  }
0xfb: {  	_ =	swait.ge @p0 [sflag:s9], $0x1000  }
0xfc: {  	s6 =	sshra.s32 @!p0 s7, $0x2;
	s10 =	simm.s32 @!p0 $0x5000;
	[sflag:s9] =	ssyncset.done @p0 $0x0  }
0xfd: {  	s7 =	sadd.s32 @!p0 $0x400, s6;
	[sflag:s9] =	ssyncadd.s32 @p0 $0xFFFFF000;
	s9 =	simm.s32 @!p0 $0x80  }
0xfe: {  	[tilespmem:s10], [sflag:$0x1] =	stream.indirect.gather @!p0 [spmem:s2], $0x20, s7, s9, $0xb8;
	[tilespmem:$0x17000] =	vst v63  }
0xff: {  	s7 =	simm.s32 @!p0 $0x5  }
0x100: {  	_ =	swait.ge @!p0 [sflag:s7], $0x1000  }
0x101: {  	[sflag:s7] =	ssyncset.done @!p0 $0x0  }
0x102: {  	s10 =	sadd.s32 @!p0 $0x2A00, s6;
	[sflag:s7] =	ssyncadd.s32 @!p0 $0xFFFFF000;
	s7 =	simm.s32 @!p0 $0x9000  }
0x103: {  	[spmem:s3] =	stream.indirect.scatter.add.s16 @!p0 [tilespmem:s7], [sflag:$0xD], $0x20, s10, s9, $0xb8;
	[tilespmem:$0x17000] =	vst v63  }
0x104: {  	s7 =	simm.s32 @!p0 $0xA  }
0x105: {  	_ =	swait.ge @!p0 [sflag:s7], $0x1000  }
0x106: {  	[sflag:s7] =	ssyncset.done @!p0 $0x0  }
0x107: {  	s10 =	sadd.s32 @!p0 $0x480, s6;
	[sflag:s7] =	ssyncadd.s32 @!p0 $0xFFFFF000;
	s7 =	simm.s32 @!p0 $0x6000  }
0x108: {  	[tilespmem:s7], [sflag:$0x2] =	stream.indirect.gather @!p0 [spmem:s2], $0x20, s10, s9, $0xb8;
	[tilespmem:$0x17000] =	vst v63  }
0x109: {  	_ =	swait.ge [sflag:s31], $0x1000  }
0x10a: {  	[sflag:s31] =	ssyncset.done $0x0  }
0x10b: {  	s21 =	sadd.s32 $0x2A80, s8;
	[sflag:s31] =	ssyncadd.s32 $0xFFFFF000  }
0x10c: {  	[spmem:s3] =	stream.indirect.scatter.add.s16 [tilespmem:s24], [sflag:$0xE], $0x20, s21, s16, $0xb8;
	[tilespmem:$0x17000] =	vst v63  }
0x10d: {  	_ =	swait.ge [sflag:s1], $0x1000  }
0x10e: {  	[sflag:s1] =	ssyncset.done $0x0  }
0x10f: {  	s7 =	simm.s32 @p0 $0x7;
	[sflag:s1] =	ssyncadd.s32 $0xFFFFF000  }
0x110: {  	_ =	swait.ge @p0 [sflag:s7], $0x1000  }
0x111: {  	[sflag:s7] =	ssyncset.done @p0 $0x0  }
0x112: {  	s5 =	sadd.s32 @p0 $0x2B00, s5;
	[sflag:s7] =	ssyncadd.s32 @p0 $0xFFFFF000;
	s7 =	simm.s32 @p0 $0xB000  }
0x113: {  	[spmem:s3] =	stream.indirect.scatter.add.s16 @p0 [tilespmem:s7], [sflag:$0xF], $0x20, s5, s4, $0xb8;
	[tilespmem:$0x17000] =	vst v63  }
0x114: {  	s4 =	simm.s32 @p0 $0xC  }
0x115: {  	_ =	swait.ge @p0 [sflag:s4], $0x1000  }
0x116: {  	[sflag:s4] =	ssyncset.done @p0 $0x0  }
0x117: {  	s5 =	sadd.s32 @!p0 $0x500, s6;
	[sflag:s4] =	ssyncadd.s32 @p0 $0xFFFFF000;
	s4 =	simm.s32 @!p0 $0x7000  }
0x118: {  	[tilespmem:s4], [sflag:$0x3] =	stream.indirect.gather @!p0 [spmem:s2], $0x20, s5, s9, $0xb8;
	[tilespmem:$0x17000] =	vst v63  }
0x119: {  	s4 =	simm.s32 @!p0 $0x7  }
0x11a: {  	_ =	swait.ge @!p0 [sflag:s4], $0x1000  }
0x11b: {  	[sflag:s4] =	ssyncset.done @!p0 $0x0  }
0x11c: {  	s5 =	sadd.s32 @!p0 $0x2B00, s6;
	[sflag:s4] =	ssyncadd.s32 @!p0 $0xFFFFF000;
	s4 =	simm.s32 @!p0 $0xB000  }
0x11d: {  	[spmem:s3] =	stream.indirect.scatter.add.s16 @!p0 [tilespmem:s4], [sflag:$0xF], $0x20, s5, s9, $0xb8;
	[tilespmem:$0x17000] =	vst v63  }
0x11e: {  	s4 =	simm.s32 @!p0 $0xC  }
0x11f: {  	_ =	swait.ge @!p0 [sflag:s4], $0x1000  }
0x120: {  	[sflag:s4] =	ssyncset.done @!p0 $0x0  }
0x121: {  	s5 =	sadd.s32 @!p0 $0x580, s6;
	[sflag:s4] =	ssyncadd.s32 @!p0 $0xFFFFF000;
	s4 =	simm.s32 @!p0 $0x8000  }
0x122: {  	[tilespmem:s4], [sflag:$0x4] =	stream.indirect.gather @!p0 [spmem:s2], $0x20, s5, s9, $0xb8;
	[tilespmem:$0x17000] =	vst v63  }
0x123: {  	_ =	swait.ge [sflag:s0], $0x1000  }
0x124: {  	[sflag:s0] =	ssyncset.done $0x0  }
0x125: {  	s11 =	simm.s32 $0xD;
	s10 =	sadd.s32 $0x2B80, s8;
	[sflag:s0] =	ssyncadd.s32 $0xFFFFF000  }
0x126: {  	[spmem:s3] =	stream.indirect.scatter.add.s16 [tilespmem:s28], [sflag:$0x10], $0x20, s10, s16, $0xb8;
	[tilespmem:$0x17000] =	vst v63  }
0x127: {  	_ =	swait.ge [sflag:s11], $0x1000  }
0x128: {  	[sflag:s11] =	ssyncset.done $0x0  }
0x129: {  	s12 =	simm.s32 $0xE;
	[sflag:s11] =	ssyncadd.s32 $0xFFFFF000  }
0x12a: {  	_ =	swait.ge [sflag:s12], $0x1000  }
0x12b: {  	[sflag:s12] =	ssyncset.done $0x0  }
0x12c: {  	s13 =	simm.s32 $0xF;
	[sflag:s12] =	ssyncadd.s32 $0xFFFFF000  }
0x12d: {  	_ =	swait.ge [sflag:s13], $0x1000  }
0x12e: {  	[sflag:s13] =	ssyncset.done $0x0  }
0x12f: {  	s14 =	simm.s32 $0x10;
	[sflag:s13] =	ssyncadd.s32 $0xFFFFF000  }
0x130: {  	_ =	swait.ge [sflag:s14], $0x1000  }
0x131: {  	[sflag:s14] =	ssyncset.done $0x0  }
0x132: {  	[sflag:s14] =	ssyncadd.s32 $0xFFFFF000  }
0x133: {  	[bflag:$0x0] =	sbarrier.arrive $0xFFFF  }
0x134: {  	s15 =	rddreg [dreg:$0xa]  }
0x135: {  	s8 =	rddreg [dreg:$0xc]  }
0x136: {  	s6 =	simm.s32 $0x11;
	s9 =	rddreg [dreg:$0xe]  }
0x137: {  	[hbm:s15], [sflag:s8] =	dma.local [spmem:s9], $0xA00  }
0x138: {  	_ =	swait.ge [sflag:s6], $0xA00  }
0x139: {  	s19 =	rddreg [dreg:$0xf]  }
0x13a: {  	s21 =	rddreg [dreg:$0xb];
	s5 =	sadd.s32 $0x1, s19  }
0x13b: {  	p0 =	sne.s32 s5, s21  }
.Ltmp1:
0x13c: {  	_ = 	snop;
	(pc) =	sbr.rel @p0 .LBB2_1-.Ltmp1, $3  }
0x13d: {  	_ =	sdelay $0x1  }
0x13e: {  	[sflag:s6] =	ssyncset.done $0x0  }
0x13f: {  	[sflag:s6] =	ssyncadd.s32 $0xFFFFF600  }
0x140: {  	_ =	sfence.sel $0x180000  }
0x141: {  	[bflag:$0x0] =	sbarrier.arrive $0xFFFF  }
0x142: {  	_ =	strace $0x9000004A  }
0x143: {  	s0 =	stileid.u32;
	[bflag:$0x2] =	sbarrier.arrive $0xFFFF  }
0x144: {  	p0 =	sne.s32 s0, $0x0;
	s0 =	rddreg [dreg:$0x3]  }
0x145: {  	s0 =	sadd.s32 @!p0 $0x100000, s0  }
0x146: {  	[sflag:s0] =	ssyncadd.tile.s32 @!p0 $0x1;
	_ =	shalt  }
.Lfunc_end2:
_tile_overlayer_lowered:
.L_overlay_start_2:
0x147: {  	(tag) =	ssettag $0x2  }
0x148: {  	s0 =	rddreg [dreg:$0x0];
	s2 =	stileid.u32  }
0x149: {  	s1 =	rddreg [dreg:$0x1];
	p0 =	sne.s32 s2, $0x0  }
0x14a: {  	s3 =	rddreg [dreg:$0x2];
	[bflag:$0x3] =	sbarrier.arrive $0xFFFF;
	s2 =	simm.s32 @!p0 $0x1C11  }
0x14b: {  	[timem:s3], [sflag:s2] =	dma.local @!p0 [hbm:s0], s1  }
0x14c: {  	s0 =	simm.s32 @!p0 $0x11  }
0x14d: {  	_ =	swait.ge @!p0 [sflag:s0], s1  }
0x14e: {  	s1 =	ssub.s32 @!p0 $0x0, s1;
	[sflag:s0] =	ssyncset.done @!p0 $0x0  }
0x14f: {  	[sflag:s0] =	ssyncadd.s32 @!p0 s1  }
0x150: {  	[bflag:$0x3] =	sbarrier.arrive $0xFFFF  }
0x151: {  	_ =	shalt  }

// kernel: kernel.19.cloned.1.call-start
scs
__scs_entry_jumppad:
0x0: {  	(pc) =	sbr.rel $0x88, $3  }
0x1: {  	(tag) =	ssettag $0x0;
	lr =	simm.s32 $0x1  }
0x2: {  	[smem:$0x3F7E] =	sst lr;
	_ =	strace $0xD0000000  }
0x3: {  	_ = 	snop  }
0x4: {  	_ = 	snop  }
0x5: {  	_ = 	snop  }
0x6: {  	_ = 	snop  }
0x7: {  	_ = 	snop  }
__scs_overlays_trampoline_lowered:
0x8: {  	[smem:$0x3F8D] =	sst s0  }
0x9: {  	[smem:$0x3F8E] =	sst s1  }
0xa: {  	[smem:$0x3F8F] =	sst s2  }
0xb: {  	[smem:$0x3F90] =	sst s3  }
0xc: {  	[smem:$0x3F91] =	sst s4  }
0xd: {  	[smem:$0x3F92] =	sst s5  }
0xe: {  	[smem:$0x3F93] =	sst s6  }
0xf: {  	[smem:$0x3F94] =	sst s7  }
0x10: {  	[smem:$0x3F95] =	sst s8  }
0x11: {  	[smem:$0x3F96] =	sst s9;
	s0 =	simm.s32 @!p0 $0x0  }
0x12: {  	s1 =	sld [smem:$0x3F7C];
	s0 =	simm.s32 @p0 $0x1  }
0x13: {  	[smem:$0x3F97] =	sst s0;
	s0 =	simm.s32 @!p1 $0x0  }
0x14: {  	s2 =	sld [smem:$0x3F7B];
	s0 =	simm.s32 @p1 $0x1  }
0x15: {  	[smem:$0x3F98] =	sst s0;
	s0 =	simm.s32 @!p2 $0x0  }
0x16: {  	s3 =	sld [smem:$0x3FDB];
	s0 =	simm.s32 @p2 $0x1  }
0x17: {  	s4 =	simm.s32 $0x1BF5;
	[smem:$0x3F9A] =	sst s0  }
0x18: {  	s0 =	sld [smem:$0x3F7D];
	_ =	swait.ge [sflag:s4], $0x0  }
0x19: {  	s7 =	sld [smem:$0x3F7E]  }
0x1a: {  	s8 =	sadd.s32 $0xFFFFE003, lr  }
0x1b: {  	s9 =	sadd.s32 $0xFFFFFEF7, lr;
	s5 =	simm.s32 $0xFFFFFFFF;
	p2 =	slt.u32 s8, $0xFFFFF086  }
0x1c: {  	p1 =	slt.u32 s9, $0xF7A;
	s5 =	simm.s32 @!p2 $0x0  }
0x1d: {  	s5 =	simm.s32 @p1 $0x1;
	p0 =	seq.s32 s7, s2  }
0x1e: {  	s7 =	smul.u32 @!p0 $0xF7A, s2;
	p2 =	seq.s32 @!p0 s5, $0x0  }
0x1f: {  	s9 =	smul.u32 $0xF7A, s1;
	s8 =	simm.s32 @!p0 $0x1BF5;
	p2 =	por !p2, p0  }
0x20: {  	[sflag:s8] =	ssyncset.s32 @!p0 $0xFFFFF086;
	s6 =	sadd.s32 @!p0 s3, s7;
	s7 =	simm.s32 @!p0 $0x108  }
0x21: {  	s3 =	sadd.s32 s3, s9;
	s6 =	sadd.s32 @!p0 $0x88, s6;
	s7 =	simm.s32 @p2 $0x1082  }
0x22: {  	[simem:s7], [sflag:s8] =	dma.local @!p0 [hbm:s6], $0xF7A  }
0x23: {  	s9 =	sor.u32 $0xD0000000, s2;
	s6 =	simm.s32 $0x108;
	_ =	swait.ge @!p0 [sflag:s8], $0x0  }
0x24: {  	s3 =	sadd.s32 $0x88, s3;
	s6 =	simm.s32 @!p1 $0x1082;
	[sflag:s4] =	ssyncset.s32 $0xFFFFF086  }
0x25: {  	[simem:s6], [sflag:s4] =	dma.local [hbm:s3], $0xF7A  }
0x26: {  	[smem:$0x3F7E] =	sst s1;
	(tag) =	ssettag s2;
	_ =	strace s9  }
0x27: {  	s1 =	sld [smem:$0x3F8E]  }
0x28: {  	s2 =	sld [smem:$0x3F8F]  }
0x29: {  	s4 =	sld [smem:$0x3F91]  }
0x2a: {  	p0 =	seq.s32 s5, $0x0;
	s5 =	sld [smem:$0x3F92]  }
0x2b: {  	s6 =	sld [smem:$0x3F93]  }
0x2c: {  	s7 =	sld [smem:$0x3F94]  }
0x2d: {  	s3 =	simm.s32 $0x108;
	s8 =	sld [smem:$0x3F95]  }
0x2e: {  	s3 =	simm.s32 @!p0 $0x1082;
	s9 =	sld [smem:$0x3F96]  }
0x2f: {  	lr =	sadd.s32 s0, s3;
	s0 =	sld [smem:$0x3F8D]  }
0x30: {  	s3 =	sld [smem:$0x3F90]  }
0x31: {  	[smem:$0x3F99] =	sst s10  }
0x32: {  	s10 =	sld [smem:$0x3F97];
	_ =	sdelay $0x3  }
0x33: {  	p0 =	seq.s32 s10, $0x1;
	s10 =	sld [smem:$0x3F99];
	_ =	sdelay $0x3  }
0x34: {  	[smem:$0x3F99] =	sst s10  }
0x35: {  	s10 =	sld [smem:$0x3F98];
	_ =	sdelay $0x3  }
0x36: {  	p1 =	seq.s32 s10, $0x1;
	s10 =	sld [smem:$0x3F99];
	_ =	sdelay $0x3  }
0x37: {  	[smem:$0x3F99] =	sst s10  }
0x38: {  	s10 =	sld [smem:$0x3F9A]  }
0x39: {  	_ = 	snop;
	(pc) =	sbr.ind lr, $3  }
0x3a: {  	_ = 	snop  }
0x3b: {  	_ = 	snop  }
0x3c: {  	p2 =	seq.s32 s10, $0x1;
	s10 =	sld [smem:$0x3F99]  }
0x3d: {  	_ =	shalt  }
0x3e: {  	_ =	shalt  }
0x3f: {  	_ =	shalt  }
0x40: {  	_ =	shalt  }
0x41: {  	_ =	shalt  }
0x42: {  	_ =	shalt  }
0x43: {  	_ =	shalt  }
0x44: {  	_ =	shalt  }
0x45: {  	_ =	shalt  }
0x46: {  	_ =	shalt  }
0x47: {  	_ =	shalt  }
0x48: {  	_ =	shalt  }
0x49: {  	_ =	shalt  }
0x4a: {  	_ =	shalt  }
0x4b: {  	_ =	shalt  }
0x4c: {  	_ =	shalt  }
0x4d: {  	_ =	shalt  }
0x4e: {  	_ =	shalt  }
0x4f: {  	_ =	shalt  }
0x50: {  	_ =	shalt  }
0x51: {  	_ =	shalt  }
0x52: {  	_ =	shalt  }
0x53: {  	_ =	shalt  }
0x54: {  	_ =	shalt  }
0x55: {  	_ =	shalt  }
0x56: {  	_ =	shalt  }
0x57: {  	_ =	shalt  }
0x58: {  	_ =	shalt  }
0x59: {  	_ =	shalt  }
0x5a: {  	_ =	shalt  }
0x5b: {  	_ =	shalt  }
0x5c: {  	_ =	shalt  }
0x5d: {  	_ =	shalt  }
0x5e: {  	_ =	shalt  }
0x5f: {  	_ =	shalt  }
0x60: {  	_ =	shalt  }
0x61: {  	_ =	shalt  }
0x62: {  	_ =	shalt  }
0x63: {  	_ =	shalt  }
0x64: {  	_ =	shalt  }
0x65: {  	_ =	shalt  }
0x66: {  	_ =	shalt  }
0x67: {  	_ =	shalt  }
0x68: {  	_ =	shalt  }
0x69: {  	_ =	shalt  }
0x6a: {  	_ =	shalt  }
0x6b: {  	_ =	shalt  }
0x6c: {  	_ =	shalt  }
0x6d: {  	_ =	shalt  }
0x6e: {  	_ =	shalt  }
0x6f: {  	_ =	shalt  }
0x70: {  	_ =	shalt  }
0x71: {  	_ =	shalt  }
0x72: {  	_ =	shalt  }
0x73: {  	_ =	shalt  }
0x74: {  	_ =	shalt  }
0x75: {  	_ =	shalt  }
0x76: {  	_ =	shalt  }
0x77: {  	_ =	shalt  }
0x78: {  	_ =	shalt  }
0x79: {  	_ =	shalt  }
0x7a: {  	_ =	shalt  }
0x7b: {  	_ =	shalt  }
0x7c: {  	_ =	shalt  }
0x7d: {  	_ =	shalt  }
0x7e: {  	_ =	shalt  }
0x7f: {  	_ =	shalt  }
0x80: {  	_ =	shalt  }
0x81: {  	_ =	shalt  }
0x82: {  	_ =	shalt  }
0x83: {  	_ =	shalt  }
0x84: {  	_ =	shalt  }
0x85: {  	_ =	shalt  }
0x86: {  	_ =	shalt  }
0x87: {  	_ =	shalt  }
.Lfunc_end0:
.L_simem_size_0:
called_computation.2_lowered:
.L_overlay_start_0:
0x88: {  	s2 =	sld [smem:$0x3FD9]  }
0x89: {  	s3 =	sld [smem:$0x3FFE];
	_ =	sdelay $0x1  }
0x8a: {  	s1 =	srdreg.scid  }
0x8b: {  	s0 =	sand.u32 $0x1, s1  }
0x8c: {  	s16 =	sshll.u32 s0, $0xA;
	s2 =	sadd.s32 s3, s2  }
0x8d: {  	s2 =	sadd.s32 s2, s16  }
0x8e: {  	[smem:$0x3FA5] =	sst s2  }
0x8f: {  	_ = 	snop  }
0x90: {  	(tm) =	ssettm $0x1  }
0x91: {  	s17 =	sld [smem:$0x3FFB];
	_ =	sdelay $0x3  }
0x92: {  	_ =	strace s17  }
0x93: {  	s2 =	sld [smem:$0x3FFC];
	_ =	sdelay $0x3  }
0x94: {  	_ =	strace s2  }
0x95: {  	s2 =	sld [smem:$0x3FFD];
	_ =	sdelay $0x3  }
0x96: {  	_ =	strace s2  }
0x97: {  	_ =	strace $0x8FFFFFFF  }
0x98: {  	s18 =	sld [smem:$0x3FDB];
	_ =	sdelay $0x1  }
0x99: {  	s19 =	simm.s32 $_scs_section_size  }
0x9a: {  	s4 =	simm.s32 $_size__tile_overlayer_lowered;
	s5 =	simm.s32 $_tile_overlayer_lowered  }
0x9b: {  	s22 =	simm.s32 $0x1BFF;
	s21 =	sshll.u32 s5, $0x1;
	s2 =	sadd.s32 s19, s18  }
0x9c: {  	s6 =	simm.s32 $0x0;
	s20 =	sshll.u32 s4, $0x1;
	s4 =	sadd.s32 s21, s2  }
0x9d: {  	[timem:s6], [sflag:s22] =	dma.local [hbm:s4], s20  }
0x9e: {  	_ =	swait.ge [sflag:s22], s20  }
0x9f: {  	s3 =	ssub.s32 $0x0, s20;
	[sflag:s22] =	ssyncset.done $0x0  }
0xa0: {  	[sflag:s22] =	ssyncadd.s32 s3;
	_ =	sdelay $0x1  }
0xa1: {  	s23 =	simm.s32 $0x1B8B  }
0xa2: {  	_ =	swait.ge [sflag:s23], $0x1  }
0xa3: {  	[sflag:s23] =	ssyncset.done $0x0  }
0xa4: {  	s25 =	simm.s32 $0x1B8E;
	s24 =	sld [smem:$0x3FFE];
	[sflag:s23] =	ssyncadd.s32 $0xFFFFFFFF  }
0xa5: {  	s26 =	simm.s32 $execute0_lowered;
	[smem:$0x3FD2] =	sst s25  }
0xa6: {  	s4 =	sshll.u32 s26, $0x1;
	_ =	strace $0x8000004C;
	[dreg:$0x1] =	wrdreg $0xFFFFFFFF  }
0xa7: {  	s28 =	simm.s32 $_size_execute0_lowered;
	s2 =	sadd.s32 s2, s4;
	[dreg:$0x0] =	wrdreg $0x0  }
0xa8: {  	s4 =	sshll.u32 s28, $0x1;
	[dreg:$0x2] =	wrdreg s2  }
0xa9: {  	[dreg:$0x3] =	wrdreg s4  }
0xaa: {  	[dreg:$0x4] =	wrdreg $0xC0  }
0xab: {  	_ =	task [dreg:s6], $0x5FFFF  }
0xac: {  	[dreg:$0x1] =	wrdreg $0xFFFFFFFF  }
0xad: {  	[dreg:$0x0] =	wrdreg $0x60  }
0xae: {  	[dreg:$0x2] =	wrdreg s24  }
0xaf: {  	[dreg:$0x3] =	wrdreg $0xD0000  }
0xb0: {  	[dreg:$0x4] =	wrdreg $0x120000  }
0xb1: {  	[dreg:$0x5] =	wrdreg $0x9  }
0xb2: {  	_ =	task.clear_ibuf [dreg:s6], $0x6FFFF;
	_ =	strace $0x9000004C  }
0xb3: {  	s29 =	simm.s32 $0x9;
	_ =	strace $0x8000004E  }
0xb4: {  	_ =	swait.ge [sflag:s29], $0x1  }
0xb5: {  	[sflag:s29] =	ssyncadd.s32 $0xFFFFFFFF  }
0xb6: {  	_ =	strace $0x9000004E  }
0xb7: {  	_ =	sfence  }
0xb8: {  	s30 =	sld [smem:$0x0];
	_ =	sdelay $0x2  }
0xb9: {  	s31 =	sshll.u32 s1, $0xD;
	s1 =	sshrl.u32 s1, $0x2  }
0xba: {  	s3 =	sand.u32 $0x4000, s31;
	s1 =	sadd.s32 s1, s30  }
0xbb: {  	s0 =	sor.u32 s3, s0;
	s1 =	sshll.u32 s1, $0x11  }
0xbc: {  	s0 =	sor.u32 s1, s0  }
0xbd: {  	s0 =	sadd.s32 $0x8F2B, s0  }
0xbe: {  	[sflag:s0] =	ssyncadd.remote.s32 $0x1  }
0xbf: {  	_ =	sfence.sel $0xFFFF  }
0xc0: {  	[dreg:$0x0] =	wrdreg $0xFFFFFFFF;
	(pc) =	sbr.abs _section_cstart, $3  }
0xc1: {  	[dreg:$0x1] =	wrdreg $0xFFFFFFFF  }
0xc2: {  	_ =	task.clear_ibuf [dreg:s6], $0x2FFFF;
	_ =	strace $0x9FFFFFFF  }
0xc3: {  	(tm) =	ssettm $0x7FFFFFFF  }
tec
execute0_lowered:
.L_overlay_start_1:
0x0: {  	(tag) =	ssettag $0x1  }
0x1: {  	s1 =	rddreg [dreg:$0x0]  }
0x2: {  	s0 =	srdreg.scid;
	s2 =	rddreg [dreg:$0x1]  }
0x3: {  	s9 =	stileid.u32;
	s3 =	rddreg [dreg:$0x2];
	s6 =	simm.s32 $0x0  }
0x4: {  	s16 =	simm.s32 $0x80;
	s17 =	simm.s32 $0x5000;
	s25 =	simm.s32 $0x9000  }
0x5: {  	s26 =	simm.s32 $0xB000;
	s28 =	simm.s32 $0xC000;
	s29 =	simm.s32 $0x4  }
0x6: {  	s30 =	simm.s32 $0x9;
	s31 =	simm.s32 $0x6;
	s0 =	sand.u32 $0x1, s0  }
0x7: {  	s5 =	smul.u32 $0xA000, s9;
	[smem:$0x7FF] =	sst s6;
	s10 =	sadd.s32 $0xEA00, s1  }
0x8: {  	s18 =	smul.u32 $0xA00, s9;
	_ =	strace $0x8000004D;
	[dreg:$0x6] =	wrdreg s10  }
0x9: {  	s23 =	sshll.u32 s9, $0x6;
	s4 =	sshll.u32 s0, $0x4;
	[dreg:$0x4] =	wrdreg s25  }
0xa: {  	s8 =	smul.u32 $0xA000, s0;
	s0 =	ssub.s32 $0x2, s0;
	[dreg:$0x5] =	wrdreg s26  }
0xb: {  	s25 =	simm.s32 $0x2;
	s26 =	simm.s32 $0x3;
	s4 =	sor.u32 s9, s4  }
0xc: {  	s7 =	sshrl.u32 s5, $0x4;
	s19 =	sshrl.u32 s0, $0x1;
	s5 =	sshrl.u32 s5, $0x1  }
0xd: {  	s4 =	smul.u32 $0x500, s4;
	s7 =	sadd.s32 s7, s1;
	s6 =	sadd.s32 s18, s8  }
0xe: {  	s0 =	ssub.s32 s0, s19;
	s21 =	sadd.s32 s5, s2;
	s5 =	sadd.s32 s5, s3  }
0xf: {  	s8 =	sor.u32 $0x1C11, s23;
	s18 =	simm.s32 $0x6000;
	s23 =	simm.s32 $0x1  }
0x10: {  	s22 =	sadd.s32 $0x4A00, s7;
	s0 =	smax.u32 s0, $0x1;
	[dreg:$0xc] =	wrdreg s8  }
0x11: {  	s24 =	sshrl.u32 s21, $0x3;
	s9 =	sshrl.u32 s5, $0x3;
	[dreg:$0x9] =	wrdreg s22  }
0x12: {  	s5 =	simm.s32 $0x0;
	s4 =	sadd.s32 s4, s1;
	[dreg:$0xb] =	wrdreg s0  }
0x13: {  	s1 =	sadd.s32 s6, s1;
	s6 =	simm.s32 $0x11;
	[dreg:$0xd] =	wrdreg s24  }
0x14: {  	s22 =	simm.s32 $0x8000;
	[dreg:$0xe] =	wrdreg s9;
	s20 =	sadd.s32 $0x19400, s4  }
0x15: {  	s24 =	simm.s32 $0xA000;
	s4 =	sadd.s32 $0xF400, s4;
	[dreg:$0x7] =	wrdreg s20  }
0x16: {  	s0 =	simm.s32 $0x8;
	s1 =	sadd.s32 $0x23400, s1;
	[dreg:$0x8] =	wrdreg s4  }
0x17: {  	[dreg:$0xa] =	wrdreg s1;
	s20 =	simm.s32 $0x7000;
	s1 =	simm.s32 $0xB  }
.LBB2_1:
0x18: {  	[dreg:$0xf] =	wrdreg s5  }
0x19: {  	s4 =	simm.s32 $0x0;
	s12 =	rddreg [dreg:$0x7]  }
0x1a: {  	[tilespmem:s4], [sflag:$0x11] =	stream.linear.gather [hbm4b:s12+s4], $0x2800, $0x38;
	[tilespmem:$0x17000] =	vst v63  }
0x1b: {  	_ =	swait.ge [sflag:s6], $0x2800  }
0x1c: {  	[sflag:s6] =	ssyncset.done $0x0  }
0x1d: {  	s7 =	simm.s32 $0x2800;
	s13 =	rddreg [dreg:$0x8];
	[sflag:s6] =	ssyncadd.s32 $0xFFFFD800  }
0x1e: {  	[tilespmem:s7], [sflag:$0x11] =	stream.linear.gather [hbm4b:s13+s4], $0x2800, $0x38;
	[tilespmem:$0x17000] =	vst v63  }
0x1f: {  	_ =	swait.ge [sflag:s6], $0x2800  }
0x20: {  	[sflag:s6] =	ssyncset.done $0x0;
	s14 =	rddreg [dreg:$0x9]  }
0x21: {  	s15 =	rddreg [dreg:$0xd];
	[sflag:s6] =	ssyncadd.s32 $0xFFFFD800  }
0x22: {  	[spmem:s15], [sflag:s8] =	dma.local [hbm:s14], $0xA00  }
0x23: {  	_ =	swait.ge [sflag:s6], $0xA00  }
0x24: {  	[sflag:s6] =	ssyncset.done $0x0  }
0x25: {  	s19 =	rddreg [dreg:$0x6];
	[sflag:s6] =	ssyncadd.s32 $0xFFFFF600  }
0x26: {  	[spmem:s9], [sflag:s8] =	dma.local [hbm:s19], $0xA00  }
0x27: {  	_ =	swait.ge [sflag:s6], $0xA00  }
0x28: {  	[sflag:s6] =	ssyncset.done $0x0  }
0x29: {  	[sflag:s6] =	ssyncadd.s32 $0xFFFFF600  }
0x2a: {  	[bflag:$0x0] =	sbarrier.arrive $0xFFFF  }
0x2b: {  	[tilespmem:s17], [sflag:$0x1] =	stream.indirect.gather [spmem:s2], $0x20, s4, s16, $0xb8;
	[tilespmem:$0x17000] =	vst v63  }
0x2c: {  	_ = 	snop  }
0x2d: {  	[tilespmem:s18], [sflag:$0x2] =	stream.indirect.gather [spmem:s2], $0x20, s16, s16, $0xb8;
	[tilespmem:$0x17000] =	vst v63  }
0x2e: {  	s21 =	simm.s32 $0x100;
	p0 =	por $0x1, $0x1  }
0x2f: {  	[tilespmem:s20], [sflag:$0x3] =	stream.indirect.gather [spmem:s2], $0x20, s21, s16, $0xb8;
	[tilespmem:$0x17000] =	vst v63  }
0x30: {  	s5 =	simm.s32 $0x180;
	s4 =	simm.s32 @!p0 $0xD  }
0x31: {  	[tilespmem:s22], [sflag:$0x4] =	stream.indirect.gather [spmem:s2], $0x20, s5, s16, $0xb8;
	[tilespmem:$0x17000] =	vst v63  }
0x32: {  	_ =	swait.ge @!p0 [sflag:s4], $0x1000  }
0x33: {  	[sflag:s4] =	ssyncset.done @!p0 $0x0  }
0x34: {  	s8 =	simm.s32 $0x200;
	s6 =	rddreg [dreg:$0x4];
	[sflag:s4] =	ssyncadd.s32 @!p0 $0xFFFFF000  }
0x35: {  	[tilespmem:s6], [sflag:$0x5] =	stream.indirect.gather [spmem:s2], $0x20, s8, s16, $0xb8;
	[tilespmem:$0x17000] =	vst v63  }
0x36: {  	_ =	swait.ge [sflag:s23], $0x1000  }
0x37: {  	[sflag:s23] =	ssyncset.done $0x0  }
0x38: {  	s7 =	simm.s32 @!p0 $0xE;
	s9 =	simm.s32 $0x2800;
	[sflag:s23] =	ssyncadd.s32 $0xFFFFF000  }
0x39: {  	[spmem:s3] =	stream.indirect.scatter.add.s16 [tilespmem:s17], [sflag:$0x9], $0x20, s9, s16, $0xb8;
	[tilespmem:$0x17000] =	vst v63  }
0x3a: {  	_ =	swait.ge @!p0 [sflag:s7], $0x1000  }
0x3b: {  	[sflag:s7] =	ssyncset.done @!p0 $0x0  }
0x3c: {  	s10 =	simm.s32 $0x280;
	[sflag:s7] =	ssyncadd.s32 @!p0 $0xFFFFF000  }
0x3d: {  	[tilespmem:s24], [sflag:$0x6] =	stream.indirect.gather [spmem:s2], $0x20, s10, s16, $0xb8;
	[tilespmem:$0x17000] =	vst v63  }
0x3e: {  	_ =	swait.ge [sflag:s25], $0x1000  }
0x3f: {  	[sflag:s25] =	ssyncset.done $0x0  }
0x40: {  	s11 =	simm.s32 $0x2880;
	s7 =	simm.s32 @!p0 $0xF;
	[sflag:s25] =	ssyncadd.s32 $0xFFFFF000  }
0x41: {  	[spmem:s3] =	stream.indirect.scatter.add.s16 [tilespmem:s18], [sflag:$0xA], $0x20, s11, s16, $0xb8;
	[tilespmem:$0x17000] =	vst v63  }
0x42: {  	_ =	swait.ge @!p0 [sflag:s7], $0x1000  }
0x43: {  	[sflag:s7] =	ssyncset.done @!p0 $0x0  }
0x44: {  	s13 =	simm.s32 $0x300;
	s12 =	rddreg [dreg:$0x5];
	[sflag:s7] =	ssyncadd.s32 @!p0 $0xFFFFF000  }
0x45: {  	[tilespmem:s12], [sflag:$0x7] =	stream.indirect.gather [spmem:s2], $0x20, s13, s16, $0xb8;
	[tilespmem:$0x17000] =	vst v63  }
0x46: {  	_ =	swait.ge [sflag:s26], $0x1000  }
0x47: {  	[sflag:s26] =	ssyncset.done $0x0  }
0x48: {  	s14 =	simm.s32 $0x2900;
	s7 =	simm.s32 @!p0 $0x10;
	[sflag:s26] =	ssyncadd.s32 $0xFFFFF000  }
0x49: {  	[spmem:s3] =	stream.indirect.scatter.add.s16 [tilespmem:s20], [sflag:$0xB], $0x20, s14, s16, $0xb8;
	[tilespmem:$0x17000] =	vst v63  }
0x4a: {  	_ =	swait.ge @!p0 [sflag:s7], $0x1000  }
0x4b: {  	[sflag:s7] =	ssyncset.done @!p0 $0x0  }
0x4c: {  	s15 =	simm.s32 $0x380;
	[sflag:s7] =	ssyncadd.s32 @!p0 $0xFFFFF000  }
0x4d: {  	[tilespmem:s28], [sflag:$0x8] =	stream.indirect.gather [spmem:s2], $0x20, s15, s16, $0xb8;
	[tilespmem:$0x17000] =	vst v63  }
0x4e: {  	_ =	swait.ge [sflag:s29], $0x1000  }
0x4f: {  	[sflag:s29] =	ssyncset.done $0x0  }
0x50: {  	s19 =	simm.s32 $0x2980;
	[sflag:s29] =	ssyncadd.s32 $0xFFFFF000  }
0x51: {  	[spmem:s3] =	stream.indirect.scatter.add.s16 [tilespmem:s22], [sflag:$0xC], $0x20, s19, s16, $0xb8;
	[tilespmem:$0x17000] =	vst v63  }
0x52: {  	_ =	swait.ge [sflag:s30], $0x1000  }
0x53: {  	p0 =	por $0x0, $0x0;
	[sflag:s30] =	ssyncset.done $0x0  }
0x54: {  	s4 =	simm.s32 @p0 $0x5;
	[sflag:s30] =	ssyncadd.s32 $0xFFFFF000  }
0x55: {  	_ =	swait.ge @p0 [sflag:s4], $0x1000  }
0x56: {  	s7 =	simm.s32 @p0 $0x2A00;
	s8 =	simm.s32 @p0 $0xA;
	[sflag:s4] =	ssyncset.done @p0 $0x0  }
0x57: {  	s9 =	simm.s32 @p0 $0x9000;
	[sflag:s4] =	ssyncadd.s32 @p0 $0xFFFFF000;
	s4 =	simm.s32 @p0 $0x80  }
0x58: {  	[spmem:s3] =	stream.indirect.scatter.add.s16 @p0 [tilespmem:s9], [sflag:$0xD], $0x20, s7, s4, $0xb8;
	[tilespmem:$0x17000] =	vst v63  }
0x59: {  	_ =	swait.ge @p0 [sflag:s8], $0x1000  }
0x5a: {  	s7 =	simm.s32 @!p0 $0x400;
	[sflag:s8] =	ssyncset.done @p0 $0x0  }
0x5b: {  	s9 =	simm.s32 @!p0 $0x5000;
	[sflag:s8] =	ssyncadd.s32 @p0 $0xFFFFF000;
	s8 =	simm.s32 @!p0 $0x80  }
0x5c: {  	[tilespmem:s9], [sflag:$0x1] =	stream.indirect.gather @!p0 [spmem:s2], $0x20, s7, s8, $0xb8;
	[tilespmem:$0x17000] =	vst v63  }
0x5d: {  	s7 =	simm.s32 @!p0 $0x5  }
0x5e: {  	_ =	swait.ge @!p0 [sflag:s7], $0x1000  }
0x5f: {  	[sflag:s7] =	ssyncset.done @!p0 $0x0  }
0x60: {  	s9 =	simm.s32 @!p0 $0x2A00;
	[sflag:s7] =	ssyncadd.s32 @!p0 $0xFFFFF000;
	s7 =	simm.s32 @!p0 $0x9000  }
0x61: {  	[spmem:s3] =	stream.indirect.scatter.add.s16 @!p0 [tilespmem:s7], [sflag:$0xD], $0x20, s9, s8, $0xb8;
	[tilespmem:$0x17000] =	vst v63  }
0x62: {  	s7 =	simm.s32 @!p0 $0xA  }
0x63: {  	_ =	swait.ge @!p0 [sflag:s7], $0x1000  }
0x64: {  	[sflag:s7] =	ssyncset.done @!p0 $0x0  }
0x65: {  	s9 =	simm.s32 @!p0 $0x480;
	[sflag:s7] =	ssyncadd.s32 @!p0 $0xFFFFF000;
	s7 =	simm.s32 @!p0 $0x6000  }
0x66: {  	[tilespmem:s7], [sflag:$0x2] =	stream.indirect.gather @!p0 [spmem:s2], $0x20, s9, s8, $0xb8;
	[tilespmem:$0x17000] =	vst v63  }
0x67: {  	_ =	swait.ge [sflag:s31], $0x1000  }
0x68: {  	[sflag:s31] =	ssyncset.done $0x0  }
0x69: {  	s21 =	simm.s32 $0x2A80;
	[sflag:s31] =	ssyncadd.s32 $0xFFFFF000  }
0x6a: {  	[spmem:s3] =	stream.indirect.scatter.add.s16 [tilespmem:s24], [sflag:$0xE], $0x20, s21, s16, $0xb8;
	[tilespmem:$0x17000] =	vst v63  }
0x6b: {  	_ =	swait.ge [sflag:s1], $0x1000  }
0x6c: {  	[sflag:s1] =	ssyncset.done $0x0  }
0x6d: {  	s7 =	simm.s32 @p0 $0x7;
	[sflag:s1] =	ssyncadd.s32 $0xFFFFF000  }
0x6e: {  	_ =	swait.ge @p0 [sflag:s7], $0x1000  }
0x6f: {  	[sflag:s7] =	ssyncset.done @p0 $0x0  }
0x70: {  	s9 =	simm.s32 @p0 $0x2B00;
	[sflag:s7] =	ssyncadd.s32 @p0 $0xFFFFF000;
	s7 =	simm.s32 @p0 $0xB000  }
0x71: {  	[spmem:s3] =	stream.indirect.scatter.add.s16 @p0 [tilespmem:s7], [sflag:$0xF], $0x20, s9, s4, $0xb8;
	[tilespmem:$0x17000] =	vst v63  }
0x72: {  	s4 =	simm.s32 @p0 $0xC  }
0x73: {  	_ =	swait.ge @p0 [sflag:s4], $0x1000  }
0x74: {  	[sflag:s4] =	ssyncset.done @p0 $0x0  }
0x75: {  	s7 =	simm.s32 @!p0 $0x500;
	[sflag:s4] =	ssyncadd.s32 @p0 $0xFFFFF000;
	s4 =	simm.s32 @!p0 $0x7000  }
0x76: {  	[tilespmem:s4], [sflag:$0x3] =	stream.indirect.gather @!p0 [spmem:s2], $0x20, s7, s8, $0xb8;
	[tilespmem:$0x17000] =	vst v63  }
0x77: {  	s4 =	simm.s32 @!p0 $0x7  }
0x78: {  	_ =	swait.ge @!p0 [sflag:s4], $0x1000  }
0x79: {  	[sflag:s4] =	ssyncset.done @!p0 $0x0  }
0x7a: {  	s7 =	simm.s32 @!p0 $0x2B00;
	[sflag:s4] =	ssyncadd.s32 @!p0 $0xFFFFF000;
	s4 =	simm.s32 @!p0 $0xB000  }
0x7b: {  	[spmem:s3] =	stream.indirect.scatter.add.s16 @!p0 [tilespmem:s4], [sflag:$0xF], $0x20, s7, s8, $0xb8;
	[tilespmem:$0x17000] =	vst v63  }
0x7c: {  	s4 =	simm.s32 @!p0 $0xC  }
0x7d: {  	_ =	swait.ge @!p0 [sflag:s4], $0x1000  }
0x7e: {  	[sflag:s4] =	ssyncset.done @!p0 $0x0  }
0x7f: {  	s7 =	simm.s32 @!p0 $0x580;
	[sflag:s4] =	ssyncadd.s32 @!p0 $0xFFFFF000;
	s4 =	simm.s32 @!p0 $0x8000  }
0x80: {  	[tilespmem:s4], [sflag:$0x4] =	stream.indirect.gather @!p0 [spmem:s2], $0x20, s7, s8, $0xb8;
	[tilespmem:$0x17000] =	vst v63  }
0x81: {  	p1 =	por $0x0, $0x0;
	s7 =	simm.s32 $0x1000;
	_ =	swait.ge [sflag:s0], $0x1000  }
0x82: {  	s8 =	simm.s32 $0x2000;
	s4 =	simm.s32 $0x2B80;
	[sflag:s0] =	ssyncset.done $0x0  }
.LBB2_2:
0x83: {  	s9 =	simm.s32 @!p1 $0xD;
	[sflag:s0] =	ssyncadd.s32 $0xFFFFF000  }
0x84: {  	[spmem:s3] =	stream.indirect.scatter.add.s16 [tilespmem:s28], [sflag:$0x10], $0x20, s4, s16, $0xb8;
	[tilespmem:$0x17000] =	vst v63  }
0x85: {  	_ =	swait.ge @!p1 [sflag:s9], $0x1000  }
0x86: {  	[sflag:s9] =	ssyncset.done @!p1 $0x0  }
0x87: {  	[sflag:s9] =	ssyncadd.s32 @!p1 $0xFFFFF000;
	s9 =	sshra.s32 s7, $0x2  }
0x88: {  	s19 =	rddreg [dreg:$0x4];
	s12 =	sadd.s32 $0x200, s9  }
0x89: {  	[tilespmem:s19], [sflag:$0x5] =	stream.indirect.gather [spmem:s2], $0x20, s12, s16, $0xb8;
	[tilespmem:$0x17000] =	vst v63  }
0x8a: {  	_ =	swait.ge [sflag:s23], $0x1000  }
0x8b: {  	[sflag:s23] =	ssyncset.done $0x0  }
0x8c: {  	s21 =	sadd.s32 $0x2800, s9;
	s12 =	simm.s32 @!p1 $0xE;
	[sflag:s23] =	ssyncadd.s32 $0xFFFFF000  }
0x8d: {  	[spmem:s3] =	stream.indirect.scatter.add.s16 [tilespmem:s17], [sflag:$0x9], $0x20, s21, s16, $0xb8;
	[tilespmem:$0x17000] =	vst v63  }
0x8e: {  	_ =	swait.ge @!p1 [sflag:s12], $0x1000  }
0x8f: {  	[sflag:s12] =	ssyncset.done @!p1 $0x0  }
0x90: {  	s5 =	sadd.s32 $0x280, s9;
	[sflag:s12] =	ssyncadd.s32 @!p1 $0xFFFFF000  }
0x91: {  	[tilespmem:s24], [sflag:$0x6] =	stream.indirect.gather [spmem:s2], $0x20, s5, s16, $0xb8;
	[tilespmem:$0x17000] =	vst v63  }
0x92: {  	_ =	swait.ge [sflag:s25], $0x1000  }
0x93: {  	[sflag:s25] =	ssyncset.done $0x0  }
0x94: {  	s6 =	sadd.s32 $0x2880, s9;
	s12 =	simm.s32 @!p1 $0xF;
	[sflag:s25] =	ssyncadd.s32 $0xFFFFF000  }
0x95: {  	[spmem:s3] =	stream.indirect.scatter.add.s16 [tilespmem:s18], [sflag:$0xA], $0x20, s6, s16, $0xb8;
	[tilespmem:$0x17000] =	vst v63  }
0x96: {  	_ =	swait.ge @!p1 [sflag:s12], $0x1000  }
0x97: {  	[sflag:s12] =	ssyncset.done @!p1 $0x0  }
0x98: {  	s13 =	sadd.s32 $0x300, s9;
	s11 =	rddreg [dreg:$0x5];
	[sflag:s12] =	ssyncadd.s32 @!p1 $0xFFFFF000  }
0x99: {  	[tilespmem:s11], [sflag:$0x7] =	stream.indirect.gather [spmem:s2], $0x20, s13, s16, $0xb8;
	[tilespmem:$0x17000] =	vst v63  }
0x9a: {  	_ =	swait.ge [sflag:s26], $0x1000  }
0x9b: {  	[sflag:s26] =	ssyncset.done $0x0  }
0x9c: {  	s14 =	sadd.s32 $0x2900, s9;
	s12 =	simm.s32 @!p1 $0x10;
	[sflag:s26] =	ssyncadd.s32 $0xFFFFF000  }
0x9d: {  	[spmem:s3] =	stream.indirect.scatter.add.s16 [tilespmem:s20], [sflag:$0xB], $0x20, s14, s16, $0xb8;
	[tilespmem:$0x17000] =	vst v63  }
0x9e: {  	_ =	swait.ge @!p1 [sflag:s12], $0x1000  }
0x9f: {  	[sflag:s12] =	ssyncset.done @!p1 $0x0  }
0xa0: {  	s15 =	sadd.s32 $0x380, s9;
	[sflag:s12] =	ssyncadd.s32 @!p1 $0xFFFFF000  }
0xa1: {  	[tilespmem:s28], [sflag:$0x8] =	stream.indirect.gather [spmem:s2], $0x20, s15, s16, $0xb8;
	[tilespmem:$0x17000] =	vst v63  }
0xa2: {  	_ =	swait.ge [sflag:s29], $0x1000  }
0xa3: {  	[sflag:s29] =	ssyncset.done $0x0  }
0xa4: {  	s19 =	sadd.s32 $0x2980, s9;
	[sflag:s29] =	ssyncadd.s32 $0xFFFFF000  }
0xa5: {  	[spmem:s3] =	stream.indirect.scatter.add.s16 [tilespmem:s22], [sflag:$0xC], $0x20, s19, s16, $0xb8;
	[tilespmem:$0x17000] =	vst v63  }
0xa6: {  	_ =	swait.ge [sflag:s30], $0x1000  }
0xa7: {  	s10 =	smov.u32 s8;
	p1 =	seq.s32 s7, $0x9000;
	[sflag:s30] =	ssyncset.done $0x0  }
0xa8: {  	s4 =	simm.s32 @p1 $0x5;
	s14 =	sshra.s32 @p1 s7, $0x2;
	[sflag:s30] =	ssyncadd.s32 $0xFFFFF000  }
0xa9: {  	s7 =	sshra.s32 @!p1 s7, $0x2;
	s21 =	simm.s32 @p1 $0xA;
	_ =	swait.ge @p1 [sflag:s4], $0x1000  }
0xaa: {  	s12 =	simm.s32 @p1 $0x80;
	s6 =	simm.s32 @!p1 $0x5;
	[sflag:s4] =	ssyncset.done @p1 $0x0  }
0xab: {  	s19 =	sadd.s32 @p1 $0x2A00, s14;
	[sflag:s4] =	ssyncadd.s32 @p1 $0xFFFFF000;
	s4 =	simm.s32 @p1 $0x9000  }
0xac: {  	[spmem:s3] =	stream.indirect.scatter.add.s16 @p1 [tilespmem:s4], [sflag:$0xD], $0x20, s19, s12, $0xb8;
	[tilespmem:$0x17000] =	vst v63  }
0xad: {  	s5 =	sadd.s32 @!p1 $0x400, s7;
	s15 =	sadd.s32 @!p1 $0x2A00, s7;
	_ =	swait.ge @p1 [sflag:s21], $0x1000  }
0xae: {  	s13 =	sadd.s32 @!p1 $0x480, s7;
	s11 =	sadd.s32 @p1 $0x2B00, s14;
	[sflag:s21] =	ssyncset.done @p1 $0x0  }
0xaf: {  	s14 =	simm.s32 @!p1 $0x80;
	s4 =	simm.s32 @!p1 $0x5000;
	[sflag:s21] =	ssyncadd.s32 @p1 $0xFFFFF000  }
0xb0: {  	[tilespmem:s4], [sflag:$0x1] =	stream.indirect.gather @!p1 [spmem:s2], $0x20, s5, s14, $0xb8;
	[tilespmem:$0x17000] =	vst v63  }
0xb1: {  	s19 =	sadd.s32 @!p1 $0x2B00, s7;
	s5 =	sadd.s32 @!p1 $0x500, s7;
	_ =	swait.ge @!p1 [sflag:s6], $0x1000  }
0xb2: {  	s4 =	sadd.s32 @!p1 $0x580, s7;
	s7 =	smov.u32 s10;
	[sflag:s6] =	ssyncset.done @!p1 $0x0  }
0xb3: {  	s10 =	simm.s32 @!p1 $0xA;
	[sflag:s6] =	ssyncadd.s32 @!p1 $0xFFFFF000;
	s6 =	simm.s32 @!p1 $0x9000  }
0xb4: {  	[spmem:s3] =	stream.indirect.scatter.add.s16 @!p1 [tilespmem:s6], [sflag:$0xD], $0x20, s15, s14, $0xb8;
	[tilespmem:$0x17000] =	vst v63  }
0xb5: {  	_ =	swait.ge @!p1 [sflag:s10], $0x1000  }
0xb6: {  	[sflag:s10] =	ssyncset.done @!p1 $0x0  }
0xb7: {  	s6 =	simm.s32 @!p1 $0x6000;
	[sflag:s10] =	ssyncadd.s32 @!p1 $0xFFFFF000  }
0xb8: {  	[tilespmem:s6], [sflag:$0x2] =	stream.indirect.gather @!p1 [spmem:s2], $0x20, s13, s14, $0xb8;
	[tilespmem:$0x17000] =	vst v63  }
0xb9: {  	_ =	swait.ge [sflag:s31], $0x1000  }
0xba: {  	[sflag:s31] =	ssyncset.done $0x0  }
0xbb: {  	s21 =	sadd.s32 $0x2A80, s9;
	[sflag:s31] =	ssyncadd.s32 $0xFFFFF000  }
0xbc: {  	[spmem:s3] =	stream.indirect.scatter.add.s16 [tilespmem:s24], [sflag:$0xE], $0x20, s21, s16, $0xb8;
	[tilespmem:$0x17000] =	vst v63  }
0xbd: {  	_ =	swait.ge [sflag:s1], $0x1000  }
0xbe: {  	[sflag:s1] =	ssyncset.done $0x0  }
0xbf: {  	s6 =	simm.s32 @p1 $0x7;
	[sflag:s1] =	ssyncadd.s32 $0xFFFFF000  }
0xc0: {  	_ =	swait.ge @p1 [sflag:s6], $0x1000  }
0xc1: {  	[sflag:s6] =	ssyncset.done @p1 $0x0  }
0xc2: {  	s10 =	simm.s32 @p1 $0xC;
	[sflag:s6] =	ssyncadd.s32 @p1 $0xFFFFF000;
	s6 =	simm.s32 @p1 $0xB000  }
0xc3: {  	[spmem:s3] =	stream.indirect.scatter.add.s16 @p1 [tilespmem:s6], [sflag:$0xF], $0x20, s11, s12, $0xb8;
	[tilespmem:$0x17000] =	vst v63  }
0xc4: {  	_ =	swait.ge @p1 [sflag:s10], $0x1000  }
0xc5: {  	[sflag:s10] =	ssyncset.done @p1 $0x0  }
0xc6: {  	s6 =	simm.s32 @!p1 $0x7000;
	[sflag:s10] =	ssyncadd.s32 @p1 $0xFFFFF000;
	s10 =	simm.s32 @!p1 $0x7  }
0xc7: {  	[tilespmem:s6], [sflag:$0x3] =	stream.indirect.gather @!p1 [spmem:s2], $0x20, s5, s14, $0xb8;
	[tilespmem:$0x17000] =	vst v63  }
0xc8: {  	_ =	swait.ge @!p1 [sflag:s10], $0x1000  }
0xc9: {  	s8 =	sadd.s32 $0x1000, s8;
	[sflag:s10] =	ssyncset.done @!p1 $0x0  }
0xca: {  	s5 =	simm.s32 @!p1 $0xB000;
	s6 =	simm.s32 @!p1 $0xC;
	[sflag:s10] =	ssyncadd.s32 @!p1 $0xFFFFF000  }
0xcb: {  	[spmem:s3] =	stream.indirect.scatter.add.s16 @!p1 [tilespmem:s5], [sflag:$0xF], $0x20, s19, s14, $0xb8;
	[tilespmem:$0x17000] =	vst v63  }
0xcc: {  	p0 =	sne.s32 s8, $0xA000;
	_ =	swait.ge @!p1 [sflag:s6], $0x1000  }
.Ltmp0:
0xcd: {  	[sflag:s6] =	ssyncset.done @!p1 $0x0;
	(pc) =	sbr.rel @p0 .LBB2_2-.Ltmp0, $4  }
0xce: {  	s5 =	simm.s32 @!p1 $0x8000;
	[sflag:s6] =	ssyncadd.s32 @!p1 $0xFFFFF000  }
0xcf: {  	[tilespmem:s5], [sflag:$0x4] =	stream.indirect.gather @!p1 [spmem:s2], $0x20, s4, s14, $0xb8;
	[tilespmem:$0x17000] =	vst v63  }
0xd0: {  	_ =	swait.ge [sflag:s0], $0x1000  }
0xd1: {  	p1 =	seq.s32 s7, $0x0;
	s4 =	sadd.s32 $0x2B80, s9;
	[sflag:s0] =	ssyncset.done $0x0  }
0xd2: {  	s5 =	simm.s32 @!p1 $0xD;
	[sflag:s0] =	ssyncadd.s32 $0xFFFFF000  }
0xd3: {  	[spmem:s3] =	stream.indirect.scatter.add.s16 [tilespmem:s28], [sflag:$0x10], $0x20, s4, s16, $0xb8;
	[tilespmem:$0x17000] =	vst v63  }
0xd4: {  	_ =	swait.ge @!p1 [sflag:s5], $0x1000  }
0xd5: {  	s8 =	sshra.s32 s7, $0x2;
	[sflag:s5] =	ssyncset.done @!p1 $0x0  }
0xd6: {  	s6 =	sadd.s32 $0x200, s8;
	s21 =	rddreg [dreg:$0x4];
	[sflag:s5] =	ssyncadd.s32 @!p1 $0xFFFFF000  }
0xd7: {  	[tilespmem:s21], [sflag:$0x5] =	stream.indirect.gather [spmem:s2], $0x20, s6, s16, $0xb8;
	[tilespmem:$0x17000] =	vst v63  }
0xd8: {  	_ =	swait.ge [sflag:s23], $0x1000  }
0xd9: {  	[sflag:s23] =	ssyncset.done $0x0  }
0xda: {  	s9 =	sadd.s32 $0x2800, s8;
	s5 =	simm.s32 @!p1 $0xE;
	[sflag:s23] =	ssyncadd.s32 $0xFFFFF000  }
0xdb: {  	[spmem:s3] =	stream.indirect.scatter.add.s16 [tilespmem:s17], [sflag:$0x9], $0x20, s9, s16, $0xb8;
	[tilespmem:$0x17000] =	vst v63  }
0xdc: {  	_ =	swait.ge @!p1 [sflag:s5], $0x1000  }
0xdd: {  	[sflag:s5] =	ssyncset.done @!p1 $0x0  }
0xde: {  	s10 =	sadd.s32 $0x280, s8;
	[sflag:s5] =	ssyncadd.s32 @!p1 $0xFFFFF000  }
0xdf: {  	[tilespmem:s24], [sflag:$0x6] =	stream.indirect.gather [spmem:s2], $0x20, s10, s16, $0xb8;
	[tilespmem:$0x17000] =	vst v63  }
0xe0: {  	_ =	swait.ge [sflag:s25], $0x1000  }
0xe1: {  	[sflag:s25] =	ssyncset.done $0x0  }
0xe2: {  	s11 =	sadd.s32 $0x2880, s8;
	s5 =	simm.s32 @!p1 $0xF;
	[sflag:s25] =	ssyncadd.s32 $0xFFFFF000  }
0xe3: {  	[spmem:s3] =	stream.indirect.scatter.add.s16 [tilespmem:s18], [sflag:$0xA], $0x20, s11, s16, $0xb8;
	[tilespmem:$0x17000] =	vst v63  }
0xe4: {  	_ =	swait.ge @!p1 [sflag:s5], $0x1000  }
0xe5: {  	[sflag:s5] =	ssyncset.done @!p1 $0x0  }
0xe6: {  	s13 =	sadd.s32 $0x300, s8;
	s12 =	rddreg [dreg:$0x5];
	[sflag:s5] =	ssyncadd.s32 @!p1 $0xFFFFF000  }
0xe7: {  	[tilespmem:s12], [sflag:$0x7] =	stream.indirect.gather [spmem:s2], $0x20, s13, s16, $0xb8;
	[tilespmem:$0x17000] =	vst v63  }
0xe8: {  	_ =	swait.ge [sflag:s26], $0x1000  }
0xe9: {  	[sflag:s26] =	ssyncset.done $0x0  }
0xea: {  	s14 =	sadd.s32 $0x2900, s8;
	s5 =	simm.s32 @!p1 $0x10;
	[sflag:s26] =	ssyncadd.s32 $0xFFFFF000  }
0xeb: {  	[spmem:s3] =	stream.indirect.scatter.add.s16 [tilespmem:s20], [sflag:$0xB], $0x20, s14, s16, $0xb8;
	[tilespmem:$0x17000] =	vst v63  }
0xec: {  	_ =	swait.ge @!p1 [sflag:s5], $0x1000  }
0xed: {  	[sflag:s5] =	ssyncset.done @!p1 $0x0  }
0xee: {  	s15 =	sadd.s32 $0x380, s8;
	[sflag:s5] =	ssyncadd.s32 @!p1 $0xFFFFF000  }
0xef: {  	[tilespmem:s28], [sflag:$0x8] =	stream.indirect.gather [spmem:s2], $0x20, s15, s16, $0xb8;
	[tilespmem:$0x17000] =	vst v63  }
0xf0: {  	_ =	swait.ge [sflag:s29], $0x1000  }
0xf1: {  	[sflag:s29] =	ssyncset.done $0x0  }
0xf2: {  	s19 =	sadd.s32 $0x2980, s8;
	[sflag:s29] =	ssyncadd.s32 $0xFFFFF000  }
0xf3: {  	[spmem:s3] =	stream.indirect.scatter.add.s16 [tilespmem:s22], [sflag:$0xC], $0x20, s19, s16, $0xb8;
	[tilespmem:$0x17000] =	vst v63  }
0xf4: {  	_ =	swait.ge [sflag:s30], $0x1000  }
0xf5: {  	p0 =	seq.s32 s7, $0x9000;
	[sflag:s30] =	ssyncset.done $0x0  }
0xf6: {  	s4 =	simm.s32 @p0 $0x5;
	[sflag:s30] =	ssyncadd.s32 $0xFFFFF000  }
0xf7: {  	s9 =	simm.s32 @p0 $0xA;
	_ =	swait.ge @p0 [sflag:s4], $0x1000  }
0xf8: {  	s10 =	simm.s32 @p0 $0x9000;
	s5 =	sshra.s32 @p0 s7, $0x2;
	[sflag:s4] =	ssyncset.done @p0 $0x0  }
0xf9: {  	s6 =	sadd.s32 @p0 $0x2A00, s5;
	[sflag:s4] =	ssyncadd.s32 @p0 $0xFFFFF000;
	s4 =	simm.s32 @p0 $0x80  }
0xfa: {  	[spmem:s3] =	stream.indirect.scatter.add.s16 @p0 [tilespmem:s10], [sflag:$0xD], $0x20, s6, s4, $0xb8;
	[tilespmem:$0x17000] =	vst v63  }
0xfb: {  	_ =	swait.ge @p0 [sflag:s9], $0x1000  }
0xfc: {  	s6 =	sshra.s32 @!p0 s7, $0x2;
	s10 =	simm.s32 @!p0 $0x5000;
	[sflag:s9] =	ssyncset.done @p0 $0x0  }
0xfd: {  	s7 =	sadd.s32 @!p0 $0x400, s6;
	[sflag:s9] =	ssyncadd.s32 @p0 $0xFFFFF000;
	s9 =	simm.s32 @!p0 $0x80  }
0xfe: {  	[tilespmem:s10], [sflag:$0x1] =	stream.indirect.gather @!p0 [spmem:s2], $0x20, s7, s9, $0xb8;
	[tilespmem:$0x17000] =	vst v63  }
0xff: {  	s7 =	simm.s32 @!p0 $0x5  }
0x100: {  	_ =	swait.ge @!p0 [sflag:s7], $0x1000  }
0x101: {  	[sflag:s7] =	ssyncset.done @!p0 $0x0  }
0x102: {  	s10 =	sadd.s32 @!p0 $0x2A00, s6;
	[sflag:s7] =	ssyncadd.s32 @!p0 $0xFFFFF000;
	s7 =	simm.s32 @!p0 $0x9000  }
0x103: {  	[spmem:s3] =	stream.indirect.scatter.add.s16 @!p0 [tilespmem:s7], [sflag:$0xD], $0x20, s10, s9, $0xb8;
	[tilespmem:$0x17000] =	vst v63  }
0x104: {  	s7 =	simm.s32 @!p0 $0xA  }
0x105: {  	_ =	swait.ge @!p0 [sflag:s7], $0x1000  }
0x106: {  	[sflag:s7] =	ssyncset.done @!p0 $0x0  }
0x107: {  	s10 =	sadd.s32 @!p0 $0x480, s6;
	[sflag:s7] =	ssyncadd.s32 @!p0 $0xFFFFF000;
	s7 =	simm.s32 @!p0 $0x6000  }
0x108: {  	[tilespmem:s7], [sflag:$0x2] =	stream.indirect.gather @!p0 [spmem:s2], $0x20, s10, s9, $0xb8;
	[tilespmem:$0x17000] =	vst v63  }
0x109: {  	_ =	swait.ge [sflag:s31], $0x1000  }
0x10a: {  	[sflag:s31] =	ssyncset.done $0x0  }
0x10b: {  	s21 =	sadd.s32 $0x2A80, s8;
	[sflag:s31] =	ssyncadd.s32 $0xFFFFF000  }
0x10c: {  	[spmem:s3] =	stream.indirect.scatter.add.s16 [tilespmem:s24], [sflag:$0xE], $0x20, s21, s16, $0xb8;
	[tilespmem:$0x17000] =	vst v63  }
0x10d: {  	_ =	swait.ge [sflag:s1], $0x1000  }
0x10e: {  	[sflag:s1] =	ssyncset.done $0x0  }
0x10f: {  	s7 =	simm.s32 @p0 $0x7;
	[sflag:s1] =	ssyncadd.s32 $0xFFFFF000  }
0x110: {  	_ =	swait.ge @p0 [sflag:s7], $0x1000  }
0x111: {  	[sflag:s7] =	ssyncset.done @p0 $0x0  }
0x112: {  	s5 =	sadd.s32 @p0 $0x2B00, s5;
	[sflag:s7] =	ssyncadd.s32 @p0 $0xFFFFF000;
	s7 =	simm.s32 @p0 $0xB000  }
0x113: {  	[spmem:s3] =	stream.indirect.scatter.add.s16 @p0 [tilespmem:s7], [sflag:$0xF], $0x20, s5, s4, $0xb8;
	[tilespmem:$0x17000] =	vst v63  }
0x114: {  	s4 =	simm.s32 @p0 $0xC  }
0x115: {  	_ =	swait.ge @p0 [sflag:s4], $0x1000  }
0x116: {  	[sflag:s4] =	ssyncset.done @p0 $0x0  }
0x117: {  	s5 =	sadd.s32 @!p0 $0x500, s6;
	[sflag:s4] =	ssyncadd.s32 @p0 $0xFFFFF000;
	s4 =	simm.s32 @!p0 $0x7000  }
0x118: {  	[tilespmem:s4], [sflag:$0x3] =	stream.indirect.gather @!p0 [spmem:s2], $0x20, s5, s9, $0xb8;
	[tilespmem:$0x17000] =	vst v63  }
0x119: {  	s4 =	simm.s32 @!p0 $0x7  }
0x11a: {  	_ =	swait.ge @!p0 [sflag:s4], $0x1000  }
0x11b: {  	[sflag:s4] =	ssyncset.done @!p0 $0x0  }
0x11c: {  	s5 =	sadd.s32 @!p0 $0x2B00, s6;
	[sflag:s4] =	ssyncadd.s32 @!p0 $0xFFFFF000;
	s4 =	simm.s32 @!p0 $0xB000  }
0x11d: {  	[spmem:s3] =	stream.indirect.scatter.add.s16 @!p0 [tilespmem:s4], [sflag:$0xF], $0x20, s5, s9, $0xb8;
	[tilespmem:$0x17000] =	vst v63  }
0x11e: {  	s4 =	simm.s32 @!p0 $0xC  }
0x11f: {  	_ =	swait.ge @!p0 [sflag:s4], $0x1000  }
0x120: {  	[sflag:s4] =	ssyncset.done @!p0 $0x0  }
0x121: {  	s5 =	sadd.s32 @!p0 $0x580, s6;
	[sflag:s4] =	ssyncadd.s32 @!p0 $0xFFFFF000;
	s4 =	simm.s32 @!p0 $0x8000  }
0x122: {  	[tilespmem:s4], [sflag:$0x4] =	stream.indirect.gather @!p0 [spmem:s2], $0x20, s5, s9, $0xb8;
	[tilespmem:$0x17000] =	vst v63  }
0x123: {  	_ =	swait.ge [sflag:s0], $0x1000  }
0x124: {  	[sflag:s0] =	ssyncset.done $0x0  }
0x125: {  	s11 =	simm.s32 $0xD;
	s10 =	sadd.s32 $0x2B80, s8;
	[sflag:s0] =	ssyncadd.s32 $0xFFFFF000  }
0x126: {  	[spmem:s3] =	stream.indirect.scatter.add.s16 [tilespmem:s28], [sflag:$0x10], $0x20, s10, s16, $0xb8;
	[tilespmem:$0x17000] =	vst v63  }
0x127: {  	_ =	swait.ge [sflag:s11], $0x1000  }
0x128: {  	[sflag:s11] =	ssyncset.done $0x0  }
0x129: {  	s12 =	simm.s32 $0xE;
	[sflag:s11] =	ssyncadd.s32 $0xFFFFF000  }
0x12a: {  	_ =	swait.ge [sflag:s12], $0x1000  }
0x12b: {  	[sflag:s12] =	ssyncset.done $0x0  }
0x12c: {  	s13 =	simm.s32 $0xF;
	[sflag:s12] =	ssyncadd.s32 $0xFFFFF000  }
0x12d: {  	_ =	swait.ge [sflag:s13], $0x1000  }
0x12e: {  	[sflag:s13] =	ssyncset.done $0x0  }
0x12f: {  	s14 =	simm.s32 $0x10;
	[sflag:s13] =	ssyncadd.s32 $0xFFFFF000  }
0x130: {  	_ =	swait.ge [sflag:s14], $0x1000  }
0x131: {  	[sflag:s14] =	ssyncset.done $0x0  }
0x132: {  	[sflag:s14] =	ssyncadd.s32 $0xFFFFF000  }
0x133: {  	[bflag:$0x0] =	sbarrier.arrive $0xFFFF  }
0x134: {  	s15 =	rddreg [dreg:$0xa]  }
0x135: {  	s8 =	rddreg [dreg:$0xc]  }
0x136: {  	s6 =	simm.s32 $0x11;
	s9 =	rddreg [dreg:$0xe]  }
0x137: {  	[hbm:s15], [sflag:s8] =	dma.local [spmem:s9], $0xA00  }
0x138: {  	_ =	swait.ge [sflag:s6], $0xA00  }
0x139: {  	s19 =	rddreg [dreg:$0xf]  }
0x13a: {  	s21 =	rddreg [dreg:$0xb];
	s5 =	sadd.s32 $0x1, s19  }
0x13b: {  	p0 =	sne.s32 s5, s21  }
.Ltmp1:
0x13c: {  	_ = 	snop;
	(pc) =	sbr.rel @p0 .LBB2_1-.Ltmp1, $3  }
0x13d: {  	_ =	sdelay $0x1  }
0x13e: {  	[sflag:s6] =	ssyncset.done $0x0  }
0x13f: {  	[sflag:s6] =	ssyncadd.s32 $0xFFFFF600  }
0x140: {  	_ =	sfence.sel $0x180000  }
0x141: {  	[bflag:$0x0] =	sbarrier.arrive $0xFFFF  }
0x142: {  	_ =	strace $0x9000004D  }
0x143: {  	s0 =	stileid.u32;
	[bflag:$0x2] =	sbarrier.arrive $0xFFFF  }
0x144: {  	p0 =	sne.s32 s0, $0x0;
	s0 =	rddreg [dreg:$0x3]  }
0x145: {  	s0 =	sadd.s32 @!p0 $0x100000, s0  }
0x146: {  	[sflag:s0] =	ssyncadd.tile.s32 @!p0 $0x1;
	_ =	shalt  }
.Lfunc_end2:
_tile_overlayer_lowered:
.L_overlay_start_2:
0x147: {  	(tag) =	ssettag $0x2  }
0x148: {  	s0 =	rddreg [dreg:$0x0];
	s2 =	stileid.u32  }
0x149: {  	s1 =	rddreg [dreg:$0x1];
	p0 =	sne.s32 s2, $0x0  }
0x14a: {  	s3 =	rddreg [dreg:$0x2];
	[bflag:$0x3] =	sbarrier.arrive $0xFFFF;
	s2 =	simm.s32 @!p0 $0x1C11  }
0x14b: {  	[timem:s3], [sflag:s2] =	dma.local @!p0 [hbm:s0], s1  }
0x14c: {  	s0 =	simm.s32 @!p0 $0x11  }
0x14d: {  	_ =	swait.ge @!p0 [sflag:s0], s1  }
0x14e: {  	s1 =	ssub.s32 @!p0 $0x0, s1;
	[sflag:s0] =	ssyncset.done @!p0 $0x0  }
0x14f: {  	[sflag:s0] =	ssyncadd.s32 @!p0 s1  }
0x150: {  	[bflag:$0x3] =	sbarrier.arrive $0xFFFF  }
0x151: {  	_ =	shalt  }

</sc_bundles>
